<compile_context>
chip_gen: v7x
topology: tpu7x:2x2x1
jax: 0.10.2.dev20260603
libtpu: 0.0.44.dev20260713+nightly
codegen_flags: <defaults>
</compile_context>

<pallas_src>
import functools

import jax
import jax.numpy as jnp
from jax import lax
from jax.experimental import pallas as pl
from jax.experimental.pallas import tpu as pltpu
from jax.experimental.pallas import tpu_sc as plsc

E = 8
K = 2
D = 768
F = 1536
T = 2048
S = T * K
BM = 128
NB = S // BM + E
SPAD = NB * BM
NC, NS = 2, 16
NW = NC * NS
LPW = S // NW
TPW = T // NW

_LANES = 128
_NEG = -1e30


def _route_body(x_ref, rw_ref, pos0_ref, pos1_ref, p0_ref, p1_ref, blk_ref):
    x = x_ref[...]
    rw = rw_ref[...]
    logits = lax.dot_general(x, rw, (((1,), (1,)), ((), ())),
                             preferred_element_type=jnp.float32)
    logits = jnp.concatenate(
        [logits, jnp.full((T, 16 - E), _NEG, jnp.float32)], axis=1)
    col = lax.broadcasted_iota(jnp.int32, (T, 16), 1)
    valid = col < E
    lm = jnp.where(valid, logits, _NEG)
    mx = jnp.max(lm, axis=1, keepdims=True)
    ex = jnp.where(valid, jnp.exp(lm - mx), 0.0)
    probs = ex / jnp.sum(ex, axis=1, keepdims=True)

    p0 = jnp.max(probs, axis=1, keepdims=True)
    i0 = jnp.min(jnp.where(probs == p0, col, 127), axis=1, keepdims=True)
    probs1 = jnp.where(col == i0, 0.0, probs)
    p1 = jnp.max(probs1, axis=1, keepdims=True)
    i1 = jnp.min(jnp.where(probs1 == p1, col, 127), axis=1, keepdims=True)

    m = ((col == 2 * i0) | (col == 2 * i1 + 1)).astype(jnp.float32)

    incl = m
    sh = 1
    while sh < T:
        shifted = jnp.concatenate(
            [jnp.zeros((sh, 16), jnp.float32), incl[: T - sh, :]], axis=0)
        incl = incl + shifted
        sh *= 2
    excl = incl - m
    tot = incl[T - 1 : T, :]

    col1 = lax.broadcasted_iota(jnp.int32, (1, 16), 1)
    starts = []
    counts = []
    acc = jnp.int32(0)
    for e in range(E):
        ce = jnp.sum(jnp.where((col1 == 2 * e) | (col1 == 2 * e + 1), tot, 0.0))
        ce = ce.astype(jnp.int32)
        counts.append(ce)
        starts.append(acc)
        acc = acc + ((ce + BM - 1) // BM) * BM
    total_pad = acc

    off = jnp.zeros((1, 16), jnp.float32)
    for e in range(E):
        off = off + jnp.where((col1 == 2 * e) | (col1 == 2 * e + 1),
                              starts[e].astype(jnp.float32), 0.0)
    tot_even = jnp.where(col1 % 2 == 0, tot, 0.0)
    off = off + jnp.concatenate(
        [jnp.zeros((1, 1), jnp.float32), tot_even[:, :15]], axis=1)

    slotpos = excl + off
    pos0 = jnp.sum(jnp.where(col == 2 * i0, slotpos, 0.0), axis=1, keepdims=True)
    pos1 = jnp.sum(jnp.where(col == 2 * i1 + 1, slotpos, 0.0), axis=1, keepdims=True)
    pos0_ref[...] = jnp.reshape(pos0, (T // _LANES, _LANES)).astype(jnp.int32)
    pos1_ref[...] = jnp.reshape(pos1, (T // _LANES, _LANES)).astype(jnp.int32)
    p0_ref[...] = jnp.broadcast_to(p0, (T, 16))
    p1_ref[...] = jnp.broadcast_to(p1, (T, 16))

    kb = lax.broadcasted_iota(jnp.int32, (1, _LANES), 1)
    row_start = kb * BM
    eb = jnp.full((1, _LANES), -1, jnp.int32)
    match_start = jnp.zeros((1, _LANES), jnp.bool_)
    for e in range(E):
        eb = eb + (row_start >= starts[e]).astype(jnp.int32)
    blkrow = jnp.where(row_start < total_pad, eb, -1)
    for e in range(E):
        match_start = match_start | (row_start == starts[e])
    isfrow = ((blkrow >= 0) & match_start).astype(jnp.int32)

    active = [counts[e] > 0 for e in range(E)]
    na = jnp.int32(-1)
    next_of = [None] * E
    for e in reversed(range(E)):
        next_of[e] = na
        na = jnp.where(active[e], jnp.int32(e), na)
    rank = []
    r = jnp.int32(0)
    for e in range(E):
        rank.append(r)
        r = r + active[e].astype(jnp.int32)

    frow = jnp.full((1, _LANES), -1, jnp.int32)
    ringrow = jnp.zeros((1, _LANES), jnp.int32)
    for e in range(E):
        sel = blkrow == e
        frow = jnp.where(sel & (isfrow == 1), next_of[e], frow)
        ringrow = jnp.where(sel, rank[e] & 1, ringrow)

    blk_ref[0:1, :] = blkrow
    blk_ref[1:2, :] = isfrow
    blk_ref[2:3, :] = frow
    blk_ref[3:4, :] = ringrow
    blk_ref[4:5, :] = jnp.full((1, _LANES), 1, jnp.int32) * (total_pad // BM - 1)
    blk_ref[5:8, :] = jnp.zeros((3, _LANES), jnp.int32)


def _route(x, rw_pad):
    return pl.pallas_call(
        _route_body,
        out_shape=(
            jax.ShapeDtypeStruct((T // _LANES, _LANES), jnp.int32),
            jax.ShapeDtypeStruct((T // _LANES, _LANES), jnp.int32),
            jax.ShapeDtypeStruct((T, 16), jnp.float32),
            jax.ShapeDtypeStruct((T, 16), jnp.float32),
            jax.ShapeDtypeStruct((8, _LANES), jnp.int32),
        ),
    )(x, rw_pad)


@functools.lru_cache(maxsize=None)
def _sc_mesh():
    return plsc.VectorSubcoreMesh(
        core_axis_name="c", subcore_axis_name="s", num_cores=NC, num_subcores=NS)


_NCHUNK = 4
_CROWS = LPW // _NCHUNK


@functools.lru_cache(maxsize=None)
def _dispatch_kernel():
    @functools.partial(
        pl.kernel,
        out_type=jax.ShapeDtypeStruct((SPAD, D), jnp.float32),
        mesh=_sc_mesh(),
        scratch_types=[
            pltpu.VMEM((_NCHUNK, _CROWS), jnp.int32),
            pltpu.VMEM((LPW, D), jnp.float32),
            [pltpu.SemaphoreType.DMA] * _NCHUNK,
            pltpu.SemaphoreType.DMA,
        ],
    )
    def _dispatch(x_hbm, pos0_hbm, pos1_hbm, xs_hbm,
                  dst_v, rows_v, sems_l, sem_s):
        cid = lax.axis_index("c")
        sid = lax.axis_index("s")
        tok_base = sid * LPW

        loads = [
            pltpu.async_copy(
                x_hbm.at[pl.ds(tok_base + c * _CROWS, _CROWS)],
                rows_v.at[pl.ds(c * _CROWS, _CROWS)], sems_l[c])
            for c in range(_NCHUNK)
        ]

        for c in range(_NCHUNK):
            @pl.when(cid == 0)
            def _():
                pltpu.sync_copy(
                    pos0_hbm.at[sid, pl.ds(c * _CROWS, _CROWS)], dst_v.at[c])

            @pl.when(cid == 1)
            def _():
                pltpu.sync_copy(
                    pos1_hbm.at[sid, pl.ds(c * _CROWS, _CROWS)], dst_v.at[c])

        scats = []
        for c in range(_NCHUNK):
            loads[c].wait()
            scats.append(pltpu.async_copy(
                rows_v.at[pl.ds(c * _CROWS, _CROWS)],
                xs_hbm.at[dst_v.at[c]], sem_s))
        for cp in scats:
            cp.wait()

    return _dispatch


def _expert_body(meta_ref, xs_ref, win_hbm, bin_ref, wout_hbm, bout_ref, y_ref,
                 win_v, wout_v, semw):
    b = pl.program_id(0)
    e = meta_ref[0, b]
    isf = meta_ref[1, b]
    fe = meta_ref[2, b]
    ring = meta_ref[3, b]

    @pl.when(b == 0)
    def _():
        e0 = meta_ref[0, 0]
        pltpu.make_async_copy(win_hbm.at[e0], win_v.at[0], semw.at[0]).start()
        pltpu.make_async_copy(wout_hbm.at[e0], wout_v.at[0], semw.at[1]).start()

    @pl.when(fe >= 0)
    def _():
        nring = 1 - ring
        pltpu.make_async_copy(
            win_hbm.at[fe], win_v.at[nring], semw.at[2 * nring]).start()
        pltpu.make_async_copy(
            wout_hbm.at[fe], wout_v.at[nring], semw.at[2 * nring + 1]).start()

    @pl.when(isf == 1)
    def _():
        pltpu.make_async_copy(
            win_hbm.at[e], win_v.at[ring], semw.at[2 * ring]).wait()
        pltpu.make_async_copy(
            wout_hbm.at[e], wout_v.at[ring], semw.at[2 * ring + 1]).wait()

    @pl.when(e >= 0)
    def _():
        xb = xs_ref[...]
        h = jnp.dot(xb, win_v[ring], preferred_element_type=jnp.float32)
        h = jnp.maximum(h + bin_ref[0], 0.0)
        y = jnp.dot(h, wout_v[ring], preferred_element_type=jnp.float32)
        y_ref[...] = y + bout_ref[0]


def _experts(meta, xs, w_in, b_in, w_out, b_out):
    def eidx(b, blk):
        return jnp.where(blk[0, b] < 0, E - 1, blk[0, b])

    def bclamp(b, blk):
        return jnp.where(blk[0, b] < 0, blk[4, 0], b)

    grid_spec = pltpu.PrefetchScalarGridSpec(
        num_scalar_prefetch=1,
        grid=(NB,),
        in_specs=[
            pl.BlockSpec((BM, D), lambda b, blk: (bclamp(b, blk), 0)),
            pl.BlockSpec(memory_space=pl.ANY),
            pl.BlockSpec((1, 1, F), lambda b, blk: (eidx(b, blk), 0, 0)),
            pl.BlockSpec(memory_space=pl.ANY),
            pl.BlockSpec((1, 1, D), lambda b, blk: (eidx(b, blk), 0, 0)),
        ],
        out_specs=pl.BlockSpec((BM, D), lambda b, blk: (bclamp(b, blk), 0)),
        scratch_shapes=[
            pltpu.VMEM((2, D, F), jnp.float32),
            pltpu.VMEM((2, F, D), jnp.float32),
            pltpu.SemaphoreType.DMA((4,)),
        ],
    )
    return pl.pallas_call(
        _expert_body,
        grid_spec=grid_spec,
        out_shape=jax.ShapeDtypeStruct((SPAD, D), jnp.float32),
    )(meta, xs, w_in, b_in.reshape(E, 1, F), w_out, b_out.reshape(E, 1, D))


@functools.lru_cache(maxsize=None)
def _combine_kernel():
    @functools.partial(
        pl.kernel,
        out_type=jax.ShapeDtypeStruct((T, D), jnp.float32),
        mesh=_sc_mesh(),
        scratch_types=[
            pltpu.VMEM((TPW,), jnp.int32),
            pltpu.VMEM((TPW,), jnp.int32),
            pltpu.VMEM((TPW, 16), jnp.float32),
            pltpu.VMEM((TPW, 16), jnp.float32),
            pltpu.VMEM((TPW, D), jnp.float32),
            pltpu.VMEM((TPW, D), jnp.float32),
            [pltpu.SemaphoreType.DMA] * 2,
            pltpu.SemaphoreType.DMA,
        ],
    )
    def _combine(y_hbm, pos0_hbm, pos1_hbm, p0_hbm, p1_hbm, out_hbm,
                 idx0_v, idx1_v, pb0_v, pb1_v, rows0_v, rows1_v, semg, sem_s):
        cid = lax.axis_index("c")
        sid = lax.axis_index("s")
        wid = cid * NS + sid
        tb = wid * TPW
        prow = wid // 2
        pcol = (wid % 2) * TPW
        pltpu.sync_copy(pos0_hbm.at[prow, pl.ds(pcol, TPW)], idx0_v)
        pltpu.sync_copy(pos1_hbm.at[prow, pl.ds(pcol, TPW)], idx1_v)
        pltpu.sync_copy(p0_hbm.at[pl.ds(tb, TPW)], pb0_v)
        pltpu.sync_copy(p1_hbm.at[pl.ds(tb, TPW)], pb1_v)

        H = TPW // 2
        gathers = []
        for h in range(2):
            sl = pl.ds(h * H, H)
            gathers.append((
                pltpu.async_copy(y_hbm.at[idx0_v.at[sl]], rows0_v.at[sl],
                                 semg[h]),
                pltpu.async_copy(y_hbm.at[idx1_v.at[sl]], rows1_v.at[sl],
                                 semg[h]),
            ))

        def body(j, _):
            g0 = pb0_v[j, :]
            g1 = pb1_v[j, :]
            for c in range(D // 16):
                a = rows0_v[j, pl.ds(c * 16, 16)]
                b = rows1_v[j, pl.ds(c * 16, 16)]
                rows0_v[j, pl.ds(c * 16, 16)] = a * g0 + b * g1
            return 0

        stores = []
        for h in range(2):
            for cp in gathers[h]:
                cp.wait()
            lax.fori_loop(h * H, (h + 1) * H, body, 0)
            stores.append(pltpu.async_copy(
                rows0_v.at[pl.ds(h * H, H)],
                out_hbm.at[pl.ds(tb + h * H, H)], sem_s))
        for cp in stores:
            cp.wait()

    return _combine


def kernel(input_batch, router_w, w_in, b_in, w_out, b_out):
    orig_shape = input_batch.shape
    x = input_batch.reshape(T, D)
    pos0, pos1, p0, p1, blk = _route(x, router_w.T)
    xs = _dispatch_kernel()(x, pos0, pos1)
    y = _experts(blk, xs, w_in, b_in, w_out, b_out)
    out = _combine_kernel()(y, pos0, pos1, p0, p1)
    return out.reshape(orig_shape)

# --- scband reference (transcript-rebuilt; emitter-appended) ---
"""Pipeline reference for scband-mixture-of-experts-7387343749154 (READ-ONLY COPY).

The authoritative reference and input builder live on the scoring server;
editing this copy changes nothing except your own understanding.
"""

import jax, jax.numpy as jnp
import numpy as np

NUM_EXPERTS = 8
TOP_K = 2
D_MODEL = 768
D_FF = 1536


def setup_inputs(seed: int = 0):
    key = jax.random.key(seed)
    ks = jax.random.split(key, 6)
    input_batch = jax.random.normal(ks[0], (1, 2048, D_MODEL), dtype=jnp.float32)
    router_w = jax.random.normal(ks[1], (D_MODEL, NUM_EXPERTS), dtype=jnp.float32) * 0.02
    w_in = jax.random.normal(ks[2], (NUM_EXPERTS, D_MODEL, D_FF), dtype=jnp.float32) * 0.02
    b_in = jnp.zeros((NUM_EXPERTS, D_FF), dtype=jnp.float32)
    w_out = jax.random.normal(ks[3], (NUM_EXPERTS, D_FF, D_MODEL), dtype=jnp.float32) * 0.02
    b_out = jnp.zeros((NUM_EXPERTS, D_MODEL), dtype=jnp.float32)
    return {"input_batch": input_batch, "router_w": router_w, "w_in": w_in,
            "b_in": b_in, "w_out": w_out, "b_out": b_out}


def reference(input_batch, router_w, w_in, b_in, w_out, b_out):
    orig_shape = input_batch.shape
    x = input_batch.reshape(-1, D_MODEL)
    T = x.shape[0]
    # router: compute logit scores
    logits = x @ router_w
    # sampler: softmax + top-k probabilities and expert indices
    probs_full = jax.nn.softmax(logits, axis=-1)
    top_probs, top_idx = jax.lax.top_k(probs_full, TOP_K)  # [T, k]
    # compute_gating: sort (prob, token) pairs by expert order
    flat_idx = top_idx.reshape(-1)    # [T*k] expert ids
    flat_probs = top_probs.reshape(-1)
    order = jnp.argsort(flat_idx, stable=True)  # expert-sorted nonzero prob positions
    expert_sorted_probs = flat_probs[order]
    expert_sorted_token = order // TOP_K        # token index per expert-sorted slot
    expert_sorted_expert = flat_idx[order]      # expert id per expert-sorted slot
    # gather expert-sorted inputs
    x_sorted = x[expert_sorted_token]           # [T*k, D]
    # ParallelExperts: each slot belongs to exactly one expert; run each
    # expert's MLP over all slots and keep only its own rows via a mask
    y = jnp.zeros((x_sorted.shape[0], D_MODEL), dtype=x_sorted.dtype)
    for e in range(NUM_EXPERTS):
        mask = (expert_sorted_expert == e)[:, None]
        h = jax.nn.relu(x_sorted @ w_in[e] + b_in[e])  # input expert (expansion)
        o = h @ w_out[e] + b_out[e]                    # output expert (reduction)
        y = y + jnp.where(mask, o, jnp.zeros_like(o))
    # multiply_by_gates then scatter-add back to token positions
    y = y * expert_sorted_probs[:, None]
    out = jnp.zeros((T, D_MODEL), dtype=y.dtype).at[expert_sorted_token].add(y)
    return out.reshape(orig_shape)

if __name__ == "__main__":
    import jax
    _d = setup_inputs()
    print(jax.jit(kernel)(*tuple(_d.values())))

</pallas_src>

<mosaic_0001>
#map = affine_map<(d0, d1) -> (0, 0)>
module attributes {stable_mosaic.version = 14 : i64} {
  func.func @_dispatch(%arg0: i32, %arg1: i32, %arg2: memref<2048x768xf32, #tpu.memory_space<hbm>>, %arg3: memref<16x128xi32, #tpu.memory_space<hbm>>, %arg4: memref<16x128xi32, #tpu.memory_space<hbm>>, %arg5: memref<5120x768xf32, #tpu.memory_space<hbm>>, %arg6: memref<4x32xi32, #tpu.memory_space<vmem>>, %arg7: memref<128x768xf32, #tpu.memory_space<vmem>>, %arg8: memref<!tpu.dma_semaphore, #tpu.memory_space<semaphore_mem>>, %arg9: memref<!tpu.dma_semaphore, #tpu.memory_space<semaphore_mem>>, %arg10: memref<!tpu.dma_semaphore, #tpu.memory_space<semaphore_mem>>, %arg11: memref<!tpu.dma_semaphore, #tpu.memory_space<semaphore_mem>>, %arg12: memref<!tpu.dma_semaphore, #tpu.memory_space<semaphore_mem>>) attributes {dimension_semantics = [#tpu.dimension_semantics<core_parallel>, #tpu.dimension_semantics<subcore_parallel>], iteration_bounds = array<i64: 2, 16>, scalar_prefetch = 0 : i64, scratch_operands = 7 : i64, tpu.core_type = #tpu.core_type<sc_vector_subcore>, window_params = [{transform_indices = #map}, {transform_indices = #map}, {transform_indices = #map}, {transform_indices = #map}]} {
    %mul3A = arith.constant 128 : i32
    %mul3A_0 = arith.muli %arg1, %mul3A : i32
    %add3A = arith.constant 0 : i32
    %add3A_1 = arith.addi %mul3A_0, %add3A : i32
    %dma_start3A = arith.constant 0 : i32
    %dma_start3A_2 = arith.constant 0 : i32
    %dma_start3A_3 = tpu.memref_slice %arg7[%dma_start3A, %dma_start3A_2] : memref<128x768xf32, #tpu.memory_space<vmem>> -> memref<32x768xf32, #tpu.memory_space<vmem>>
    %dma_start3A_4 = arith.constant 0 : i32
    %dma_start3A_5 = tpu.memref_slice %arg2[%add3A_1, %dma_start3A_4] : memref<2048x768xf32, #tpu.memory_space<hbm>> -> memref<32x768xf32, #tpu.memory_space<hbm>>
    %dma_start3A_6 = arith.constant 0 : i32
    %dma_start3A_7 = arith.constant 0 : i32
    %dma_start3A_8 = tpu.memref_slice %arg7[%dma_start3A_6, %dma_start3A_7] : memref<128x768xf32, #tpu.memory_space<vmem>> -> memref<32x768xf32, #tpu.memory_space<vmem>>
    %dma_start3A_9 = arith.constant 0 : i32
    %dma_start3A_10 = tpu.memref_slice %arg2[%add3A_1, %dma_start3A_9] : memref<2048x768xf32, #tpu.memory_space<hbm>> -> memref<32x768xf32, #tpu.memory_space<hbm>>
    tpu.enqueue_dma source(%dma_start3A_10 : memref<32x768xf32, #tpu.memory_space<hbm>>) target(%dma_start3A_8 : memref<32x768xf32, #tpu.memory_space<vmem>>) target_semaphore(%arg8 : memref<!tpu.dma_semaphore, #tpu.memory_space<semaphore_mem>>)
    %add3A_11 = arith.constant 32 : i32
    %add3A_12 = arith.addi %mul3A_0, %add3A_11 : i32
    %dma_start3A_13 = arith.constant 32 : i32
    %dma_start3A_14 = arith.constant 0 : i32
    %dma_start3A_15 = tpu.memref_slice %arg7[%dma_start3A_13, %dma_start3A_14] : memref<128x768xf32, #tpu.memory_space<vmem>> -> memref<32x768xf32, #tpu.memory_space<vmem>>
    %dma_start3A_16 = arith.constant 0 : i32
    %dma_start3A_17 = tpu.memref_slice %arg2[%add3A_12, %dma_start3A_16] : memref<2048x768xf32, #tpu.memory_space<hbm>> -> memref<32x768xf32, #tpu.memory_space<hbm>>
    %dma_start3A_18 = arith.constant 32 : i32
    %dma_start3A_19 = arith.constant 0 : i32
    %dma_start3A_20 = tpu.memref_slice %arg7[%dma_start3A_18, %dma_start3A_19] : memref<128x768xf32, #tpu.memory_space<vmem>> -> memref<32x768xf32, #tpu.memory_space<vmem>>
    %dma_start3A_21 = arith.constant 0 : i32
    %dma_start3A_22 = tpu.memref_slice %arg2[%add3A_12, %dma_start3A_21] : memref<2048x768xf32, #tpu.memory_space<hbm>> -> memref<32x768xf32, #tpu.memory_space<hbm>>
    tpu.enqueue_dma source(%dma_start3A_22 : memref<32x768xf32, #tpu.memory_space<hbm>>) target(%dma_start3A_20 : memref<32x768xf32, #tpu.memory_space<vmem>>) target_semaphore(%arg9 : memref<!tpu.dma_semaphore, #tpu.memory_space<semaphore_mem>>)
    %add3A_23 = arith.constant 64 : i32
    %add3A_24 = arith.addi %mul3A_0, %add3A_23 : i32
    %dma_start3A_25 = arith.constant 64 : i32
    %dma_start3A_26 = arith.constant 0 : i32
    %dma_start3A_27 = tpu.memref_slice %arg7[%dma_start3A_25, %dma_start3A_26] : memref<128x768xf32, #tpu.memory_space<vmem>> -> memref<32x768xf32, #tpu.memory_space<vmem>>
    %dma_start3A_28 = arith.constant 0 : i32
    %dma_start3A_29 = tpu.memref_slice %arg2[%add3A_24, %dma_start3A_28] : memref<2048x768xf32, #tpu.memory_space<hbm>> -> memref<32x768xf32, #tpu.memory_space<hbm>>
    %dma_start3A_30 = arith.constant 64 : i32
    %dma_start3A_31 = arith.constant 0 : i32
    %dma_start3A_32 = tpu.memref_slice %arg7[%dma_start3A_30, %dma_start3A_31] : memref<128x768xf32, #tpu.memory_space<vmem>> -> memref<32x768xf32, #tpu.memory_space<vmem>>
    %dma_start3A_33 = arith.constant 0 : i32
    %dma_start3A_34 = tpu.memref_slice %arg2[%add3A_24, %dma_start3A_33] : memref<2048x768xf32, #tpu.memory_space<hbm>> -> memref<32x768xf32, #tpu.memory_space<hbm>>
    tpu.enqueue_dma source(%dma_start3A_34 : memref<32x768xf32, #tpu.memory_space<hbm>>) target(%dma_start3A_32 : memref<32x768xf32, #tpu.memory_space<vmem>>) target_semaphore(%arg10 : memref<!tpu.dma_semaphore, #tpu.memory_space<semaphore_mem>>)
    %add3A_35 = arith.constant 96 : i32
    %add3A_36 = arith.addi %mul3A_0, %add3A_35 : i32
    %dma_start3A_37 = arith.constant 96 : i32
    %dma_start3A_38 = arith.constant 0 : i32
    %dma_start3A_39 = tpu.memref_slice %arg7[%dma_start3A_37, %dma_start3A_38] : memref<128x768xf32, #tpu.memory_space<vmem>> -> memref<32x768xf32, #tpu.memory_space<vmem>>
    %dma_start3A_40 = arith.constant 0 : i32
    %dma_start3A_41 = tpu.memref_slice %arg2[%add3A_36, %dma_start3A_40] : memref<2048x768xf32, #tpu.memory_space<hbm>> -> memref<32x768xf32, #tpu.memory_space<hbm>>
    %dma_start3A_42 = arith.constant 96 : i32
    %dma_start3A_43 = arith.constant 0 : i32
    %dma_start3A_44 = tpu.memref_slice %arg7[%dma_start3A_42, %dma_start3A_43] : memref<128x768xf32, #tpu.memory_space<vmem>> -> memref<32x768xf32, #tpu.memory_space<vmem>>
    %dma_start3A_45 = arith.constant 0 : i32
    %dma_start3A_46 = tpu.memref_slice %arg2[%add3A_36, %dma_start3A_45] : memref<2048x768xf32, #tpu.memory_space<hbm>> -> memref<32x768xf32, #tpu.memory_space<hbm>>
    tpu.enqueue_dma source(%dma_start3A_46 : memref<32x768xf32, #tpu.memory_space<hbm>>) target(%dma_start3A_44 : memref<32x768xf32, #tpu.memory_space<vmem>>) target_semaphore(%arg11 : memref<!tpu.dma_semaphore, #tpu.memory_space<semaphore_mem>>)
    %eq3A = arith.constant 0 : i32
    %eq3A_47 = arith.cmpi eq, %arg0, %eq3A : i32
    %convert_element_type3A = arith.extui %eq3A_47 : i1 to i32
    %cond3A = arith.constant 0 : i32
    %cond3A_48 = arith.cmpi ne, %convert_element_type3A, %cond3A : i32
    scf.if %cond3A_48 {
      %run_scoped3A = arith.constant 0 : i32
      "tpu.region"() ({
        %run_scoped3A_203 = tpu.sem_alloc : memref<!tpu.dma_semaphore, #tpu.memory_space<semaphore_mem>>
        %dma_start3A_204 = arith.constant 0 : i32
        %dma_start3A_205 = tpu.memref_slice %arg6[%run_scoped3A, %dma_start3A_204] : memref<4x32xi32, #tpu.memory_space<vmem>> -> memref<1x32xi32, #tpu.memory_space<vmem>>
        %dma_start3A_206 = tpu.memref_squeeze %dma_start3A_205 : memref<1x32xi32, #tpu.memory_space<vmem>> -> memref<32xi32, #tpu.memory_space<vmem>>
        %dma_start3A_207 = arith.constant 0 : i32
        %dma_start3A_208 = tpu.memref_slice %arg3[%arg1, %dma_start3A_207] : memref<16x128xi32, #tpu.memory_space<hbm>> -> memref<1x32xi32, #tpu.memory_space<hbm>>
        %dma_start3A_209 = tpu.memref_squeeze %dma_start3A_208 : memref<1x32xi32, #tpu.memory_space<hbm>> -> memref<32xi32, #tpu.memory_space<hbm>>
        %dma_start3A_210 = arith.constant 0 : i32
        %dma_start3A_211 = tpu.memref_slice %arg6[%run_scoped3A, %dma_start3A_210] : memref<4x32xi32, #tpu.memory_space<vmem>> -> memref<1x32xi32, #tpu.memory_space<vmem>>
        %dma_start3A_212 = tpu.memref_squeeze %dma_start3A_211 : memref<1x32xi32, #tpu.memory_space<vmem>> -> memref<32xi32, #tpu.memory_space<vmem>>
        %dma_start3A_213 = arith.constant 0 : i32
        %dma_start3A_214 = tpu.memref_slice %arg3[%arg1, %dma_start3A_213] : memref<16x128xi32, #tpu.memory_space<hbm>> -> memref<1x32xi32, #tpu.memory_space<hbm>>
        %dma_start3A_215 = tpu.memref_squeeze %dma_start3A_214 : memref<1x32xi32, #tpu.memory_space<hbm>> -> memref<32xi32, #tpu.memory_space<hbm>>
        tpu.enqueue_dma source(%dma_start3A_215 : memref<32xi32, #tpu.memory_space<hbm>>) target(%dma_start3A_212 : memref<32xi32, #tpu.memory_space<vmem>>) target_semaphore(%run_scoped3A_203 : memref<!tpu.dma_semaphore, #tpu.memory_space<semaphore_mem>>)
        %dma_wait3A_216 = arith.constant 0 : i32
        %dma_wait3A_217 = tpu.memref_slice %arg6[%run_scoped3A, %dma_wait3A_216] : memref<4x32xi32, #tpu.memory_space<vmem>> -> memref<1x32xi32, #tpu.memory_space<vmem>>
        %dma_wait3A_218 = tpu.memref_squeeze %dma_wait3A_217 : memref<1x32xi32, #tpu.memory_space<vmem>> -> memref<32xi32, #tpu.memory_space<vmem>>
        %dma_wait3A_219 = arith.constant 0 : i32
        %dma_wait3A_220 = tpu.memref_slice %arg3[%arg1, %dma_wait3A_219] : memref<16x128xi32, #tpu.memory_space<hbm>> -> memref<1x32xi32, #tpu.memory_space<hbm>>
        %dma_wait3A_221 = tpu.memref_squeeze %dma_wait3A_220 : memref<1x32xi32, #tpu.memory_space<hbm>> -> memref<32xi32, #tpu.memory_space<hbm>>
        %dma_wait3A_222 = arith.constant 0 : i32
        %dma_wait3A_223 = tpu.memref_slice %arg6[%run_scoped3A, %dma_wait3A_222] : memref<4x32xi32, #tpu.memory_space<vmem>> -> memref<1x32xi32, #tpu.memory_space<vmem>>
        %dma_wait3A_224 = tpu.memref_squeeze %dma_wait3A_223 : memref<1x32xi32, #tpu.memory_space<vmem>> -> memref<32xi32, #tpu.memory_space<vmem>>
        %dma_wait3A_225 = arith.constant 0 : i32
        %dma_wait3A_226 = tpu.memref_slice %arg3[%arg1, %dma_wait3A_225] : memref<16x128xi32, #tpu.memory_space<hbm>> -> memref<1x32xi32, #tpu.memory_space<hbm>>
        %dma_wait3A_227 = tpu.memref_squeeze %dma_wait3A_226 : memref<1x32xi32, #tpu.memory_space<hbm>> -> memref<32xi32, #tpu.memory_space<hbm>>
        tpu.wait_dma2 semaphore(%run_scoped3A_203 : memref<!tpu.dma_semaphore, #tpu.memory_space<semaphore_mem>>) src(%dma_wait3A_227 : memref<32xi32, #tpu.memory_space<hbm>>) dst(%dma_wait3A_224 : memref<32xi32, #tpu.memory_space<vmem>>)
        tpu.yield
      }) : () -> ()
    } else {
    }
    %eq3A_49 = arith.constant 1 : i32
    %eq3A_50 = arith.cmpi eq, %arg0, %eq3A_49 : i32
    %convert_element_type3A_51 = arith.extui %eq3A_50 : i1 to i32
    %cond3A_52 = arith.constant 0 : i32
    %cond3A_53 = arith.cmpi ne, %convert_element_type3A_51, %cond3A_52 : i32
    scf.if %cond3A_53 {
      %run_scoped3A = arith.constant 0 : i32
      "tpu.region"() ({
        %run_scoped3A_203 = tpu.sem_alloc : memref<!tpu.dma_semaphore, #tpu.memory_space<semaphore_mem>>
        %dma_start3A_204 = arith.constant 0 : i32
        %dma_start3A_205 = tpu.memref_slice %arg6[%run_scoped3A, %dma_start3A_204] : memref<4x32xi32, #tpu.memory_space<vmem>> -> memref<1x32xi32, #tpu.memory_space<vmem>>
        %dma_start3A_206 = tpu.memref_squeeze %dma_start3A_205 : memref<1x32xi32, #tpu.memory_space<vmem>> -> memref<32xi32, #tpu.memory_space<vmem>>
        %dma_start3A_207 = arith.constant 0 : i32
        %dma_start3A_208 = tpu.memref_slice %arg4[%arg1, %dma_start3A_207] : memref<16x128xi32, #tpu.memory_space<hbm>> -> memref<1x32xi32, #tpu.memory_space<hbm>>
        %dma_start3A_209 = tpu.memref_squeeze %dma_start3A_208 : memref<1x32xi32, #tpu.memory_space<hbm>> -> memref<32xi32, #tpu.memory_space<hbm>>
        %dma_start3A_210 = arith.constant 0 : i32
        %dma_start3A_211 = tpu.memref_slice %arg6[%run_scoped3A, %dma_start3A_210] : memref<4x32xi32, #tpu.memory_space<vmem>> -> memref<1x32xi32, #tpu.memory_space<vmem>>
        %dma_start3A_212 = tpu.memref_squeeze %dma_start3A_211 : memref<1x32xi32, #tpu.memory_space<vmem>> -> memref<32xi32, #tpu.memory_space<vmem>>
        %dma_start3A_213 = arith.constant 0 : i32
        %dma_start3A_214 = tpu.memref_slice %arg4[%arg1, %dma_start3A_213] : memref<16x128xi32, #tpu.memory_space<hbm>> -> memref<1x32xi32, #tpu.memory_space<hbm>>
        %dma_start3A_215 = tpu.memref_squeeze %dma_start3A_214 : memref<1x32xi32, #tpu.memory_space<hbm>> -> memref<32xi32, #tpu.memory_space<hbm>>
        tpu.enqueue_dma source(%dma_start3A_215 : memref<32xi32, #tpu.memory_space<hbm>>) target(%dma_start3A_212 : memref<32xi32, #tpu.memory_space<vmem>>) target_semaphore(%run_scoped3A_203 : memref<!tpu.dma_semaphore, #tpu.memory_space<semaphore_mem>>)
        %dma_wait3A_216 = arith.constant 0 : i32
        %dma_wait3A_217 = tpu.memref_slice %arg6[%run_scoped3A, %dma_wait3A_216] : memref<4x32xi32, #tpu.memory_space<vmem>> -> memref<1x32xi32, #tpu.memory_space<vmem>>
        %dma_wait3A_218 = tpu.memref_squeeze %dma_wait3A_217 : memref<1x32xi32, #tpu.memory_space<vmem>> -> memref<32xi32, #tpu.memory_space<vmem>>
        %dma_wait3A_219 = arith.constant 0 : i32
        %dma_wait3A_220 = tpu.memref_slice %arg4[%arg1, %dma_wait3A_219] : memref<16x128xi32, #tpu.memory_space<hbm>> -> memref<1x32xi32, #tpu.memory_space<hbm>>
        %dma_wait3A_221 = tpu.memref_squeeze %dma_wait3A_220 : memref<1x32xi32, #tpu.memory_space<hbm>> -> memref<32xi32, #tpu.memory_space<hbm>>
        %dma_wait3A_222 = arith.constant 0 : i32
        %dma_wait3A_223 = tpu.memref_slice %arg6[%run_scoped3A, %dma_wait3A_222] : memref<4x32xi32, #tpu.memory_space<vmem>> -> memref<1x32xi32, #tpu.memory_space<vmem>>
        %dma_wait3A_224 = tpu.memref_squeeze %dma_wait3A_223 : memref<1x32xi32, #tpu.memory_space<vmem>> -> memref<32xi32, #tpu.memory_space<vmem>>
        %dma_wait3A_225 = arith.constant 0 : i32
        %dma_wait3A_226 = tpu.memref_slice %arg4[%arg1, %dma_wait3A_225] : memref<16x128xi32, #tpu.memory_space<hbm>> -> memref<1x32xi32, #tpu.memory_space<hbm>>
        %dma_wait3A_227 = tpu.memref_squeeze %dma_wait3A_226 : memref<1x32xi32, #tpu.memory_space<hbm>> -> memref<32xi32, #tpu.memory_space<hbm>>
        tpu.wait_dma2 semaphore(%run_scoped3A_203 : memref<!tpu.dma_semaphore, #tpu.memory_space<semaphore_mem>>) src(%dma_wait3A_227 : memref<32xi32, #tpu.memory_space<hbm>>) dst(%dma_wait3A_224 : memref<32xi32, #tpu.memory_space<vmem>>)
        tpu.yield
      }) : () -> ()
    } else {
    }
    %eq3A_54 = arith.constant 0 : i32
    %eq3A_55 = arith.cmpi eq, %arg0, %eq3A_54 : i32
    %convert_element_type3A_56 = arith.extui %eq3A_55 : i1 to i32
    %cond3A_57 = arith.constant 0 : i32
    %cond3A_58 = arith.cmpi ne, %convert_element_type3A_56, %cond3A_57 : i32
    scf.if %cond3A_58 {
      %run_scoped3A = arith.constant 1 : i32
      "tpu.region"() ({
        %run_scoped3A_203 = tpu.sem_alloc : memref<!tpu.dma_semaphore, #tpu.memory_space<semaphore_mem>>
        %dma_start3A_204 = arith.constant 0 : i32
        %dma_start3A_205 = tpu.memref_slice %arg6[%run_scoped3A, %dma_start3A_204] : memref<4x32xi32, #tpu.memory_space<vmem>> -> memref<1x32xi32, #tpu.memory_space<vmem>>
        %dma_start3A_206 = tpu.memref_squeeze %dma_start3A_205 : memref<1x32xi32, #tpu.memory_space<vmem>> -> memref<32xi32, #tpu.memory_space<vmem>>
        %dma_start3A_207 = arith.constant 32 : i32
        %dma_start3A_208 = tpu.memref_slice %arg3[%arg1, %dma_start3A_207] : memref<16x128xi32, #tpu.memory_space<hbm>> -> memref<1x32xi32, #tpu.memory_space<hbm>>
        %dma_start3A_209 = tpu.memref_squeeze %dma_start3A_208 : memref<1x32xi32, #tpu.memory_space<hbm>> -> memref<32xi32, #tpu.memory_space<hbm>>
        %dma_start3A_210 = arith.constant 0 : i32
        %dma_start3A_211 = tpu.memref_slice %arg6[%run_scoped3A, %dma_start3A_210] : memref<4x32xi32, #tpu.memory_space<vmem>> -> memref<1x32xi32, #tpu.memory_space<vmem>>
        %dma_start3A_212 = tpu.memref_squeeze %dma_start3A_211 : memref<1x32xi32, #tpu.memory_space<vmem>> -> memref<32xi32, #tpu.memory_space<vmem>>
        %dma_start3A_213 = arith.constant 32 : i32
        %dma_start3A_214 = tpu.memref_slice %arg3[%arg1, %dma_start3A_213] : memref<16x128xi32, #tpu.memory_space<hbm>> -> memref<1x32xi32, #tpu.memory_space<hbm>>
        %dma_start3A_215 = tpu.memref_squeeze %dma_start3A_214 : memref<1x32xi32, #tpu.memory_space<hbm>> -> memref<32xi32, #tpu.memory_space<hbm>>
        tpu.enqueue_dma source(%dma_start3A_215 : memref<32xi32, #tpu.memory_space<hbm>>) target(%dma_start3A_212 : memref<32xi32, #tpu.memory_space<vmem>>) target_semaphore(%run_scoped3A_203 : memref<!tpu.dma_semaphore, #tpu.memory_space<semaphore_mem>>)
        %dma_wait3A_216 = arith.constant 0 : i32
        %dma_wait3A_217 = tpu.memref_slice %arg6[%run_scoped3A, %dma_wait3A_216] : memref<4x32xi32, #tpu.memory_space<vmem>> -> memref<1x32xi32, #tpu.memory_space<vmem>>
        %dma_wait3A_218 = tpu.memref_squeeze %dma_wait3A_217 : memref<1x32xi32, #tpu.memory_space<vmem>> -> memref<32xi32, #tpu.memory_space<vmem>>
        %dma_wait3A_219 = arith.constant 32 : i32
        %dma_wait3A_220 = tpu.memref_slice %arg3[%arg1, %dma_wait3A_219] : memref<16x128xi32, #tpu.memory_space<hbm>> -> memref<1x32xi32, #tpu.memory_space<hbm>>
        %dma_wait3A_221 = tpu.memref_squeeze %dma_wait3A_220 : memref<1x32xi32, #tpu.memory_space<hbm>> -> memref<32xi32, #tpu.memory_space<hbm>>
        %dma_wait3A_222 = arith.constant 0 : i32
        %dma_wait3A_223 = tpu.memref_slice %arg6[%run_scoped3A, %dma_wait3A_222] : memref<4x32xi32, #tpu.memory_space<vmem>> -> memref<1x32xi32, #tpu.memory_space<vmem>>
        %dma_wait3A_224 = tpu.memref_squeeze %dma_wait3A_223 : memref<1x32xi32, #tpu.memory_space<vmem>> -> memref<32xi32, #tpu.memory_space<vmem>>
        %dma_wait3A_225 = arith.constant 32 : i32
        %dma_wait3A_226 = tpu.memref_slice %arg3[%arg1, %dma_wait3A_225] : memref<16x128xi32, #tpu.memory_space<hbm>> -> memref<1x32xi32, #tpu.memory_space<hbm>>
        %dma_wait3A_227 = tpu.memref_squeeze %dma_wait3A_226 : memref<1x32xi32, #tpu.memory_space<hbm>> -> memref<32xi32, #tpu.memory_space<hbm>>
        tpu.wait_dma2 semaphore(%run_scoped3A_203 : memref<!tpu.dma_semaphore, #tpu.memory_space<semaphore_mem>>) src(%dma_wait3A_227 : memref<32xi32, #tpu.memory_space<hbm>>) dst(%dma_wait3A_224 : memref<32xi32, #tpu.memory_space<vmem>>)
        tpu.yield
      }) : () -> ()
    } else {
    }
    %eq3A_59 = arith.constant 1 : i32
    %eq3A_60 = arith.cmpi eq, %arg0, %eq3A_59 : i32
    %convert_element_type3A_61 = arith.extui %eq3A_60 : i1 to i32
    %cond3A_62 = arith.constant 0 : i32
    %cond3A_63 = arith.cmpi ne, %convert_element_type3A_61, %cond3A_62 : i32
    scf.if %cond3A_63 {
      %run_scoped3A = arith.constant 1 : i32
      "tpu.region"() ({
        %run_scoped3A_203 = tpu.sem_alloc : memref<!tpu.dma_semaphore, #tpu.memory_space<semaphore_mem>>
        %dma_start3A_204 = arith.constant 0 : i32
        %dma_start3A_205 = tpu.memref_slice %arg6[%run_scoped3A, %dma_start3A_204] : memref<4x32xi32, #tpu.memory_space<vmem>> -> memref<1x32xi32, #tpu.memory_space<vmem>>
        %dma_start3A_206 = tpu.memref_squeeze %dma_start3A_205 : memref<1x32xi32, #tpu.memory_space<vmem>> -> memref<32xi32, #tpu.memory_space<vmem>>
        %dma_start3A_207 = arith.constant 32 : i32
        %dma_start3A_208 = tpu.memref_slice %arg4[%arg1, %dma_start3A_207] : memref<16x128xi32, #tpu.memory_space<hbm>> -> memref<1x32xi32, #tpu.memory_space<hbm>>
        %dma_start3A_209 = tpu.memref_squeeze %dma_start3A_208 : memref<1x32xi32, #tpu.memory_space<hbm>> -> memref<32xi32, #tpu.memory_space<hbm>>
        %dma_start3A_210 = arith.constant 0 : i32
        %dma_start3A_211 = tpu.memref_slice %arg6[%run_scoped3A, %dma_start3A_210] : memref<4x32xi32, #tpu.memory_space<vmem>> -> memref<1x32xi32, #tpu.memory_space<vmem>>
        %dma_start3A_212 = tpu.memref_squeeze %dma_start3A_211 : memref<1x32xi32, #tpu.memory_space<vmem>> -> memref<32xi32, #tpu.memory_space<vmem>>
        %dma_start3A_213 = arith.constant 32 : i32
        %dma_start3A_214 = tpu.memref_slice %arg4[%arg1, %dma_start3A_213] : memref<16x128xi32, #tpu.memory_space<hbm>> -> memref<1x32xi32, #tpu.memory_space<hbm>>
        %dma_start3A_215 = tpu.memref_squeeze %dma_start3A_214 : memref<1x32xi32, #tpu.memory_space<hbm>> -> memref<32xi32, #tpu.memory_space<hbm>>
        tpu.enqueue_dma source(%dma_start3A_215 : memref<32xi32, #tpu.memory_space<hbm>>) target(%dma_start3A_212 : memref<32xi32, #tpu.memory_space<vmem>>) target_semaphore(%run_scoped3A_203 : memref<!tpu.dma_semaphore, #tpu.memory_space<semaphore_mem>>)
        %dma_wait3A_216 = arith.constant 0 : i32
        %dma_wait3A_217 = tpu.memref_slice %arg6[%run_scoped3A, %dma_wait3A_216] : memref<4x32xi32, #tpu.memory_space<vmem>> -> memref<1x32xi32, #tpu.memory_space<vmem>>
        %dma_wait3A_218 = tpu.memref_squeeze %dma_wait3A_217 : memref<1x32xi32, #tpu.memory_space<vmem>> -> memref<32xi32, #tpu.memory_space<vmem>>
        %dma_wait3A_219 = arith.constant 32 : i32
        %dma_wait3A_220 = tpu.memref_slice %arg4[%arg1, %dma_wait3A_219] : memref<16x128xi32, #tpu.memory_space<hbm>> -> memref<1x32xi32, #tpu.memory_space<hbm>>
        %dma_wait3A_221 = tpu.memref_squeeze %dma_wait3A_220 : memref<1x32xi32, #tpu.memory_space<hbm>> -> memref<32xi32, #tpu.memory_space<hbm>>
        %dma_wait3A_222 = arith.constant 0 : i32
        %dma_wait3A_223 = tpu.memref_slice %arg6[%run_scoped3A, %dma_wait3A_222] : memref<4x32xi32, #tpu.memory_space<vmem>> -> memref<1x32xi32, #tpu.memory_space<vmem>>
        %dma_wait3A_224 = tpu.memref_squeeze %dma_wait3A_223 : memref<1x32xi32, #tpu.memory_space<vmem>> -> memref<32xi32, #tpu.memory_space<vmem>>
        %dma_wait3A_225 = arith.constant 32 : i32
        %dma_wait3A_226 = tpu.memref_slice %arg4[%arg1, %dma_wait3A_225] : memref<16x128xi32, #tpu.memory_space<hbm>> -> memref<1x32xi32, #tpu.memory_space<hbm>>
        %dma_wait3A_227 = tpu.memref_squeeze %dma_wait3A_226 : memref<1x32xi32, #tpu.memory_space<hbm>> -> memref<32xi32, #tpu.memory_space<hbm>>
        tpu.wait_dma2 semaphore(%run_scoped3A_203 : memref<!tpu.dma_semaphore, #tpu.memory_space<semaphore_mem>>) src(%dma_wait3A_227 : memref<32xi32, #tpu.memory_space<hbm>>) dst(%dma_wait3A_224 : memref<32xi32, #tpu.memory_space<vmem>>)
        tpu.yield
      }) : () -> ()
    } else {
    }
    %eq3A_64 = arith.constant 0 : i32
    %eq3A_65 = arith.cmpi eq, %arg0, %eq3A_64 : i32
    %convert_element_type3A_66 = arith.extui %eq3A_65 : i1 to i32
    %cond3A_67 = arith.constant 0 : i32
    %cond3A_68 = arith.cmpi ne, %convert_element_type3A_66, %cond3A_67 : i32
    scf.if %cond3A_68 {
      %run_scoped3A = arith.constant 2 : i32
      "tpu.region"() ({
        %run_scoped3A_203 = tpu.sem_alloc : memref<!tpu.dma_semaphore, #tpu.memory_space<semaphore_mem>>
        %dma_start3A_204 = arith.constant 0 : i32
        %dma_start3A_205 = tpu.memref_slice %arg6[%run_scoped3A, %dma_start3A_204] : memref<4x32xi32, #tpu.memory_space<vmem>> -> memref<1x32xi32, #tpu.memory_space<vmem>>
        %dma_start3A_206 = tpu.memref_squeeze %dma_start3A_205 : memref<1x32xi32, #tpu.memory_space<vmem>> -> memref<32xi32, #tpu.memory_space<vmem>>
        %dma_start3A_207 = arith.constant 64 : i32
        %dma_start3A_208 = tpu.memref_slice %arg3[%arg1, %dma_start3A_207] : memref<16x128xi32, #tpu.memory_space<hbm>> -> memref<1x32xi32, #tpu.memory_space<hbm>>
        %dma_start3A_209 = tpu.memref_squeeze %dma_start3A_208 : memref<1x32xi32, #tpu.memory_space<hbm>> -> memref<32xi32, #tpu.memory_space<hbm>>
        %dma_start3A_210 = arith.constant 0 : i32
        %dma_start3A_211 = tpu.memref_slice %arg6[%run_scoped3A, %dma_start3A_210] : memref<4x32xi32, #tpu.memory_space<vmem>> -> memref<1x32xi32, #tpu.memory_space<vmem>>
        %dma_start3A_212 = tpu.memref_squeeze %dma_start3A_211 : memref<1x32xi32, #tpu.memory_space<vmem>> -> memref<32xi32, #tpu.memory_space<vmem>>
        %dma_start3A_213 = arith.constant 64 : i32
        %dma_start3A_214 = tpu.memref_slice %arg3[%arg1, %dma_start3A_213] : memref<16x128xi32, #tpu.memory_space<hbm>> -> memref<1x32xi32, #tpu.memory_space<hbm>>
        %dma_start3A_215 = tpu.memref_squeeze %dma_start3A_214 : memref<1x32xi32, #tpu.memory_space<hbm>> -> memref<32xi32, #tpu.memory_space<hbm>>
        tpu.enqueue_dma source(%dma_start3A_215 : memref<32xi32, #tpu.memory_space<hbm>>) target(%dma_start3A_212 : memref<32xi32, #tpu.memory_space<vmem>>) target_semaphore(%run_scoped3A_203 : memref<!tpu.dma_semaphore, #tpu.memory_space<semaphore_mem>>)
        %dma_wait3A_216 = arith.constant 0 : i32
        %dma_wait3A_217 = tpu.memref_slice %arg6[%run_scoped3A, %dma_wait3A_216] : memref<4x32xi32, #tpu.memory_space<vmem>> -> memref<1x32xi32, #tpu.memory_space<vmem>>
        %dma_wait3A_218 = tpu.memref_squeeze %dma_wait3A_217 : memref<1x32xi32, #tpu.memory_space<vmem>> -> memref<32xi32, #tpu.memory_space<vmem>>
        %dma_wait3A_219 = arith.constant 64 : i32
        %dma_wait3A_220 = tpu.memref_slice %arg3[%arg1, %dma_wait3A_219] : memref<16x128xi32, #tpu.memory_space<hbm>> -> memref<1x32xi32, #tpu.memory_space<hbm>>
        %dma_wait3A_221 = tpu.memref_squeeze %dma_wait3A_220 : memref<1x32xi32, #tpu.memory_space<hbm>> -> memref<32xi32, #tpu.memory_space<hbm>>
        %dma_wait3A_222 = arith.constant 0 : i32
        %dma_wait3A_223 = tpu.memref_slice %arg6[%run_scoped3A, %dma_wait3A_222] : memref<4x32xi32, #tpu.memory_space<vmem>> -> memref<1x32xi32, #tpu.memory_space<vmem>>
        %dma_wait3A_224 = tpu.memref_squeeze %dma_wait3A_223 : memref<1x32xi32, #tpu.memory_space<vmem>> -> memref<32xi32, #tpu.memory_space<vmem>>
        %dma_wait3A_225 = arith.constant 64 : i32
        %dma_wait3A_226 = tpu.memref_slice %arg3[%arg1, %dma_wait3A_225] : memref<16x128xi32, #tpu.memory_space<hbm>> -> memref<1x32xi32, #tpu.memory_space<hbm>>
        %dma_wait3A_227 = tpu.memref_squeeze %dma_wait3A_226 : memref<1x32xi32, #tpu.memory_space<hbm>> -> memref<32xi32, #tpu.memory_space<hbm>>
        tpu.wait_dma2 semaphore(%run_scoped3A_203 : memref<!tpu.dma_semaphore, #tpu.memory_space<semaphore_mem>>) src(%dma_wait3A_227 : memref<32xi32, #tpu.memory_space<hbm>>) dst(%dma_wait3A_224 : memref<32xi32, #tpu.memory_space<vmem>>)
        tpu.yield
      }) : () -> ()
    } else {
    }
    %eq3A_69 = arith.constant 1 : i32
    %eq3A_70 = arith.cmpi eq, %arg0, %eq3A_69 : i32
    %convert_element_type3A_71 = arith.extui %eq3A_70 : i1 to i32
    %cond3A_72 = arith.constant 0 : i32
    %cond3A_73 = arith.cmpi ne, %convert_element_type3A_71, %cond3A_72 : i32
    scf.if %cond3A_73 {
      %run_scoped3A = arith.constant 2 : i32
      "tpu.region"() ({
        %run_scoped3A_203 = tpu.sem_alloc : memref<!tpu.dma_semaphore, #tpu.memory_space<semaphore_mem>>
        %dma_start3A_204 = arith.constant 0 : i32
        %dma_start3A_205 = tpu.memref_slice %arg6[%run_scoped3A, %dma_start3A_204] : memref<4x32xi32, #tpu.memory_space<vmem>> -> memref<1x32xi32, #tpu.memory_space<vmem>>
        %dma_start3A_206 = tpu.memref_squeeze %dma_start3A_205 : memref<1x32xi32, #tpu.memory_space<vmem>> -> memref<32xi32, #tpu.memory_space<vmem>>
        %dma_start3A_207 = arith.constant 64 : i32
        %dma_start3A_208 = tpu.memref_slice %arg4[%arg1, %dma_start3A_207] : memref<16x128xi32, #tpu.memory_space<hbm>> -> memref<1x32xi32, #tpu.memory_space<hbm>>
        %dma_start3A_209 = tpu.memref_squeeze %dma_start3A_208 : memref<1x32xi32, #tpu.memory_space<hbm>> -> memref<32xi32, #tpu.memory_space<hbm>>
        %dma_start3A_210 = arith.constant 0 : i32
        %dma_start3A_211 = tpu.memref_slice %arg6[%run_scoped3A, %dma_start3A_210] : memref<4x32xi32, #tpu.memory_space<vmem>> -> memref<1x32xi32, #tpu.memory_space<vmem>>
        %dma_start3A_212 = tpu.memref_squeeze %dma_start3A_211 : memref<1x32xi32, #tpu.memory_space<vmem>> -> memref<32xi32, #tpu.memory_space<vmem>>
        %dma_start3A_213 = arith.constant 64 : i32
        %dma_start3A_214 = tpu.memref_slice %arg4[%arg1, %dma_start3A_213] : memref<16x128xi32, #tpu.memory_space<hbm>> -> memref<1x32xi32, #tpu.memory_space<hbm>>
        %dma_start3A_215 = tpu.memref_squeeze %dma_start3A_214 : memref<1x32xi32, #tpu.memory_space<hbm>> -> memref<32xi32, #tpu.memory_space<hbm>>
        tpu.enqueue_dma source(%dma_start3A_215 : memref<32xi32, #tpu.memory_space<hbm>>) target(%dma_start3A_212 : memref<32xi32, #tpu.memory_space<vmem>>) target_semaphore(%run_scoped3A_203 : memref<!tpu.dma_semaphore, #tpu.memory_space<semaphore_mem>>)
        %dma_wait3A_216 = arith.constant 0 : i32
        %dma_wait3A_217 = tpu.memref_slice %arg6[%run_scoped3A, %dma_wait3A_216] : memref<4x32xi32, #tpu.memory_space<vmem>> -> memref<1x32xi32, #tpu.memory_space<vmem>>
        %dma_wait3A_218 = tpu.memref_squeeze %dma_wait3A_217 : memref<1x32xi32, #tpu.memory_space<vmem>> -> memref<32xi32, #tpu.memory_space<vmem>>
        %dma_wait3A_219 = arith.constant 64 : i32
        %dma_wait3A_220 = tpu.memref_slice %arg4[%arg1, %dma_wait3A_219] : memref<16x128xi32, #tpu.memory_space<hbm>> -> memref<1x32xi32, #tpu.memory_space<hbm>>
        %dma_wait3A_221 = tpu.memref_squeeze %dma_wait3A_220 : memref<1x32xi32, #tpu.memory_space<hbm>> -> memref<32xi32, #tpu.memory_space<hbm>>
        %dma_wait3A_222 = arith.constant 0 : i32
        %dma_wait3A_223 = tpu.memref_slice %arg6[%run_scoped3A, %dma_wait3A_222] : memref<4x32xi32, #tpu.memory_space<vmem>> -> memref<1x32xi32, #tpu.memory_space<vmem>>
        %dma_wait3A_224 = tpu.memref_squeeze %dma_wait3A_223 : memref<1x32xi32, #tpu.memory_space<vmem>> -> memref<32xi32, #tpu.memory_space<vmem>>
        %dma_wait3A_225 = arith.constant 64 : i32
        %dma_wait3A_226 = tpu.memref_slice %arg4[%arg1, %dma_wait3A_225] : memref<16x128xi32, #tpu.memory_space<hbm>> -> memref<1x32xi32, #tpu.memory_space<hbm>>
        %dma_wait3A_227 = tpu.memref_squeeze %dma_wait3A_226 : memref<1x32xi32, #tpu.memory_space<hbm>> -> memref<32xi32, #tpu.memory_space<hbm>>
        tpu.wait_dma2 semaphore(%run_scoped3A_203 : memref<!tpu.dma_semaphore, #tpu.memory_space<semaphore_mem>>) src(%dma_wait3A_227 : memref<32xi32, #tpu.memory_space<hbm>>) dst(%dma_wait3A_224 : memref<32xi32, #tpu.memory_space<vmem>>)
        tpu.yield
      }) : () -> ()
    } else {
    }
    %eq3A_74 = arith.constant 0 : i32
    %eq3A_75 = arith.cmpi eq, %arg0, %eq3A_74 : i32
    %convert_element_type3A_76 = arith.extui %eq3A_75 : i1 to i32
    %cond3A_77 = arith.constant 0 : i32
    %cond3A_78 = arith.cmpi ne, %convert_element_type3A_76, %cond3A_77 : i32
    scf.if %cond3A_78 {
      %run_scoped3A = arith.constant 3 : i32
      "tpu.region"() ({
        %run_scoped3A_203 = tpu.sem_alloc : memref<!tpu.dma_semaphore, #tpu.memory_space<semaphore_mem>>
        %dma_start3A_204 = arith.constant 0 : i32
        %dma_start3A_205 = tpu.memref_slice %arg6[%run_scoped3A, %dma_start3A_204] : memref<4x32xi32, #tpu.memory_space<vmem>> -> memref<1x32xi32, #tpu.memory_space<vmem>>
        %dma_start3A_206 = tpu.memref_squeeze %dma_start3A_205 : memref<1x32xi32, #tpu.memory_space<vmem>> -> memref<32xi32, #tpu.memory_space<vmem>>
        %dma_start3A_207 = arith.constant 96 : i32
        %dma_start3A_208 = tpu.memref_slice %arg3[%arg1, %dma_start3A_207] : memref<16x128xi32, #tpu.memory_space<hbm>> -> memref<1x32xi32, #tpu.memory_space<hbm>>
        %dma_start3A_209 = tpu.memref_squeeze %dma_start3A_208 : memref<1x32xi32, #tpu.memory_space<hbm>> -> memref<32xi32, #tpu.memory_space<hbm>>
        %dma_start3A_210 = arith.constant 0 : i32
        %dma_start3A_211 = tpu.memref_slice %arg6[%run_scoped3A, %dma_start3A_210] : memref<4x32xi32, #tpu.memory_space<vmem>> -> memref<1x32xi32, #tpu.memory_space<vmem>>
        %dma_start3A_212 = tpu.memref_squeeze %dma_start3A_211 : memref<1x32xi32, #tpu.memory_space<vmem>> -> memref<32xi32, #tpu.memory_space<vmem>>
        %dma_start3A_213 = arith.constant 96 : i32
        %dma_start3A_214 = tpu.memref_slice %arg3[%arg1, %dma_start3A_213] : memref<16x128xi32, #tpu.memory_space<hbm>> -> memref<1x32xi32, #tpu.memory_space<hbm>>
        %dma_start3A_215 = tpu.memref_squeeze %dma_start3A_214 : memref<1x32xi32, #tpu.memory_space<hbm>> -> memref<32xi32, #tpu.memory_space<hbm>>
        tpu.enqueue_dma source(%dma_start3A_215 : memref<32xi32, #tpu.memory_space<hbm>>) target(%dma_start3A_212 : memref<32xi32, #tpu.memory_space<vmem>>) target_semaphore(%run_scoped3A_203 : memref<!tpu.dma_semaphore, #tpu.memory_space<semaphore_mem>>)
        %dma_wait3A_216 = arith.constant 0 : i32
        %dma_wait3A_217 = tpu.memref_slice %arg6[%run_scoped3A, %dma_wait3A_216] : memref<4x32xi32, #tpu.memory_space<vmem>> -> memref<1x32xi32, #tpu.memory_space<vmem>>
        %dma_wait3A_218 = tpu.memref_squeeze %dma_wait3A_217 : memref<1x32xi32, #tpu.memory_space<vmem>> -> memref<32xi32, #tpu.memory_space<vmem>>
        %dma_wait3A_219 = arith.constant 96 : i32
        %dma_wait3A_220 = tpu.memref_slice %arg3[%arg1, %dma_wait3A_219] : memref<16x128xi32, #tpu.memory_space<hbm>> -> memref<1x32xi32, #tpu.memory_space<hbm>>
        %dma_wait3A_221 = tpu.memref_squeeze %dma_wait3A_220 : memref<1x32xi32, #tpu.memory_space<hbm>> -> memref<32xi32, #tpu.memory_space<hbm>>
        %dma_wait3A_222 = arith.constant 0 : i32
        %dma_wait3A_223 = tpu.memref_slice %arg6[%run_scoped3A, %dma_wait3A_222] : memref<4x32xi32, #tpu.memory_space<vmem>> -> memref<1x32xi32, #tpu.memory_space<vmem>>
        %dma_wait3A_224 = tpu.memref_squeeze %dma_wait3A_223 : memref<1x32xi32, #tpu.memory_space<vmem>> -> memref<32xi32, #tpu.memory_space<vmem>>
        %dma_wait3A_225 = arith.constant 96 : i32
        %dma_wait3A_226 = tpu.memref_slice %arg3[%arg1, %dma_wait3A_225] : memref<16x128xi32, #tpu.memory_space<hbm>> -> memref<1x32xi32, #tpu.memory_space<hbm>>
        %dma_wait3A_227 = tpu.memref_squeeze %dma_wait3A_226 : memref<1x32xi32, #tpu.memory_space<hbm>> -> memref<32xi32, #tpu.memory_space<hbm>>
        tpu.wait_dma2 semaphore(%run_scoped3A_203 : memref<!tpu.dma_semaphore, #tpu.memory_space<semaphore_mem>>) src(%dma_wait3A_227 : memref<32xi32, #tpu.memory_space<hbm>>) dst(%dma_wait3A_224 : memref<32xi32, #tpu.memory_space<vmem>>)
        tpu.yield
      }) : () -> ()
    } else {
    }
    %eq3A_79 = arith.constant 1 : i32
    %eq3A_80 = arith.cmpi eq, %arg0, %eq3A_79 : i32
    %convert_element_type3A_81 = arith.extui %eq3A_80 : i1 to i32
    %cond3A_82 = arith.constant 0 : i32
    %cond3A_83 = arith.cmpi ne, %convert_element_type3A_81, %cond3A_82 : i32
    scf.if %cond3A_83 {
      %run_scoped3A = arith.constant 3 : i32
      "tpu.region"() ({
        %run_scoped3A_203 = tpu.sem_alloc : memref<!tpu.dma_semaphore, #tpu.memory_space<semaphore_mem>>
        %dma_start3A_204 = arith.constant 0 : i32
        %dma_start3A_205 = tpu.memref_slice %arg6[%run_scoped3A, %dma_start3A_204] : memref<4x32xi32, #tpu.memory_space<vmem>> -> memref<1x32xi32, #tpu.memory_space<vmem>>
        %dma_start3A_206 = tpu.memref_squeeze %dma_start3A_205 : memref<1x32xi32, #tpu.memory_space<vmem>> -> memref<32xi32, #tpu.memory_space<vmem>>
        %dma_start3A_207 = arith.constant 96 : i32
        %dma_start3A_208 = tpu.memref_slice %arg4[%arg1, %dma_start3A_207] : memref<16x128xi32, #tpu.memory_space<hbm>> -> memref<1x32xi32, #tpu.memory_space<hbm>>
        %dma_start3A_209 = tpu.memref_squeeze %dma_start3A_208 : memref<1x32xi32, #tpu.memory_space<hbm>> -> memref<32xi32, #tpu.memory_space<hbm>>
        %dma_start3A_210 = arith.constant 0 : i32
        %dma_start3A_211 = tpu.memref_slice %arg6[%run_scoped3A, %dma_start3A_210] : memref<4x32xi32, #tpu.memory_space<vmem>> -> memref<1x32xi32, #tpu.memory_space<vmem>>
        %dma_start3A_212 = tpu.memref_squeeze %dma_start3A_211 : memref<1x32xi32, #tpu.memory_space<vmem>> -> memref<32xi32, #tpu.memory_space<vmem>>
        %dma_start3A_213 = arith.constant 96 : i32
        %dma_start3A_214 = tpu.memref_slice %arg4[%arg1, %dma_start3A_213] : memref<16x128xi32, #tpu.memory_space<hbm>> -> memref<1x32xi32, #tpu.memory_space<hbm>>
        %dma_start3A_215 = tpu.memref_squeeze %dma_start3A_214 : memref<1x32xi32, #tpu.memory_space<hbm>> -> memref<32xi32, #tpu.memory_space<hbm>>
        tpu.enqueue_dma source(%dma_start3A_215 : memref<32xi32, #tpu.memory_space<hbm>>) target(%dma_start3A_212 : memref<32xi32, #tpu.memory_space<vmem>>) target_semaphore(%run_scoped3A_203 : memref<!tpu.dma_semaphore, #tpu.memory_space<semaphore_mem>>)
        %dma_wait3A_216 = arith.constant 0 : i32
        %dma_wait3A_217 = tpu.memref_slice %arg6[%run_scoped3A, %dma_wait3A_216] : memref<4x32xi32, #tpu.memory_space<vmem>> -> memref<1x32xi32, #tpu.memory_space<vmem>>
        %dma_wait3A_218 = tpu.memref_squeeze %dma_wait3A_217 : memref<1x32xi32, #tpu.memory_space<vmem>> -> memref<32xi32, #tpu.memory_space<vmem>>
        %dma_wait3A_219 = arith.constant 96 : i32
        %dma_wait3A_220 = tpu.memref_slice %arg4[%arg1, %dma_wait3A_219] : memref<16x128xi32, #tpu.memory_space<hbm>> -> memref<1x32xi32, #tpu.memory_space<hbm>>
        %dma_wait3A_221 = tpu.memref_squeeze %dma_wait3A_220 : memref<1x32xi32, #tpu.memory_space<hbm>> -> memref<32xi32, #tpu.memory_space<hbm>>
        %dma_wait3A_222 = arith.constant 0 : i32
        %dma_wait3A_223 = tpu.memref_slice %arg6[%run_scoped3A, %dma_wait3A_222] : memref<4x32xi32, #tpu.memory_space<vmem>> -> memref<1x32xi32, #tpu.memory_space<vmem>>
        %dma_wait3A_224 = tpu.memref_squeeze %dma_wait3A_223 : memref<1x32xi32, #tpu.memory_space<vmem>> -> memref<32xi32, #tpu.memory_space<vmem>>
        %dma_wait3A_225 = arith.constant 96 : i32
        %dma_wait3A_226 = tpu.memref_slice %arg4[%arg1, %dma_wait3A_225] : memref<16x128xi32, #tpu.memory_space<hbm>> -> memref<1x32xi32, #tpu.memory_space<hbm>>
        %dma_wait3A_227 = tpu.memref_squeeze %dma_wait3A_226 : memref<1x32xi32, #tpu.memory_space<hbm>> -> memref<32xi32, #tpu.memory_space<hbm>>
        tpu.wait_dma2 semaphore(%run_scoped3A_203 : memref<!tpu.dma_semaphore, #tpu.memory_space<semaphore_mem>>) src(%dma_wait3A_227 : memref<32xi32, #tpu.memory_space<hbm>>) dst(%dma_wait3A_224 : memref<32xi32, #tpu.memory_space<vmem>>)
        tpu.yield
      }) : () -> ()
    } else {
    }
    %dma_wait3A = arith.constant 0 : i32
    %dma_wait3A_84 = arith.constant 0 : i32
    %dma_wait3A_85 = tpu.memref_slice %arg7[%dma_wait3A, %dma_wait3A_84] : memref<128x768xf32, #tpu.memory_space<vmem>> -> memref<32x768xf32, #tpu.memory_space<vmem>>
    %dma_wait3A_86 = arith.constant 0 : i32
    %dma_wait3A_87 = tpu.memref_slice %arg2[%add3A_1, %dma_wait3A_86] : memref<2048x768xf32, #tpu.memory_space<hbm>> -> memref<32x768xf32, #tpu.memory_space<hbm>>
    %dma_wait3A_88 = arith.constant 0 : i32
    %dma_wait3A_89 = arith.constant 0 : i32
    %dma_wait3A_90 = tpu.memref_slice %arg7[%dma_wait3A_88, %dma_wait3A_89] : memref<128x768xf32, #tpu.memory_space<vmem>> -> memref<32x768xf32, #tpu.memory_space<vmem>>
    %dma_wait3A_91 = arith.constant 0 : i32
    %dma_wait3A_92 = tpu.memref_slice %arg2[%add3A_1, %dma_wait3A_91] : memref<2048x768xf32, #tpu.memory_space<hbm>> -> memref<32x768xf32, #tpu.memory_space<hbm>>
    tpu.wait_dma2 semaphore(%arg8 : memref<!tpu.dma_semaphore, #tpu.memory_space<semaphore_mem>>) src(%dma_wait3A_92 : memref<32x768xf32, #tpu.memory_space<hbm>>) dst(%dma_wait3A_90 : memref<32x768xf32, #tpu.memory_space<vmem>>)
    %dma_start3A_93 = arith.constant 0 : i32
    %dma_start3A_94 = arith.constant 0 : i32
    %dma_start3A_95 = arith.constant 0 : i32
    %dma_start3A_96 = tpu.memref_slice %arg7[%dma_start3A_94, %dma_start3A_95] : memref<128x768xf32, #tpu.memory_space<vmem>> -> memref<32x768xf32, #tpu.memory_space<vmem>>
    %dma_start3A_97 = arith.constant 0 : i32
    %dma_start3A_98 = tpu.memref_slice %arg6[%dma_start3A_93, %dma_start3A_97] : memref<4x32xi32, #tpu.memory_space<vmem>> -> memref<1x32xi32, #tpu.memory_space<vmem>>
    %dma_start3A_99 = tpu.memref_squeeze %dma_start3A_98 : memref<1x32xi32, #tpu.memory_space<vmem>> -> memref<32xi32, #tpu.memory_space<vmem>>
    %dma_start3A_100 = arith.constant 0 : i32
    %dma_start3A_101 = arith.constant 0 : i32
    %dma_start3A_102 = tpu.memref_slice %arg5[%dma_start3A_100, %dma_start3A_101] : memref<5120x768xf32, #tpu.memory_space<hbm>> -> memref<5120x768xf32, #tpu.memory_space<hbm>>
    tpu.enqueue_indirect_dma source(%dma_start3A_96 : memref<32x768xf32, #tpu.memory_space<vmem>>) target(%dma_start3A_102 : memref<5120x768xf32, #tpu.memory_space<hbm>>) offsets(%dma_start3A_99 : memref<32xi32, #tpu.memory_space<vmem>>) semaphore(%arg12 : memref<!tpu.dma_semaphore, #tpu.memory_space<semaphore_mem>>)
    %dma_wait3A_103 = arith.constant 32 : i32
    %dma_wait3A_104 = arith.constant 0 : i32
    %dma_wait3A_105 = tpu.memref_slice %arg7[%dma_wait3A_103, %dma_wait3A_104] : memref<128x768xf32, #tpu.memory_space<vmem>> -> memref<32x768xf32, #tpu.memory_space<vmem>>
    %dma_wait3A_106 = arith.constant 0 : i32
    %dma_wait3A_107 = tpu.memref_slice %arg2[%add3A_12, %dma_wait3A_106] : memref<2048x768xf32, #tpu.memory_space<hbm>> -> memref<32x768xf32, #tpu.memory_space<hbm>>
    %dma_wait3A_108 = arith.constant 32 : i32
    %dma_wait3A_109 = arith.constant 0 : i32
    %dma_wait3A_110 = tpu.memref_slice %arg7[%dma_wait3A_108, %dma_wait3A_109] : memref<128x768xf32, #tpu.memory_space<vmem>> -> memref<32x768xf32, #tpu.memory_space<vmem>>
    %dma_wait3A_111 = arith.constant 0 : i32
    %dma_wait3A_112 = tpu.memref_slice %arg2[%add3A_12, %dma_wait3A_111] : memref<2048x768xf32, #tpu.memory_space<hbm>> -> memref<32x768xf32, #tpu.memory_space<hbm>>
    tpu.wait_dma2 semaphore(%arg9 : memref<!tpu.dma_semaphore, #tpu.memory_space<semaphore_mem>>) src(%dma_wait3A_112 : memref<32x768xf32, #tpu.memory_space<hbm>>) dst(%dma_wait3A_110 : memref<32x768xf32, #tpu.memory_space<vmem>>)
    %dma_start3A_113 = arith.constant 1 : i32
    %dma_start3A_114 = arith.constant 32 : i32
    %dma_start3A_115 = arith.constant 0 : i32
    %dma_start3A_116 = tpu.memref_slice %arg7[%dma_start3A_114, %dma_start3A_115] : memref<128x768xf32, #tpu.memory_space<vmem>> -> memref<32x768xf32, #tpu.memory_space<vmem>>
    %dma_start3A_117 = arith.constant 0 : i32
    %dma_start3A_118 = tpu.memref_slice %arg6[%dma_start3A_113, %dma_start3A_117] : memref<4x32xi32, #tpu.memory_space<vmem>> -> memref<1x32xi32, #tpu.memory_space<vmem>>
    %dma_start3A_119 = tpu.memref_squeeze %dma_start3A_118 : memref<1x32xi32, #tpu.memory_space<vmem>> -> memref<32xi32, #tpu.memory_space<vmem>>
    %dma_start3A_120 = arith.constant 0 : i32
    %dma_start3A_121 = arith.constant 0 : i32
    %dma_start3A_122 = tpu.memref_slice %arg5[%dma_start3A_120, %dma_start3A_121] : memref<5120x768xf32, #tpu.memory_space<hbm>> -> memref<5120x768xf32, #tpu.memory_space<hbm>>
    tpu.enqueue_indirect_dma source(%dma_start3A_116 : memref<32x768xf32, #tpu.memory_space<vmem>>) target(%dma_start3A_122 : memref<5120x768xf32, #tpu.memory_space<hbm>>) offsets(%dma_start3A_119 : memref<32xi32, #tpu.memory_space<vmem>>) semaphore(%arg12 : memref<!tpu.dma_semaphore, #tpu.memory_space<semaphore_mem>>)
    %dma_wait3A_123 = arith.constant 64 : i32
    %dma_wait3A_124 = arith.constant 0 : i32
    %dma_wait3A_125 = tpu.memref_slice %arg7[%dma_wait3A_123, %dma_wait3A_124] : memref<128x768xf32, #tpu.memory_space<vmem>> -> memref<32x768xf32, #tpu.memory_space<vmem>>
    %dma_wait3A_126 = arith.constant 0 : i32
    %dma_wait3A_127 = tpu.memref_slice %arg2[%add3A_24, %dma_wait3A_126] : memref<2048x768xf32, #tpu.memory_space<hbm>> -> memref<32x768xf32, #tpu.memory_space<hbm>>
    %dma_wait3A_128 = arith.constant 64 : i32
    %dma_wait3A_129 = arith.constant 0 : i32
    %dma_wait3A_130 = tpu.memref_slice %arg7[%dma_wait3A_128, %dma_wait3A_129] : memref<128x768xf32, #tpu.memory_space<vmem>> -> memref<32x768xf32, #tpu.memory_space<vmem>>
    %dma_wait3A_131 = arith.constant 0 : i32
    %dma_wait3A_132 = tpu.memref_slice %arg2[%add3A_24, %dma_wait3A_131] : memref<2048x768xf32, #tpu.memory_space<hbm>> -> memref<32x768xf32, #tpu.memory_space<hbm>>
    tpu.wait_dma2 semaphore(%arg10 : memref<!tpu.dma_semaphore, #tpu.memory_space<semaphore_mem>>) src(%dma_wait3A_132 : memref<32x768xf32, #tpu.memory_space<hbm>>) dst(%dma_wait3A_130 : memref<32x768xf32, #tpu.memory_space<vmem>>)
    %dma_start3A_133 = arith.constant 2 : i32
    %dma_start3A_134 = arith.constant 64 : i32
    %dma_start3A_135 = arith.constant 0 : i32
    %dma_start3A_136 = tpu.memref_slice %arg7[%dma_start3A_134, %dma_start3A_135] : memref<128x768xf32, #tpu.memory_space<vmem>> -> memref<32x768xf32, #tpu.memory_space<vmem>>
    %dma_start3A_137 = arith.constant 0 : i32
    %dma_start3A_138 = tpu.memref_slice %arg6[%dma_start3A_133, %dma_start3A_137] : memref<4x32xi32, #tpu.memory_space<vmem>> -> memref<1x32xi32, #tpu.memory_space<vmem>>
    %dma_start3A_139 = tpu.memref_squeeze %dma_start3A_138 : memref<1x32xi32, #tpu.memory_space<vmem>> -> memref<32xi32, #tpu.memory_space<vmem>>
    %dma_start3A_140 = arith.constant 0 : i32
    %dma_start3A_141 = arith.constant 0 : i32
    %dma_start3A_142 = tpu.memref_slice %arg5[%dma_start3A_140, %dma_start3A_141] : memref<5120x768xf32, #tpu.memory_space<hbm>> -> memref<5120x768xf32, #tpu.memory_space<hbm>>
    tpu.enqueue_indirect_dma source(%dma_start3A_136 : memref<32x768xf32, #tpu.memory_space<vmem>>) target(%dma_start3A_142 : memref<5120x768xf32, #tpu.memory_space<hbm>>) offsets(%dma_start3A_139 : memref<32xi32, #tpu.memory_space<vmem>>) semaphore(%arg12 : memref<!tpu.dma_semaphore, #tpu.memory_space<semaphore_mem>>)
    %dma_wait3A_143 = arith.constant 96 : i32
    %dma_wait3A_144 = arith.constant 0 : i32
    %dma_wait3A_145 = tpu.memref_slice %arg7[%dma_wait3A_143, %dma_wait3A_144] : memref<128x768xf32, #tpu.memory_space<vmem>> -> memref<32x768xf32, #tpu.memory_space<vmem>>
    %dma_wait3A_146 = arith.constant 0 : i32
    %dma_wait3A_147 = tpu.memref_slice %arg2[%add3A_36, %dma_wait3A_146] : memref<2048x768xf32, #tpu.memory_space<hbm>> -> memref<32x768xf32, #tpu.memory_space<hbm>>
    %dma_wait3A_148 = arith.constant 96 : i32
    %dma_wait3A_149 = arith.constant 0 : i32
    %dma_wait3A_150 = tpu.memref_slice %arg7[%dma_wait3A_148, %dma_wait3A_149] : memref<128x768xf32, #tpu.memory_space<vmem>> -> memref<32x768xf32, #tpu.memory_space<vmem>>
    %dma_wait3A_151 = arith.constant 0 : i32
    %dma_wait3A_152 = tpu.memref_slice %arg2[%add3A_36, %dma_wait3A_151] : memref<2048x768xf32, #tpu.memory_space<hbm>> -> memref<32x768xf32, #tpu.memory_space<hbm>>
    tpu.wait_dma2 semaphore(%arg11 : memref<!tpu.dma_semaphore, #tpu.memory_space<semaphore_mem>>) src(%dma_wait3A_152 : memref<32x768xf32, #tpu.memory_space<hbm>>) dst(%dma_wait3A_150 : memref<32x768xf32, #tpu.memory_space<vmem>>)
    %dma_start3A_153 = arith.constant 3 : i32
    %dma_start3A_154 = arith.constant 96 : i32
    %dma_start3A_155 = arith.constant 0 : i32
    %dma_start3A_156 = tpu.memref_slice %arg7[%dma_start3A_154, %dma_start3A_155] : memref<128x768xf32, #tpu.memory_space<vmem>> -> memref<32x768xf32, #tpu.memory_space<vmem>>
    %dma_start3A_157 = arith.constant 0 : i32
    %dma_start3A_158 = tpu.memref_slice %arg6[%dma_start3A_153, %dma_start3A_157] : memref<4x32xi32, #tpu.memory_space<vmem>> -> memref<1x32xi32, #tpu.memory_space<vmem>>
    %dma_start3A_159 = tpu.memref_squeeze %dma_start3A_158 : memref<1x32xi32, #tpu.memory_space<vmem>> -> memref<32xi32, #tpu.memory_space<vmem>>
    %dma_start3A_160 = arith.constant 0 : i32
    %dma_start3A_161 = arith.constant 0 : i32
    %dma_start3A_162 = tpu.memref_slice %arg5[%dma_start3A_160, %dma_start3A_161] : memref<5120x768xf32, #tpu.memory_space<hbm>> -> memref<5120x768xf32, #tpu.memory_space<hbm>>
    tpu.enqueue_indirect_dma source(%dma_start3A_156 : memref<32x768xf32, #tpu.memory_space<vmem>>) target(%dma_start3A_162 : memref<5120x768xf32, #tpu.memory_space<hbm>>) offsets(%dma_start3A_159 : memref<32xi32, #tpu.memory_space<vmem>>) semaphore(%arg12 : memref<!tpu.dma_semaphore, #tpu.memory_space<semaphore_mem>>)
    %dma_wait3A_163 = arith.constant 0 : i32
    %dma_wait3A_164 = arith.constant 0 : i32
    %dma_wait3A_165 = arith.constant 0 : i32
    %dma_wait3A_166 = tpu.memref_slice %arg7[%dma_wait3A_164, %dma_wait3A_165] : memref<128x768xf32, #tpu.memory_space<vmem>> -> memref<32x768xf32, #tpu.memory_space<vmem>>
    %dma_wait3A_167 = arith.constant 0 : i32
    %dma_wait3A_168 = tpu.memref_slice %arg6[%dma_wait3A_163, %dma_wait3A_167] : memref<4x32xi32, #tpu.memory_space<vmem>> -> memref<1x32xi32, #tpu.memory_space<vmem>>
    %dma_wait3A_169 = tpu.memref_squeeze %dma_wait3A_168 : memref<1x32xi32, #tpu.memory_space<vmem>> -> memref<32xi32, #tpu.memory_space<vmem>>
    %dma_wait3A_170 = arith.constant 0 : i32
    %dma_wait3A_171 = arith.constant 0 : i32
    %dma_wait3A_172 = tpu.memref_slice %arg5[%dma_wait3A_170, %dma_wait3A_171] : memref<5120x768xf32, #tpu.memory_space<hbm>> -> memref<5120x768xf32, #tpu.memory_space<hbm>>
    tpu.wait_indirect_dma semaphore(%arg12 : memref<!tpu.dma_semaphore, #tpu.memory_space<semaphore_mem>>) src(%dma_wait3A_166 : memref<32x768xf32, #tpu.memory_space<vmem>>) dst(%dma_wait3A_172 : memref<5120x768xf32, #tpu.memory_space<hbm>>)
    %dma_wait3A_173 = arith.constant 1 : i32
    %dma_wait3A_174 = arith.constant 32 : i32
    %dma_wait3A_175 = arith.constant 0 : i32
    %dma_wait3A_176 = tpu.memref_slice %arg7[%dma_wait3A_174, %dma_wait3A_175] : memref<128x768xf32, #tpu.memory_space<vmem>> -> memref<32x768xf32, #tpu.memory_space<vmem>>
    %dma_wait3A_177 = arith.constant 0 : i32
    %dma_wait3A_178 = tpu.memref_slice %arg6[%dma_wait3A_173, %dma_wait3A_177] : memref<4x32xi32, #tpu.memory_space<vmem>> -> memref<1x32xi32, #tpu.memory_space<vmem>>
    %dma_wait3A_179 = tpu.memref_squeeze %dma_wait3A_178 : memref<1x32xi32, #tpu.memory_space<vmem>> -> memref<32xi32, #tpu.memory_space<vmem>>
    %dma_wait3A_180 = arith.constant 0 : i32
    %dma_wait3A_181 = arith.constant 0 : i32
    %dma_wait3A_182 = tpu.memref_slice %arg5[%dma_wait3A_180, %dma_wait3A_181] : memref<5120x768xf32, #tpu.memory_space<hbm>> -> memref<5120x768xf32, #tpu.memory_space<hbm>>
    tpu.wait_indirect_dma semaphore(%arg12 : memref<!tpu.dma_semaphore, #tpu.memory_space<semaphore_mem>>) src(%dma_wait3A_176 : memref<32x768xf32, #tpu.memory_space<vmem>>) dst(%dma_wait3A_182 : memref<5120x768xf32, #tpu.memory_space<hbm>>)
    %dma_wait3A_183 = arith.constant 2 : i32
    %dma_wait3A_184 = arith.constant 64 : i32
    %dma_wait3A_185 = arith.constant 0 : i32
    %dma_wait3A_186 = tpu.memref_slice %arg7[%dma_wait3A_184, %dma_wait3A_185] : memref<128x768xf32, #tpu.memory_space<vmem>> -> memref<32x768xf32, #tpu.memory_space<vmem>>
    %dma_wait3A_187 = arith.constant 0 : i32
    %dma_wait3A_188 = tpu.memref_slice %arg6[%dma_wait3A_183, %dma_wait3A_187] : memref<4x32xi32, #tpu.memory_space<vmem>> -> memref<1x32xi32, #tpu.memory_space<vmem>>
    %dma_wait3A_189 = tpu.memref_squeeze %dma_wait3A_188 : memref<1x32xi32, #tpu.memory_space<vmem>> -> memref<32xi32, #tpu.memory_space<vmem>>
    %dma_wait3A_190 = arith.constant 0 : i32
    %dma_wait3A_191 = arith.constant 0 : i32
    %dma_wait3A_192 = tpu.memref_slice %arg5[%dma_wait3A_190, %dma_wait3A_191] : memref<5120x768xf32, #tpu.memory_space<hbm>> -> memref<5120x768xf32, #tpu.memory_space<hbm>>
    tpu.wait_indirect_dma semaphore(%arg12 : memref<!tpu.dma_semaphore, #tpu.memory_space<semaphore_mem>>) src(%dma_wait3A_186 : memref<32x768xf32, #tpu.memory_space<vmem>>) dst(%dma_wait3A_192 : memref<5120x768xf32, #tpu.memory_space<hbm>>)
    %dma_wait3A_193 = arith.constant 3 : i32
    %dma_wait3A_194 = arith.constant 96 : i32
    %dma_wait3A_195 = arith.constant 0 : i32
    %dma_wait3A_196 = tpu.memref_slice %arg7[%dma_wait3A_194, %dma_wait3A_195] : memref<128x768xf32, #tpu.memory_space<vmem>> -> memref<32x768xf32, #tpu.memory_space<vmem>>
    %dma_wait3A_197 = arith.constant 0 : i32
    %dma_wait3A_198 = tpu.memref_slice %arg6[%dma_wait3A_193, %dma_wait3A_197] : memref<4x32xi32, #tpu.memory_space<vmem>> -> memref<1x32xi32, #tpu.memory_space<vmem>>
    %dma_wait3A_199 = tpu.memref_squeeze %dma_wait3A_198 : memref<1x32xi32, #tpu.memory_space<vmem>> -> memref<32xi32, #tpu.memory_space<vmem>>
    %dma_wait3A_200 = arith.constant 0 : i32
    %dma_wait3A_201 = arith.constant 0 : i32
    %dma_wait3A_202 = tpu.memref_slice %arg5[%dma_wait3A_200, %dma_wait3A_201] : memref<5120x768xf32, #tpu.memory_space<hbm>> -> memref<5120x768xf32, #tpu.memory_space<hbm>>
    tpu.wait_indirect_dma semaphore(%arg12 : memref<!tpu.dma_semaphore, #tpu.memory_space<semaphore_mem>>) src(%dma_wait3A_196 : memref<32x768xf32, #tpu.memory_space<vmem>>) dst(%dma_wait3A_202 : memref<5120x768xf32, #tpu.memory_space<hbm>>)
    return
  }
}

#map = affine_map<(d0, d1) -> (0, 0)>
module attributes {stable_mosaic.version = 14 : i64} {
  func.func @_combine(%arg0: i32, %arg1: i32, %arg2: memref<5120x768xf32, #tpu.memory_space<hbm>>, %arg3: memref<16x128xi32, #tpu.memory_space<hbm>>, %arg4: memref<16x128xi32, #tpu.memory_space<hbm>>, %arg5: memref<2048x16xf32, #tpu.memory_space<hbm>>, %arg6: memref<2048x16xf32, #tpu.memory_space<hbm>>, %arg7: memref<2048x768xf32, #tpu.memory_space<hbm>>, %arg8: memref<64xi32, #tpu.memory_space<vmem>>, %arg9: memref<64xi32, #tpu.memory_space<vmem>>, %arg10: memref<64x16xf32, #tpu.memory_space<vmem>>, %arg11: memref<64x16xf32, #tpu.memory_space<vmem>>, %arg12: memref<64x768xf32, #tpu.memory_space<vmem>>, %arg13: memref<64x768xf32, #tpu.memory_space<vmem>>, %arg14: memref<!tpu.dma_semaphore, #tpu.memory_space<semaphore_mem>>, %arg15: memref<!tpu.dma_semaphore, #tpu.memory_space<semaphore_mem>>, %arg16: memref<!tpu.dma_semaphore, #tpu.memory_space<semaphore_mem>>) attributes {dimension_semantics = [#tpu.dimension_semantics<core_parallel>, #tpu.dimension_semantics<subcore_parallel>], iteration_bounds = array<i64: 2, 16>, scalar_prefetch = 0 : i64, scratch_operands = 9 : i64, tpu.core_type = #tpu.core_type<sc_vector_subcore>, window_params = [{transform_indices = #map}, {transform_indices = #map}, {transform_indices = #map}, {transform_indices = #map}, {transform_indices = #map}, {transform_indices = #map}]} {
    %mul3A = arith.constant 16 : i32
    %mul3A_0 = arith.muli %arg0, %mul3A : i32
    %add3A = arith.addi %mul3A_0, %arg1 : i32
    %mul3A_1 = arith.constant 64 : i32
    %mul3A_2 = arith.muli %add3A, %mul3A_1 : i32
    %jit3A = arith.constant 2 : i32
    %div3A = arith.divsi %add3A, %jit3A : i32
    %sign3A = arith.constant 0 : i32
    %sign3A_3 = arith.cmpi sgt, %add3A, %sign3A : i32
    %sign3A_4 = arith.extui %sign3A_3 : i1 to i32
    %sign3A_5 = arith.constant 0 : i32
    %sign3A_6 = arith.cmpi slt, %add3A, %sign3A_5 : i32
    %sign3A_7 = arith.extui %sign3A_6 : i1 to i32
    %sign3A_8 = arith.subi %sign3A_4, %sign3A_7 : i32
    %sign3A_9 = arith.constant 0 : i32
    %sign3A_10 = arith.cmpi sgt, %jit3A, %sign3A_9 : i32
    %sign3A_11 = arith.extui %sign3A_10 : i1 to i32
    %sign3A_12 = arith.constant 0 : i32
    %sign3A_13 = arith.cmpi slt, %jit3A, %sign3A_12 : i32
    %sign3A_14 = arith.extui %sign3A_13 : i1 to i32
    %sign3A_15 = arith.subi %sign3A_11, %sign3A_14 : i32
    %ne3A = arith.cmpi ne, %sign3A_8, %sign3A_15 : i32
    %rem3A = arith.remsi %add3A, %jit3A : i32
    %ne3A_16 = arith.constant 0 : i32
    %ne3A_17 = arith.cmpi ne, %rem3A, %ne3A_16 : i32
    %and3A = arith.andi %ne3A, %ne3A_17 : i1
    %sub3A = arith.constant 1 : i32
    %sub3A_18 = arith.subi %div3A, %sub3A : i32
    %select_n3A = arith.select %and3A, %sub3A_18, %div3A : i32
    %jit3A_19 = arith.constant 2 : i32
    %eq3A = arith.constant 0 : i32
    %eq3A_20 = arith.cmpi eq, %jit3A_19, %eq3A : i32
    %jit3A_21 = arith.constant 1 : i32
    %select_n3A_22 = arith.select %eq3A_20, %jit3A_21, %jit3A_19 : i32
    %rem3A_23 = arith.remsi %add3A, %select_n3A_22 : i32
    %ne3A_24 = arith.constant 0 : i32
    %ne3A_25 = arith.cmpi ne, %rem3A_23, %ne3A_24 : i32
    %lt3A = arith.constant 0 : i32
    %lt3A_26 = arith.cmpi slt, %rem3A_23, %lt3A : i32
    %lt3A_27 = arith.constant 0 : i32
    %lt3A_28 = arith.cmpi slt, %select_n3A_22, %lt3A_27 : i32
    %ne3A_29 = arith.xori %lt3A_26, %lt3A_28 : i1
    %and3A_30 = arith.andi %ne3A_29, %ne3A_25 : i1
    %add3A_31 = arith.addi %rem3A_23, %select_n3A_22 : i32
    %select_n3A_32 = arith.select %and3A_30, %add3A_31, %rem3A_23 : i32
    %mul3A_33 = arith.constant 64 : i32
    %mul3A_34 = arith.muli %select_n3A_32, %mul3A_33 : i32
    "tpu.region"() ({
      %run_scoped3A = tpu.sem_alloc : memref<!tpu.dma_semaphore, #tpu.memory_space<semaphore_mem>>
      %dma_start3A_154 = tpu.memref_slice %arg3[%select_n3A, %mul3A_34] : memref<16x128xi32, #tpu.memory_space<hbm>> -> memref<1x64xi32, #tpu.memory_space<hbm>>
      %dma_start3A_155 = tpu.memref_squeeze %dma_start3A_154 : memref<1x64xi32, #tpu.memory_space<hbm>> -> memref<64xi32, #tpu.memory_space<hbm>>
      %dma_start3A_156 = tpu.memref_slice %arg3[%select_n3A, %mul3A_34] : memref<16x128xi32, #tpu.memory_space<hbm>> -> memref<1x64xi32, #tpu.memory_space<hbm>>
      %dma_start3A_157 = tpu.memref_squeeze %dma_start3A_156 : memref<1x64xi32, #tpu.memory_space<hbm>> -> memref<64xi32, #tpu.memory_space<hbm>>
      tpu.enqueue_dma source(%dma_start3A_157 : memref<64xi32, #tpu.memory_space<hbm>>) target(%arg8 : memref<64xi32, #tpu.memory_space<vmem>>) target_semaphore(%run_scoped3A : memref<!tpu.dma_semaphore, #tpu.memory_space<semaphore_mem>>)
      %dma_wait3A_158 = tpu.memref_slice %arg3[%select_n3A, %mul3A_34] : memref<16x128xi32, #tpu.memory_space<hbm>> -> memref<1x64xi32, #tpu.memory_space<hbm>>
      %dma_wait3A_159 = tpu.memref_squeeze %dma_wait3A_158 : memref<1x64xi32, #tpu.memory_space<hbm>> -> memref<64xi32, #tpu.memory_space<hbm>>
      %dma_wait3A_160 = tpu.memref_slice %arg3[%select_n3A, %mul3A_34] : memref<16x128xi32, #tpu.memory_space<hbm>> -> memref<1x64xi32, #tpu.memory_space<hbm>>
      %dma_wait3A_161 = tpu.memref_squeeze %dma_wait3A_160 : memref<1x64xi32, #tpu.memory_space<hbm>> -> memref<64xi32, #tpu.memory_space<hbm>>
      tpu.wait_dma2 semaphore(%run_scoped3A : memref<!tpu.dma_semaphore, #tpu.memory_space<semaphore_mem>>) src(%dma_wait3A_161 : memref<64xi32, #tpu.memory_space<hbm>>) dst(%arg8 : memref<64xi32, #tpu.memory_space<vmem>>)
      tpu.yield
    }) : () -> ()
    "tpu.region"() ({
      %run_scoped3A = tpu.sem_alloc : memref<!tpu.dma_semaphore, #tpu.memory_space<semaphore_mem>>
      %dma_start3A_154 = tpu.memref_slice %arg4[%select_n3A, %mul3A_34] : memref<16x128xi32, #tpu.memory_space<hbm>> -> memref<1x64xi32, #tpu.memory_space<hbm>>
      %dma_start3A_155 = tpu.memref_squeeze %dma_start3A_154 : memref<1x64xi32, #tpu.memory_space<hbm>> -> memref<64xi32, #tpu.memory_space<hbm>>
      %dma_start3A_156 = tpu.memref_slice %arg4[%select_n3A, %mul3A_34] : memref<16x128xi32, #tpu.memory_space<hbm>> -> memref<1x64xi32, #tpu.memory_space<hbm>>
      %dma_start3A_157 = tpu.memref_squeeze %dma_start3A_156 : memref<1x64xi32, #tpu.memory_space<hbm>> -> memref<64xi32, #tpu.memory_space<hbm>>
      tpu.enqueue_dma source(%dma_start3A_157 : memref<64xi32, #tpu.memory_space<hbm>>) target(%arg9 : memref<64xi32, #tpu.memory_space<vmem>>) target_semaphore(%run_scoped3A : memref<!tpu.dma_semaphore, #tpu.memory_space<semaphore_mem>>)
      %dma_wait3A_158 = tpu.memref_slice %arg4[%select_n3A, %mul3A_34] : memref<16x128xi32, #tpu.memory_space<hbm>> -> memref<1x64xi32, #tpu.memory_space<hbm>>
      %dma_wait3A_159 = tpu.memref_squeeze %dma_wait3A_158 : memref<1x64xi32, #tpu.memory_space<hbm>> -> memref<64xi32, #tpu.memory_space<hbm>>
      %dma_wait3A_160 = tpu.memref_slice %arg4[%select_n3A, %mul3A_34] : memref<16x128xi32, #tpu.memory_space<hbm>> -> memref<1x64xi32, #tpu.memory_space<hbm>>
      %dma_wait3A_161 = tpu.memref_squeeze %dma_wait3A_160 : memref<1x64xi32, #tpu.memory_space<hbm>> -> memref<64xi32, #tpu.memory_space<hbm>>
      tpu.wait_dma2 semaphore(%run_scoped3A : memref<!tpu.dma_semaphore, #tpu.memory_space<semaphore_mem>>) src(%dma_wait3A_161 : memref<64xi32, #tpu.memory_space<hbm>>) dst(%arg9 : memref<64xi32, #tpu.memory_space<vmem>>)
      tpu.yield
    }) : () -> ()
    "tpu.region"() ({
      %run_scoped3A = tpu.sem_alloc : memref<!tpu.dma_semaphore, #tpu.memory_space<semaphore_mem>>
      %dma_start3A_154 = arith.constant 0 : i32
      %dma_start3A_155 = tpu.memref_slice %arg5[%mul3A_2, %dma_start3A_154] : memref<2048x16xf32, #tpu.memory_space<hbm>> -> memref<64x16xf32, #tpu.memory_space<hbm>>
      %dma_start3A_156 = arith.constant 0 : i32
      %dma_start3A_157 = tpu.memref_slice %arg5[%mul3A_2, %dma_start3A_156] : memref<2048x16xf32, #tpu.memory_space<hbm>> -> memref<64x16xf32, #tpu.memory_space<hbm>>
      tpu.enqueue_dma source(%dma_start3A_157 : memref<64x16xf32, #tpu.memory_space<hbm>>) target(%arg10 : memref<64x16xf32, #tpu.memory_space<vmem>>) target_semaphore(%run_scoped3A : memref<!tpu.dma_semaphore, #tpu.memory_space<semaphore_mem>>)
      %dma_wait3A_158 = arith.constant 0 : i32
      %dma_wait3A_159 = tpu.memref_slice %arg5[%mul3A_2, %dma_wait3A_158] : memref<2048x16xf32, #tpu.memory_space<hbm>> -> memref<64x16xf32, #tpu.memory_space<hbm>>
      %dma_wait3A_160 = arith.constant 0 : i32
      %dma_wait3A_161 = tpu.memref_slice %arg5[%mul3A_2, %dma_wait3A_160] : memref<2048x16xf32, #tpu.memory_space<hbm>> -> memref<64x16xf32, #tpu.memory_space<hbm>>
      tpu.wait_dma2 semaphore(%run_scoped3A : memref<!tpu.dma_semaphore, #tpu.memory_space<semaphore_mem>>) src(%dma_wait3A_161 : memref<64x16xf32, #tpu.memory_space<hbm>>) dst(%arg10 : memref<64x16xf32, #tpu.memory_space<vmem>>)
      tpu.yield
    }) : () -> ()
    "tpu.region"() ({
      %run_scoped3A = tpu.sem_alloc : memref<!tpu.dma_semaphore, #tpu.memory_space<semaphore_mem>>
      %dma_start3A_154 = arith.constant 0 : i32
      %dma_start3A_155 = tpu.memref_slice %arg6[%mul3A_2, %dma_start3A_154] : memref<2048x16xf32, #tpu.memory_space<hbm>> -> memref<64x16xf32, #tpu.memory_space<hbm>>
      %dma_start3A_156 = arith.constant 0 : i32
      %dma_start3A_157 = tpu.memref_slice %arg6[%mul3A_2, %dma_start3A_156] : memref<2048x16xf32, #tpu.memory_space<hbm>> -> memref<64x16xf32, #tpu.memory_space<hbm>>
      tpu.enqueue_dma source(%dma_start3A_157 : memref<64x16xf32, #tpu.memory_space<hbm>>) target(%arg11 : memref<64x16xf32, #tpu.memory_space<vmem>>) target_semaphore(%run_scoped3A : memref<!tpu.dma_semaphore, #tpu.memory_space<semaphore_mem>>)
      %dma_wait3A_158 = arith.constant 0 : i32
      %dma_wait3A_159 = tpu.memref_slice %arg6[%mul3A_2, %dma_wait3A_158] : memref<2048x16xf32, #tpu.memory_space<hbm>> -> memref<64x16xf32, #tpu.memory_space<hbm>>
      %dma_wait3A_160 = arith.constant 0 : i32
      %dma_wait3A_161 = tpu.memref_slice %arg6[%mul3A_2, %dma_wait3A_160] : memref<2048x16xf32, #tpu.memory_space<hbm>> -> memref<64x16xf32, #tpu.memory_space<hbm>>
      tpu.wait_dma2 semaphore(%run_scoped3A : memref<!tpu.dma_semaphore, #tpu.memory_space<semaphore_mem>>) src(%dma_wait3A_161 : memref<64x16xf32, #tpu.memory_space<hbm>>) dst(%arg11 : memref<64x16xf32, #tpu.memory_space<vmem>>)
      tpu.yield
    }) : () -> ()
    %dma_start3A = arith.constant 0 : i32
    %dma_start3A_35 = arith.constant 0 : i32
    %dma_start3A_36 = tpu.memref_slice %arg12[%dma_start3A, %dma_start3A_35] : memref<64x768xf32, #tpu.memory_space<vmem>> -> memref<32x768xf32, #tpu.memory_space<vmem>>
    %dma_start3A_37 = arith.constant 0 : i32
    %dma_start3A_38 = tpu.memref_slice %arg8[%dma_start3A_37] : memref<64xi32, #tpu.memory_space<vmem>> -> memref<32xi32, #tpu.memory_space<vmem>>
    %dma_start3A_39 = arith.constant 0 : i32
    %dma_start3A_40 = arith.constant 0 : i32
    %dma_start3A_41 = tpu.memref_slice %arg2[%dma_start3A_39, %dma_start3A_40] : memref<5120x768xf32, #tpu.memory_space<hbm>> -> memref<5120x768xf32, #tpu.memory_space<hbm>>
    tpu.enqueue_indirect_dma source(%dma_start3A_41 : memref<5120x768xf32, #tpu.memory_space<hbm>>) target(%dma_start3A_36 : memref<32x768xf32, #tpu.memory_space<vmem>>) offsets(%dma_start3A_38 : memref<32xi32, #tpu.memory_space<vmem>>) semaphore(%arg14 : memref<!tpu.dma_semaphore, #tpu.memory_space<semaphore_mem>>)
    %dma_start3A_42 = arith.constant 0 : i32
    %dma_start3A_43 = arith.constant 0 : i32
    %dma_start3A_44 = tpu.memref_slice %arg13[%dma_start3A_42, %dma_start3A_43] : memref<64x768xf32, #tpu.memory_space<vmem>> -> memref<32x768xf32, #tpu.memory_space<vmem>>
    %dma_start3A_45 = arith.constant 0 : i32
    %dma_start3A_46 = tpu.memref_slice %arg9[%dma_start3A_45] : memref<64xi32, #tpu.memory_space<vmem>> -> memref<32xi32, #tpu.memory_space<vmem>>
    %dma_start3A_47 = arith.constant 0 : i32
    %dma_start3A_48 = arith.constant 0 : i32
    %dma_start3A_49 = tpu.memref_slice %arg2[%dma_start3A_47, %dma_start3A_48] : memref<5120x768xf32, #tpu.memory_space<hbm>> -> memref<5120x768xf32, #tpu.memory_space<hbm>>
    tpu.enqueue_indirect_dma source(%dma_start3A_49 : memref<5120x768xf32, #tpu.memory_space<hbm>>) target(%dma_start3A_44 : memref<32x768xf32, #tpu.memory_space<vmem>>) offsets(%dma_start3A_46 : memref<32xi32, #tpu.memory_space<vmem>>) semaphore(%arg14 : memref<!tpu.dma_semaphore, #tpu.memory_space<semaphore_mem>>)
    %dma_start3A_50 = arith.constant 32 : i32
    %dma_start3A_51 = arith.constant 0 : i32
    %dma_start3A_52 = tpu.memref_slice %arg12[%dma_start3A_50, %dma_start3A_51] : memref<64x768xf32, #tpu.memory_space<vmem>> -> memref<32x768xf32, #tpu.memory_space<vmem>>
    %dma_start3A_53 = arith.constant 32 : i32
    %dma_start3A_54 = tpu.memref_slice %arg8[%dma_start3A_53] : memref<64xi32, #tpu.memory_space<vmem>> -> memref<32xi32, #tpu.memory_space<vmem>>
    %dma_start3A_55 = arith.constant 0 : i32
    %dma_start3A_56 = arith.constant 0 : i32
    %dma_start3A_57 = tpu.memref_slice %arg2[%dma_start3A_55, %dma_start3A_56] : memref<5120x768xf32, #tpu.memory_space<hbm>> -> memref<5120x768xf32, #tpu.memory_space<hbm>>
    tpu.enqueue_indirect_dma source(%dma_start3A_57 : memref<5120x768xf32, #tpu.memory_space<hbm>>) target(%dma_start3A_52 : memref<32x768xf32, #tpu.memory_space<vmem>>) offsets(%dma_start3A_54 : memref<32xi32, #tpu.memory_space<vmem>>) semaphore(%arg15 : memref<!tpu.dma_semaphore, #tpu.memory_space<semaphore_mem>>)
    %dma_start3A_58 = arith.constant 32 : i32
    %dma_start3A_59 = arith.constant 0 : i32
    %dma_start3A_60 = tpu.memref_slice %arg13[%dma_start3A_58, %dma_start3A_59] : memref<64x768xf32, #tpu.memory_space<vmem>> -> memref<32x768xf32, #tpu.memory_space<vmem>>
    %dma_start3A_61 = arith.constant 32 : i32
    %dma_start3A_62 = tpu.memref_slice %arg9[%dma_start3A_61] : memref<64xi32, #tpu.memory_space<vmem>> -> memref<32xi32, #tpu.memory_space<vmem>>
    %dma_start3A_63 = arith.constant 0 : i32
    %dma_start3A_64 = arith.constant 0 : i32
    %dma_start3A_65 = tpu.memref_slice %arg2[%dma_start3A_63, %dma_start3A_64] : memref<5120x768xf32, #tpu.memory_space<hbm>> -> memref<5120x768xf32, #tpu.memory_space<hbm>>
    tpu.enqueue_indirect_dma source(%dma_start3A_65 : memref<5120x768xf32, #tpu.memory_space<hbm>>) target(%dma_start3A_60 : memref<32x768xf32, #tpu.memory_space<vmem>>) offsets(%dma_start3A_62 : memref<32xi32, #tpu.memory_space<vmem>>) semaphore(%arg15 : memref<!tpu.dma_semaphore, #tpu.memory_space<semaphore_mem>>)
    %dma_wait3A = arith.constant 0 : i32
    %dma_wait3A_66 = arith.constant 0 : i32
    %dma_wait3A_67 = tpu.memref_slice %arg12[%dma_wait3A, %dma_wait3A_66] : memref<64x768xf32, #tpu.memory_space<vmem>> -> memref<32x768xf32, #tpu.memory_space<vmem>>
    %dma_wait3A_68 = arith.constant 0 : i32
    %dma_wait3A_69 = tpu.memref_slice %arg8[%dma_wait3A_68] : memref<64xi32, #tpu.memory_space<vmem>> -> memref<32xi32, #tpu.memory_space<vmem>>
    %dma_wait3A_70 = arith.constant 0 : i32
    %dma_wait3A_71 = arith.constant 0 : i32
    %dma_wait3A_72 = tpu.memref_slice %arg2[%dma_wait3A_70, %dma_wait3A_71] : memref<5120x768xf32, #tpu.memory_space<hbm>> -> memref<5120x768xf32, #tpu.memory_space<hbm>>
    tpu.wait_indirect_dma semaphore(%arg14 : memref<!tpu.dma_semaphore, #tpu.memory_space<semaphore_mem>>) src(%dma_wait3A_72 : memref<5120x768xf32, #tpu.memory_space<hbm>>) dst(%dma_wait3A_67 : memref<32x768xf32, #tpu.memory_space<vmem>>)
    %dma_wait3A_73 = arith.constant 0 : i32
    %dma_wait3A_74 = arith.constant 0 : i32
    %dma_wait3A_75 = tpu.memref_slice %arg13[%dma_wait3A_73, %dma_wait3A_74] : memref<64x768xf32, #tpu.memory_space<vmem>> -> memref<32x768xf32, #tpu.memory_space<vmem>>
    %dma_wait3A_76 = arith.constant 0 : i32
    %dma_wait3A_77 = tpu.memref_slice %arg9[%dma_wait3A_76] : memref<64xi32, #tpu.memory_space<vmem>> -> memref<32xi32, #tpu.memory_space<vmem>>
    %dma_wait3A_78 = arith.constant 0 : i32
    %dma_wait3A_79 = arith.constant 0 : i32
    %dma_wait3A_80 = tpu.memref_slice %arg2[%dma_wait3A_78, %dma_wait3A_79] : memref<5120x768xf32, #tpu.memory_space<hbm>> -> memref<5120x768xf32, #tpu.memory_space<hbm>>
    tpu.wait_indirect_dma semaphore(%arg14 : memref<!tpu.dma_semaphore, #tpu.memory_space<semaphore_mem>>) src(%dma_wait3A_80 : memref<5120x768xf32, #tpu.memory_space<hbm>>) dst(%dma_wait3A_75 : memref<32x768xf32, #tpu.memory_space<vmem>>)
    %scan3A = arith.constant 0 : i32
    %scan3A_81 = arith.constant 0 : i32
    %scan3A_82 = arith.constant 32 : i32
    %scan3A_83 = arith.addi %scan3A_81, %scan3A_82 : i32
    %scan3A_84 = arith.constant 1 : i32
    %scan3A_85 = scf.for %scan3A_154 = %scan3A_81 to %scan3A_83 step %scan3A_84 iter_args(%scan3A_155 = %scan3A) -> (i32)  : i32 {
      %get3A = arith.index_cast %scan3A_154 : i32 to index
      %get3A_156 = arith.constant 0 : index
      %get3A_157 = tpu.vector_load %arg10[%get3A, %get3A_156] {strides = array<i32>} : memref<64x16xf32, #tpu.memory_space<vmem>>, vector<1x16xf32>,
      %get3A_158 = vector.shape_cast %get3A_157 : vector<1x16xf32> to vector<16xf32>
      %get3A_159 = arith.index_cast %scan3A_154 : i32 to index
      %get3A_160 = arith.constant 0 : index
      %get3A_161 = tpu.vector_load %arg11[%get3A_159, %get3A_160] {strides = array<i32>} : memref<64x16xf32, #tpu.memory_space<vmem>>, vector<1x16xf32>,
      %get3A_162 = vector.shape_cast %get3A_161 : vector<1x16xf32> to vector<16xf32>
      %get3A_163 = arith.index_cast %scan3A_154 : i32 to index
      %get3A_164 = arith.constant 0 : index
      %get3A_165 = tpu.vector_load %arg12[%get3A_163, %get3A_164] {strides = array<i32>} : memref<64x768xf32, #tpu.memory_space<vmem>>, vector<1x16xf32>,
      %get3A_166 = vector.shape_cast %get3A_165 : vector<1x16xf32> to vector<16xf32>
      %get3A_167 = arith.index_cast %scan3A_154 : i32 to index
      %get3A_168 = arith.constant 0 : index
      %get3A_169 = tpu.vector_load %arg13[%get3A_167, %get3A_168] {strides = array<i32>} : memref<64x768xf32, #tpu.memory_space<vmem>>, vector<1x16xf32>,
      %get3A_170 = vector.shape_cast %get3A_169 : vector<1x16xf32> to vector<16xf32>
      %mul3A_171 = arith.mulf %get3A_166, %get3A_158 : vector<16xf32>
      %mul3A_172 = arith.mulf %get3A_170, %get3A_162 : vector<16xf32>
      %add3A_173 = arith.addf %mul3A_171, %mul3A_172 : vector<16xf32>
      %swap3A = arith.index_cast %scan3A_154 : i32 to index
      %swap3A_174 = arith.constant 0 : index
      %swap3A_175 = tpu.vector_load %arg12[%swap3A, %swap3A_174] {strides = array<i32>} : memref<64x768xf32, #tpu.memory_space<vmem>>, vector<1x16xf32>,
      %swap3A_176 = vector.shape_cast %swap3A_175 : vector<1x16xf32> to vector<16xf32>
      %swap3A_177 = vector.shape_cast %add3A_173 : vector<16xf32> to vector<1x16xf32>
      tpu.vector_store %arg12[%swap3A, %swap3A_174], %swap3A_177 {strides = array<i32>} : memref<64x768xf32, #tpu.memory_space<vmem>>, vector<1x16xf32>,
      %get3A_178 = arith.index_cast %scan3A_154 : i32 to index
      %get3A_179 = arith.constant 16 : index
      %get3A_180 = tpu.vector_load %arg12[%get3A_178, %get3A_179] {strides = array<i32>} : memref<64x768xf32, #tpu.memory_space<vmem>>, vector<1x16xf32>,
      %get3A_181 = vector.shape_cast %get3A_180 : vector<1x16xf32> to vector<16xf32>
      %get3A_182 = arith.index_cast %scan3A_154 : i32 to index
      %get3A_183 = arith.constant 16 : index
      %get3A_184 = tpu.vector_load %arg13[%get3A_182, %get3A_183] {strides = array<i32>} : memref<64x768xf32, #tpu.memory_space<vmem>>, vector<1x16xf32>,
      %get3A_185 = vector.shape_cast %get3A_184 : vector<1x16xf32> to vector<16xf32>
      %mul3A_186 = arith.mulf %get3A_181, %get3A_158 : vector<16xf32>
      %mul3A_187 = arith.mulf %get3A_185, %get3A_162 : vector<16xf32>
      %add3A_188 = arith.addf %mul3A_186, %mul3A_187 : vector<16xf32>
      %swap3A_189 = arith.index_cast %scan3A_154 : i32 to index
      %swap3A_190 = arith.constant 16 : index
      %swap3A_191 = tpu.vector_load %arg12[%swap3A_189, %swap3A_190] {strides = array<i32>} : memref<64x768xf32, #tpu.memory_space<vmem>>, vector<1x16xf32>,
      %swap3A_192 = vector.shape_cast %swap3A_191 : vector<1x16xf32> to vector<16xf32>
      %swap3A_193 = vector.shape_cast %add3A_188 : vector<16xf32> to vector<1x16xf32>
      tpu.vector_store %arg12[%swap3A_189, %swap3A_190], %swap3A_193 {strides = array<i32>} : memref<64x768xf32, #tpu.memory_space<vmem>>, vector<1x16xf32>,
      %get3A_194 = arith.index_cast %scan3A_154 : i32 to index
      %get3A_195 = arith.constant 32 : index
      %get3A_196 = tpu.vector_load %arg12[%get3A_194, %get3A_195] {strides = array<i32>} : memref<64x768xf32, #tpu.memory_space<vmem>>, vector<1x16xf32>,
      %get3A_197 = vector.shape_cast %get3A_196 : vector<1x16xf32> to vector<16xf32>
      %get3A_198 = arith.index_cast %scan3A_154 : i32 to index
      %get3A_199 = arith.constant 32 : index
      %get3A_200 = tpu.vector_load %arg13[%get3A_198, %get3A_199] {strides = array<i32>} : memref<64x768xf32, #tpu.memory_space<vmem>>, vector<1x16xf32>,
      %get3A_201 = vector.shape_cast %get3A_200 : vector<1x16xf32> to vector<16xf32>
      %mul3A_202 = arith.mulf %get3A_197, %get3A_158 : vector<16xf32>
      %mul3A_203 = arith.mulf %get3A_201, %get3A_162 : vector<16xf32>
      %add3A_204 = arith.addf %mul3A_202, %mul3A_203 : vector<16xf32>
      %swap3A_205 = arith.index_cast %scan3A_154 : i32 to index
      %swap3A_206 = arith.constant 32 : index
      %swap3A_207 = tpu.vector_load %arg12[%swap3A_205, %swap3A_206] {strides = array<i32>} : memref<64x768xf32, #tpu.memory_space<vmem>>, vector<1x16xf32>,
      %swap3A_208 = vector.shape_cast %swap3A_207 : vector<1x16xf32> to vector<16xf32>
      %swap3A_209 = vector.shape_cast %add3A_204 : vector<16xf32> to vector<1x16xf32>
      tpu.vector_store %arg12[%swap3A_205, %swap3A_206], %swap3A_209 {strides = array<i32>} : memref<64x768xf32, #tpu.memory_space<vmem>>, vector<1x16xf32>,
      %get3A_210 = arith.index_cast %scan3A_154 : i32 to index
      %get3A_211 = arith.constant 48 : index
      %get3A_212 = tpu.vector_load %arg12[%get3A_210, %get3A_211] {strides = array<i32>} : memref<64x768xf32, #tpu.memory_space<vmem>>, vector<1x16xf32>,
      %get3A_213 = vector.shape_cast %get3A_212 : vector<1x16xf32> to vector<16xf32>
      %get3A_214 = arith.index_cast %scan3A_154 : i32 to index
      %get3A_215 = arith.constant 48 : index
      %get3A_216 = tpu.vector_load %arg13[%get3A_214, %get3A_215] {strides = array<i32>} : memref<64x768xf32, #tpu.memory_space<vmem>>, vector<1x16xf32>,
      %get3A_217 = vector.shape_cast %get3A_216 : vector<1x16xf32> to vector<16xf32>
      %mul3A_218 = arith.mulf %get3A_213, %get3A_158 : vector<16xf32>
      %mul3A_219 = arith.mulf %get3A_217, %get3A_162 : vector<16xf32>
      %add3A_220 = arith.addf %mul3A_218, %mul3A_219 : vector<16xf32>
      %swap3A_221 = arith.index_cast %scan3A_154 : i32 to index
      %swap3A_222 = arith.constant 48 : index
      %swap3A_223 = tpu.vector_load %arg12[%swap3A_221, %swap3A_222] {strides = array<i32>} : memref<64x768xf32, #tpu.memory_space<vmem>>, vector<1x16xf32>,
      %swap3A_224 = vector.shape_cast %swap3A_223 : vector<1x16xf32> to vector<16xf32>
      %swap3A_225 = vector.shape_cast %add3A_220 : vector<16xf32> to vector<1x16xf32>
      tpu.vector_store %arg12[%swap3A_221, %swap3A_222], %swap3A_225 {strides = array<i32>} : memref<64x768xf32, #tpu.memory_space<vmem>>, vector<1x16xf32>,
      %get3A_226 = arith.index_cast %scan3A_154 : i32 to index
      %get3A_227 = arith.constant 64 : index
      %get3A_228 = tpu.vector_load %arg12[%get3A_226, %get3A_227] {strides = array<i32>} : memref<64x768xf32, #tpu.memory_space<vmem>>, vector<1x16xf32>,
      %get3A_229 = vector.shape_cast %get3A_228 : vector<1x16xf32> to vector<16xf32>
      %get3A_230 = arith.index_cast %scan3A_154 : i32 to index
      %get3A_231 = arith.constant 64 : index
      %get3A_232 = tpu.vector_load %arg13[%get3A_230, %get3A_231] {strides = array<i32>} : memref<64x768xf32, #tpu.memory_space<vmem>>, vector<1x16xf32>,
      %get3A_233 = vector.shape_cast %get3A_232 : vector<1x16xf32> to vector<16xf32>
      %mul3A_234 = arith.mulf %get3A_229, %get3A_158 : vector<16xf32>
      %mul3A_235 = arith.mulf %get3A_233, %get3A_162 : vector<16xf32>
      %add3A_236 = arith.addf %mul3A_234, %mul3A_235 : vector<16xf32>
      %swap3A_237 = arith.index_cast %scan3A_154 : i32 to index
      %swap3A_238 = arith.constant 64 : index
      %swap3A_239 = tpu.vector_load %arg12[%swap3A_237, %swap3A_238] {strides = array<i32>} : memref<64x768xf32, #tpu.memory_space<vmem>>, vector<1x16xf32>,
      %swap3A_240 = vector.shape_cast %swap3A_239 : vector<1x16xf32> to vector<16xf32>
      %swap3A_241 = vector.shape_cast %add3A_236 : vector<16xf32> to vector<1x16xf32>
      tpu.vector_store %arg12[%swap3A_237, %swap3A_238], %swap3A_241 {strides = array<i32>} : memref<64x768xf32, #tpu.memory_space<vmem>>, vector<1x16xf32>,
      %get3A_242 = arith.index_cast %scan3A_154 : i32 to index
      %get3A_243 = arith.constant 80 : index
      %get3A_244 = tpu.vector_load %arg12[%get3A_242, %get3A_243] {strides = array<i32>} : memref<64x768xf32, #tpu.memory_space<vmem>>, vector<1x16xf32>,
      %get3A_245 = vector.shape_cast %get3A_244 : vector<1x16xf32> to vector<16xf32>
      %get3A_246 = arith.index_cast %scan3A_154 : i32 to index
      %get3A_247 = arith.constant 80 : index
      %get3A_248 = tpu.vector_load %arg13[%get3A_246, %get3A_247] {strides = array<i32>} : memref<64x768xf32, #tpu.memory_space<vmem>>, vector<1x16xf32>,
      %get3A_249 = vector.shape_cast %get3A_248 : vector<1x16xf32> to vector<16xf32>
      %mul3A_250 = arith.mulf %get3A_245, %get3A_158 : vector<16xf32>
      %mul3A_251 = arith.mulf %get3A_249, %get3A_162 : vector<16xf32>
      %add3A_252 = arith.addf %mul3A_250, %mul3A_251 : vector<16xf32>
      %swap3A_253 = arith.index_cast %scan3A_154 : i32 to index
      %swap3A_254 = arith.constant 80 : index
      %swap3A_255 = tpu.vector_load %arg12[%swap3A_253, %swap3A_254] {strides = array<i32>} : memref<64x768xf32, #tpu.memory_space<vmem>>, vector<1x16xf32>,
      %swap3A_256 = vector.shape_cast %swap3A_255 : vector<1x16xf32> to vector<16xf32>
      %swap3A_257 = vector.shape_cast %add3A_252 : vector<16xf32> to vector<1x16xf32>
      tpu.vector_store %arg12[%swap3A_253, %swap3A_254], %swap3A_257 {strides = array<i32>} : memref<64x768xf32, #tpu.memory_space<vmem>>, vector<1x16xf32>,
      %get3A_258 = arith.index_cast %scan3A_154 : i32 to index
      %get3A_259 = arith.constant 96 : index
      %get3A_260 = tpu.vector_load %arg12[%get3A_258, %get3A_259] {strides = array<i32>} : memref<64x768xf32, #tpu.memory_space<vmem>>, vector<1x16xf32>,
      %get3A_261 = vector.shape_cast %get3A_260 : vector<1x16xf32> to vector<16xf32>
      %get3A_262 = arith.index_cast %scan3A_154 : i32 to index
      %get3A_263 = arith.constant 96 : index
      %get3A_264 = tpu.vector_load %arg13[%get3A_262, %get3A_263] {strides = array<i32>} : memref<64x768xf32, #tpu.memory_space<vmem>>, vector<1x16xf32>,
      %get3A_265 = vector.shape_cast %get3A_264 : vector<1x16xf32> to vector<16xf32>
      %mul3A_266 = arith.mulf %get3A_261, %get3A_158 : vector<16xf32>
      %mul3A_267 = arith.mulf %get3A_265, %get3A_162 : vector<16xf32>
      %add3A_268 = arith.addf %mul3A_266, %mul3A_267 : vector<16xf32>
      %swap3A_269 = arith.index_cast %scan3A_154 : i32 to index
      %swap3A_270 = arith.constant 96 : index
      %swap3A_271 = tpu.vector_load %arg12[%swap3A_269, %swap3A_270] {strides = array<i32>} : memref<64x768xf32, #tpu.memory_space<vmem>>, vector<1x16xf32>,
      %swap3A_272 = vector.shape_cast %swap3A_271 : vector<1x16xf32> to vector<16xf32>
      %swap3A_273 = vector.shape_cast %add3A_268 : vector<16xf32> to vector<1x16xf32>
      tpu.vector_store %arg12[%swap3A_269, %swap3A_270], %swap3A_273 {strides = array<i32>} : memref<64x768xf32, #tpu.memory_space<vmem>>, vector<1x16xf32>,
      %get3A_274 = arith.index_cast %scan3A_154 : i32 to index
      %get3A_275 = arith.constant 112 : index
      %get3A_276 = tpu.vector_load %arg12[%get3A_274, %get3A_275] {strides = array<i32>} : memref<64x768xf32, #tpu.memory_space<vmem>>, vector<1x16xf32>,
      %get3A_277 = vector.shape_cast %get3A_276 : vector<1x16xf32> to vector<16xf32>
      %get3A_278 = arith.index_cast %scan3A_154 : i32 to index
      %get3A_279 = arith.constant 112 : index
      %get3A_280 = tpu.vector_load %arg13[%get3A_278, %get3A_279] {strides = array<i32>} : memref<64x768xf32, #tpu.memory_space<vmem>>, vector<1x16xf32>,
      %get3A_281 = vector.shape_cast %get3A_280 : vector<1x16xf32> to vector<16xf32>
      %mul3A_282 = arith.mulf %get3A_277, %get3A_158 : vector<16xf32>
      %mul3A_283 = arith.mulf %get3A_281, %get3A_162 : vector<16xf32>
      %add3A_284 = arith.addf %mul3A_282, %mul3A_283 : vector<16xf32>
      %swap3A_285 = arith.index_cast %scan3A_154 : i32 to index
      %swap3A_286 = arith.constant 112 : index
      %swap3A_287 = tpu.vector_load %arg12[%swap3A_285, %swap3A_286] {strides = array<i32>} : memref<64x768xf32, #tpu.memory_space<vmem>>, vector<1x16xf32>,
      %swap3A_288 = vector.shape_cast %swap3A_287 : vector<1x16xf32> to vector<16xf32>
      %swap3A_289 = vector.shape_cast %add3A_284 : vector<16xf32> to vector<1x16xf32>
      tpu.vector_store %arg12[%swap3A_285, %swap3A_286], %swap3A_289 {strides = array<i32>} : memref<64x768xf32, #tpu.memory_space<vmem>>, vector<1x16xf32>,
      %get3A_290 = arith.index_cast %scan3A_154 : i32 to index
      %get3A_291 = arith.constant 128 : index
      %get3A_292 = tpu.vector_load %arg12[%get3A_290, %get3A_291] {strides = array<i32>} : memref<64x768xf32, #tpu.memory_space<vmem>>, vector<1x16xf32>,
      %get3A_293 = vector.shape_cast %get3A_292 : vector<1x16xf32> to vector<16xf32>
      %get3A_294 = arith.index_cast %scan3A_154 : i32 to index
      %get3A_295 = arith.constant 128 : index
      %get3A_296 = tpu.vector_load %arg13[%get3A_294, %get3A_295] {strides = array<i32>} : memref<64x768xf32, #tpu.memory_space<vmem>>, vector<1x16xf32>,
      %get3A_297 = vector.shape_cast %get3A_296 : vector<1x16xf32> to vector<16xf32>
      %mul3A_298 = arith.mulf %get3A_293, %get3A_158 : vector<16xf32>
      %mul3A_299 = arith.mulf %get3A_297, %get3A_162 : vector<16xf32>
      %add3A_300 = arith.addf %mul3A_298, %mul3A_299 : vector<16xf32>
      %swap3A_301 = arith.index_cast %scan3A_154 : i32 to index
      %swap3A_302 = arith.constant 128 : index
      %swap3A_303 = tpu.vector_load %arg12[%swap3A_301, %swap3A_302] {strides = array<i32>} : memref<64x768xf32, #tpu.memory_space<vmem>>, vector<1x16xf32>,
      %swap3A_304 = vector.shape_cast %swap3A_303 : vector<1x16xf32> to vector<16xf32>
      %swap3A_305 = vector.shape_cast %add3A_300 : vector<16xf32> to vector<1x16xf32>
      tpu.vector_store %arg12[%swap3A_301, %swap3A_302], %swap3A_305 {strides = array<i32>} : memref<64x768xf32, #tpu.memory_space<vmem>>, vector<1x16xf32>,
      %get3A_306 = arith.index_cast %scan3A_154 : i32 to index
      %get3A_307 = arith.constant 144 : index
      %get3A_308 = tpu.vector_load %arg12[%get3A_306, %get3A_307] {strides = array<i32>} : memref<64x768xf32, #tpu.memory_space<vmem>>, vector<1x16xf32>,
      %get3A_309 = vector.shape_cast %get3A_308 : vector<1x16xf32> to vector<16xf32>
      %get3A_310 = arith.index_cast %scan3A_154 : i32 to index
      %get3A_311 = arith.constant 144 : index
      %get3A_312 = tpu.vector_load %arg13[%get3A_310, %get3A_311] {strides = array<i32>} : memref<64x768xf32, #tpu.memory_space<vmem>>, vector<1x16xf32>,
      %get3A_313 = vector.shape_cast %get3A_312 : vector<1x16xf32> to vector<16xf32>
      %mul3A_314 = arith.mulf %get3A_309, %get3A_158 : vector<16xf32>
      %mul3A_315 = arith.mulf %get3A_313, %get3A_162 : vector<16xf32>
      %add3A_316 = arith.addf %mul3A_314, %mul3A_315 : vector<16xf32>
      %swap3A_317 = arith.index_cast %scan3A_154 : i32 to index
      %swap3A_318 = arith.constant 144 : index
      %swap3A_319 = tpu.vector_load %arg12[%swap3A_317, %swap3A_318] {strides = array<i32>} : memref<64x768xf32, #tpu.memory_space<vmem>>, vector<1x16xf32>,
      %swap3A_320 = vector.shape_cast %swap3A_319 : vector<1x16xf32> to vector<16xf32>
      %swap3A_321 = vector.shape_cast %add3A_316 : vector<16xf32> to vector<1x16xf32>
      tpu.vector_store %arg12[%swap3A_317, %swap3A_318], %swap3A_321 {strides = array<i32>} : memref<64x768xf32, #tpu.memory_space<vmem>>, vector<1x16xf32>,
      %get3A_322 = arith.index_cast %scan3A_154 : i32 to index
      %get3A_323 = arith.constant 160 : index
      %get3A_324 = tpu.vector_load %arg12[%get3A_322, %get3A_323] {strides = array<i32>} : memref<64x768xf32, #tpu.memory_space<vmem>>, vector<1x16xf32>,
      %get3A_325 = vector.shape_cast %get3A_324 : vector<1x16xf32> to vector<16xf32>
      %get3A_326 = arith.index_cast %scan3A_154 : i32 to index
      %get3A_327 = arith.constant 160 : index
      %get3A_328 = tpu.vector_load %arg13[%get3A_326, %get3A_327] {strides = array<i32>} : memref<64x768xf32, #tpu.memory_space<vmem>>, vector<1x16xf32>,
      %get3A_329 = vector.shape_cast %get3A_328 : vector<1x16xf32> to vector<16xf32>
      %mul3A_330 = arith.mulf %get3A_325, %get3A_158 : vector<16xf32>
      %mul3A_331 = arith.mulf %get3A_329, %get3A_162 : vector<16xf32>
      %add3A_332 = arith.addf %mul3A_330, %mul3A_331 : vector<16xf32>
      %swap3A_333 = arith.index_cast %scan3A_154 : i32 to index
      %swap3A_334 = arith.constant 160 : index
      %swap3A_335 = tpu.vector_load %arg12[%swap3A_333, %swap3A_334] {strides = array<i32>} : memref<64x768xf32, #tpu.memory_space<vmem>>, vector<1x16xf32>,
      %swap3A_336 = vector.shape_cast %swap3A_335 : vector<1x16xf32> to vector<16xf32>
      %swap3A_337 = vector.shape_cast %add3A_332 : vector<16xf32> to vector<1x16xf32>
      tpu.vector_store %arg12[%swap3A_333, %swap3A_334], %swap3A_337 {strides = array<i32>} : memref<64x768xf32, #tpu.memory_space<vmem>>, vector<1x16xf32>,
      %get3A_338 = arith.index_cast %scan3A_154 : i32 to index
      %get3A_339 = arith.constant 176 : index
      %get3A_340 = tpu.vector_load %arg12[%get3A_338, %get3A_339] {strides = array<i32>} : memref<64x768xf32, #tpu.memory_space<vmem>>, vector<1x16xf32>,
      %get3A_341 = vector.shape_cast %get3A_340 : vector<1x16xf32> to vector<16xf32>
      %get3A_342 = arith.index_cast %scan3A_154 : i32 to index
      %get3A_343 = arith.constant 176 : index
      %get3A_344 = tpu.vector_load %arg13[%get3A_342, %get3A_343] {strides = array<i32>} : memref<64x768xf32, #tpu.memory_space<vmem>>, vector<1x16xf32>,
      %get3A_345 = vector.shape_cast %get3A_344 : vector<1x16xf32> to vector<16xf32>
      %mul3A_346 = arith.mulf %get3A_341, %get3A_158 : vector<16xf32>
      %mul3A_347 = arith.mulf %get3A_345, %get3A_162 : vector<16xf32>
      %add3A_348 = arith.addf %mul3A_346, %mul3A_347 : vector<16xf32>
      %swap3A_349 = arith.index_cast %scan3A_154 : i32 to index
      %swap3A_350 = arith.constant 176 : index
      %swap3A_351 = tpu.vector_load %arg12[%swap3A_349, %swap3A_350] {strides = array<i32>} : memref<64x768xf32, #tpu.memory_space<vmem>>, vector<1x16xf32>,
      %swap3A_352 = vector.shape_cast %swap3A_351 : vector<1x16xf32> to vector<16xf32>
      %swap3A_353 = vector.shape_cast %add3A_348 : vector<16xf32> to vector<1x16xf32>
      tpu.vector_store %arg12[%swap3A_349, %swap3A_350], %swap3A_353 {strides = array<i32>} : memref<64x768xf32, #tpu.memory_space<vmem>>, vector<1x16xf32>,
      %get3A_354 = arith.index_cast %scan3A_154 : i32 to index
      %get3A_355 = arith.constant 192 : index
      %get3A_356 = tpu.vector_load %arg12[%get3A_354, %get3A_355] {strides = array<i32>} : memref<64x768xf32, #tpu.memory_space<vmem>>, vector<1x16xf32>,
      %get3A_357 = vector.shape_cast %get3A_356 : vector<1x16xf32> to vector<16xf32>
      %get3A_358 = arith.index_cast %scan3A_154 : i32 to index
      %get3A_359 = arith.constant 192 : index
      %get3A_360 = tpu.vector_load %arg13[%get3A_358, %get3A_359] {strides = array<i32>} : memref<64x768xf32, #tpu.memory_space<vmem>>, vector<1x16xf32>,
      %get3A_361 = vector.shape_cast %get3A_360 : vector<1x16xf32> to vector<16xf32>
      %mul3A_362 = arith.mulf %get3A_357, %get3A_158 : vector<16xf32>
      %mul3A_363 = arith.mulf %get3A_361, %get3A_162 : vector<16xf32>
      %add3A_364 = arith.addf %mul3A_362, %mul3A_363 : vector<16xf32>
      %swap3A_365 = arith.index_cast %scan3A_154 : i32 to index
      %swap3A_366 = arith.constant 192 : index
      %swap3A_367 = tpu.vector_load %arg12[%swap3A_365, %swap3A_366] {strides = array<i32>} : memref<64x768xf32, #tpu.memory_space<vmem>>, vector<1x16xf32>,
      %swap3A_368 = vector.shape_cast %swap3A_367 : vector<1x16xf32> to vector<16xf32>
      %swap3A_369 = vector.shape_cast %add3A_364 : vector<16xf32> to vector<1x16xf32>
      tpu.vector_store %arg12[%swap3A_365, %swap3A_366], %swap3A_369 {strides = array<i32>} : memref<64x768xf32, #tpu.memory_space<vmem>>, vector<1x16xf32>,
      %get3A_370 = arith.index_cast %scan3A_154 : i32 to index
      %get3A_371 = arith.constant 208 : index
      %get3A_372 = tpu.vector_load %arg12[%get3A_370, %get3A_371] {strides = array<i32>} : memref<64x768xf32, #tpu.memory_space<vmem>>, vector<1x16xf32>,
      %get3A_373 = vector.shape_cast %get3A_372 : vector<1x16xf32> to vector<16xf32>
      %get3A_374 = arith.index_cast %scan3A_154 : i32 to index
      %get3A_375 = arith.constant 208 : index
      %get3A_376 = tpu.vector_load %arg13[%get3A_374, %get3A_375] {strides = array<i32>} : memref<64x768xf32, #tpu.memory_space<vmem>>, vector<1x16xf32>,
      %get3A_377 = vector.shape_cast %get3A_376 : vector<1x16xf32> to vector<16xf32>
      %mul3A_378 = arith.mulf %get3A_373, %get3A_158 : vector<16xf32>
      %mul3A_379 = arith.mulf %get3A_377, %get3A_162 : vector<16xf32>
      %add3A_380 = arith.addf %mul3A_378, %mul3A_379 : vector<16xf32>
      %swap3A_381 = arith.index_cast %scan3A_154 : i32 to index
      %swap3A_382 = arith.constant 208 : index
      %swap3A_383 = tpu.vector_load %arg12[%swap3A_381, %swap3A_382] {strides = array<i32>} : memref<64x768xf32, #tpu.memory_space<vmem>>, vector<1x16xf32>,
      %swap3A_384 = vector.shape_cast %swap3A_383 : vector<1x16xf32> to vector<16xf32>
      %swap3A_385 = vector.shape_cast %add3A_380 : vector<16xf32> to vector<1x16xf32>
      tpu.vector_store %arg12[%swap3A_381, %swap3A_382], %swap3A_385 {strides = array<i32>} : memref<64x768xf32, #tpu.memory_space<vmem>>, vector<1x16xf32>,
      %get3A_386 = arith.index_cast %scan3A_154 : i32 to index
      %get3A_387 = arith.constant 224 : index
      %get3A_388 = tpu.vector_load %arg12[%get3A_386, %get3A_387] {strides = array<i32>} : memref<64x768xf32, #tpu.memory_space<vmem>>, vector<1x16xf32>,
      %get3A_389 = vector.shape_cast %get3A_388 : vector<1x16xf32> to vector<16xf32>
      %get3A_390 = arith.index_cast %scan3A_154 : i32 to index
      %get3A_391 = arith.constant 224 : index
      %get3A_392 = tpu.vector_load %arg13[%get3A_390, %get3A_391] {strides = array<i32>} : memref<64x768xf32, #tpu.memory_space<vmem>>, vector<1x16xf32>,
      %get3A_393 = vector.shape_cast %get3A_392 : vector<1x16xf32> to vector<16xf32>
      %mul3A_394 = arith.mulf %get3A_389, %get3A_158 : vector<16xf32>
      %mul3A_395 = arith.mulf %get3A_393, %get3A_162 : vector<16xf32>
      %add3A_396 = arith.addf %mul3A_394, %mul3A_395 : vector<16xf32>
      %swap3A_397 = arith.index_cast %scan3A_154 : i32 to index
      %swap3A_398 = arith.constant 224 : index
      %swap3A_399 = tpu.vector_load %arg12[%swap3A_397, %swap3A_398] {strides = array<i32>} : memref<64x768xf32, #tpu.memory_space<vmem>>, vector<1x16xf32>,
      %swap3A_400 = vector.shape_cast %swap3A_399 : vector<1x16xf32> to vector<16xf32>
      %swap3A_401 = vector.shape_cast %add3A_396 : vector<16xf32> to vector<1x16xf32>
      tpu.vector_store %arg12[%swap3A_397, %swap3A_398], %swap3A_401 {strides = array<i32>} : memref<64x768xf32, #tpu.memory_space<vmem>>, vector<1x16xf32>,
      %get3A_402 = arith.index_cast %scan3A_154 : i32 to index
      %get3A_403 = arith.constant 240 : index
      %get3A_404 = tpu.vector_load %arg12[%get3A_402, %get3A_403] {strides = array<i32>} : memref<64x768xf32, #tpu.memory_space<vmem>>, vector<1x16xf32>,
      %get3A_405 = vector.shape_cast %get3A_404 : vector<1x16xf32> to vector<16xf32>
      %get3A_406 = arith.index_cast %scan3A_154 : i32 to index
      %get3A_407 = arith.constant 240 : index
      %get3A_408 = tpu.vector_load %arg13[%get3A_406, %get3A_407] {strides = array<i32>} : memref<64x768xf32, #tpu.memory_space<vmem>>, vector<1x16xf32>,
      %get3A_409 = vector.shape_cast %get3A_408 : vector<1x16xf32> to vector<16xf32>
      %mul3A_410 = arith.mulf %get3A_405, %get3A_158 : vector<16xf32>
      %mul3A_411 = arith.mulf %get3A_409, %get3A_162 : vector<16xf32>
      %add3A_412 = arith.addf %mul3A_410, %mul3A_411 : vector<16xf32>
      %swap3A_413 = arith.index_cast %scan3A_154 : i32 to index
      %swap3A_414 = arith.constant 240 : index
      %swap3A_415 = tpu.vector_load %arg12[%swap3A_413, %swap3A_414] {strides = array<i32>} : memref<64x768xf32, #tpu.memory_space<vmem>>, vector<1x16xf32>,
      %swap3A_416 = vector.shape_cast %swap3A_415 : vector<1x16xf32> to vector<16xf32>
      %swap3A_417 = vector.shape_cast %add3A_412 : vector<16xf32> to vector<1x16xf32>
      tpu.vector_store %arg12[%swap3A_413, %swap3A_414], %swap3A_417 {strides = array<i32>} : memref<64x768xf32, #tpu.memory_space<vmem>>, vector<1x16xf32>,
      %get3A_418 = arith.index_cast %scan3A_154 : i32 to index
      %get3A_419 = arith.constant 256 : index
      %get3A_420 = tpu.vector_load %arg12[%get3A_418, %get3A_419] {strides = array<i32>} : memref<64x768xf32, #tpu.memory_space<vmem>>, vector<1x16xf32>,
      %get3A_421 = vector.shape_cast %get3A_420 : vector<1x16xf32> to vector<16xf32>
      %get3A_422 = arith.index_cast %scan3A_154 : i32 to index
      %get3A_423 = arith.constant 256 : index
      %get3A_424 = tpu.vector_load %arg13[%get3A_422, %get3A_423] {strides = array<i32>} : memref<64x768xf32, #tpu.memory_space<vmem>>, vector<1x16xf32>,
      %get3A_425 = vector.shape_cast %get3A_424 : vector<1x16xf32> to vector<16xf32>
      %mul3A_426 = arith.mulf %get3A_421, %get3A_158 : vector<16xf32>
      %mul3A_427 = arith.mulf %get3A_425, %get3A_162 : vector<16xf32>
      %add3A_428 = arith.addf %mul3A_426, %mul3A_427 : vector<16xf32>
      %swap3A_429 = arith.index_cast %scan3A_154 : i32 to index
      %swap3A_430 = arith.constant 256 : index
      %swap3A_431 = tpu.vector_load %arg12[%swap3A_429, %swap3A_430] {strides = array<i32>} : memref<64x768xf32, #tpu.memory_space<vmem>>, vector<1x16xf32>,
      %swap3A_432 = vector.shape_cast %swap3A_431 : vector<1x16xf32> to vector<16xf32>
      %swap3A_433 = vector.shape_cast %add3A_428 : vector<16xf32> to vector<1x16xf32>
      tpu.vector_store %arg12[%swap3A_429, %swap3A_430], %swap3A_433 {strides = array<i32>} : memref<64x768xf32, #tpu.memory_space<vmem>>, vector<1x16xf32>,
      %get3A_434 = arith.index_cast %scan3A_154 : i32 to index
      %get3A_435 = arith.constant 272 : index
      %get3A_436 = tpu.vector_load %arg12[%get3A_434, %get3A_435] {strides = array<i32>} : memref<64x768xf32, #tpu.memory_space<vmem>>, vector<1x16xf32>,
      %get3A_437 = vector.shape_cast %get3A_436 : vector<1x16xf32> to vector<16xf32>
      %get3A_438 = arith.index_cast %scan3A_154 : i32 to index
      %get3A_439 = arith.constant 272 : index
      %get3A_440 = tpu.vector_load %arg13[%get3A_438, %get3A_439] {strides = array<i32>} : memref<64x768xf32, #tpu.memory_space<vmem>>, vector<1x16xf32>,
      %get3A_441 = vector.shape_cast %get3A_440 : vector<1x16xf32> to vector<16xf32>
      %mul3A_442 = arith.mulf %get3A_437, %get3A_158 : vector<16xf32>
      %mul3A_443 = arith.mulf %get3A_441, %get3A_162 : vector<16xf32>
      %add3A_444 = arith.addf %mul3A_442, %mul3A_443 : vector<16xf32>
      %swap3A_445 = arith.index_cast %scan3A_154 : i32 to index
      %swap3A_446 = arith.constant 272 : index
      %swap3A_447 = tpu.vector_load %arg12[%swap3A_445, %swap3A_446] {strides = array<i32>} : memref<64x768xf32, #tpu.memory_space<vmem>>, vector<1x16xf32>,
      %swap3A_448 = vector.shape_cast %swap3A_447 : vector<1x16xf32> to vector<16xf32>
      %swap3A_449 = vector.shape_cast %add3A_444 : vector<16xf32> to vector<1x16xf32>
      tpu.vector_store %arg12[%swap3A_445, %swap3A_446], %swap3A_449 {strides = array<i32>} : memref<64x768xf32, #tpu.memory_space<vmem>>, vector<1x16xf32>,
      %get3A_450 = arith.index_cast %scan3A_154 : i32 to index
      %get3A_451 = arith.constant 288 : index
      %get3A_452 = tpu.vector_load %arg12[%get3A_450, %get3A_451] {strides = array<i32>} : memref<64x768xf32, #tpu.memory_space<vmem>>, vector<1x16xf32>,
      %get3A_453 = vector.shape_cast %get3A_452 : vector<1x16xf32> to vector<16xf32>
      %get3A_454 = arith.index_cast %scan3A_154 : i32 to index
      %get3A_455 = arith.constant 288 : index
      %get3A_456 = tpu.vector_load %arg13[%get3A_454, %get3A_455] {strides = array<i32>} : memref<64x768xf32, #tpu.memory_space<vmem>>, vector<1x16xf32>,
      %get3A_457 = vector.shape_cast %get3A_456 : vector<1x16xf32> to vector<16xf32>
      %mul3A_458 = arith.mulf %get3A_453, %get3A_158 : vector<16xf32>
      %mul3A_459 = arith.mulf %get3A_457, %get3A_162 : vector<16xf32>
      %add3A_460 = arith.addf %mul3A_458, %mul3A_459 : vector<16xf32>
      %swap3A_461 = arith.index_cast %scan3A_154 : i32 to index
      %swap3A_462 = arith.constant 288 : index
      %swap3A_463 = tpu.vector_load %arg12[%swap3A_461, %swap3A_462] {strides = array<i32>} : memref<64x768xf32, #tpu.memory_space<vmem>>, vector<1x16xf32>,
      %swap3A_464 = vector.shape_cast %swap3A_463 : vector<1x16xf32> to vector<16xf32>
      %swap3A_465 = vector.shape_cast %add3A_460 : vector<16xf32> to vector<1x16xf32>
      tpu.vector_store %arg12[%swap3A_461, %swap3A_462], %swap3A_465 {strides = array<i32>} : memref<64x768xf32, #tpu.memory_space<vmem>>, vector<1x16xf32>,
      %get3A_466 = arith.index_cast %scan3A_154 : i32 to index
      %get3A_467 = arith.constant 304 : index
      %get3A_468 = tpu.vector_load %arg12[%get3A_466, %get3A_467] {strides = array<i32>} : memref<64x768xf32, #tpu.memory_space<vmem>>, vector<1x16xf32>,
      %get3A_469 = vector.shape_cast %get3A_468 : vector<1x16xf32> to vector<16xf32>
      %get3A_470 = arith.index_cast %scan3A_154 : i32 to index
      %get3A_471 = arith.constant 304 : index
      %get3A_472 = tpu.vector_load %arg13[%get3A_470, %get3A_471] {strides = array<i32>} : memref<64x768xf32, #tpu.memory_space<vmem>>, vector<1x16xf32>,
      %get3A_473 = vector.shape_cast %get3A_472 : vector<1x16xf32> to vector<16xf32>
      %mul3A_474 = arith.mulf %get3A_469, %get3A_158 : vector<16xf32>
      %mul3A_475 = arith.mulf %get3A_473, %get3A_162 : vector<16xf32>
      %add3A_476 = arith.addf %mul3A_474, %mul3A_475 : vector<16xf32>
      %swap3A_477 = arith.index_cast %scan3A_154 : i32 to index
      %swap3A_478 = arith.constant 304 : index
      %swap3A_479 = tpu.vector_load %arg12[%swap3A_477, %swap3A_478] {strides = array<i32>} : memref<64x768xf32, #tpu.memory_space<vmem>>, vector<1x16xf32>,
      %swap3A_480 = vector.shape_cast %swap3A_479 : vector<1x16xf32> to vector<16xf32>
      %swap3A_481 = vector.shape_cast %add3A_476 : vector<16xf32> to vector<1x16xf32>
      tpu.vector_store %arg12[%swap3A_477, %swap3A_478], %swap3A_481 {strides = array<i32>} : memref<64x768xf32, #tpu.memory_space<vmem>>, vector<1x16xf32>,
      %get3A_482 = arith.index_cast %scan3A_154 : i32 to index
      %get3A_483 = arith.constant 320 : index
      %get3A_484 = tpu.vector_load %arg12[%get3A_482, %get3A_483] {strides = array<i32>} : memref<64x768xf32, #tpu.memory_space<vmem>>, vector<1x16xf32>,
      %get3A_485 = vector.shape_cast %get3A_484 : vector<1x16xf32> to vector<16xf32>
      %get3A_486 = arith.index_cast %scan3A_154 : i32 to index
      %get3A_487 = arith.constant 320 : index
      %get3A_488 = tpu.vector_load %arg13[%get3A_486, %get3A_487] {strides = array<i32>} : memref<64x768xf32, #tpu.memory_space<vmem>>, vector<1x16xf32>,
      %get3A_489 = vector.shape_cast %get3A_488 : vector<1x16xf32> to vector<16xf32>
      %mul3A_490 = arith.mulf %get3A_485, %get3A_158 : vector<16xf32>
      %mul3A_491 = arith.mulf %get3A_489, %get3A_162 : vector<16xf32>
      %add3A_492 = arith.addf %mul3A_490, %mul3A_491 : vector<16xf32>
      %swap3A_493 = arith.index_cast %scan3A_154 : i32 to index
      %swap3A_494 = arith.constant 320 : index
      %swap3A_495 = tpu.vector_load %arg12[%swap3A_493, %swap3A_494] {strides = array<i32>} : memref<64x768xf32, #tpu.memory_space<vmem>>, vector<1x16xf32>,
      %swap3A_496 = vector.shape_cast %swap3A_495 : vector<1x16xf32> to vector<16xf32>
      %swap3A_497 = vector.shape_cast %add3A_492 : vector<16xf32> to vector<1x16xf32>
      tpu.vector_store %arg12[%swap3A_493, %swap3A_494], %swap3A_497 {strides = array<i32>} : memref<64x768xf32, #tpu.memory_space<vmem>>, vector<1x16xf32>,
      %get3A_498 = arith.index_cast %scan3A_154 : i32 to index
      %get3A_499 = arith.constant 336 : index
      %get3A_500 = tpu.vector_load %arg12[%get3A_498, %get3A_499] {strides = array<i32>} : memref<64x768xf32, #tpu.memory_space<vmem>>, vector<1x16xf32>,
      %get3A_501 = vector.shape_cast %get3A_500 : vector<1x16xf32> to vector<16xf32>
      %get3A_502 = arith.index_cast %scan3A_154 : i32 to index
      %get3A_503 = arith.constant 336 : index
      %get3A_504 = tpu.vector_load %arg13[%get3A_502, %get3A_503] {strides = array<i32>} : memref<64x768xf32, #tpu.memory_space<vmem>>, vector<1x16xf32>,
      %get3A_505 = vector.shape_cast %get3A_504 : vector<1x16xf32> to vector<16xf32>
      %mul3A_506 = arith.mulf %get3A_501, %get3A_158 : vector<16xf32>
      %mul3A_507 = arith.mulf %get3A_505, %get3A_162 : vector<16xf32>
      %add3A_508 = arith.addf %mul3A_506, %mul3A_507 : vector<16xf32>
      %swap3A_509 = arith.index_cast %scan3A_154 : i32 to index
      %swap3A_510 = arith.constant 336 : index
      %swap3A_511 = tpu.vector_load %arg12[%swap3A_509, %swap3A_510] {strides = array<i32>} : memref<64x768xf32, #tpu.memory_space<vmem>>, vector<1x16xf32>,
      %swap3A_512 = vector.shape_cast %swap3A_511 : vector<1x16xf32> to vector<16xf32>
      %swap3A_513 = vector.shape_cast %add3A_508 : vector<16xf32> to vector<1x16xf32>
      tpu.vector_store %arg12[%swap3A_509, %swap3A_510], %swap3A_513 {strides = array<i32>} : memref<64x768xf32, #tpu.memory_space<vmem>>, vector<1x16xf32>,
      %get3A_514 = arith.index_cast %scan3A_154 : i32 to index
      %get3A_515 = arith.constant 352 : index
      %get3A_516 = tpu.vector_load %arg12[%get3A_514, %get3A_515] {strides = array<i32>} : memref<64x768xf32, #tpu.memory_space<vmem>>, vector<1x16xf32>,
      %get3A_517 = vector.shape_cast %get3A_516 : vector<1x16xf32> to vector<16xf32>
      %get3A_518 = arith.index_cast %scan3A_154 : i32 to index
      %get3A_519 = arith.constant 352 : index
      %get3A_520 = tpu.vector_load %arg13[%get3A_518, %get3A_519] {strides = array<i32>} : memref<64x768xf32, #tpu.memory_space<vmem>>, vector<1x16xf32>,
      %get3A_521 = vector.shape_cast %get3A_520 : vector<1x16xf32> to vector<16xf32>
      %mul3A_522 = arith.mulf %get3A_517, %get3A_158 : vector<16xf32>
      %mul3A_523 = arith.mulf %get3A_521, %get3A_162 : vector<16xf32>
      %add3A_524 = arith.addf %mul3A_522, %mul3A_523 : vector<16xf32>
      %swap3A_525 = arith.index_cast %scan3A_154 : i32 to index
      %swap3A_526 = arith.constant 352 : index
      %swap3A_527 = tpu.vector_load %arg12[%swap3A_525, %swap3A_526] {strides = array<i32>} : memref<64x768xf32, #tpu.memory_space<vmem>>, vector<1x16xf32>,
      %swap3A_528 = vector.shape_cast %swap3A_527 : vector<1x16xf32> to vector<16xf32>
      %swap3A_529 = vector.shape_cast %add3A_524 : vector<16xf32> to vector<1x16xf32>
      tpu.vector_store %arg12[%swap3A_525, %swap3A_526], %swap3A_529 {strides = array<i32>} : memref<64x768xf32, #tpu.memory_space<vmem>>, vector<1x16xf32>,
      %get3A_530 = arith.index_cast %scan3A_154 : i32 to index
      %get3A_531 = arith.constant 368 : index
      %get3A_532 = tpu.vector_load %arg12[%get3A_530, %get3A_531] {strides = array<i32>} : memref<64x768xf32, #tpu.memory_space<vmem>>, vector<1x16xf32>,
      %get3A_533 = vector.shape_cast %get3A_532 : vector<1x16xf32> to vector<16xf32>
      %get3A_534 = arith.index_cast %scan3A_154 : i32 to index
      %get3A_535 = arith.constant 368 : index
      %get3A_536 = tpu.vector_load %arg13[%get3A_534, %get3A_535] {strides = array<i32>} : memref<64x768xf32, #tpu.memory_space<vmem>>, vector<1x16xf32>,
      %get3A_537 = vector.shape_cast %get3A_536 : vector<1x16xf32> to vector<16xf32>
      %mul3A_538 = arith.mulf %get3A_533, %get3A_158 : vector<16xf32>
      %mul3A_539 = arith.mulf %get3A_537, %get3A_162 : vector<16xf32>
      %add3A_540 = arith.addf %mul3A_538, %mul3A_539 : vector<16xf32>
      %swap3A_541 = arith.index_cast %scan3A_154 : i32 to index
      %swap3A_542 = arith.constant 368 : index
      %swap3A_543 = tpu.vector_load %arg12[%swap3A_541, %swap3A_542] {strides = array<i32>} : memref<64x768xf32, #tpu.memory_space<vmem>>, vector<1x16xf32>,
      %swap3A_544 = vector.shape_cast %swap3A_543 : vector<1x16xf32> to vector<16xf32>
      %swap3A_545 = vector.shape_cast %add3A_540 : vector<16xf32> to vector<1x16xf32>
      tpu.vector_store %arg12[%swap3A_541, %swap3A_542], %swap3A_545 {strides = array<i32>} : memref<64x768xf32, #tpu.memory_space<vmem>>, vector<1x16xf32>,
      %get3A_546 = arith.index_cast %scan3A_154 : i32 to index
      %get3A_547 = arith.constant 384 : index
      %get3A_548 = tpu.vector_load %arg12[%get3A_546, %get3A_547] {strides = array<i32>} : memref<64x768xf32, #tpu.memory_space<vmem>>, vector<1x16xf32>,
      %get3A_549 = vector.shape_cast %get3A_548 : vector<1x16xf32> to vector<16xf32>
      %get3A_550 = arith.index_cast %scan3A_154 : i32 to index
      %get3A_551 = arith.constant 384 : index
      %get3A_552 = tpu.vector_load %arg13[%get3A_550, %get3A_551] {strides = array<i32>} : memref<64x768xf32, #tpu.memory_space<vmem>>, vector<1x16xf32>,
      %get3A_553 = vector.shape_cast %get3A_552 : vector<1x16xf32> to vector<16xf32>
      %mul3A_554 = arith.mulf %get3A_549, %get3A_158 : vector<16xf32>
      %mul3A_555 = arith.mulf %get3A_553, %get3A_162 : vector<16xf32>
      %add3A_556 = arith.addf %mul3A_554, %mul3A_555 : vector<16xf32>
      %swap3A_557 = arith.index_cast %scan3A_154 : i32 to index
      %swap3A_558 = arith.constant 384 : index
      %swap3A_559 = tpu.vector_load %arg12[%swap3A_557, %swap3A_558] {strides = array<i32>} : memref<64x768xf32, #tpu.memory_space<vmem>>, vector<1x16xf32>,
      %swap3A_560 = vector.shape_cast %swap3A_559 : vector<1x16xf32> to vector<16xf32>
      %swap3A_561 = vector.shape_cast %add3A_556 : vector<16xf32> to vector<1x16xf32>
      tpu.vector_store %arg12[%swap3A_557, %swap3A_558], %swap3A_561 {strides = array<i32>} : memref<64x768xf32, #tpu.memory_space<vmem>>, vector<1x16xf32>,
      %get3A_562 = arith.index_cast %scan3A_154 : i32 to index
      %get3A_563 = arith.constant 400 : index
      %get3A_564 = tpu.vector_load %arg12[%get3A_562, %get3A_563] {strides = array<i32>} : memref<64x768xf32, #tpu.memory_space<vmem>>, vector<1x16xf32>,
      %get3A_565 = vector.shape_cast %get3A_564 : vector<1x16xf32> to vector<16xf32>
      %get3A_566 = arith.index_cast %scan3A_154 : i32 to index
      %get3A_567 = arith.constant 400 : index
      %get3A_568 = tpu.vector_load %arg13[%get3A_566, %get3A_567] {strides = array<i32>} : memref<64x768xf32, #tpu.memory_space<vmem>>, vector<1x16xf32>,
      %get3A_569 = vector.shape_cast %get3A_568 : vector<1x16xf32> to vector<16xf32>
      %mul3A_570 = arith.mulf %get3A_565, %get3A_158 : vector<16xf32>
      %mul3A_571 = arith.mulf %get3A_569, %get3A_162 : vector<16xf32>
      %add3A_572 = arith.addf %mul3A_570, %mul3A_571 : vector<16xf32>
      %swap3A_573 = arith.index_cast %scan3A_154 : i32 to index
      %swap3A_574 = arith.constant 400 : index
      %swap3A_575 = tpu.vector_load %arg12[%swap3A_573, %swap3A_574] {strides = array<i32>} : memref<64x768xf32, #tpu.memory_space<vmem>>, vector<1x16xf32>,
      %swap3A_576 = vector.shape_cast %swap3A_575 : vector<1x16xf32> to vector<16xf32>
      %swap3A_577 = vector.shape_cast %add3A_572 : vector<16xf32> to vector<1x16xf32>
      tpu.vector_store %arg12[%swap3A_573, %swap3A_574], %swap3A_577 {strides = array<i32>} : memref<64x768xf32, #tpu.memory_space<vmem>>, vector<1x16xf32>,
      %get3A_578 = arith.index_cast %scan3A_154 : i32 to index
      %get3A_579 = arith.constant 416 : index
      %get3A_580 = tpu.vector_load %arg12[%get3A_578, %get3A_579] {strides = array<i32>} : memref<64x768xf32, #tpu.memory_space<vmem>>, vector<1x16xf32>,
      %get3A_581 = vector.shape_cast %get3A_580 : vector<1x16xf32> to vector<16xf32>
      %get3A_582 = arith.index_cast %scan3A_154 : i32 to index
      %get3A_583 = arith.constant 416 : index
      %get3A_584 = tpu.vector_load %arg13[%get3A_582, %get3A_583] {strides = array<i32>} : memref<64x768xf32, #tpu.memory_space<vmem>>, vector<1x16xf32>,
      %get3A_585 = vector.shape_cast %get3A_584 : vector<1x16xf32> to vector<16xf32>
      %mul3A_586 = arith.mulf %get3A_581, %get3A_158 : vector<16xf32>
      %mul3A_587 = arith.mulf %get3A_585, %get3A_162 : vector<16xf32>
      %add3A_588 = arith.addf %mul3A_586, %mul3A_587 : vector<16xf32>
      %swap3A_589 = arith.index_cast %scan3A_154 : i32 to index
      %swap3A_590 = arith.constant 416 : index
      %swap3A_591 = tpu.vector_load %arg12[%swap3A_589, %swap3A_590] {strides = array<i32>} : memref<64x768xf32, #tpu.memory_space<vmem>>, vector<1x16xf32>,
      %swap3A_592 = vector.shape_cast %swap3A_591 : vector<1x16xf32> to vector<16xf32>
      %swap3A_593 = vector.shape_cast %add3A_588 : vector<16xf32> to vector<1x16xf32>
      tpu.vector_store %arg12[%swap3A_589, %swap3A_590], %swap3A_593 {strides = array<i32>} : memref<64x768xf32, #tpu.memory_space<vmem>>, vector<1x16xf32>,
      %get3A_594 = arith.index_cast %scan3A_154 : i32 to index
      %get3A_595 = arith.constant 432 : index
      %get3A_596 = tpu.vector_load %arg12[%get3A_594, %get3A_595] {strides = array<i32>} : memref<64x768xf32, #tpu.memory_space<vmem>>, vector<1x16xf32>,
      %get3A_597 = vector.shape_cast %get3A_596 : vector<1x16xf32> to vector<16xf32>
      %get3A_598 = arith.index_cast %scan3A_154 : i32 to index
      %get3A_599 = arith.constant 432 : index
      %get3A_600 = tpu.vector_load %arg13[%get3A_598, %get3A_599] {strides = array<i32>} : memref<64x768xf32, #tpu.memory_space<vmem>>, vector<1x16xf32>,
      %get3A_601 = vector.shape_cast %get3A_600 : vector<1x16xf32> to vector<16xf32>
      %mul3A_602 = arith.mulf %get3A_597, %get3A_158 : vector<16xf32>
      %mul3A_603 = arith.mulf %get3A_601, %get3A_162 : vector<16xf32>
      %add3A_604 = arith.addf %mul3A_602, %mul3A_603 : vector<16xf32>
      %swap3A_605 = arith.index_cast %scan3A_154 : i32 to index
      %swap3A_606 = arith.constant 432 : index
      %swap3A_607 = tpu.vector_load %arg12[%swap3A_605, %swap3A_606] {strides = array<i32>} : memref<64x768xf32, #tpu.memory_space<vmem>>, vector<1x16xf32>,
      %swap3A_608 = vector.shape_cast %swap3A_607 : vector<1x16xf32> to vector<16xf32>
      %swap3A_609 = vector.shape_cast %add3A_604 : vector<16xf32> to vector<1x16xf32>
      tpu.vector_store %arg12[%swap3A_605, %swap3A_606], %swap3A_609 {strides = array<i32>} : memref<64x768xf32, #tpu.memory_space<vmem>>, vector<1x16xf32>,
      %get3A_610 = arith.index_cast %scan3A_154 : i32 to index
      %get3A_611 = arith.constant 448 : index
      %get3A_612 = tpu.vector_load %arg12[%get3A_610, %get3A_611] {strides = array<i32>} : memref<64x768xf32, #tpu.memory_space<vmem>>, vector<1x16xf32>,
      %get3A_613 = vector.shape_cast %get3A_612 : vector<1x16xf32> to vector<16xf32>
      %get3A_614 = arith.index_cast %scan3A_154 : i32 to index
      %get3A_615 = arith.constant 448 : index
      %get3A_616 = tpu.vector_load %arg13[%get3A_614, %get3A_615] {strides = array<i32>} : memref<64x768xf32, #tpu.memory_space<vmem>>, vector<1x16xf32>,
      %get3A_617 = vector.shape_cast %get3A_616 : vector<1x16xf32> to vector<16xf32>
      %mul3A_618 = arith.mulf %get3A_613, %get3A_158 : vector<16xf32>
      %mul3A_619 = arith.mulf %get3A_617, %get3A_162 : vector<16xf32>
      %add3A_620 = arith.addf %mul3A_618, %mul3A_619 : vector<16xf32>
      %swap3A_621 = arith.index_cast %scan3A_154 : i32 to index
      %swap3A_622 = arith.constant 448 : index
      %swap3A_623 = tpu.vector_load %arg12[%swap3A_621, %swap3A_622] {strides = array<i32>} : memref<64x768xf32, #tpu.memory_space<vmem>>, vector<1x16xf32>,
      %swap3A_624 = vector.shape_cast %swap3A_623 : vector<1x16xf32> to vector<16xf32>
      %swap3A_625 = vector.shape_cast %add3A_620 : vector<16xf32> to vector<1x16xf32>
      tpu.vector_store %arg12[%swap3A_621, %swap3A_622], %swap3A_625 {strides = array<i32>} : memref<64x768xf32, #tpu.memory_space<vmem>>, vector<1x16xf32>,
      %get3A_626 = arith.index_cast %scan3A_154 : i32 to index
      %get3A_627 = arith.constant 464 : index
      %get3A_628 = tpu.vector_load %arg12[%get3A_626, %get3A_627] {strides = array<i32>} : memref<64x768xf32, #tpu.memory_space<vmem>>, vector<1x16xf32>,
      %get3A_629 = vector.shape_cast %get3A_628 : vector<1x16xf32> to vector<16xf32>
      %get3A_630 = arith.index_cast %scan3A_154 : i32 to index
      %get3A_631 = arith.constant 464 : index
      %get3A_632 = tpu.vector_load %arg13[%get3A_630, %get3A_631] {strides = array<i32>} : memref<64x768xf32, #tpu.memory_space<vmem>>, vector<1x16xf32>,
      %get3A_633 = vector.shape_cast %get3A_632 : vector<1x16xf32> to vector<16xf32>
      %mul3A_634 = arith.mulf %get3A_629, %get3A_158 : vector<16xf32>
      %mul3A_635 = arith.mulf %get3A_633, %get3A_162 : vector<16xf32>
      %add3A_636 = arith.addf %mul3A_634, %mul3A_635 : vector<16xf32>
      %swap3A_637 = arith.index_cast %scan3A_154 : i32 to index
      %swap3A_638 = arith.constant 464 : index
      %swap3A_639 = tpu.vector_load %arg12[%swap3A_637, %swap3A_638] {strides = array<i32>} : memref<64x768xf32, #tpu.memory_space<vmem>>, vector<1x16xf32>,
      %swap3A_640 = vector.shape_cast %swap3A_639 : vector<1x16xf32> to vector<16xf32>
      %swap3A_641 = vector.shape_cast %add3A_636 : vector<16xf32> to vector<1x16xf32>
      tpu.vector_store %arg12[%swap3A_637, %swap3A_638], %swap3A_641 {strides = array<i32>} : memref<64x768xf32, #tpu.memory_space<vmem>>, vector<1x16xf32>,
      %get3A_642 = arith.index_cast %scan3A_154 : i32 to index
      %get3A_643 = arith.constant 480 : index
      %get3A_644 = tpu.vector_load %arg12[%get3A_642, %get3A_643] {strides = array<i32>} : memref<64x768xf32, #tpu.memory_space<vmem>>, vector<1x16xf32>,
      %get3A_645 = vector.shape_cast %get3A_644 : vector<1x16xf32> to vector<16xf32>
      %get3A_646 = arith.index_cast %scan3A_154 : i32 to index
      %get3A_647 = arith.constant 480 : index
      %get3A_648 = tpu.vector_load %arg13[%get3A_646, %get3A_647] {strides = array<i32>} : memref<64x768xf32, #tpu.memory_space<vmem>>, vector<1x16xf32>,
      %get3A_649 = vector.shape_cast %get3A_648 : vector<1x16xf32> to vector<16xf32>
      %mul3A_650 = arith.mulf %get3A_645, %get3A_158 : vector<16xf32>
      %mul3A_651 = arith.mulf %get3A_649, %get3A_162 : vector<16xf32>
      %add3A_652 = arith.addf %mul3A_650, %mul3A_651 : vector<16xf32>
      %swap3A_653 = arith.index_cast %scan3A_154 : i32 to index
      %swap3A_654 = arith.constant 480 : index
      %swap3A_655 = tpu.vector_load %arg12[%swap3A_653, %swap3A_654] {strides = array<i32>} : memref<64x768xf32, #tpu.memory_space<vmem>>, vector<1x16xf32>,
      %swap3A_656 = vector.shape_cast %swap3A_655 : vector<1x16xf32> to vector<16xf32>
      %swap3A_657 = vector.shape_cast %add3A_652 : vector<16xf32> to vector<1x16xf32>
      tpu.vector_store %arg12[%swap3A_653, %swap3A_654], %swap3A_657 {strides = array<i32>} : memref<64x768xf32, #tpu.memory_space<vmem>>, vector<1x16xf32>,
      %get3A_658 = arith.index_cast %scan3A_154 : i32 to index
      %get3A_659 = arith.constant 496 : index
      %get3A_660 = tpu.vector_load %arg12[%get3A_658, %get3A_659] {strides = array<i32>} : memref<64x768xf32, #tpu.memory_space<vmem>>, vector<1x16xf32>,
      %get3A_661 = vector.shape_cast %get3A_660 : vector<1x16xf32> to vector<16xf32>
      %get3A_662 = arith.index_cast %scan3A_154 : i32 to index
      %get3A_663 = arith.constant 496 : index
      %get3A_664 = tpu.vector_load %arg13[%get3A_662, %get3A_663] {strides = array<i32>} : memref<64x768xf32, #tpu.memory_space<vmem>>, vector<1x16xf32>,
      %get3A_665 = vector.shape_cast %get3A_664 : vector<1x16xf32> to vector<16xf32>
      %mul3A_666 = arith.mulf %get3A_661, %get3A_158 : vector<16xf32>
      %mul3A_667 = arith.mulf %get3A_665, %get3A_162 : vector<16xf32>
      %add3A_668 = arith.addf %mul3A_666, %mul3A_667 : vector<16xf32>
      %swap3A_669 = arith.index_cast %scan3A_154 : i32 to index
      %swap3A_670 = arith.constant 496 : index
      %swap3A_671 = tpu.vector_load %arg12[%swap3A_669, %swap3A_670] {strides = array<i32>} : memref<64x768xf32, #tpu.memory_space<vmem>>, vector<1x16xf32>,
      %swap3A_672 = vector.shape_cast %swap3A_671 : vector<1x16xf32> to vector<16xf32>
      %swap3A_673 = vector.shape_cast %add3A_668 : vector<16xf32> to vector<1x16xf32>
      tpu.vector_store %arg12[%swap3A_669, %swap3A_670], %swap3A_673 {strides = array<i32>} : memref<64x768xf32, #tpu.memory_space<vmem>>, vector<1x16xf32>,
      %get3A_674 = arith.index_cast %scan3A_154 : i32 to index
      %get3A_675 = arith.constant 512 : index
      %get3A_676 = tpu.vector_load %arg12[%get3A_674, %get3A_675] {strides = array<i32>} : memref<64x768xf32, #tpu.memory_space<vmem>>, vector<1x16xf32>,
      %get3A_677 = vector.shape_cast %get3A_676 : vector<1x16xf32> to vector<16xf32>
      %get3A_678 = arith.index_cast %scan3A_154 : i32 to index
      %get3A_679 = arith.constant 512 : index
      %get3A_680 = tpu.vector_load %arg13[%get3A_678, %get3A_679] {strides = array<i32>} : memref<64x768xf32, #tpu.memory_space<vmem>>, vector<1x16xf32>,
      %get3A_681 = vector.shape_cast %get3A_680 : vector<1x16xf32> to vector<16xf32>
      %mul3A_682 = arith.mulf %get3A_677, %get3A_158 : vector<16xf32>
      %mul3A_683 = arith.mulf %get3A_681, %get3A_162 : vector<16xf32>
      %add3A_684 = arith.addf %mul3A_682, %mul3A_683 : vector<16xf32>
      %swap3A_685 = arith.index_cast %scan3A_154 : i32 to index
      %swap3A_686 = arith.constant 512 : index
      %swap3A_687 = tpu.vector_load %arg12[%swap3A_685, %swap3A_686] {strides = array<i32>} : memref<64x768xf32, #tpu.memory_space<vmem>>, vector<1x16xf32>,
      %swap3A_688 = vector.shape_cast %swap3A_687 : vector<1x16xf32> to vector<16xf32>
      %swap3A_689 = vector.shape_cast %add3A_684 : vector<16xf32> to vector<1x16xf32>
      tpu.vector_store %arg12[%swap3A_685, %swap3A_686], %swap3A_689 {strides = array<i32>} : memref<64x768xf32, #tpu.memory_space<vmem>>, vector<1x16xf32>,
      %get3A_690 = arith.index_cast %scan3A_154 : i32 to index
      %get3A_691 = arith.constant 528 : index
      %get3A_692 = tpu.vector_load %arg12[%get3A_690, %get3A_691] {strides = array<i32>} : memref<64x768xf32, #tpu.memory_space<vmem>>, vector<1x16xf32>,
      %get3A_693 = vector.shape_cast %get3A_692 : vector<1x16xf32> to vector<16xf32>
      %get3A_694 = arith.index_cast %scan3A_154 : i32 to index
      %get3A_695 = arith.constant 528 : index
      %get3A_696 = tpu.vector_load %arg13[%get3A_694, %get3A_695] {strides = array<i32>} : memref<64x768xf32, #tpu.memory_space<vmem>>, vector<1x16xf32>,
      %get3A_697 = vector.shape_cast %get3A_696 : vector<1x16xf32> to vector<16xf32>
      %mul3A_698 = arith.mulf %get3A_693, %get3A_158 : vector<16xf32>
      %mul3A_699 = arith.mulf %get3A_697, %get3A_162 : vector<16xf32>
      %add3A_700 = arith.addf %mul3A_698, %mul3A_699 : vector<16xf32>
      %swap3A_701 = arith.index_cast %scan3A_154 : i32 to index
      %swap3A_702 = arith.constant 528 : index
      %swap3A_703 = tpu.vector_load %arg12[%swap3A_701, %swap3A_702] {strides = array<i32>} : memref<64x768xf32, #tpu.memory_space<vmem>>, vector<1x16xf32>,
      %swap3A_704 = vector.shape_cast %swap3A_703 : vector<1x16xf32> to vector<16xf32>
      %swap3A_705 = vector.shape_cast %add3A_700 : vector<16xf32> to vector<1x16xf32>
      tpu.vector_store %arg12[%swap3A_701, %swap3A_702], %swap3A_705 {strides = array<i32>} : memref<64x768xf32, #tpu.memory_space<vmem>>, vector<1x16xf32>,
      %get3A_706 = arith.index_cast %scan3A_154 : i32 to index
      %get3A_707 = arith.constant 544 : index
      %get3A_708 = tpu.vector_load %arg12[%get3A_706, %get3A_707] {strides = array<i32>} : memref<64x768xf32, #tpu.memory_space<vmem>>, vector<1x16xf32>,
      %get3A_709 = vector.shape_cast %get3A_708 : vector<1x16xf32> to vector<16xf32>
      %get3A_710 = arith.index_cast %scan3A_154 : i32 to index
      %get3A_711 = arith.constant 544 : index
      %get3A_712 = tpu.vector_load %arg13[%get3A_710, %get3A_711] {strides = array<i32>} : memref<64x768xf32, #tpu.memory_space<vmem>>, vector<1x16xf32>,
      %get3A_713 = vector.shape_cast %get3A_712 : vector<1x16xf32> to vector<16xf32>
      %mul3A_714 = arith.mulf %get3A_709, %get3A_158 : vector<16xf32>
      %mul3A_715 = arith.mulf %get3A_713, %get3A_162 : vector<16xf32>
      %add3A_716 = arith.addf %mul3A_714, %mul3A_715 : vector<16xf32>
      %swap3A_717 = arith.index_cast %scan3A_154 : i32 to index
      %swap3A_718 = arith.constant 544 : index
      %swap3A_719 = tpu.vector_load %arg12[%swap3A_717, %swap3A_718] {strides = array<i32>} : memref<64x768xf32, #tpu.memory_space<vmem>>, vector<1x16xf32>,
      %swap3A_720 = vector.shape_cast %swap3A_719 : vector<1x16xf32> to vector<16xf32>
      %swap3A_721 = vector.shape_cast %add3A_716 : vector<16xf32> to vector<1x16xf32>
      tpu.vector_store %arg12[%swap3A_717, %swap3A_718], %swap3A_721 {strides = array<i32>} : memref<64x768xf32, #tpu.memory_space<vmem>>, vector<1x16xf32>,
      %get3A_722 = arith.index_cast %scan3A_154 : i32 to index
      %get3A_723 = arith.constant 560 : index
      %get3A_724 = tpu.vector_load %arg12[%get3A_722, %get3A_723] {strides = array<i32>} : memref<64x768xf32, #tpu.memory_space<vmem>>, vector<1x16xf32>,
      %get3A_725 = vector.shape_cast %get3A_724 : vector<1x16xf32> to vector<16xf32>
      %get3A_726 = arith.index_cast %scan3A_154 : i32 to index
      %get3A_727 = arith.constant 560 : index
      %get3A_728 = tpu.vector_load %arg13[%get3A_726, %get3A_727] {strides = array<i32>} : memref<64x768xf32, #tpu.memory_space<vmem>>, vector<1x16xf32>,
      %get3A_729 = vector.shape_cast %get3A_728 : vector<1x16xf32> to vector<16xf32>
      %mul3A_730 = arith.mulf %get3A_725, %get3A_158 : vector<16xf32>
      %mul3A_731 = arith.mulf %get3A_729, %get3A_162 : vector<16xf32>
      %add3A_732 = arith.addf %mul3A_730, %mul3A_731 : vector<16xf32>
      %swap3A_733 = arith.index_cast %scan3A_154 : i32 to index
      %swap3A_734 = arith.constant 560 : index
      %swap3A_735 = tpu.vector_load %arg12[%swap3A_733, %swap3A_734] {strides = array<i32>} : memref<64x768xf32, #tpu.memory_space<vmem>>, vector<1x16xf32>,
      %swap3A_736 = vector.shape_cast %swap3A_735 : vector<1x16xf32> to vector<16xf32>
      %swap3A_737 = vector.shape_cast %add3A_732 : vector<16xf32> to vector<1x16xf32>
      tpu.vector_store %arg12[%swap3A_733, %swap3A_734], %swap3A_737 {strides = array<i32>} : memref<64x768xf32, #tpu.memory_space<vmem>>, vector<1x16xf32>,
      %get3A_738 = arith.index_cast %scan3A_154 : i32 to index
      %get3A_739 = arith.constant 576 : index
      %get3A_740 = tpu.vector_load %arg12[%get3A_738, %get3A_739] {strides = array<i32>} : memref<64x768xf32, #tpu.memory_space<vmem>>, vector<1x16xf32>,
      %get3A_741 = vector.shape_cast %get3A_740 : vector<1x16xf32> to vector<16xf32>
      %get3A_742 = arith.index_cast %scan3A_154 : i32 to index
      %get3A_743 = arith.constant 576 : index
      %get3A_744 = tpu.vector_load %arg13[%get3A_742, %get3A_743] {strides = array<i32>} : memref<64x768xf32, #tpu.memory_space<vmem>>, vector<1x16xf32>,
      %get3A_745 = vector.shape_cast %get3A_744 : vector<1x16xf32> to vector<16xf32>
      %mul3A_746 = arith.mulf %get3A_741, %get3A_158 : vector<16xf32>
      %mul3A_747 = arith.mulf %get3A_745, %get3A_162 : vector<16xf32>
      %add3A_748 = arith.addf %mul3A_746, %mul3A_747 : vector<16xf32>
      %swap3A_749 = arith.index_cast %scan3A_154 : i32 to index
      %swap3A_750 = arith.constant 576 : index
      %swap3A_751 = tpu.vector_load %arg12[%swap3A_749, %swap3A_750] {strides = array<i32>} : memref<64x768xf32, #tpu.memory_space<vmem>>, vector<1x16xf32>,
      %swap3A_752 = vector.shape_cast %swap3A_751 : vector<1x16xf32> to vector<16xf32>
      %swap3A_753 = vector.shape_cast %add3A_748 : vector<16xf32> to vector<1x16xf32>
      tpu.vector_store %arg12[%swap3A_749, %swap3A_750], %swap3A_753 {strides = array<i32>} : memref<64x768xf32, #tpu.memory_space<vmem>>, vector<1x16xf32>,
      %get3A_754 = arith.index_cast %scan3A_154 : i32 to index
      %get3A_755 = arith.constant 592 : index
      %get3A_756 = tpu.vector_load %arg12[%get3A_754, %get3A_755] {strides = array<i32>} : memref<64x768xf32, #tpu.memory_space<vmem>>, vector<1x16xf32>,
      %get3A_757 = vector.shape_cast %get3A_756 : vector<1x16xf32> to vector<16xf32>
      %get3A_758 = arith.index_cast %scan3A_154 : i32 to index
      %get3A_759 = arith.constant 592 : index
      %get3A_760 = tpu.vector_load %arg13[%get3A_758, %get3A_759] {strides = array<i32>} : memref<64x768xf32, #tpu.memory_space<vmem>>, vector<1x16xf32>,
      %get3A_761 = vector.shape_cast %get3A_760 : vector<1x16xf32> to vector<16xf32>
      %mul3A_762 = arith.mulf %get3A_757, %get3A_158 : vector<16xf32>
      %mul3A_763 = arith.mulf %get3A_761, %get3A_162 : vector<16xf32>
      %add3A_764 = arith.addf %mul3A_762, %mul3A_763 : vector<16xf32>
      %swap3A_765 = arith.index_cast %scan3A_154 : i32 to index
      %swap3A_766 = arith.constant 592 : index
      %swap3A_767 = tpu.vector_load %arg12[%swap3A_765, %swap3A_766] {strides = array<i32>} : memref<64x768xf32, #tpu.memory_space<vmem>>, vector<1x16xf32>,
      %swap3A_768 = vector.shape_cast %swap3A_767 : vector<1x16xf32> to vector<16xf32>
      %swap3A_769 = vector.shape_cast %add3A_764 : vector<16xf32> to vector<1x16xf32>
      tpu.vector_store %arg12[%swap3A_765, %swap3A_766], %swap3A_769 {strides = array<i32>} : memref<64x768xf32, #tpu.memory_space<vmem>>, vector<1x16xf32>,
      %get3A_770 = arith.index_cast %scan3A_154 : i32 to index
      %get3A_771 = arith.constant 608 : index
      %get3A_772 = tpu.vector_load %arg12[%get3A_770, %get3A_771] {strides = array<i32>} : memref<64x768xf32, #tpu.memory_space<vmem>>, vector<1x16xf32>,
      %get3A_773 = vector.shape_cast %get3A_772 : vector<1x16xf32> to vector<16xf32>
      %get3A_774 = arith.index_cast %scan3A_154 : i32 to index
      %get3A_775 = arith.constant 608 : index
      %get3A_776 = tpu.vector_load %arg13[%get3A_774, %get3A_775] {strides = array<i32>} : memref<64x768xf32, #tpu.memory_space<vmem>>, vector<1x16xf32>,
      %get3A_777 = vector.shape_cast %get3A_776 : vector<1x16xf32> to vector<16xf32>
      %mul3A_778 = arith.mulf %get3A_773, %get3A_158 : vector<16xf32>
      %mul3A_779 = arith.mulf %get3A_777, %get3A_162 : vector<16xf32>
      %add3A_780 = arith.addf %mul3A_778, %mul3A_779 : vector<16xf32>
      %swap3A_781 = arith.index_cast %scan3A_154 : i32 to index
      %swap3A_782 = arith.constant 608 : index
      %swap3A_783 = tpu.vector_load %arg12[%swap3A_781, %swap3A_782] {strides = array<i32>} : memref<64x768xf32, #tpu.memory_space<vmem>>, vector<1x16xf32>,
      %swap3A_784 = vector.shape_cast %swap3A_783 : vector<1x16xf32> to vector<16xf32>
      %swap3A_785 = vector.shape_cast %add3A_780 : vector<16xf32> to vector<1x16xf32>
      tpu.vector_store %arg12[%swap3A_781, %swap3A_782], %swap3A_785 {strides = array<i32>} : memref<64x768xf32, #tpu.memory_space<vmem>>, vector<1x16xf32>,
      %get3A_786 = arith.index_cast %scan3A_154 : i32 to index
      %get3A_787 = arith.constant 624 : index
      %get3A_788 = tpu.vector_load %arg12[%get3A_786, %get3A_787] {strides = array<i32>} : memref<64x768xf32, #tpu.memory_space<vmem>>, vector<1x16xf32>,
      %get3A_789 = vector.shape_cast %get3A_788 : vector<1x16xf32> to vector<16xf32>
      %get3A_790 = arith.index_cast %scan3A_154 : i32 to index
      %get3A_791 = arith.constant 624 : index
      %get3A_792 = tpu.vector_load %arg13[%get3A_790, %get3A_791] {strides = array<i32>} : memref<64x768xf32, #tpu.memory_space<vmem>>, vector<1x16xf32>,
      %get3A_793 = vector.shape_cast %get3A_792 : vector<1x16xf32> to vector<16xf32>
      %mul3A_794 = arith.mulf %get3A_789, %get3A_158 : vector<16xf32>
      %mul3A_795 = arith.mulf %get3A_793, %get3A_162 : vector<16xf32>
      %add3A_796 = arith.addf %mul3A_794, %mul3A_795 : vector<16xf32>
      %swap3A_797 = arith.index_cast %scan3A_154 : i32 to index
      %swap3A_798 = arith.constant 624 : index
      %swap3A_799 = tpu.vector_load %arg12[%swap3A_797, %swap3A_798] {strides = array<i32>} : memref<64x768xf32, #tpu.memory_space<vmem>>, vector<1x16xf32>,
      %swap3A_800 = vector.shape_cast %swap3A_799 : vector<1x16xf32> to vector<16xf32>
      %swap3A_801 = vector.shape_cast %add3A_796 : vector<16xf32> to vector<1x16xf32>
      tpu.vector_store %arg12[%swap3A_797, %swap3A_798], %swap3A_801 {strides = array<i32>} : memref<64x768xf32, #tpu.memory_space<vmem>>, vector<1x16xf32>,
      %get3A_802 = arith.index_cast %scan3A_154 : i32 to index
      %get3A_803 = arith.constant 640 : index
      %get3A_804 = tpu.vector_load %arg12[%get3A_802, %get3A_803] {strides = array<i32>} : memref<64x768xf32, #tpu.memory_space<vmem>>, vector<1x16xf32>,
      %get3A_805 = vector.shape_cast %get3A_804 : vector<1x16xf32> to vector<16xf32>
      %get3A_806 = arith.index_cast %scan3A_154 : i32 to index
      %get3A_807 = arith.constant 640 : index
      %get3A_808 = tpu.vector_load %arg13[%get3A_806, %get3A_807] {strides = array<i32>} : memref<64x768xf32, #tpu.memory_space<vmem>>, vector<1x16xf32>,
      %get3A_809 = vector.shape_cast %get3A_808 : vector<1x16xf32> to vector<16xf32>
      %mul3A_810 = arith.mulf %get3A_805, %get3A_158 : vector<16xf32>
      %mul3A_811 = arith.mulf %get3A_809, %get3A_162 : vector<16xf32>
      %add3A_812 = arith.addf %mul3A_810, %mul3A_811 : vector<16xf32>
      %swap3A_813 = arith.index_cast %scan3A_154 : i32 to index
      %swap3A_814 = arith.constant 640 : index
      %swap3A_815 = tpu.vector_load %arg12[%swap3A_813, %swap3A_814] {strides = array<i32>} : memref<64x768xf32, #tpu.memory_space<vmem>>, vector<1x16xf32>,
      %swap3A_816 = vector.shape_cast %swap3A_815 : vector<1x16xf32> to vector<16xf32>
      %swap3A_817 = vector.shape_cast %add3A_812 : vector<16xf32> to vector<1x16xf32>
      tpu.vector_store %arg12[%swap3A_813, %swap3A_814], %swap3A_817 {strides = array<i32>} : memref<64x768xf32, #tpu.memory_space<vmem>>, vector<1x16xf32>,
      %get3A_818 = arith.index_cast %scan3A_154 : i32 to index
      %get3A_819 = arith.constant 656 : index
      %get3A_820 = tpu.vector_load %arg12[%get3A_818, %get3A_819] {strides = array<i32>} : memref<64x768xf32, #tpu.memory_space<vmem>>, vector<1x16xf32>,
      %get3A_821 = vector.shape_cast %get3A_820 : vector<1x16xf32> to vector<16xf32>
      %get3A_822 = arith.index_cast %scan3A_154 : i32 to index
      %get3A_823 = arith.constant 656 : index
      %get3A_824 = tpu.vector_load %arg13[%get3A_822, %get3A_823] {strides = array<i32>} : memref<64x768xf32, #tpu.memory_space<vmem>>, vector<1x16xf32>,
      %get3A_825 = vector.shape_cast %get3A_824 : vector<1x16xf32> to vector<16xf32>
      %mul3A_826 = arith.mulf %get3A_821, %get3A_158 : vector<16xf32>
      %mul3A_827 = arith.mulf %get3A_825, %get3A_162 : vector<16xf32>
      %add3A_828 = arith.addf %mul3A_826, %mul3A_827 : vector<16xf32>
      %swap3A_829 = arith.index_cast %scan3A_154 : i32 to index
      %swap3A_830 = arith.constant 656 : index
      %swap3A_831 = tpu.vector_load %arg12[%swap3A_829, %swap3A_830] {strides = array<i32>} : memref<64x768xf32, #tpu.memory_space<vmem>>, vector<1x16xf32>,
      %swap3A_832 = vector.shape_cast %swap3A_831 : vector<1x16xf32> to vector<16xf32>
      %swap3A_833 = vector.shape_cast %add3A_828 : vector<16xf32> to vector<1x16xf32>
      tpu.vector_store %arg12[%swap3A_829, %swap3A_830], %swap3A_833 {strides = array<i32>} : memref<64x768xf32, #tpu.memory_space<vmem>>, vector<1x16xf32>,
      %get3A_834 = arith.index_cast %scan3A_154 : i32 to index
      %get3A_835 = arith.constant 672 : index
      %get3A_836 = tpu.vector_load %arg12[%get3A_834, %get3A_835] {strides = array<i32>} : memref<64x768xf32, #tpu.memory_space<vmem>>, vector<1x16xf32>,
      %get3A_837 = vector.shape_cast %get3A_836 : vector<1x16xf32> to vector<16xf32>
      %get3A_838 = arith.index_cast %scan3A_154 : i32 to index
      %get3A_839 = arith.constant 672 : index
      %get3A_840 = tpu.vector_load %arg13[%get3A_838, %get3A_839] {strides = array<i32>} : memref<64x768xf32, #tpu.memory_space<vmem>>, vector<1x16xf32>,
      %get3A_841 = vector.shape_cast %get3A_840 : vector<1x16xf32> to vector<16xf32>
      %mul3A_842 = arith.mulf %get3A_837, %get3A_158 : vector<16xf32>
      %mul3A_843 = arith.mulf %get3A_841, %get3A_162 : vector<16xf32>
      %add3A_844 = arith.addf %mul3A_842, %mul3A_843 : vector<16xf32>
      %swap3A_845 = arith.index_cast %scan3A_154 : i32 to index
      %swap3A_846 = arith.constant 672 : index
      %swap3A_847 = tpu.vector_load %arg12[%swap3A_845, %swap3A_846] {strides = array<i32>} : memref<64x768xf32, #tpu.memory_space<vmem>>, vector<1x16xf32>,
      %swap3A_848 = vector.shape_cast %swap3A_847 : vector<1x16xf32> to vector<16xf32>
      %swap3A_849 = vector.shape_cast %add3A_844 : vector<16xf32> to vector<1x16xf32>
      tpu.vector_store %arg12[%swap3A_845, %swap3A_846], %swap3A_849 {strides = array<i32>} : memref<64x768xf32, #tpu.memory_space<vmem>>, vector<1x16xf32>,
      %get3A_850 = arith.index_cast %scan3A_154 : i32 to index
      %get3A_851 = arith.constant 688 : index
      %get3A_852 = tpu.vector_load %arg12[%get3A_850, %get3A_851] {strides = array<i32>} : memref<64x768xf32, #tpu.memory_space<vmem>>, vector<1x16xf32>,
      %get3A_853 = vector.shape_cast %get3A_852 : vector<1x16xf32> to vector<16xf32>
      %get3A_854 = arith.index_cast %scan3A_154 : i32 to index
      %get3A_855 = arith.constant 688 : index
      %get3A_856 = tpu.vector_load %arg13[%get3A_854, %get3A_855] {strides = array<i32>} : memref<64x768xf32, #tpu.memory_space<vmem>>, vector<1x16xf32>,
      %get3A_857 = vector.shape_cast %get3A_856 : vector<1x16xf32> to vector<16xf32>
      %mul3A_858 = arith.mulf %get3A_853, %get3A_158 : vector<16xf32>
      %mul3A_859 = arith.mulf %get3A_857, %get3A_162 : vector<16xf32>
      %add3A_860 = arith.addf %mul3A_858, %mul3A_859 : vector<16xf32>
      %swap3A_861 = arith.index_cast %scan3A_154 : i32 to index
      %swap3A_862 = arith.constant 688 : index
      %swap3A_863 = tpu.vector_load %arg12[%swap3A_861, %swap3A_862] {strides = array<i32>} : memref<64x768xf32, #tpu.memory_space<vmem>>, vector<1x16xf32>,
      %swap3A_864 = vector.shape_cast %swap3A_863 : vector<1x16xf32> to vector<16xf32>
      %swap3A_865 = vector.shape_cast %add3A_860 : vector<16xf32> to vector<1x16xf32>
      tpu.vector_store %arg12[%swap3A_861, %swap3A_862], %swap3A_865 {strides = array<i32>} : memref<64x768xf32, #tpu.memory_space<vmem>>, vector<1x16xf32>,
      %get3A_866 = arith.index_cast %scan3A_154 : i32 to index
      %get3A_867 = arith.constant 704 : index
      %get3A_868 = tpu.vector_load %arg12[%get3A_866, %get3A_867] {strides = array<i32>} : memref<64x768xf32, #tpu.memory_space<vmem>>, vector<1x16xf32>,
      %get3A_869 = vector.shape_cast %get3A_868 : vector<1x16xf32> to vector<16xf32>
      %get3A_870 = arith.index_cast %scan3A_154 : i32 to index
      %get3A_871 = arith.constant 704 : index
      %get3A_872 = tpu.vector_load %arg13[%get3A_870, %get3A_871] {strides = array<i32>} : memref<64x768xf32, #tpu.memory_space<vmem>>, vector<1x16xf32>,
      %get3A_873 = vector.shape_cast %get3A_872 : vector<1x16xf32> to vector<16xf32>
      %mul3A_874 = arith.mulf %get3A_869, %get3A_158 : vector<16xf32>
      %mul3A_875 = arith.mulf %get3A_873, %get3A_162 : vector<16xf32>
      %add3A_876 = arith.addf %mul3A_874, %mul3A_875 : vector<16xf32>
      %swap3A_877 = arith.index_cast %scan3A_154 : i32 to index
      %swap3A_878 = arith.constant 704 : index
      %swap3A_879 = tpu.vector_load %arg12[%swap3A_877, %swap3A_878] {strides = array<i32>} : memref<64x768xf32, #tpu.memory_space<vmem>>, vector<1x16xf32>,
      %swap3A_880 = vector.shape_cast %swap3A_879 : vector<1x16xf32> to vector<16xf32>
      %swap3A_881 = vector.shape_cast %add3A_876 : vector<16xf32> to vector<1x16xf32>
      tpu.vector_store %arg12[%swap3A_877, %swap3A_878], %swap3A_881 {strides = array<i32>} : memref<64x768xf32, #tpu.memory_space<vmem>>, vector<1x16xf32>,
      %get3A_882 = arith.index_cast %scan3A_154 : i32 to index
      %get3A_883 = arith.constant 720 : index
      %get3A_884 = tpu.vector_load %arg12[%get3A_882, %get3A_883] {strides = array<i32>} : memref<64x768xf32, #tpu.memory_space<vmem>>, vector<1x16xf32>,
      %get3A_885 = vector.shape_cast %get3A_884 : vector<1x16xf32> to vector<16xf32>
      %get3A_886 = arith.index_cast %scan3A_154 : i32 to index
      %get3A_887 = arith.constant 720 : index
      %get3A_888 = tpu.vector_load %arg13[%get3A_886, %get3A_887] {strides = array<i32>} : memref<64x768xf32, #tpu.memory_space<vmem>>, vector<1x16xf32>,
      %get3A_889 = vector.shape_cast %get3A_888 : vector<1x16xf32> to vector<16xf32>
      %mul3A_890 = arith.mulf %get3A_885, %get3A_158 : vector<16xf32>
      %mul3A_891 = arith.mulf %get3A_889, %get3A_162 : vector<16xf32>
      %add3A_892 = arith.addf %mul3A_890, %mul3A_891 : vector<16xf32>
      %swap3A_893 = arith.index_cast %scan3A_154 : i32 to index
      %swap3A_894 = arith.constant 720 : index
      %swap3A_895 = tpu.vector_load %arg12[%swap3A_893, %swap3A_894] {strides = array<i32>} : memref<64x768xf32, #tpu.memory_space<vmem>>, vector<1x16xf32>,
      %swap3A_896 = vector.shape_cast %swap3A_895 : vector<1x16xf32> to vector<16xf32>
      %swap3A_897 = vector.shape_cast %add3A_892 : vector<16xf32> to vector<1x16xf32>
      tpu.vector_store %arg12[%swap3A_893, %swap3A_894], %swap3A_897 {strides = array<i32>} : memref<64x768xf32, #tpu.memory_space<vmem>>, vector<1x16xf32>,
      %get3A_898 = arith.index_cast %scan3A_154 : i32 to index
      %get3A_899 = arith.constant 736 : index
      %get3A_900 = tpu.vector_load %arg12[%get3A_898, %get3A_899] {strides = array<i32>} : memref<64x768xf32, #tpu.memory_space<vmem>>, vector<1x16xf32>,
      %get3A_901 = vector.shape_cast %get3A_900 : vector<1x16xf32> to vector<16xf32>
      %get3A_902 = arith.index_cast %scan3A_154 : i32 to index
      %get3A_903 = arith.constant 736 : index
      %get3A_904 = tpu.vector_load %arg13[%get3A_902, %get3A_903] {strides = array<i32>} : memref<64x768xf32, #tpu.memory_space<vmem>>, vector<1x16xf32>,
      %get3A_905 = vector.shape_cast %get3A_904 : vector<1x16xf32> to vector<16xf32>
      %mul3A_906 = arith.mulf %get3A_901, %get3A_158 : vector<16xf32>
      %mul3A_907 = arith.mulf %get3A_905, %get3A_162 : vector<16xf32>
      %add3A_908 = arith.addf %mul3A_906, %mul3A_907 : vector<16xf32>
      %swap3A_909 = arith.index_cast %scan3A_154 : i32 to index
      %swap3A_910 = arith.constant 736 : index
      %swap3A_911 = tpu.vector_load %arg12[%swap3A_909, %swap3A_910] {strides = array<i32>} : memref<64x768xf32, #tpu.memory_space<vmem>>, vector<1x16xf32>,
      %swap3A_912 = vector.shape_cast %swap3A_911 : vector<1x16xf32> to vector<16xf32>
      %swap3A_913 = vector.shape_cast %add3A_908 : vector<16xf32> to vector<1x16xf32>
      tpu.vector_store %arg12[%swap3A_909, %swap3A_910], %swap3A_913 {strides = array<i32>} : memref<64x768xf32, #tpu.memory_space<vmem>>, vector<1x16xf32>,
      %get3A_914 = arith.index_cast %scan3A_154 : i32 to index
      %get3A_915 = arith.constant 752 : index
      %get3A_916 = tpu.vector_load %arg12[%get3A_914, %get3A_915] {strides = array<i32>} : memref<64x768xf32, #tpu.memory_space<vmem>>, vector<1x16xf32>,
      %get3A_917 = vector.shape_cast %get3A_916 : vector<1x16xf32> to vector<16xf32>
      %get3A_918 = arith.index_cast %scan3A_154 : i32 to index
      %get3A_919 = arith.constant 752 : index
      %get3A_920 = tpu.vector_load %arg13[%get3A_918, %get3A_919] {strides = array<i32>} : memref<64x768xf32, #tpu.memory_space<vmem>>, vector<1x16xf32>,
      %get3A_921 = vector.shape_cast %get3A_920 : vector<1x16xf32> to vector<16xf32>
      %mul3A_922 = arith.mulf %get3A_917, %get3A_158 : vector<16xf32>
      %mul3A_923 = arith.mulf %get3A_921, %get3A_162 : vector<16xf32>
      %add3A_924 = arith.addf %mul3A_922, %mul3A_923 : vector<16xf32>
      %swap3A_925 = arith.index_cast %scan3A_154 : i32 to index
      %swap3A_926 = arith.constant 752 : index
      %swap3A_927 = tpu.vector_load %arg12[%swap3A_925, %swap3A_926] {strides = array<i32>} : memref<64x768xf32, #tpu.memory_space<vmem>>, vector<1x16xf32>,
      %swap3A_928 = vector.shape_cast %swap3A_927 : vector<1x16xf32> to vector<16xf32>
      %swap3A_929 = vector.shape_cast %add3A_924 : vector<16xf32> to vector<1x16xf32>
      tpu.vector_store %arg12[%swap3A_925, %swap3A_926], %swap3A_929 {strides = array<i32>} : memref<64x768xf32, #tpu.memory_space<vmem>>, vector<1x16xf32>,
      %scan3A_930 = arith.constant 0 : i32
      scf.yield %scan3A_930 : i32
    }
    %scan3A_86 = arith.constant 32 : i32
    %add3A_87 = arith.constant 0 : i32
    %add3A_88 = arith.addi %mul3A_2, %add3A_87 : i32
    %dma_start3A_89 = arith.constant 0 : i32
    %dma_start3A_90 = arith.constant 0 : i32
    %dma_start3A_91 = tpu.memref_slice %arg12[%dma_start3A_89, %dma_start3A_90] : memref<64x768xf32, #tpu.memory_space<vmem>> -> memref<32x768xf32, #tpu.memory_space<vmem>>
    %dma_start3A_92 = arith.constant 0 : i32
    %dma_start3A_93 = tpu.memref_slice %arg7[%add3A_88, %dma_start3A_92] : memref<2048x768xf32, #tpu.memory_space<hbm>> -> memref<32x768xf32, #tpu.memory_space<hbm>>
    %dma_start3A_94 = arith.constant 0 : i32
    %dma_start3A_95 = tpu.memref_slice %arg7[%add3A_88, %dma_start3A_94] : memref<2048x768xf32, #tpu.memory_space<hbm>> -> memref<32x768xf32, #tpu.memory_space<hbm>>
    %dma_start3A_96 = arith.constant 0 : i32
    %dma_start3A_97 = arith.constant 0 : i32
    %dma_start3A_98 = tpu.memref_slice %arg12[%dma_start3A_96, %dma_start3A_97] : memref<64x768xf32, #tpu.memory_space<vmem>> -> memref<32x768xf32, #tpu.memory_space<vmem>>
    tpu.enqueue_dma source(%dma_start3A_98 : memref<32x768xf32, #tpu.memory_space<vmem>>) target(%dma_start3A_95 : memref<32x768xf32, #tpu.memory_space<hbm>>) target_semaphore(%arg16 : memref<!tpu.dma_semaphore, #tpu.memory_space<semaphore_mem>>)
    %dma_wait3A_99 = arith.constant 32 : i32
    %dma_wait3A_100 = arith.constant 0 : i32
    %dma_wait3A_101 = tpu.memref_slice %arg12[%dma_wait3A_99, %dma_wait3A_100] : memref<64x768xf32, #tpu.memory_space<vmem>> -> memref<32x768xf32, #tpu.memory_space<vmem>>
    %dma_wait3A_102 = arith.constant 32 : i32
    %dma_wait3A_103 = tpu.memref_slice %arg8[%dma_wait3A_102] : memref<64xi32, #tpu.memory_space<vmem>> -> memref<32xi32, #tpu.memory_space<vmem>>
    %dma_wait3A_104 = arith.constant 0 : i32
    %dma_wait3A_105 = arith.constant 0 : i32
    %dma_wait3A_106 = tpu.memref_slice %arg2[%dma_wait3A_104, %dma_wait3A_105] : memref<5120x768xf32, #tpu.memory_space<hbm>> -> memref<5120x768xf32, #tpu.memory_space<hbm>>
    tpu.wait_indirect_dma semaphore(%arg15 : memref<!tpu.dma_semaphore, #tpu.memory_space<semaphore_mem>>) src(%dma_wait3A_106 : memref<5120x768xf32, #tpu.memory_space<hbm>>) dst(%dma_wait3A_101 : memref<32x768xf32, #tpu.memory_space<vmem>>)
    %dma_wait3A_107 = arith.constant 32 : i32
    %dma_wait3A_108 = arith.constant 0 : i32
    %dma_wait3A_109 = tpu.memref_slice %arg13[%dma_wait3A_107, %dma_wait3A_108] : memref<64x768xf32, #tpu.memory_space<vmem>> -> memref<32x768xf32, #tpu.memory_space<vmem>>
    %dma_wait3A_110 = arith.constant 32 : i32
    %dma_wait3A_111 = tpu.memref_slice %arg9[%dma_wait3A_110] : memref<64xi32, #tpu.memory_space<vmem>> -> memref<32xi32, #tpu.memory_space<vmem>>
    %dma_wait3A_112 = arith.constant 0 : i32
    %dma_wait3A_113 = arith.constant 0 : i32
    %dma_wait3A_114 = tpu.memref_slice %arg2[%dma_wait3A_112, %dma_wait3A_113] : memref<5120x768xf32, #tpu.memory_space<hbm>> -> memref<5120x768xf32, #tpu.memory_space<hbm>>
    tpu.wait_indirect_dma semaphore(%arg15 : memref<!tpu.dma_semaphore, #tpu.memory_space<semaphore_mem>>) src(%dma_wait3A_114 : memref<5120x768xf32, #tpu.memory_space<hbm>>) dst(%dma_wait3A_109 : memref<32x768xf32, #tpu.memory_space<vmem>>)
    %scan3A_115 = arith.constant 0 : i32
    %scan3A_116 = arith.constant 32 : i32
    %scan3A_117 = arith.constant 32 : i32
    %scan3A_118 = arith.addi %scan3A_116, %scan3A_117 : i32
    %scan3A_119 = arith.constant 1 : i32
    %scan3A_120 = scf.for %scan3A_154 = %scan3A_116 to %scan3A_118 step %scan3A_119 iter_args(%scan3A_155 = %scan3A_115) -> (i32)  : i32 {
      %get3A = arith.index_cast %scan3A_154 : i32 to index
      %get3A_156 = arith.constant 0 : index
      %get3A_157 = tpu.vector_load %arg10[%get3A, %get3A_156] {strides = array<i32>} : memref<64x16xf32, #tpu.memory_space<vmem>>, vector<1x16xf32>,
      %get3A_158 = vector.shape_cast %get3A_157 : vector<1x16xf32> to vector<16xf32>
      %get3A_159 = arith.index_cast %scan3A_154 : i32 to index
      %get3A_160 = arith.constant 0 : index
      %get3A_161 = tpu.vector_load %arg11[%get3A_159, %get3A_160] {strides = array<i32>} : memref<64x16xf32, #tpu.memory_space<vmem>>, vector<1x16xf32>,
      %get3A_162 = vector.shape_cast %get3A_161 : vector<1x16xf32> to vector<16xf32>
      %get3A_163 = arith.index_cast %scan3A_154 : i32 to index
      %get3A_164 = arith.constant 0 : index
      %get3A_165 = tpu.vector_load %arg12[%get3A_163, %get3A_164] {strides = array<i32>} : memref<64x768xf32, #tpu.memory_space<vmem>>, vector<1x16xf32>,
      %get3A_166 = vector.shape_cast %get3A_165 : vector<1x16xf32> to vector<16xf32>
      %get3A_167 = arith.index_cast %scan3A_154 : i32 to index
      %get3A_168 = arith.constant 0 : index
      %get3A_169 = tpu.vector_load %arg13[%get3A_167, %get3A_168] {strides = array<i32>} : memref<64x768xf32, #tpu.memory_space<vmem>>, vector<1x16xf32>,
      %get3A_170 = vector.shape_cast %get3A_169 : vector<1x16xf32> to vector<16xf32>
      %mul3A_171 = arith.mulf %get3A_166, %get3A_158 : vector<16xf32>
      %mul3A_172 = arith.mulf %get3A_170, %get3A_162 : vector<16xf32>
      %add3A_173 = arith.addf %mul3A_171, %mul3A_172 : vector<16xf32>
      %swap3A = arith.index_cast %scan3A_154 : i32 to index
      %swap3A_174 = arith.constant 0 : index
      %swap3A_175 = tpu.vector_load %arg12[%swap3A, %swap3A_174] {strides = array<i32>} : memref<64x768xf32, #tpu.memory_space<vmem>>, vector<1x16xf32>,
      %swap3A_176 = vector.shape_cast %swap3A_175 : vector<1x16xf32> to vector<16xf32>
      %swap3A_177 = vector.shape_cast %add3A_173 : vector<16xf32> to vector<1x16xf32>
      tpu.vector_store %arg12[%swap3A, %swap3A_174], %swap3A_177 {strides = array<i32>} : memref<64x768xf32, #tpu.memory_space<vmem>>, vector<1x16xf32>,
      %get3A_178 = arith.index_cast %scan3A_154 : i32 to index
      %get3A_179 = arith.constant 16 : index
      %get3A_180 = tpu.vector_load %arg12[%get3A_178, %get3A_179] {strides = array<i32>} : memref<64x768xf32, #tpu.memory_space<vmem>>, vector<1x16xf32>,
      %get3A_181 = vector.shape_cast %get3A_180 : vector<1x16xf32> to vector<16xf32>
      %get3A_182 = arith.index_cast %scan3A_154 : i32 to index
      %get3A_183 = arith.constant 16 : index
      %get3A_184 = tpu.vector_load %arg13[%get3A_182, %get3A_183] {strides = array<i32>} : memref<64x768xf32, #tpu.memory_space<vmem>>, vector<1x16xf32>,
      %get3A_185 = vector.shape_cast %get3A_184 : vector<1x16xf32> to vector<16xf32>
      %mul3A_186 = arith.mulf %get3A_181, %get3A_158 : vector<16xf32>
      %mul3A_187 = arith.mulf %get3A_185, %get3A_162 : vector<16xf32>
      %add3A_188 = arith.addf %mul3A_186, %mul3A_187 : vector<16xf32>
      %swap3A_189 = arith.index_cast %scan3A_154 : i32 to index
      %swap3A_190 = arith.constant 16 : index
      %swap3A_191 = tpu.vector_load %arg12[%swap3A_189, %swap3A_190] {strides = array<i32>} : memref<64x768xf32, #tpu.memory_space<vmem>>, vector<1x16xf32>,
      %swap3A_192 = vector.shape_cast %swap3A_191 : vector<1x16xf32> to vector<16xf32>
      %swap3A_193 = vector.shape_cast %add3A_188 : vector<16xf32> to vector<1x16xf32>
      tpu.vector_store %arg12[%swap3A_189, %swap3A_190], %swap3A_193 {strides = array<i32>} : memref<64x768xf32, #tpu.memory_space<vmem>>, vector<1x16xf32>,
      %get3A_194 = arith.index_cast %scan3A_154 : i32 to index
      %get3A_195 = arith.constant 32 : index
      %get3A_196 = tpu.vector_load %arg12[%get3A_194, %get3A_195] {strides = array<i32>} : memref<64x768xf32, #tpu.memory_space<vmem>>, vector<1x16xf32>,
      %get3A_197 = vector.shape_cast %get3A_196 : vector<1x16xf32> to vector<16xf32>
      %get3A_198 = arith.index_cast %scan3A_154 : i32 to index
      %get3A_199 = arith.constant 32 : index
      %get3A_200 = tpu.vector_load %arg13[%get3A_198, %get3A_199] {strides = array<i32>} : memref<64x768xf32, #tpu.memory_space<vmem>>, vector<1x16xf32>,
      %get3A_201 = vector.shape_cast %get3A_200 : vector<1x16xf32> to vector<16xf32>
      %mul3A_202 = arith.mulf %get3A_197, %get3A_158 : vector<16xf32>
      %mul3A_203 = arith.mulf %get3A_201, %get3A_162 : vector<16xf32>
      %add3A_204 = arith.addf %mul3A_202, %mul3A_203 : vector<16xf32>
      %swap3A_205 = arith.index_cast %scan3A_154 : i32 to index
      %swap3A_206 = arith.constant 32 : index
      %swap3A_207 = tpu.vector_load %arg12[%swap3A_205, %swap3A_206] {strides = array<i32>} : memref<64x768xf32, #tpu.memory_space<vmem>>, vector<1x16xf32>,
      %swap3A_208 = vector.shape_cast %swap3A_207 : vector<1x16xf32> to vector<16xf32>
      %swap3A_209 = vector.shape_cast %add3A_204 : vector<16xf32> to vector<1x16xf32>
      tpu.vector_store %arg12[%swap3A_205, %swap3A_206], %swap3A_209 {strides = array<i32>} : memref<64x768xf32, #tpu.memory_space<vmem>>, vector<1x16xf32>,
      %get3A_210 = arith.index_cast %scan3A_154 : i32 to index
      %get3A_211 = arith.constant 48 : index
      %get3A_212 = tpu.vector_load %arg12[%get3A_210, %get3A_211] {strides = array<i32>} : memref<64x768xf32, #tpu.memory_space<vmem>>, vector<1x16xf32>,
      %get3A_213 = vector.shape_cast %get3A_212 : vector<1x16xf32> to vector<16xf32>
      %get3A_214 = arith.index_cast %scan3A_154 : i32 to index
      %get3A_215 = arith.constant 48 : index
      %get3A_216 = tpu.vector_load %arg13[%get3A_214, %get3A_215] {strides = array<i32>} : memref<64x768xf32, #tpu.memory_space<vmem>>, vector<1x16xf32>,
      %get3A_217 = vector.shape_cast %get3A_216 : vector<1x16xf32> to vector<16xf32>
      %mul3A_218 = arith.mulf %get3A_213, %get3A_158 : vector<16xf32>
      %mul3A_219 = arith.mulf %get3A_217, %get3A_162 : vector<16xf32>
      %add3A_220 = arith.addf %mul3A_218, %mul3A_219 : vector<16xf32>
      %swap3A_221 = arith.index_cast %scan3A_154 : i32 to index
      %swap3A_222 = arith.constant 48 : index
      %swap3A_223 = tpu.vector_load %arg12[%swap3A_221, %swap3A_222] {strides = array<i32>} : memref<64x768xf32, #tpu.memory_space<vmem>>, vector<1x16xf32>,
      %swap3A_224 = vector.shape_cast %swap3A_223 : vector<1x16xf32> to vector<16xf32>
      %swap3A_225 = vector.shape_cast %add3A_220 : vector<16xf32> to vector<1x16xf32>
      tpu.vector_store %arg12[%swap3A_221, %swap3A_222], %swap3A_225 {strides = array<i32>} : memref<64x768xf32, #tpu.memory_space<vmem>>, vector<1x16xf32>,
      %get3A_226 = arith.index_cast %scan3A_154 : i32 to index
      %get3A_227 = arith.constant 64 : index
      %get3A_228 = tpu.vector_load %arg12[%get3A_226, %get3A_227] {strides = array<i32>} : memref<64x768xf32, #tpu.memory_space<vmem>>, vector<1x16xf32>,
      %get3A_229 = vector.shape_cast %get3A_228 : vector<1x16xf32> to vector<16xf32>
      %get3A_230 = arith.index_cast %scan3A_154 : i32 to index
      %get3A_231 = arith.constant 64 : index
      %get3A_232 = tpu.vector_load %arg13[%get3A_230, %get3A_231] {strides = array<i32>} : memref<64x768xf32, #tpu.memory_space<vmem>>, vector<1x16xf32>,
      %get3A_233 = vector.shape_cast %get3A_232 : vector<1x16xf32> to vector<16xf32>
      %mul3A_234 = arith.mulf %get3A_229, %get3A_158 : vector<16xf32>
      %mul3A_235 = arith.mulf %get3A_233, %get3A_162 : vector<16xf32>
      %add3A_236 = arith.addf %mul3A_234, %mul3A_235 : vector<16xf32>
      %swap3A_237 = arith.index_cast %scan3A_154 : i32 to index
      %swap3A_238 = arith.constant 64 : index
      %swap3A_239 = tpu.vector_load %arg12[%swap3A_237, %swap3A_238] {strides = array<i32>} : memref<64x768xf32, #tpu.memory_space<vmem>>, vector<1x16xf32>,
      %swap3A_240 = vector.shape_cast %swap3A_239 : vector<1x16xf32> to vector<16xf32>
      %swap3A_241 = vector.shape_cast %add3A_236 : vector<16xf32> to vector<1x16xf32>
      tpu.vector_store %arg12[%swap3A_237, %swap3A_238], %swap3A_241 {strides = array<i32>} : memref<64x768xf32, #tpu.memory_space<vmem>>, vector<1x16xf32>,
      %get3A_242 = arith.index_cast %scan3A_154 : i32 to index
      %get3A_243 = arith.constant 80 : index
      %get3A_244 = tpu.vector_load %arg12[%get3A_242, %get3A_243] {strides = array<i32>} : memref<64x768xf32, #tpu.memory_space<vmem>>, vector<1x16xf32>,
      %get3A_245 = vector.shape_cast %get3A_244 : vector<1x16xf32> to vector<16xf32>
      %get3A_246 = arith.index_cast %scan3A_154 : i32 to index
      %get3A_247 = arith.constant 80 : index
      %get3A_248 = tpu.vector_load %arg13[%get3A_246, %get3A_247] {strides = array<i32>} : memref<64x768xf32, #tpu.memory_space<vmem>>, vector<1x16xf32>,
      %get3A_249 = vector.shape_cast %get3A_248 : vector<1x16xf32> to vector<16xf32>
      %mul3A_250 = arith.mulf %get3A_245, %get3A_158 : vector<16xf32>
      %mul3A_251 = arith.mulf %get3A_249, %get3A_162 : vector<16xf32>
      %add3A_252 = arith.addf %mul3A_250, %mul3A_251 : vector<16xf32>
      %swap3A_253 = arith.index_cast %scan3A_154 : i32 to index
      %swap3A_254 = arith.constant 80 : index
      %swap3A_255 = tpu.vector_load %arg12[%swap3A_253, %swap3A_254] {strides = array<i32>} : memref<64x768xf32, #tpu.memory_space<vmem>>, vector<1x16xf32>,
      %swap3A_256 = vector.shape_cast %swap3A_255 : vector<1x16xf32> to vector<16xf32>
      %swap3A_257 = vector.shape_cast %add3A_252 : vector<16xf32> to vector<1x16xf32>
      tpu.vector_store %arg12[%swap3A_253, %swap3A_254], %swap3A_257 {strides = array<i32>} : memref<64x768xf32, #tpu.memory_space<vmem>>, vector<1x16xf32>,
      %get3A_258 = arith.index_cast %scan3A_154 : i32 to index
      %get3A_259 = arith.constant 96 : index
      %get3A_260 = tpu.vector_load %arg12[%get3A_258, %get3A_259] {strides = array<i32>} : memref<64x768xf32, #tpu.memory_space<vmem>>, vector<1x16xf32>,
      %get3A_261 = vector.shape_cast %get3A_260 : vector<1x16xf32> to vector<16xf32>
      %get3A_262 = arith.index_cast %scan3A_154 : i32 to index
      %get3A_263 = arith.constant 96 : index
      %get3A_264 = tpu.vector_load %arg13[%get3A_262, %get3A_263] {strides = array<i32>} : memref<64x768xf32, #tpu.memory_space<vmem>>, vector<1x16xf32>,
      %get3A_265 = vector.shape_cast %get3A_264 : vector<1x16xf32> to vector<16xf32>
      %mul3A_266 = arith.mulf %get3A_261, %get3A_158 : vector<16xf32>
      %mul3A_267 = arith.mulf %get3A_265, %get3A_162 : vector<16xf32>
      %add3A_268 = arith.addf %mul3A_266, %mul3A_267 : vector<16xf32>
      %swap3A_269 = arith.index_cast %scan3A_154 : i32 to index
      %swap3A_270 = arith.constant 96 : index
      %swap3A_271 = tpu.vector_load %arg12[%swap3A_269, %swap3A_270] {strides = array<i32>} : memref<64x768xf32, #tpu.memory_space<vmem>>, vector<1x16xf32>,
      %swap3A_272 = vector.shape_cast %swap3A_271 : vector<1x16xf32> to vector<16xf32>
      %swap3A_273 = vector.shape_cast %add3A_268 : vector<16xf32> to vector<1x16xf32>
      tpu.vector_store %arg12[%swap3A_269, %swap3A_270], %swap3A_273 {strides = array<i32>} : memref<64x768xf32, #tpu.memory_space<vmem>>, vector<1x16xf32>,
      %get3A_274 = arith.index_cast %scan3A_154 : i32 to index
      %get3A_275 = arith.constant 112 : index
      %get3A_276 = tpu.vector_load %arg12[%get3A_274, %get3A_275] {strides = array<i32>} : memref<64x768xf32, #tpu.memory_space<vmem>>, vector<1x16xf32>,
      %get3A_277 = vector.shape_cast %get3A_276 : vector<1x16xf32> to vector<16xf32>
      %get3A_278 = arith.index_cast %scan3A_154 : i32 to index
      %get3A_279 = arith.constant 112 : index
      %get3A_280 = tpu.vector_load %arg13[%get3A_278, %get3A_279] {strides = array<i32>} : memref<64x768xf32, #tpu.memory_space<vmem>>, vector<1x16xf32>,
      %get3A_281 = vector.shape_cast %get3A_280 : vector<1x16xf32> to vector<16xf32>
      %mul3A_282 = arith.mulf %get3A_277, %get3A_158 : vector<16xf32>
      %mul3A_283 = arith.mulf %get3A_281, %get3A_162 : vector<16xf32>
      %add3A_284 = arith.addf %mul3A_282, %mul3A_283 : vector<16xf32>
      %swap3A_285 = arith.index_cast %scan3A_154 : i32 to index
      %swap3A_286 = arith.constant 112 : index
      %swap3A_287 = tpu.vector_load %arg12[%swap3A_285, %swap3A_286] {strides = array<i32>} : memref<64x768xf32, #tpu.memory_space<vmem>>, vector<1x16xf32>,
      %swap3A_288 = vector.shape_cast %swap3A_287 : vector<1x16xf32> to vector<16xf32>
      %swap3A_289 = vector.shape_cast %add3A_284 : vector<16xf32> to vector<1x16xf32>
      tpu.vector_store %arg12[%swap3A_285, %swap3A_286], %swap3A_289 {strides = array<i32>} : memref<64x768xf32, #tpu.memory_space<vmem>>, vector<1x16xf32>,
      %get3A_290 = arith.index_cast %scan3A_154 : i32 to index
      %get3A_291 = arith.constant 128 : index
      %get3A_292 = tpu.vector_load %arg12[%get3A_290, %get3A_291] {strides = array<i32>} : memref<64x768xf32, #tpu.memory_space<vmem>>, vector<1x16xf32>,
      %get3A_293 = vector.shape_cast %get3A_292 : vector<1x16xf32> to vector<16xf32>
      %get3A_294 = arith.index_cast %scan3A_154 : i32 to index
      %get3A_295 = arith.constant 128 : index
      %get3A_296 = tpu.vector_load %arg13[%get3A_294, %get3A_295] {strides = array<i32>} : memref<64x768xf32, #tpu.memory_space<vmem>>, vector<1x16xf32>,
      %get3A_297 = vector.shape_cast %get3A_296 : vector<1x16xf32> to vector<16xf32>
      %mul3A_298 = arith.mulf %get3A_293, %get3A_158 : vector<16xf32>
      %mul3A_299 = arith.mulf %get3A_297, %get3A_162 : vector<16xf32>
      %add3A_300 = arith.addf %mul3A_298, %mul3A_299 : vector<16xf32>
      %swap3A_301 = arith.index_cast %scan3A_154 : i32 to index
      %swap3A_302 = arith.constant 128 : index
      %swap3A_303 = tpu.vector_load %arg12[%swap3A_301, %swap3A_302] {strides = array<i32>} : memref<64x768xf32, #tpu.memory_space<vmem>>, vector<1x16xf32>,
      %swap3A_304 = vector.shape_cast %swap3A_303 : vector<1x16xf32> to vector<16xf32>
      %swap3A_305 = vector.shape_cast %add3A_300 : vector<16xf32> to vector<1x16xf32>
      tpu.vector_store %arg12[%swap3A_301, %swap3A_302], %swap3A_305 {strides = array<i32>} : memref<64x768xf32, #tpu.memory_space<vmem>>, vector<1x16xf32>,
      %get3A_306 = arith.index_cast %scan3A_154 : i32 to index
      %get3A_307 = arith.constant 144 : index
      %get3A_308 = tpu.vector_load %arg12[%get3A_306, %get3A_307] {strides = array<i32>} : memref<64x768xf32, #tpu.memory_space<vmem>>, vector<1x16xf32>,
      %get3A_309 = vector.shape_cast %get3A_308 : vector<1x16xf32> to vector<16xf32>
      %get3A_310 = arith.index_cast %scan3A_154 : i32 to index
      %get3A_311 = arith.constant 144 : index
      %get3A_312 = tpu.vector_load %arg13[%get3A_310, %get3A_311] {strides = array<i32>} : memref<64x768xf32, #tpu.memory_space<vmem>>, vector<1x16xf32>,
      %get3A_313 = vector.shape_cast %get3A_312 : vector<1x16xf32> to vector<16xf32>
      %mul3A_314 = arith.mulf %get3A_309, %get3A_158 : vector<16xf32>
      %mul3A_315 = arith.mulf %get3A_313, %get3A_162 : vector<16xf32>
      %add3A_316 = arith.addf %mul3A_314, %mul3A_315 : vector<16xf32>
      %swap3A_317 = arith.index_cast %scan3A_154 : i32 to index
      %swap3A_318 = arith.constant 144 : index
      %swap3A_319 = tpu.vector_load %arg12[%swap3A_317, %swap3A_318] {strides = array<i32>} : memref<64x768xf32, #tpu.memory_space<vmem>>, vector<1x16xf32>,
      %swap3A_320 = vector.shape_cast %swap3A_319 : vector<1x16xf32> to vector<16xf32>
      %swap3A_321 = vector.shape_cast %add3A_316 : vector<16xf32> to vector<1x16xf32>
      tpu.vector_store %arg12[%swap3A_317, %swap3A_318], %swap3A_321 {strides = array<i32>} : memref<64x768xf32, #tpu.memory_space<vmem>>, vector<1x16xf32>,
      %get3A_322 = arith.index_cast %scan3A_154 : i32 to index
      %get3A_323 = arith.constant 160 : index
      %get3A_324 = tpu.vector_load %arg12[%get3A_322, %get3A_323] {strides = array<i32>} : memref<64x768xf32, #tpu.memory_space<vmem>>, vector<1x16xf32>,
      %get3A_325 = vector.shape_cast %get3A_324 : vector<1x16xf32> to vector<16xf32>
      %get3A_326 = arith.index_cast %scan3A_154 : i32 to index
      %get3A_327 = arith.constant 160 : index
      %get3A_328 = tpu.vector_load %arg13[%get3A_326, %get3A_327] {strides = array<i32>} : memref<64x768xf32, #tpu.memory_space<vmem>>, vector<1x16xf32>,
      %get3A_329 = vector.shape_cast %get3A_328 : vector<1x16xf32> to vector<16xf32>
      %mul3A_330 = arith.mulf %get3A_325, %get3A_158 : vector<16xf32>
      %mul3A_331 = arith.mulf %get3A_329, %get3A_162 : vector<16xf32>
      %add3A_332 = arith.addf %mul3A_330, %mul3A_331 : vector<16xf32>
      %swap3A_333 = arith.index_cast %scan3A_154 : i32 to index
      %swap3A_334 = arith.constant 160 : index
      %swap3A_335 = tpu.vector_load %arg12[%swap3A_333, %swap3A_334] {strides = array<i32>} : memref<64x768xf32, #tpu.memory_space<vmem>>, vector<1x16xf32>,
      %swap3A_336 = vector.shape_cast %swap3A_335 : vector<1x16xf32> to vector<16xf32>
      %swap3A_337 = vector.shape_cast %add3A_332 : vector<16xf32> to vector<1x16xf32>
      tpu.vector_store %arg12[%swap3A_333, %swap3A_334], %swap3A_337 {strides = array<i32>} : memref<64x768xf32, #tpu.memory_space<vmem>>, vector<1x16xf32>,
      %get3A_338 = arith.index_cast %scan3A_154 : i32 to index
      %get3A_339 = arith.constant 176 : index
      %get3A_340 = tpu.vector_load %arg12[%get3A_338, %get3A_339] {strides = array<i32>} : memref<64x768xf32, #tpu.memory_space<vmem>>, vector<1x16xf32>,
      %get3A_341 = vector.shape_cast %get3A_340 : vector<1x16xf32> to vector<16xf32>
      %get3A_342 = arith.index_cast %scan3A_154 : i32 to index
      %get3A_343 = arith.constant 176 : index
      %get3A_344 = tpu.vector_load %arg13[%get3A_342, %get3A_343] {strides = array<i32>} : memref<64x768xf32, #tpu.memory_space<vmem>>, vector<1x16xf32>,
      %get3A_345 = vector.shape_cast %get3A_344 : vector<1x16xf32> to vector<16xf32>
      %mul3A_346 = arith.mulf %get3A_341, %get3A_158 : vector<16xf32>
      %mul3A_347 = arith.mulf %get3A_345, %get3A_162 : vector<16xf32>
      %add3A_348 = arith.addf %mul3A_346, %mul3A_347 : vector<16xf32>
      %swap3A_349 = arith.index_cast %scan3A_154 : i32 to index
      %swap3A_350 = arith.constant 176 : index
      %swap3A_351 = tpu.vector_load %arg12[%swap3A_349, %swap3A_350] {strides = array<i32>} : memref<64x768xf32, #tpu.memory_space<vmem>>, vector<1x16xf32>,
      %swap3A_352 = vector.shape_cast %swap3A_351 : vector<1x16xf32> to vector<16xf32>
      %swap3A_353 = vector.shape_cast %add3A_348 : vector<16xf32> to vector<1x16xf32>
      tpu.vector_store %arg12[%swap3A_349, %swap3A_350], %swap3A_353 {strides = array<i32>} : memref<64x768xf32, #tpu.memory_space<vmem>>, vector<1x16xf32>,
      %get3A_354 = arith.index_cast %scan3A_154 : i32 to index
      %get3A_355 = arith.constant 192 : index
      %get3A_356 = tpu.vector_load %arg12[%get3A_354, %get3A_355] {strides = array<i32>} : memref<64x768xf32, #tpu.memory_space<vmem>>, vector<1x16xf32>,
      %get3A_357 = vector.shape_cast %get3A_356 : vector<1x16xf32> to vector<16xf32>
      %get3A_358 = arith.index_cast %scan3A_154 : i32 to index
      %get3A_359 = arith.constant 192 : index
      %get3A_360 = tpu.vector_load %arg13[%get3A_358, %get3A_359] {strides = array<i32>} : memref<64x768xf32, #tpu.memory_space<vmem>>, vector<1x16xf32>,
      %get3A_361 = vector.shape_cast %get3A_360 : vector<1x16xf32> to vector<16xf32>
      %mul3A_362 = arith.mulf %get3A_357, %get3A_158 : vector<16xf32>
      %mul3A_363 = arith.mulf %get3A_361, %get3A_162 : vector<16xf32>
      %add3A_364 = arith.addf %mul3A_362, %mul3A_363 : vector<16xf32>
      %swap3A_365 = arith.index_cast %scan3A_154 : i32 to index
      %swap3A_366 = arith.constant 192 : index
      %swap3A_367 = tpu.vector_load %arg12[%swap3A_365, %swap3A_366] {strides = array<i32>} : memref<64x768xf32, #tpu.memory_space<vmem>>, vector<1x16xf32>,
      %swap3A_368 = vector.shape_cast %swap3A_367 : vector<1x16xf32> to vector<16xf32>
      %swap3A_369 = vector.shape_cast %add3A_364 : vector<16xf32> to vector<1x16xf32>
      tpu.vector_store %arg12[%swap3A_365, %swap3A_366], %swap3A_369 {strides = array<i32>} : memref<64x768xf32, #tpu.memory_space<vmem>>, vector<1x16xf32>,
      %get3A_370 = arith.index_cast %scan3A_154 : i32 to index
      %get3A_371 = arith.constant 208 : index
      %get3A_372 = tpu.vector_load %arg12[%get3A_370, %get3A_371] {strides = array<i32>} : memref<64x768xf32, #tpu.memory_space<vmem>>, vector<1x16xf32>,
      %get3A_373 = vector.shape_cast %get3A_372 : vector<1x16xf32> to vector<16xf32>
      %get3A_374 = arith.index_cast %scan3A_154 : i32 to index
      %get3A_375 = arith.constant 208 : index
      %get3A_376 = tpu.vector_load %arg13[%get3A_374, %get3A_375] {strides = array<i32>} : memref<64x768xf32, #tpu.memory_space<vmem>>, vector<1x16xf32>,
      %get3A_377 = vector.shape_cast %get3A_376 : vector<1x16xf32> to vector<16xf32>
      %mul3A_378 = arith.mulf %get3A_373, %get3A_158 : vector<16xf32>
      %mul3A_379 = arith.mulf %get3A_377, %get3A_162 : vector<16xf32>
      %add3A_380 = arith.addf %mul3A_378, %mul3A_379 : vector<16xf32>
      %swap3A_381 = arith.index_cast %scan3A_154 : i32 to index
      %swap3A_382 = arith.constant 208 : index
      %swap3A_383 = tpu.vector_load %arg12[%swap3A_381, %swap3A_382] {strides = array<i32>} : memref<64x768xf32, #tpu.memory_space<vmem>>, vector<1x16xf32>,
      %swap3A_384 = vector.shape_cast %swap3A_383 : vector<1x16xf32> to vector<16xf32>
      %swap3A_385 = vector.shape_cast %add3A_380 : vector<16xf32> to vector<1x16xf32>
      tpu.vector_store %arg12[%swap3A_381, %swap3A_382], %swap3A_385 {strides = array<i32>} : memref<64x768xf32, #tpu.memory_space<vmem>>, vector<1x16xf32>,
      %get3A_386 = arith.index_cast %scan3A_154 : i32 to index
      %get3A_387 = arith.constant 224 : index
      %get3A_388 = tpu.vector_load %arg12[%get3A_386, %get3A_387] {strides = array<i32>} : memref<64x768xf32, #tpu.memory_space<vmem>>, vector<1x16xf32>,
      %get3A_389 = vector.shape_cast %get3A_388 : vector<1x16xf32> to vector<16xf32>
      %get3A_390 = arith.index_cast %scan3A_154 : i32 to index
      %get3A_391 = arith.constant 224 : index
      %get3A_392 = tpu.vector_load %arg13[%get3A_390, %get3A_391] {strides = array<i32>} : memref<64x768xf32, #tpu.memory_space<vmem>>, vector<1x16xf32>,
      %get3A_393 = vector.shape_cast %get3A_392 : vector<1x16xf32> to vector<16xf32>
      %mul3A_394 = arith.mulf %get3A_389, %get3A_158 : vector<16xf32>
      %mul3A_395 = arith.mulf %get3A_393, %get3A_162 : vector<16xf32>
      %add3A_396 = arith.addf %mul3A_394, %mul3A_395 : vector<16xf32>
      %swap3A_397 = arith.index_cast %scan3A_154 : i32 to index
      %swap3A_398 = arith.constant 224 : index
      %swap3A_399 = tpu.vector_load %arg12[%swap3A_397, %swap3A_398] {strides = array<i32>} : memref<64x768xf32, #tpu.memory_space<vmem>>, vector<1x16xf32>,
      %swap3A_400 = vector.shape_cast %swap3A_399 : vector<1x16xf32> to vector<16xf32>
      %swap3A_401 = vector.shape_cast %add3A_396 : vector<16xf32> to vector<1x16xf32>
      tpu.vector_store %arg12[%swap3A_397, %swap3A_398], %swap3A_401 {strides = array<i32>} : memref<64x768xf32, #tpu.memory_space<vmem>>, vector<1x16xf32>,
      %get3A_402 = arith.index_cast %scan3A_154 : i32 to index
      %get3A_403 = arith.constant 240 : index
      %get3A_404 = tpu.vector_load %arg12[%get3A_402, %get3A_403] {strides = array<i32>} : memref<64x768xf32, #tpu.memory_space<vmem>>, vector<1x16xf32>,
      %get3A_405 = vector.shape_cast %get3A_404 : vector<1x16xf32> to vector<16xf32>
      %get3A_406 = arith.index_cast %scan3A_154 : i32 to index
      %get3A_407 = arith.constant 240 : index
      %get3A_408 = tpu.vector_load %arg13[%get3A_406, %get3A_407] {strides = array<i32>} : memref<64x768xf32, #tpu.memory_space<vmem>>, vector<1x16xf32>,
      %get3A_409 = vector.shape_cast %get3A_408 : vector<1x16xf32> to vector<16xf32>
      %mul3A_410 = arith.mulf %get3A_405, %get3A_158 : vector<16xf32>
      %mul3A_411 = arith.mulf %get3A_409, %get3A_162 : vector<16xf32>
      %add3A_412 = arith.addf %mul3A_410, %mul3A_411 : vector<16xf32>
      %swap3A_413 = arith.index_cast %scan3A_154 : i32 to index
      %swap3A_414 = arith.constant 240 : index
      %swap3A_415 = tpu.vector_load %arg12[%swap3A_413, %swap3A_414] {strides = array<i32>} : memref<64x768xf32, #tpu.memory_space<vmem>>, vector<1x16xf32>,
      %swap3A_416 = vector.shape_cast %swap3A_415 : vector<1x16xf32> to vector<16xf32>
      %swap3A_417 = vector.shape_cast %add3A_412 : vector<16xf32> to vector<1x16xf32>
      tpu.vector_store %arg12[%swap3A_413, %swap3A_414], %swap3A_417 {strides = array<i32>} : memref<64x768xf32, #tpu.memory_space<vmem>>, vector<1x16xf32>,
      %get3A_418 = arith.index_cast %scan3A_154 : i32 to index
      %get3A_419 = arith.constant 256 : index
      %get3A_420 = tpu.vector_load %arg12[%get3A_418, %get3A_419] {strides = array<i32>} : memref<64x768xf32, #tpu.memory_space<vmem>>, vector<1x16xf32>,
      %get3A_421 = vector.shape_cast %get3A_420 : vector<1x16xf32> to vector<16xf32>
      %get3A_422 = arith.index_cast %scan3A_154 : i32 to index
      %get3A_423 = arith.constant 256 : index
      %get3A_424 = tpu.vector_load %arg13[%get3A_422, %get3A_423] {strides = array<i32>} : memref<64x768xf32, #tpu.memory_space<vmem>>, vector<1x16xf32>,
      %get3A_425 = vector.shape_cast %get3A_424 : vector<1x16xf32> to vector<16xf32>
      %mul3A_426 = arith.mulf %get3A_421, %get3A_158 : vector<16xf32>
      %mul3A_427 = arith.mulf %get3A_425, %get3A_162 : vector<16xf32>
      %add3A_428 = arith.addf %mul3A_426, %mul3A_427 : vector<16xf32>
      %swap3A_429 = arith.index_cast %scan3A_154 : i32 to index
      %swap3A_430 = arith.constant 256 : index
      %swap3A_431 = tpu.vector_load %arg12[%swap3A_429, %swap3A_430] {strides = array<i32>} : memref<64x768xf32, #tpu.memory_space<vmem>>, vector<1x16xf32>,
      %swap3A_432 = vector.shape_cast %swap3A_431 : vector<1x16xf32> to vector<16xf32>
      %swap3A_433 = vector.shape_cast %add3A_428 : vector<16xf32> to vector<1x16xf32>
      tpu.vector_store %arg12[%swap3A_429, %swap3A_430], %swap3A_433 {strides = array<i32>} : memref<64x768xf32, #tpu.memory_space<vmem>>, vector<1x16xf32>,
      %get3A_434 = arith.index_cast %scan3A_154 : i32 to index
      %get3A_435 = arith.constant 272 : index
      %get3A_436 = tpu.vector_load %arg12[%get3A_434, %get3A_435] {strides = array<i32>} : memref<64x768xf32, #tpu.memory_space<vmem>>, vector<1x16xf32>,
      %get3A_437 = vector.shape_cast %get3A_436 : vector<1x16xf32> to vector<16xf32>
      %get3A_438 = arith.index_cast %scan3A_154 : i32 to index
      %get3A_439 = arith.constant 272 : index
      %get3A_440 = tpu.vector_load %arg13[%get3A_438, %get3A_439] {strides = array<i32>} : memref<64x768xf32, #tpu.memory_space<vmem>>, vector<1x16xf32>,
      %get3A_441 = vector.shape_cast %get3A_440 : vector<1x16xf32> to vector<16xf32>
      %mul3A_442 = arith.mulf %get3A_437, %get3A_158 : vector<16xf32>
      %mul3A_443 = arith.mulf %get3A_441, %get3A_162 : vector<16xf32>
      %add3A_444 = arith.addf %mul3A_442, %mul3A_443 : vector<16xf32>
      %swap3A_445 = arith.index_cast %scan3A_154 : i32 to index
      %swap3A_446 = arith.constant 272 : index
      %swap3A_447 = tpu.vector_load %arg12[%swap3A_445, %swap3A_446] {strides = array<i32>} : memref<64x768xf32, #tpu.memory_space<vmem>>, vector<1x16xf32>,
      %swap3A_448 = vector.shape_cast %swap3A_447 : vector<1x16xf32> to vector<16xf32>
      %swap3A_449 = vector.shape_cast %add3A_444 : vector<16xf32> to vector<1x16xf32>
      tpu.vector_store %arg12[%swap3A_445, %swap3A_446], %swap3A_449 {strides = array<i32>} : memref<64x768xf32, #tpu.memory_space<vmem>>, vector<1x16xf32>,
      %get3A_450 = arith.index_cast %scan3A_154 : i32 to index
      %get3A_451 = arith.constant 288 : index
      %get3A_452 = tpu.vector_load %arg12[%get3A_450, %get3A_451] {strides = array<i32>} : memref<64x768xf32, #tpu.memory_space<vmem>>, vector<1x16xf32>,
      %get3A_453 = vector.shape_cast %get3A_452 : vector<1x16xf32> to vector<16xf32>
      %get3A_454 = arith.index_cast %scan3A_154 : i32 to index
      %get3A_455 = arith.constant 288 : index
      %get3A_456 = tpu.vector_load %arg13[%get3A_454, %get3A_455] {strides = array<i32>} : memref<64x768xf32, #tpu.memory_space<vmem>>, vector<1x16xf32>,
      %get3A_457 = vector.shape_cast %get3A_456 : vector<1x16xf32> to vector<16xf32>
      %mul3A_458 = arith.mulf %get3A_453, %get3A_158 : vector<16xf32>
      %mul3A_459 = arith.mulf %get3A_457, %get3A_162 : vector<16xf32>
      %add3A_460 = arith.addf %mul3A_458, %mul3A_459 : vector<16xf32>
      %swap3A_461 = arith.index_cast %scan3A_154 : i32 to index
      %swap3A_462 = arith.constant 288 : index
      %swap3A_463 = tpu.vector_load %arg12[%swap3A_461, %swap3A_462] {strides = array<i32>} : memref<64x768xf32, #tpu.memory_space<vmem>>, vector<1x16xf32>,
      %swap3A_464 = vector.shape_cast %swap3A_463 : vector<1x16xf32> to vector<16xf32>
      %swap3A_465 = vector.shape_cast %add3A_460 : vector<16xf32> to vector<1x16xf32>
      tpu.vector_store %arg12[%swap3A_461, %swap3A_462], %swap3A_465 {strides = array<i32>} : memref<64x768xf32, #tpu.memory_space<vmem>>, vector<1x16xf32>,
      %get3A_466 = arith.index_cast %scan3A_154 : i32 to index
      %get3A_467 = arith.constant 304 : index
      %get3A_468 = tpu.vector_load %arg12[%get3A_466, %get3A_467] {strides = array<i32>} : memref<64x768xf32, #tpu.memory_space<vmem>>, vector<1x16xf32>,
      %get3A_469 = vector.shape_cast %get3A_468 : vector<1x16xf32> to vector<16xf32>
      %get3A_470 = arith.index_cast %scan3A_154 : i32 to index
      %get3A_471 = arith.constant 304 : index
      %get3A_472 = tpu.vector_load %arg13[%get3A_470, %get3A_471] {strides = array<i32>} : memref<64x768xf32, #tpu.memory_space<vmem>>, vector<1x16xf32>,
      %get3A_473 = vector.shape_cast %get3A_472 : vector<1x16xf32> to vector<16xf32>
      %mul3A_474 = arith.mulf %get3A_469, %get3A_158 : vector<16xf32>
      %mul3A_475 = arith.mulf %get3A_473, %get3A_162 : vector<16xf32>
      %add3A_476 = arith.addf %mul3A_474, %mul3A_475 : vector<16xf32>
      %swap3A_477 = arith.index_cast %scan3A_154 : i32 to index
      %swap3A_478 = arith.constant 304 : index
      %swap3A_479 = tpu.vector_load %arg12[%swap3A_477, %swap3A_478] {strides = array<i32>} : memref<64x768xf32, #tpu.memory_space<vmem>>, vector<1x16xf32>,
      %swap3A_480 = vector.shape_cast %swap3A_479 : vector<1x16xf32> to vector<16xf32>
      %swap3A_481 = vector.shape_cast %add3A_476 : vector<16xf32> to vector<1x16xf32>
      tpu.vector_store %arg12[%swap3A_477, %swap3A_478], %swap3A_481 {strides = array<i32>} : memref<64x768xf32, #tpu.memory_space<vmem>>, vector<1x16xf32>,
      %get3A_482 = arith.index_cast %scan3A_154 : i32 to index
      %get3A_483 = arith.constant 320 : index
      %get3A_484 = tpu.vector_load %arg12[%get3A_482, %get3A_483] {strides = array<i32>} : memref<64x768xf32, #tpu.memory_space<vmem>>, vector<1x16xf32>,
      %get3A_485 = vector.shape_cast %get3A_484 : vector<1x16xf32> to vector<16xf32>
      %get3A_486 = arith.index_cast %scan3A_154 : i32 to index
      %get3A_487 = arith.constant 320 : index
      %get3A_488 = tpu.vector_load %arg13[%get3A_486, %get3A_487] {strides = array<i32>} : memref<64x768xf32, #tpu.memory_space<vmem>>, vector<1x16xf32>,
      %get3A_489 = vector.shape_cast %get3A_488 : vector<1x16xf32> to vector<16xf32>
      %mul3A_490 = arith.mulf %get3A_485, %get3A_158 : vector<16xf32>
      %mul3A_491 = arith.mulf %get3A_489, %get3A_162 : vector<16xf32>
      %add3A_492 = arith.addf %mul3A_490, %mul3A_491 : vector<16xf32>
      %swap3A_493 = arith.index_cast %scan3A_154 : i32 to index
      %swap3A_494 = arith.constant 320 : index
      %swap3A_495 = tpu.vector_load %arg12[%swap3A_493, %swap3A_494] {strides = array<i32>} : memref<64x768xf32, #tpu.memory_space<vmem>>, vector<1x16xf32>,
      %swap3A_496 = vector.shape_cast %swap3A_495 : vector<1x16xf32> to vector<16xf32>
      %swap3A_497 = vector.shape_cast %add3A_492 : vector<16xf32> to vector<1x16xf32>
      tpu.vector_store %arg12[%swap3A_493, %swap3A_494], %swap3A_497 {strides = array<i32>} : memref<64x768xf32, #tpu.memory_space<vmem>>, vector<1x16xf32>,
      %get3A_498 = arith.index_cast %scan3A_154 : i32 to index
      %get3A_499 = arith.constant 336 : index
      %get3A_500 = tpu.vector_load %arg12[%get3A_498, %get3A_499] {strides = array<i32>} : memref<64x768xf32, #tpu.memory_space<vmem>>, vector<1x16xf32>,
      %get3A_501 = vector.shape_cast %get3A_500 : vector<1x16xf32> to vector<16xf32>
      %get3A_502 = arith.index_cast %scan3A_154 : i32 to index
      %get3A_503 = arith.constant 336 : index
      %get3A_504 = tpu.vector_load %arg13[%get3A_502, %get3A_503] {strides = array<i32>} : memref<64x768xf32, #tpu.memory_space<vmem>>, vector<1x16xf32>,
      %get3A_505 = vector.shape_cast %get3A_504 : vector<1x16xf32> to vector<16xf32>
      %mul3A_506 = arith.mulf %get3A_501, %get3A_158 : vector<16xf32>
      %mul3A_507 = arith.mulf %get3A_505, %get3A_162 : vector<16xf32>
      %add3A_508 = arith.addf %mul3A_506, %mul3A_507 : vector<16xf32>
      %swap3A_509 = arith.index_cast %scan3A_154 : i32 to index
      %swap3A_510 = arith.constant 336 : index
      %swap3A_511 = tpu.vector_load %arg12[%swap3A_509, %swap3A_510] {strides = array<i32>} : memref<64x768xf32, #tpu.memory_space<vmem>>, vector<1x16xf32>,
      %swap3A_512 = vector.shape_cast %swap3A_511 : vector<1x16xf32> to vector<16xf32>
      %swap3A_513 = vector.shape_cast %add3A_508 : vector<16xf32> to vector<1x16xf32>
      tpu.vector_store %arg12[%swap3A_509, %swap3A_510], %swap3A_513 {strides = array<i32>} : memref<64x768xf32, #tpu.memory_space<vmem>>, vector<1x16xf32>,
      %get3A_514 = arith.index_cast %scan3A_154 : i32 to index
      %get3A_515 = arith.constant 352 : index
      %get3A_516 = tpu.vector_load %arg12[%get3A_514, %get3A_515] {strides = array<i32>} : memref<64x768xf32, #tpu.memory_space<vmem>>, vector<1x16xf32>,
      %get3A_517 = vector.shape_cast %get3A_516 : vector<1x16xf32> to vector<16xf32>
      %get3A_518 = arith.index_cast %scan3A_154 : i32 to index
      %get3A_519 = arith.constant 352 : index
      %get3A_520 = tpu.vector_load %arg13[%get3A_518, %get3A_519] {strides = array<i32>} : memref<64x768xf32, #tpu.memory_space<vmem>>, vector<1x16xf32>,
      %get3A_521 = vector.shape_cast %get3A_520 : vector<1x16xf32> to vector<16xf32>
      %mul3A_522 = arith.mulf %get3A_517, %get3A_158 : vector<16xf32>
      %mul3A_523 = arith.mulf %get3A_521, %get3A_162 : vector<16xf32>
      %add3A_524 = arith.addf %mul3A_522, %mul3A_523 : vector<16xf32>
      %swap3A_525 = arith.index_cast %scan3A_154 : i32 to index
      %swap3A_526 = arith.constant 352 : index
      %swap3A_527 = tpu.vector_load %arg12[%swap3A_525, %swap3A_526] {strides = array<i32>} : memref<64x768xf32, #tpu.memory_space<vmem>>, vector<1x16xf32>,
      %swap3A_528 = vector.shape_cast %swap3A_527 : vector<1x16xf32> to vector<16xf32>
      %swap3A_529 = vector.shape_cast %add3A_524 : vector<16xf32> to vector<1x16xf32>
      tpu.vector_store %arg12[%swap3A_525, %swap3A_526], %swap3A_529 {strides = array<i32>} : memref<64x768xf32, #tpu.memory_space<vmem>>, vector<1x16xf32>,
      %get3A_530 = arith.index_cast %scan3A_154 : i32 to index
      %get3A_531 = arith.constant 368 : index
      %get3A_532 = tpu.vector_load %arg12[%get3A_530, %get3A_531] {strides = array<i32>} : memref<64x768xf32, #tpu.memory_space<vmem>>, vector<1x16xf32>,
      %get3A_533 = vector.shape_cast %get3A_532 : vector<1x16xf32> to vector<16xf32>
      %get3A_534 = arith.index_cast %scan3A_154 : i32 to index
      %get3A_535 = arith.constant 368 : index
      %get3A_536 = tpu.vector_load %arg13[%get3A_534, %get3A_535] {strides = array<i32>} : memref<64x768xf32, #tpu.memory_space<vmem>>, vector<1x16xf32>,
      %get3A_537 = vector.shape_cast %get3A_536 : vector<1x16xf32> to vector<16xf32>
      %mul3A_538 = arith.mulf %get3A_533, %get3A_158 : vector<16xf32>
      %mul3A_539 = arith.mulf %get3A_537, %get3A_162 : vector<16xf32>
      %add3A_540 = arith.addf %mul3A_538, %mul3A_539 : vector<16xf32>
      %swap3A_541 = arith.index_cast %scan3A_154 : i32 to index
      %swap3A_542 = arith.constant 368 : index
      %swap3A_543 = tpu.vector_load %arg12[%swap3A_541, %swap3A_542] {strides = array<i32>} : memref<64x768xf32, #tpu.memory_space<vmem>>, vector<1x16xf32>,
      %swap3A_544 = vector.shape_cast %swap3A_543 : vector<1x16xf32> to vector<16xf32>
      %swap3A_545 = vector.shape_cast %add3A_540 : vector<16xf32> to vector<1x16xf32>
      tpu.vector_store %arg12[%swap3A_541, %swap3A_542], %swap3A_545 {strides = array<i32>} : memref<64x768xf32, #tpu.memory_space<vmem>>, vector<1x16xf32>,
      %get3A_546 = arith.index_cast %scan3A_154 : i32 to index
      %get3A_547 = arith.constant 384 : index
      %get3A_548 = tpu.vector_load %arg12[%get3A_546, %get3A_547] {strides = array<i32>} : memref<64x768xf32, #tpu.memory_space<vmem>>, vector<1x16xf32>,
      %get3A_549 = vector.shape_cast %get3A_548 : vector<1x16xf32> to vector<16xf32>
      %get3A_550 = arith.index_cast %scan3A_154 : i32 to index
      %get3A_551 = arith.constant 384 : index
      %get3A_552 = tpu.vector_load %arg13[%get3A_550, %get3A_551] {strides = array<i32>} : memref<64x768xf32, #tpu.memory_space<vmem>>, vector<1x16xf32>,
      %get3A_553 = vector.shape_cast %get3A_552 : vector<1x16xf32> to vector<16xf32>
      %mul3A_554 = arith.mulf %get3A_549, %get3A_158 : vector<16xf32>
      %mul3A_555 = arith.mulf %get3A_553, %get3A_162 : vector<16xf32>
      %add3A_556 = arith.addf %mul3A_554, %mul3A_555 : vector<16xf32>
      %swap3A_557 = arith.index_cast %scan3A_154 : i32 to index
      %swap3A_558 = arith.constant 384 : index
      %swap3A_559 = tpu.vector_load %arg12[%swap3A_557, %swap3A_558] {strides = array<i32>} : memref<64x768xf32, #tpu.memory_space<vmem>>, vector<1x16xf32>,
      %swap3A_560 = vector.shape_cast %swap3A_559 : vector<1x16xf32> to vector<16xf32>
      %swap3A_561 = vector.shape_cast %add3A_556 : vector<16xf32> to vector<1x16xf32>
      tpu.vector_store %arg12[%swap3A_557, %swap3A_558], %swap3A_561 {strides = array<i32>} : memref<64x768xf32, #tpu.memory_space<vmem>>, vector<1x16xf32>,
      %get3A_562 = arith.index_cast %scan3A_154 : i32 to index
      %get3A_563 = arith.constant 400 : index
      %get3A_564 = tpu.vector_load %arg12[%get3A_562, %get3A_563] {strides = array<i32>} : memref<64x768xf32, #tpu.memory_space<vmem>>, vector<1x16xf32>,
      %get3A_565 = vector.shape_cast %get3A_564 : vector<1x16xf32> to vector<16xf32>
      %get3A_566 = arith.index_cast %scan3A_154 : i32 to index
      %get3A_567 = arith.constant 400 : index
      %get3A_568 = tpu.vector_load %arg13[%get3A_566, %get3A_567] {strides = array<i32>} : memref<64x768xf32, #tpu.memory_space<vmem>>, vector<1x16xf32>,
      %get3A_569 = vector.shape_cast %get3A_568 : vector<1x16xf32> to vector<16xf32>
      %mul3A_570 = arith.mulf %get3A_565, %get3A_158 : vector<16xf32>
      %mul3A_571 = arith.mulf %get3A_569, %get3A_162 : vector<16xf32>
      %add3A_572 = arith.addf %mul3A_570, %mul3A_571 : vector<16xf32>
      %swap3A_573 = arith.index_cast %scan3A_154 : i32 to index
      %swap3A_574 = arith.constant 400 : index
      %swap3A_575 = tpu.vector_load %arg12[%swap3A_573, %swap3A_574] {strides = array<i32>} : memref<64x768xf32, #tpu.memory_space<vmem>>, vector<1x16xf32>,
      %swap3A_576 = vector.shape_cast %swap3A_575 : vector<1x16xf32> to vector<16xf32>
      %swap3A_577 = vector.shape_cast %add3A_572 : vector<16xf32> to vector<1x16xf32>
      tpu.vector_store %arg12[%swap3A_573, %swap3A_574], %swap3A_577 {strides = array<i32>} : memref<64x768xf32, #tpu.memory_space<vmem>>, vector<1x16xf32>,
      %get3A_578 = arith.index_cast %scan3A_154 : i32 to index
      %get3A_579 = arith.constant 416 : index
      %get3A_580 = tpu.vector_load %arg12[%get3A_578, %get3A_579] {strides = array<i32>} : memref<64x768xf32, #tpu.memory_space<vmem>>, vector<1x16xf32>,
      %get3A_581 = vector.shape_cast %get3A_580 : vector<1x16xf32> to vector<16xf32>
      %get3A_582 = arith.index_cast %scan3A_154 : i32 to index
      %get3A_583 = arith.constant 416 : index
      %get3A_584 = tpu.vector_load %arg13[%get3A_582, %get3A_583] {strides = array<i32>} : memref<64x768xf32, #tpu.memory_space<vmem>>, vector<1x16xf32>,
      %get3A_585 = vector.shape_cast %get3A_584 : vector<1x16xf32> to vector<16xf32>
      %mul3A_586 = arith.mulf %get3A_581, %get3A_158 : vector<16xf32>
      %mul3A_587 = arith.mulf %get3A_585, %get3A_162 : vector<16xf32>
      %add3A_588 = arith.addf %mul3A_586, %mul3A_587 : vector<16xf32>
      %swap3A_589 = arith.index_cast %scan3A_154 : i32 to index
      %swap3A_590 = arith.constant 416 : index
      %swap3A_591 = tpu.vector_load %arg12[%swap3A_589, %swap3A_590] {strides = array<i32>} : memref<64x768xf32, #tpu.memory_space<vmem>>, vector<1x16xf32>,
      %swap3A_592 = vector.shape_cast %swap3A_591 : vector<1x16xf32> to vector<16xf32>
      %swap3A_593 = vector.shape_cast %add3A_588 : vector<16xf32> to vector<1x16xf32>
      tpu.vector_store %arg12[%swap3A_589, %swap3A_590], %swap3A_593 {strides = array<i32>} : memref<64x768xf32, #tpu.memory_space<vmem>>, vector<1x16xf32>,
      %get3A_594 = arith.index_cast %scan3A_154 : i32 to index
      %get3A_595 = arith.constant 432 : index
      %get3A_596 = tpu.vector_load %arg12[%get3A_594, %get3A_595] {strides = array<i32>} : memref<64x768xf32, #tpu.memory_space<vmem>>, vector<1x16xf32>,
      %get3A_597 = vector.shape_cast %get3A_596 : vector<1x16xf32> to vector<16xf32>
      %get3A_598 = arith.index_cast %scan3A_154 : i32 to index
      %get3A_599 = arith.constant 432 : index
      %get3A_600 = tpu.vector_load %arg13[%get3A_598, %get3A_599] {strides = array<i32>} : memref<64x768xf32, #tpu.memory_space<vmem>>, vector<1x16xf32>,
      %get3A_601 = vector.shape_cast %get3A_600 : vector<1x16xf32> to vector<16xf32>
      %mul3A_602 = arith.mulf %get3A_597, %get3A_158 : vector<16xf32>
      %mul3A_603 = arith.mulf %get3A_601, %get3A_162 : vector<16xf32>
      %add3A_604 = arith.addf %mul3A_602, %mul3A_603 : vector<16xf32>
      %swap3A_605 = arith.index_cast %scan3A_154 : i32 to index
      %swap3A_606 = arith.constant 432 : index
      %swap3A_607 = tpu.vector_load %arg12[%swap3A_605, %swap3A_606] {strides = array<i32>} : memref<64x768xf32, #tpu.memory_space<vmem>>, vector<1x16xf32>,
      %swap3A_608 = vector.shape_cast %swap3A_607 : vector<1x16xf32> to vector<16xf32>
      %swap3A_609 = vector.shape_cast %add3A_604 : vector<16xf32> to vector<1x16xf32>
      tpu.vector_store %arg12[%swap3A_605, %swap3A_606], %swap3A_609 {strides = array<i32>} : memref<64x768xf32, #tpu.memory_space<vmem>>, vector<1x16xf32>,
      %get3A_610 = arith.index_cast %scan3A_154 : i32 to index
      %get3A_611 = arith.constant 448 : index
      %get3A_612 = tpu.vector_load %arg12[%get3A_610, %get3A_611] {strides = array<i32>} : memref<64x768xf32, #tpu.memory_space<vmem>>, vector<1x16xf32>,
      %get3A_613 = vector.shape_cast %get3A_612 : vector<1x16xf32> to vector<16xf32>
      %get3A_614 = arith.index_cast %scan3A_154 : i32 to index
      %get3A_615 = arith.constant 448 : index
      %get3A_616 = tpu.vector_load %arg13[%get3A_614, %get3A_615] {strides = array<i32>} : memref<64x768xf32, #tpu.memory_space<vmem>>, vector<1x16xf32>,
      %get3A_617 = vector.shape_cast %get3A_616 : vector<1x16xf32> to vector<16xf32>
      %mul3A_618 = arith.mulf %get3A_613, %get3A_158 : vector<16xf32>
      %mul3A_619 = arith.mulf %get3A_617, %get3A_162 : vector<16xf32>
      %add3A_620 = arith.addf %mul3A_618, %mul3A_619 : vector<16xf32>
      %swap3A_621 = arith.index_cast %scan3A_154 : i32 to index
      %swap3A_622 = arith.constant 448 : index
      %swap3A_623 = tpu.vector_load %arg12[%swap3A_621, %swap3A_622] {strides = array<i32>} : memref<64x768xf32, #tpu.memory_space<vmem>>, vector<1x16xf32>,
      %swap3A_624 = vector.shape_cast %swap3A_623 : vector<1x16xf32> to vector<16xf32>
      %swap3A_625 = vector.shape_cast %add3A_620 : vector<16xf32> to vector<1x16xf32>
      tpu.vector_store %arg12[%swap3A_621, %swap3A_622], %swap3A_625 {strides = array<i32>} : memref<64x768xf32, #tpu.memory_space<vmem>>, vector<1x16xf32>,
      %get3A_626 = arith.index_cast %scan3A_154 : i32 to index
      %get3A_627 = arith.constant 464 : index
      %get3A_628 = tpu.vector_load %arg12[%get3A_626, %get3A_627] {strides = array<i32>} : memref<64x768xf32, #tpu.memory_space<vmem>>, vector<1x16xf32>,
      %get3A_629 = vector.shape_cast %get3A_628 : vector<1x16xf32> to vector<16xf32>
      %get3A_630 = arith.index_cast %scan3A_154 : i32 to index
      %get3A_631 = arith.constant 464 : index
      %get3A_632 = tpu.vector_load %arg13[%get3A_630, %get3A_631] {strides = array<i32>} : memref<64x768xf32, #tpu.memory_space<vmem>>, vector<1x16xf32>,
      %get3A_633 = vector.shape_cast %get3A_632 : vector<1x16xf32> to vector<16xf32>
      %mul3A_634 = arith.mulf %get3A_629, %get3A_158 : vector<16xf32>
      %mul3A_635 = arith.mulf %get3A_633, %get3A_162 : vector<16xf32>
      %add3A_636 = arith.addf %mul3A_634, %mul3A_635 : vector<16xf32>
      %swap3A_637 = arith.index_cast %scan3A_154 : i32 to index
      %swap3A_638 = arith.constant 464 : index
      %swap3A_639 = tpu.vector_load %arg12[%swap3A_637, %swap3A_638] {strides = array<i32>} : memref<64x768xf32, #tpu.memory_space<vmem>>, vector<1x16xf32>,
      %swap3A_640 = vector.shape_cast %swap3A_639 : vector<1x16xf32> to vector<16xf32>
      %swap3A_641 = vector.shape_cast %add3A_636 : vector<16xf32> to vector<1x16xf32>
      tpu.vector_store %arg12[%swap3A_637, %swap3A_638], %swap3A_641 {strides = array<i32>} : memref<64x768xf32, #tpu.memory_space<vmem>>, vector<1x16xf32>,
      %get3A_642 = arith.index_cast %scan3A_154 : i32 to index
      %get3A_643 = arith.constant 480 : index
      %get3A_644 = tpu.vector_load %arg12[%get3A_642, %get3A_643] {strides = array<i32>} : memref<64x768xf32, #tpu.memory_space<vmem>>, vector<1x16xf32>,
      %get3A_645 = vector.shape_cast %get3A_644 : vector<1x16xf32> to vector<16xf32>
      %get3A_646 = arith.index_cast %scan3A_154 : i32 to index
      %get3A_647 = arith.constant 480 : index
      %get3A_648 = tpu.vector_load %arg13[%get3A_646, %get3A_647] {strides = array<i32>} : memref<64x768xf32, #tpu.memory_space<vmem>>, vector<1x16xf32>,
      %get3A_649 = vector.shape_cast %get3A_648 : vector<1x16xf32> to vector<16xf32>
      %mul3A_650 = arith.mulf %get3A_645, %get3A_158 : vector<16xf32>
      %mul3A_651 = arith.mulf %get3A_649, %get3A_162 : vector<16xf32>
      %add3A_652 = arith.addf %mul3A_650, %mul3A_651 : vector<16xf32>
      %swap3A_653 = arith.index_cast %scan3A_154 : i32 to index
      %swap3A_654 = arith.constant 480 : index
      %swap3A_655 = tpu.vector_load %arg12[%swap3A_653, %swap3A_654] {strides = array<i32>} : memref<64x768xf32, #tpu.memory_space<vmem>>, vector<1x16xf32>,
      %swap3A_656 = vector.shape_cast %swap3A_655 : vector<1x16xf32> to vector<16xf32>
      %swap3A_657 = vector.shape_cast %add3A_652 : vector<16xf32> to vector<1x16xf32>
      tpu.vector_store %arg12[%swap3A_653, %swap3A_654], %swap3A_657 {strides = array<i32>} : memref<64x768xf32, #tpu.memory_space<vmem>>, vector<1x16xf32>,
      %get3A_658 = arith.index_cast %scan3A_154 : i32 to index
      %get3A_659 = arith.constant 496 : index
      %get3A_660 = tpu.vector_load %arg12[%get3A_658, %get3A_659] {strides = array<i32>} : memref<64x768xf32, #tpu.memory_space<vmem>>, vector<1x16xf32>,
      %get3A_661 = vector.shape_cast %get3A_660 : vector<1x16xf32> to vector<16xf32>
      %get3A_662 = arith.index_cast %scan3A_154 : i32 to index
      %get3A_663 = arith.constant 496 : index
      %get3A_664 = tpu.vector_load %arg13[%get3A_662, %get3A_663] {strides = array<i32>} : memref<64x768xf32, #tpu.memory_space<vmem>>, vector<1x16xf32>,
      %get3A_665 = vector.shape_cast %get3A_664 : vector<1x16xf32> to vector<16xf32>
      %mul3A_666 = arith.mulf %get3A_661, %get3A_158 : vector<16xf32>
      %mul3A_667 = arith.mulf %get3A_665, %get3A_162 : vector<16xf32>
      %add3A_668 = arith.addf %mul3A_666, %mul3A_667 : vector<16xf32>
      %swap3A_669 = arith.index_cast %scan3A_154 : i32 to index
      %swap3A_670 = arith.constant 496 : index
      %swap3A_671 = tpu.vector_load %arg12[%swap3A_669, %swap3A_670] {strides = array<i32>} : memref<64x768xf32, #tpu.memory_space<vmem>>, vector<1x16xf32>,
      %swap3A_672 = vector.shape_cast %swap3A_671 : vector<1x16xf32> to vector<16xf32>
      %swap3A_673 = vector.shape_cast %add3A_668 : vector<16xf32> to vector<1x16xf32>
      tpu.vector_store %arg12[%swap3A_669, %swap3A_670], %swap3A_673 {strides = array<i32>} : memref<64x768xf32, #tpu.memory_space<vmem>>, vector<1x16xf32>,
      %get3A_674 = arith.index_cast %scan3A_154 : i32 to index
      %get3A_675 = arith.constant 512 : index
      %get3A_676 = tpu.vector_load %arg12[%get3A_674, %get3A_675] {strides = array<i32>} : memref<64x768xf32, #tpu.memory_space<vmem>>, vector<1x16xf32>,
      %get3A_677 = vector.shape_cast %get3A_676 : vector<1x16xf32> to vector<16xf32>
      %get3A_678 = arith.index_cast %scan3A_154 : i32 to index
      %get3A_679 = arith.constant 512 : index
      %get3A_680 = tpu.vector_load %arg13[%get3A_678, %get3A_679] {strides = array<i32>} : memref<64x768xf32, #tpu.memory_space<vmem>>, vector<1x16xf32>,
      %get3A_681 = vector.shape_cast %get3A_680 : vector<1x16xf32> to vector<16xf32>
      %mul3A_682 = arith.mulf %get3A_677, %get3A_158 : vector<16xf32>
      %mul3A_683 = arith.mulf %get3A_681, %get3A_162 : vector<16xf32>
      %add3A_684 = arith.addf %mul3A_682, %mul3A_683 : vector<16xf32>
      %swap3A_685 = arith.index_cast %scan3A_154 : i32 to index
      %swap3A_686 = arith.constant 512 : index
      %swap3A_687 = tpu.vector_load %arg12[%swap3A_685, %swap3A_686] {strides = array<i32>} : memref<64x768xf32, #tpu.memory_space<vmem>>, vector<1x16xf32>,
      %swap3A_688 = vector.shape_cast %swap3A_687 : vector<1x16xf32> to vector<16xf32>
      %swap3A_689 = vector.shape_cast %add3A_684 : vector<16xf32> to vector<1x16xf32>
      tpu.vector_store %arg12[%swap3A_685, %swap3A_686], %swap3A_689 {strides = array<i32>} : memref<64x768xf32, #tpu.memory_space<vmem>>, vector<1x16xf32>,
      %get3A_690 = arith.index_cast %scan3A_154 : i32 to index
      %get3A_691 = arith.constant 528 : index
      %get3A_692 = tpu.vector_load %arg12[%get3A_690, %get3A_691] {strides = array<i32>} : memref<64x768xf32, #tpu.memory_space<vmem>>, vector<1x16xf32>,
      %get3A_693 = vector.shape_cast %get3A_692 : vector<1x16xf32> to vector<16xf32>
      %get3A_694 = arith.index_cast %scan3A_154 : i32 to index
      %get3A_695 = arith.constant 528 : index
      %get3A_696 = tpu.vector_load %arg13[%get3A_694, %get3A_695] {strides = array<i32>} : memref<64x768xf32, #tpu.memory_space<vmem>>, vector<1x16xf32>,
      %get3A_697 = vector.shape_cast %get3A_696 : vector<1x16xf32> to vector<16xf32>
      %mul3A_698 = arith.mulf %get3A_693, %get3A_158 : vector<16xf32>
      %mul3A_699 = arith.mulf %get3A_697, %get3A_162 : vector<16xf32>
      %add3A_700 = arith.addf %mul3A_698, %mul3A_699 : vector<16xf32>
      %swap3A_701 = arith.index_cast %scan3A_154 : i32 to index
      %swap3A_702 = arith.constant 528 : index
      %swap3A_703 = tpu.vector_load %arg12[%swap3A_701, %swap3A_702] {strides = array<i32>} : memref<64x768xf32, #tpu.memory_space<vmem>>, vector<1x16xf32>,
      %swap3A_704 = vector.shape_cast %swap3A_703 : vector<1x16xf32> to vector<16xf32>
      %swap3A_705 = vector.shape_cast %add3A_700 : vector<16xf32> to vector<1x16xf32>
      tpu.vector_store %arg12[%swap3A_701, %swap3A_702], %swap3A_705 {strides = array<i32>} : memref<64x768xf32, #tpu.memory_space<vmem>>, vector<1x16xf32>,
      %get3A_706 = arith.index_cast %scan3A_154 : i32 to index
      %get3A_707 = arith.constant 544 : index
      %get3A_708 = tpu.vector_load %arg12[%get3A_706, %get3A_707] {strides = array<i32>} : memref<64x768xf32, #tpu.memory_space<vmem>>, vector<1x16xf32>,
      %get3A_709 = vector.shape_cast %get3A_708 : vector<1x16xf32> to vector<16xf32>
      %get3A_710 = arith.index_cast %scan3A_154 : i32 to index
      %get3A_711 = arith.constant 544 : index
      %get3A_712 = tpu.vector_load %arg13[%get3A_710, %get3A_711] {strides = array<i32>} : memref<64x768xf32, #tpu.memory_space<vmem>>, vector<1x16xf32>,
      %get3A_713 = vector.shape_cast %get3A_712 : vector<1x16xf32> to vector<16xf32>
      %mul3A_714 = arith.mulf %get3A_709, %get3A_158 : vector<16xf32>
      %mul3A_715 = arith.mulf %get3A_713, %get3A_162 : vector<16xf32>
      %add3A_716 = arith.addf %mul3A_714, %mul3A_715 : vector<16xf32>
      %swap3A_717 = arith.index_cast %scan3A_154 : i32 to index
      %swap3A_718 = arith.constant 544 : index
      %swap3A_719 = tpu.vector_load %arg12[%swap3A_717, %swap3A_718] {strides = array<i32>} : memref<64x768xf32, #tpu.memory_space<vmem>>, vector<1x16xf32>,
      %swap3A_720 = vector.shape_cast %swap3A_719 : vector<1x16xf32> to vector<16xf32>
      %swap3A_721 = vector.shape_cast %add3A_716 : vector<16xf32> to vector<1x16xf32>
      tpu.vector_store %arg12[%swap3A_717, %swap3A_718], %swap3A_721 {strides = array<i32>} : memref<64x768xf32, #tpu.memory_space<vmem>>, vector<1x16xf32>,
      %get3A_722 = arith.index_cast %scan3A_154 : i32 to index
      %get3A_723 = arith.constant 560 : index
      %get3A_724 = tpu.vector_load %arg12[%get3A_722, %get3A_723] {strides = array<i32>} : memref<64x768xf32, #tpu.memory_space<vmem>>, vector<1x16xf32>,
      %get3A_725 = vector.shape_cast %get3A_724 : vector<1x16xf32> to vector<16xf32>
      %get3A_726 = arith.index_cast %scan3A_154 : i32 to index
      %get3A_727 = arith.constant 560 : index
      %get3A_728 = tpu.vector_load %arg13[%get3A_726, %get3A_727] {strides = array<i32>} : memref<64x768xf32, #tpu.memory_space<vmem>>, vector<1x16xf32>,
      %get3A_729 = vector.shape_cast %get3A_728 : vector<1x16xf32> to vector<16xf32>
      %mul3A_730 = arith.mulf %get3A_725, %get3A_158 : vector<16xf32>
      %mul3A_731 = arith.mulf %get3A_729, %get3A_162 : vector<16xf32>
      %add3A_732 = arith.addf %mul3A_730, %mul3A_731 : vector<16xf32>
      %swap3A_733 = arith.index_cast %scan3A_154 : i32 to index
      %swap3A_734 = arith.constant 560 : index
      %swap3A_735 = tpu.vector_load %arg12[%swap3A_733, %swap3A_734] {strides = array<i32>} : memref<64x768xf32, #tpu.memory_space<vmem>>, vector<1x16xf32>,
      %swap3A_736 = vector.shape_cast %swap3A_735 : vector<1x16xf32> to vector<16xf32>
      %swap3A_737 = vector.shape_cast %add3A_732 : vector<16xf32> to vector<1x16xf32>
      tpu.vector_store %arg12[%swap3A_733, %swap3A_734], %swap3A_737 {strides = array<i32>} : memref<64x768xf32, #tpu.memory_space<vmem>>, vector<1x16xf32>,
      %get3A_738 = arith.index_cast %scan3A_154 : i32 to index
      %get3A_739 = arith.constant 576 : index
      %get3A_740 = tpu.vector_load %arg12[%get3A_738, %get3A_739] {strides = array<i32>} : memref<64x768xf32, #tpu.memory_space<vmem>>, vector<1x16xf32>,
      %get3A_741 = vector.shape_cast %get3A_740 : vector<1x16xf32> to vector<16xf32>
      %get3A_742 = arith.index_cast %scan3A_154 : i32 to index
      %get3A_743 = arith.constant 576 : index
      %get3A_744 = tpu.vector_load %arg13[%get3A_742, %get3A_743] {strides = array<i32>} : memref<64x768xf32, #tpu.memory_space<vmem>>, vector<1x16xf32>,
      %get3A_745 = vector.shape_cast %get3A_744 : vector<1x16xf32> to vector<16xf32>
      %mul3A_746 = arith.mulf %get3A_741, %get3A_158 : vector<16xf32>
      %mul3A_747 = arith.mulf %get3A_745, %get3A_162 : vector<16xf32>
      %add3A_748 = arith.addf %mul3A_746, %mul3A_747 : vector<16xf32>
      %swap3A_749 = arith.index_cast %scan3A_154 : i32 to index
      %swap3A_750 = arith.constant 576 : index
      %swap3A_751 = tpu.vector_load %arg12[%swap3A_749, %swap3A_750] {strides = array<i32>} : memref<64x768xf32, #tpu.memory_space<vmem>>, vector<1x16xf32>,
      %swap3A_752 = vector.shape_cast %swap3A_751 : vector<1x16xf32> to vector<16xf32>
      %swap3A_753 = vector.shape_cast %add3A_748 : vector<16xf32> to vector<1x16xf32>
      tpu.vector_store %arg12[%swap3A_749, %swap3A_750], %swap3A_753 {strides = array<i32>} : memref<64x768xf32, #tpu.memory_space<vmem>>, vector<1x16xf32>,
      %get3A_754 = arith.index_cast %scan3A_154 : i32 to index
      %get3A_755 = arith.constant 592 : index
      %get3A_756 = tpu.vector_load %arg12[%get3A_754, %get3A_755] {strides = array<i32>} : memref<64x768xf32, #tpu.memory_space<vmem>>, vector<1x16xf32>,
      %get3A_757 = vector.shape_cast %get3A_756 : vector<1x16xf32> to vector<16xf32>
      %get3A_758 = arith.index_cast %scan3A_154 : i32 to index
      %get3A_759 = arith.constant 592 : index
      %get3A_760 = tpu.vector_load %arg13[%get3A_758, %get3A_759] {strides = array<i32>} : memref<64x768xf32, #tpu.memory_space<vmem>>, vector<1x16xf32>,
      %get3A_761 = vector.shape_cast %get3A_760 : vector<1x16xf32> to vector<16xf32>
      %mul3A_762 = arith.mulf %get3A_757, %get3A_158 : vector<16xf32>
      %mul3A_763 = arith.mulf %get3A_761, %get3A_162 : vector<16xf32>
      %add3A_764 = arith.addf %mul3A_762, %mul3A_763 : vector<16xf32>
      %swap3A_765 = arith.index_cast %scan3A_154 : i32 to index
      %swap3A_766 = arith.constant 592 : index
      %swap3A_767 = tpu.vector_load %arg12[%swap3A_765, %swap3A_766] {strides = array<i32>} : memref<64x768xf32, #tpu.memory_space<vmem>>, vector<1x16xf32>,
      %swap3A_768 = vector.shape_cast %swap3A_767 : vector<1x16xf32> to vector<16xf32>
      %swap3A_769 = vector.shape_cast %add3A_764 : vector<16xf32> to vector<1x16xf32>
      tpu.vector_store %arg12[%swap3A_765, %swap3A_766], %swap3A_769 {strides = array<i32>} : memref<64x768xf32, #tpu.memory_space<vmem>>, vector<1x16xf32>,
      %get3A_770 = arith.index_cast %scan3A_154 : i32 to index
      %get3A_771 = arith.constant 608 : index
      %get3A_772 = tpu.vector_load %arg12[%get3A_770, %get3A_771] {strides = array<i32>} : memref<64x768xf32, #tpu.memory_space<vmem>>, vector<1x16xf32>,
      %get3A_773 = vector.shape_cast %get3A_772 : vector<1x16xf32> to vector<16xf32>
      %get3A_774 = arith.index_cast %scan3A_154 : i32 to index
      %get3A_775 = arith.constant 608 : index
      %get3A_776 = tpu.vector_load %arg13[%get3A_774, %get3A_775] {strides = array<i32>} : memref<64x768xf32, #tpu.memory_space<vmem>>, vector<1x16xf32>,
      %get3A_777 = vector.shape_cast %get3A_776 : vector<1x16xf32> to vector<16xf32>
      %mul3A_778 = arith.mulf %get3A_773, %get3A_158 : vector<16xf32>
      %mul3A_779 = arith.mulf %get3A_777, %get3A_162 : vector<16xf32>
      %add3A_780 = arith.addf %mul3A_778, %mul3A_779 : vector<16xf32>
      %swap3A_781 = arith.index_cast %scan3A_154 : i32 to index
      %swap3A_782 = arith.constant 608 : index
      %swap3A_783 = tpu.vector_load %arg12[%swap3A_781, %swap3A_782] {strides = array<i32>} : memref<64x768xf32, #tpu.memory_space<vmem>>, vector<1x16xf32>,
      %swap3A_784 = vector.shape_cast %swap3A_783 : vector<1x16xf32> to vector<16xf32>
      %swap3A_785 = vector.shape_cast %add3A_780 : vector<16xf32> to vector<1x16xf32>
      tpu.vector_store %arg12[%swap3A_781, %swap3A_782], %swap3A_785 {strides = array<i32>} : memref<64x768xf32, #tpu.memory_space<vmem>>, vector<1x16xf32>,
      %get3A_786 = arith.index_cast %scan3A_154 : i32 to index
      %get3A_787 = arith.constant 624 : index
      %get3A_788 = tpu.vector_load %arg12[%get3A_786, %get3A_787] {strides = array<i32>} : memref<64x768xf32, #tpu.memory_space<vmem>>, vector<1x16xf32>,
      %get3A_789 = vector.shape_cast %get3A_788 : vector<1x16xf32> to vector<16xf32>
      %get3A_790 = arith.index_cast %scan3A_154 : i32 to index
      %get3A_791 = arith.constant 624 : index
      %get3A_792 = tpu.vector_load %arg13[%get3A_790, %get3A_791] {strides = array<i32>} : memref<64x768xf32, #tpu.memory_space<vmem>>, vector<1x16xf32>,
      %get3A_793 = vector.shape_cast %get3A_792 : vector<1x16xf32> to vector<16xf32>
      %mul3A_794 = arith.mulf %get3A_789, %get3A_158 : vector<16xf32>
      %mul3A_795 = arith.mulf %get3A_793, %get3A_162 : vector<16xf32>
      %add3A_796 = arith.addf %mul3A_794, %mul3A_795 : vector<16xf32>
      %swap3A_797 = arith.index_cast %scan3A_154 : i32 to index
      %swap3A_798 = arith.constant 624 : index
      %swap3A_799 = tpu.vector_load %arg12[%swap3A_797, %swap3A_798] {strides = array<i32>} : memref<64x768xf32, #tpu.memory_space<vmem>>, vector<1x16xf32>,
      %swap3A_800 = vector.shape_cast %swap3A_799 : vector<1x16xf32> to vector<16xf32>
      %swap3A_801 = vector.shape_cast %add3A_796 : vector<16xf32> to vector<1x16xf32>
      tpu.vector_store %arg12[%swap3A_797, %swap3A_798], %swap3A_801 {strides = array<i32>} : memref<64x768xf32, #tpu.memory_space<vmem>>, vector<1x16xf32>,
      %get3A_802 = arith.index_cast %scan3A_154 : i32 to index
      %get3A_803 = arith.constant 640 : index
      %get3A_804 = tpu.vector_load %arg12[%get3A_802, %get3A_803] {strides = array<i32>} : memref<64x768xf32, #tpu.memory_space<vmem>>, vector<1x16xf32>,
      %get3A_805 = vector.shape_cast %get3A_804 : vector<1x16xf32> to vector<16xf32>
      %get3A_806 = arith.index_cast %scan3A_154 : i32 to index
      %get3A_807 = arith.constant 640 : index
      %get3A_808 = tpu.vector_load %arg13[%get3A_806, %get3A_807] {strides = array<i32>} : memref<64x768xf32, #tpu.memory_space<vmem>>, vector<1x16xf32>,
      %get3A_809 = vector.shape_cast %get3A_808 : vector<1x16xf32> to vector<16xf32>
      %mul3A_810 = arith.mulf %get3A_805, %get3A_158 : vector<16xf32>
      %mul3A_811 = arith.mulf %get3A_809, %get3A_162 : vector<16xf32>
      %add3A_812 = arith.addf %mul3A_810, %mul3A_811 : vector<16xf32>
      %swap3A_813 = arith.index_cast %scan3A_154 : i32 to index
      %swap3A_814 = arith.constant 640 : index
      %swap3A_815 = tpu.vector_load %arg12[%swap3A_813, %swap3A_814] {strides = array<i32>} : memref<64x768xf32, #tpu.memory_space<vmem>>, vector<1x16xf32>,
      %swap3A_816 = vector.shape_cast %swap3A_815 : vector<1x16xf32> to vector<16xf32>
      %swap3A_817 = vector.shape_cast %add3A_812 : vector<16xf32> to vector<1x16xf32>
      tpu.vector_store %arg12[%swap3A_813, %swap3A_814], %swap3A_817 {strides = array<i32>} : memref<64x768xf32, #tpu.memory_space<vmem>>, vector<1x16xf32>,
      %get3A_818 = arith.index_cast %scan3A_154 : i32 to index
      %get3A_819 = arith.constant 656 : index
      %get3A_820 = tpu.vector_load %arg12[%get3A_818, %get3A_819] {strides = array<i32>} : memref<64x768xf32, #tpu.memory_space<vmem>>, vector<1x16xf32>,
      %get3A_821 = vector.shape_cast %get3A_820 : vector<1x16xf32> to vector<16xf32>
      %get3A_822 = arith.index_cast %scan3A_154 : i32 to index
      %get3A_823 = arith.constant 656 : index
      %get3A_824 = tpu.vector_load %arg13[%get3A_822, %get3A_823] {strides = array<i32>} : memref<64x768xf32, #tpu.memory_space<vmem>>, vector<1x16xf32>,
      %get3A_825 = vector.shape_cast %get3A_824 : vector<1x16xf32> to vector<16xf32>
      %mul3A_826 = arith.mulf %get3A_821, %get3A_158 : vector<16xf32>
      %mul3A_827 = arith.mulf %get3A_825, %get3A_162 : vector<16xf32>
      %add3A_828 = arith.addf %mul3A_826, %mul3A_827 : vector<16xf32>
      %swap3A_829 = arith.index_cast %scan3A_154 : i32 to index
      %swap3A_830 = arith.constant 656 : index
      %swap3A_831 = tpu.vector_load %arg12[%swap3A_829, %swap3A_830] {strides = array<i32>} : memref<64x768xf32, #tpu.memory_space<vmem>>, vector<1x16xf32>,
      %swap3A_832 = vector.shape_cast %swap3A_831 : vector<1x16xf32> to vector<16xf32>
      %swap3A_833 = vector.shape_cast %add3A_828 : vector<16xf32> to vector<1x16xf32>
      tpu.vector_store %arg12[%swap3A_829, %swap3A_830], %swap3A_833 {strides = array<i32>} : memref<64x768xf32, #tpu.memory_space<vmem>>, vector<1x16xf32>,
      %get3A_834 = arith.index_cast %scan3A_154 : i32 to index
      %get3A_835 = arith.constant 672 : index
      %get3A_836 = tpu.vector_load %arg12[%get3A_834, %get3A_835] {strides = array<i32>} : memref<64x768xf32, #tpu.memory_space<vmem>>, vector<1x16xf32>,
      %get3A_837 = vector.shape_cast %get3A_836 : vector<1x16xf32> to vector<16xf32>
      %get3A_838 = arith.index_cast %scan3A_154 : i32 to index
      %get3A_839 = arith.constant 672 : index
      %get3A_840 = tpu.vector_load %arg13[%get3A_838, %get3A_839] {strides = array<i32>} : memref<64x768xf32, #tpu.memory_space<vmem>>, vector<1x16xf32>,
      %get3A_841 = vector.shape_cast %get3A_840 : vector<1x16xf32> to vector<16xf32>
      %mul3A_842 = arith.mulf %get3A_837, %get3A_158 : vector<16xf32>
      %mul3A_843 = arith.mulf %get3A_841, %get3A_162 : vector<16xf32>
      %add3A_844 = arith.addf %mul3A_842, %mul3A_843 : vector<16xf32>
      %swap3A_845 = arith.index_cast %scan3A_154 : i32 to index
      %swap3A_846 = arith.constant 672 : index
      %swap3A_847 = tpu.vector_load %arg12[%swap3A_845, %swap3A_846] {strides = array<i32>} : memref<64x768xf32, #tpu.memory_space<vmem>>, vector<1x16xf32>,
      %swap3A_848 = vector.shape_cast %swap3A_847 : vector<1x16xf32> to vector<16xf32>
      %swap3A_849 = vector.shape_cast %add3A_844 : vector<16xf32> to vector<1x16xf32>
      tpu.vector_store %arg12[%swap3A_845, %swap3A_846], %swap3A_849 {strides = array<i32>} : memref<64x768xf32, #tpu.memory_space<vmem>>, vector<1x16xf32>,
      %get3A_850 = arith.index_cast %scan3A_154 : i32 to index
      %get3A_851 = arith.constant 688 : index
      %get3A_852 = tpu.vector_load %arg12[%get3A_850, %get3A_851] {strides = array<i32>} : memref<64x768xf32, #tpu.memory_space<vmem>>, vector<1x16xf32>,
      %get3A_853 = vector.shape_cast %get3A_852 : vector<1x16xf32> to vector<16xf32>
      %get3A_854 = arith.index_cast %scan3A_154 : i32 to index
      %get3A_855 = arith.constant 688 : index
      %get3A_856 = tpu.vector_load %arg13[%get3A_854, %get3A_855] {strides = array<i32>} : memref<64x768xf32, #tpu.memory_space<vmem>>, vector<1x16xf32>,
      %get3A_857 = vector.shape_cast %get3A_856 : vector<1x16xf32> to vector<16xf32>
      %mul3A_858 = arith.mulf %get3A_853, %get3A_158 : vector<16xf32>
      %mul3A_859 = arith.mulf %get3A_857, %get3A_162 : vector<16xf32>
      %add3A_860 = arith.addf %mul3A_858, %mul3A_859 : vector<16xf32>
      %swap3A_861 = arith.index_cast %scan3A_154 : i32 to index
      %swap3A_862 = arith.constant 688 : index
      %swap3A_863 = tpu.vector_load %arg12[%swap3A_861, %swap3A_862] {strides = array<i32>} : memref<64x768xf32, #tpu.memory_space<vmem>>, vector<1x16xf32>,
      %swap3A_864 = vector.shape_cast %swap3A_863 : vector<1x16xf32> to vector<16xf32>
      %swap3A_865 = vector.shape_cast %add3A_860 : vector<16xf32> to vector<1x16xf32>
      tpu.vector_store %arg12[%swap3A_861, %swap3A_862], %swap3A_865 {strides = array<i32>} : memref<64x768xf32, #tpu.memory_space<vmem>>, vector<1x16xf32>,
      %get3A_866 = arith.index_cast %scan3A_154 : i32 to index
      %get3A_867 = arith.constant 704 : index
      %get3A_868 = tpu.vector_load %arg12[%get3A_866, %get3A_867] {strides = array<i32>} : memref<64x768xf32, #tpu.memory_space<vmem>>, vector<1x16xf32>,
      %get3A_869 = vector.shape_cast %get3A_868 : vector<1x16xf32> to vector<16xf32>
      %get3A_870 = arith.index_cast %scan3A_154 : i32 to index
      %get3A_871 = arith.constant 704 : index
      %get3A_872 = tpu.vector_load %arg13[%get3A_870, %get3A_871] {strides = array<i32>} : memref<64x768xf32, #tpu.memory_space<vmem>>, vector<1x16xf32>,
      %get3A_873 = vector.shape_cast %get3A_872 : vector<1x16xf32> to vector<16xf32>
      %mul3A_874 = arith.mulf %get3A_869, %get3A_158 : vector<16xf32>
      %mul3A_875 = arith.mulf %get3A_873, %get3A_162 : vector<16xf32>
      %add3A_876 = arith.addf %mul3A_874, %mul3A_875 : vector<16xf32>
      %swap3A_877 = arith.index_cast %scan3A_154 : i32 to index
      %swap3A_878 = arith.constant 704 : index
      %swap3A_879 = tpu.vector_load %arg12[%swap3A_877, %swap3A_878] {strides = array<i32>} : memref<64x768xf32, #tpu.memory_space<vmem>>, vector<1x16xf32>,
      %swap3A_880 = vector.shape_cast %swap3A_879 : vector<1x16xf32> to vector<16xf32>
      %swap3A_881 = vector.shape_cast %add3A_876 : vector<16xf32> to vector<1x16xf32>
      tpu.vector_store %arg12[%swap3A_877, %swap3A_878], %swap3A_881 {strides = array<i32>} : memref<64x768xf32, #tpu.memory_space<vmem>>, vector<1x16xf32>,
      %get3A_882 = arith.index_cast %scan3A_154 : i32 to index
      %get3A_883 = arith.constant 720 : index
      %get3A_884 = tpu.vector_load %arg12[%get3A_882, %get3A_883] {strides = array<i32>} : memref<64x768xf32, #tpu.memory_space<vmem>>, vector<1x16xf32>,
      %get3A_885 = vector.shape_cast %get3A_884 : vector<1x16xf32> to vector<16xf32>
      %get3A_886 = arith.index_cast %scan3A_154 : i32 to index
      %get3A_887 = arith.constant 720 : index
      %get3A_888 = tpu.vector_load %arg13[%get3A_886, %get3A_887] {strides = array<i32>} : memref<64x768xf32, #tpu.memory_space<vmem>>, vector<1x16xf32>,
      %get3A_889 = vector.shape_cast %get3A_888 : vector<1x16xf32> to vector<16xf32>
      %mul3A_890 = arith.mulf %get3A_885, %get3A_158 : vector<16xf32>
      %mul3A_891 = arith.mulf %get3A_889, %get3A_162 : vector<16xf32>
      %add3A_892 = arith.addf %mul3A_890, %mul3A_891 : vector<16xf32>
      %swap3A_893 = arith.index_cast %scan3A_154 : i32 to index
      %swap3A_894 = arith.constant 720 : index
      %swap3A_895 = tpu.vector_load %arg12[%swap3A_893, %swap3A_894] {strides = array<i32>} : memref<64x768xf32, #tpu.memory_space<vmem>>, vector<1x16xf32>,
      %swap3A_896 = vector.shape_cast %swap3A_895 : vector<1x16xf32> to vector<16xf32>
      %swap3A_897 = vector.shape_cast %add3A_892 : vector<16xf32> to vector<1x16xf32>
      tpu.vector_store %arg12[%swap3A_893, %swap3A_894], %swap3A_897 {strides = array<i32>} : memref<64x768xf32, #tpu.memory_space<vmem>>, vector<1x16xf32>,
      %get3A_898 = arith.index_cast %scan3A_154 : i32 to index
      %get3A_899 = arith.constant 736 : index
      %get3A_900 = tpu.vector_load %arg12[%get3A_898, %get3A_899] {strides = array<i32>} : memref<64x768xf32, #tpu.memory_space<vmem>>, vector<1x16xf32>,
      %get3A_901 = vector.shape_cast %get3A_900 : vector<1x16xf32> to vector<16xf32>
      %get3A_902 = arith.index_cast %scan3A_154 : i32 to index
      %get3A_903 = arith.constant 736 : index
      %get3A_904 = tpu.vector_load %arg13[%get3A_902, %get3A_903] {strides = array<i32>} : memref<64x768xf32, #tpu.memory_space<vmem>>, vector<1x16xf32>,
      %get3A_905 = vector.shape_cast %get3A_904 : vector<1x16xf32> to vector<16xf32>
      %mul3A_906 = arith.mulf %get3A_901, %get3A_158 : vector<16xf32>
      %mul3A_907 = arith.mulf %get3A_905, %get3A_162 : vector<16xf32>
      %add3A_908 = arith.addf %mul3A_906, %mul3A_907 : vector<16xf32>
      %swap3A_909 = arith.index_cast %scan3A_154 : i32 to index
      %swap3A_910 = arith.constant 736 : index
      %swap3A_911 = tpu.vector_load %arg12[%swap3A_909, %swap3A_910] {strides = array<i32>} : memref<64x768xf32, #tpu.memory_space<vmem>>, vector<1x16xf32>,
      %swap3A_912 = vector.shape_cast %swap3A_911 : vector<1x16xf32> to vector<16xf32>
      %swap3A_913 = vector.shape_cast %add3A_908 : vector<16xf32> to vector<1x16xf32>
      tpu.vector_store %arg12[%swap3A_909, %swap3A_910], %swap3A_913 {strides = array<i32>} : memref<64x768xf32, #tpu.memory_space<vmem>>, vector<1x16xf32>,
      %get3A_914 = arith.index_cast %scan3A_154 : i32 to index
      %get3A_915 = arith.constant 752 : index
      %get3A_916 = tpu.vector_load %arg12[%get3A_914, %get3A_915] {strides = array<i32>} : memref<64x768xf32, #tpu.memory_space<vmem>>, vector<1x16xf32>,
      %get3A_917 = vector.shape_cast %get3A_916 : vector<1x16xf32> to vector<16xf32>
      %get3A_918 = arith.index_cast %scan3A_154 : i32 to index
      %get3A_919 = arith.constant 752 : index
      %get3A_920 = tpu.vector_load %arg13[%get3A_918, %get3A_919] {strides = array<i32>} : memref<64x768xf32, #tpu.memory_space<vmem>>, vector<1x16xf32>,
      %get3A_921 = vector.shape_cast %get3A_920 : vector<1x16xf32> to vector<16xf32>
      %mul3A_922 = arith.mulf %get3A_917, %get3A_158 : vector<16xf32>
      %mul3A_923 = arith.mulf %get3A_921, %get3A_162 : vector<16xf32>
      %add3A_924 = arith.addf %mul3A_922, %mul3A_923 : vector<16xf32>
      %swap3A_925 = arith.index_cast %scan3A_154 : i32 to index
      %swap3A_926 = arith.constant 752 : index
      %swap3A_927 = tpu.vector_load %arg12[%swap3A_925, %swap3A_926] {strides = array<i32>} : memref<64x768xf32, #tpu.memory_space<vmem>>, vector<1x16xf32>,
      %swap3A_928 = vector.shape_cast %swap3A_927 : vector<1x16xf32> to vector<16xf32>
      %swap3A_929 = vector.shape_cast %add3A_924 : vector<16xf32> to vector<1x16xf32>
      tpu.vector_store %arg12[%swap3A_925, %swap3A_926], %swap3A_929 {strides = array<i32>} : memref<64x768xf32, #tpu.memory_space<vmem>>, vector<1x16xf32>,
      %scan3A_930 = arith.constant 0 : i32
      scf.yield %scan3A_930 : i32
    }
    %scan3A_121 = arith.constant 32 : i32
    %add3A_122 = arith.constant 32 : i32
    %add3A_123 = arith.addi %mul3A_2, %add3A_122 : i32
    %dma_start3A_124 = arith.constant 32 : i32
    %dma_start3A_125 = arith.constant 0 : i32
    %dma_start3A_126 = tpu.memref_slice %arg12[%dma_start3A_124, %dma_start3A_125] : memref<64x768xf32, #tpu.memory_space<vmem>> -> memref<32x768xf32, #tpu.memory_space<vmem>>
    %dma_start3A_127 = arith.constant 0 : i32
    %dma_start3A_128 = tpu.memref_slice %arg7[%add3A_123, %dma_start3A_127] : memref<2048x768xf32, #tpu.memory_space<hbm>> -> memref<32x768xf32, #tpu.memory_space<hbm>>
    %dma_start3A_129 = arith.constant 0 : i32
    %dma_start3A_130 = tpu.memref_slice %arg7[%add3A_123, %dma_start3A_129] : memref<2048x768xf32, #tpu.memory_space<hbm>> -> memref<32x768xf32, #tpu.memory_space<hbm>>
    %dma_start3A_131 = arith.constant 32 : i32
    %dma_start3A_132 = arith.constant 0 : i32
    %dma_start3A_133 = tpu.memref_slice %arg12[%dma_start3A_131, %dma_start3A_132] : memref<64x768xf32, #tpu.memory_space<vmem>> -> memref<32x768xf32, #tpu.memory_space<vmem>>
    tpu.enqueue_dma source(%dma_start3A_133 : memref<32x768xf32, #tpu.memory_space<vmem>>) target(%dma_start3A_130 : memref<32x768xf32, #tpu.memory_space<hbm>>) target_semaphore(%arg16 : memref<!tpu.dma_semaphore, #tpu.memory_space<semaphore_mem>>)
    %dma_wait3A_134 = arith.constant 0 : i32
    %dma_wait3A_135 = arith.constant 0 : i32
    %dma_wait3A_136 = tpu.memref_slice %arg12[%dma_wait3A_134, %dma_wait3A_135] : memref<64x768xf32, #tpu.memory_space<vmem>> -> memref<32x768xf32, #tpu.memory_space<vmem>>
    %dma_wait3A_137 = arith.constant 0 : i32
    %dma_wait3A_138 = tpu.memref_slice %arg7[%add3A_88, %dma_wait3A_137] : memref<2048x768xf32, #tpu.memory_space<hbm>> -> memref<32x768xf32, #tpu.memory_space<hbm>>
    %dma_wait3A_139 = arith.constant 0 : i32
    %dma_wait3A_140 = tpu.memref_slice %arg7[%add3A_88, %dma_wait3A_139] : memref<2048x768xf32, #tpu.memory_space<hbm>> -> memref<32x768xf32, #tpu.memory_space<hbm>>
    %dma_wait3A_141 = arith.constant 0 : i32
    %dma_wait3A_142 = arith.constant 0 : i32
    %dma_wait3A_143 = tpu.memref_slice %arg12[%dma_wait3A_141, %dma_wait3A_142] : memref<64x768xf32, #tpu.memory_space<vmem>> -> memref<32x768xf32, #tpu.memory_space<vmem>>
    tpu.wait_dma2 semaphore(%arg16 : memref<!tpu.dma_semaphore, #tpu.memory_space<semaphore_mem>>) src(%dma_wait3A_143 : memref<32x768xf32, #tpu.memory_space<vmem>>) dst(%dma_wait3A_140 : memref<32x768xf32, #tpu.memory_space<hbm>>)
    %dma_wait3A_144 = arith.constant 32 : i32
    %dma_wait3A_145 = arith.constant 0 : i32
    %dma_wait3A_146 = tpu.memref_slice %arg12[%dma_wait3A_144, %dma_wait3A_145] : memref<64x768xf32, #tpu.memory_space<vmem>> -> memref<32x768xf32, #tpu.memory_space<vmem>>
    %dma_wait3A_147 = arith.constant 0 : i32
    %dma_wait3A_148 = tpu.memref_slice %arg7[%add3A_123, %dma_wait3A_147] : memref<2048x768xf32, #tpu.memory_space<hbm>> -> memref<32x768xf32, #tpu.memory_space<hbm>>
    %dma_wait3A_149 = arith.constant 0 : i32
    %dma_wait3A_150 = tpu.memref_slice %arg7[%add3A_123, %dma_wait3A_149] : memref<2048x768xf32, #tpu.memory_space<hbm>> -> memref<32x768xf32, #tpu.memory_space<hbm>>
    %dma_wait3A_151 = arith.constant 32 : i32
    %dma_wait3A_152 = arith.constant 0 : i32
    %dma_wait3A_153 = tpu.memref_slice %arg12[%dma_wait3A_151, %dma_wait3A_152] : memref<64x768xf32, #tpu.memory_space<vmem>> -> memref<32x768xf32, #tpu.memory_space<vmem>>
    tpu.wait_dma2 semaphore(%arg16 : memref<!tpu.dma_semaphore, #tpu.memory_space<semaphore_mem>>) src(%dma_wait3A_153 : memref<32x768xf32, #tpu.memory_space<vmem>>) dst(%dma_wait3A_150 : memref<32x768xf32, #tpu.memory_space<hbm>>)
    return
  }
}

module attributes {stable_mosaic.version = 14 : i64} {
  func.func @_route_body(%arg0: memref<2048x768xf32, #tpu.memory_space<vmem>>, %arg1: memref<8x768xf32, #tpu.memory_space<vmem>>, %arg2: memref<16x128xi32, #tpu.memory_space<vmem>>, %arg3: memref<16x128xi32, #tpu.memory_space<vmem>>, %arg4: memref<2048x16xf32, #tpu.memory_space<vmem>>, %arg5: memref<2048x16xf32, #tpu.memory_space<vmem>>, %arg6: memref<8x128xi32, #tpu.memory_space<vmem>>) attributes {dimension_semantics = [], scalar_prefetch = 0 : i64, scratch_operands = 0 : i64, tpu.core_type = #tpu.core_type<tc>} {
    %get3A = arith.constant 0 : index
    %get3A_0 = arith.constant 0 : index
    %get3A_1 = vector.load %arg0[%get3A, %get3A_0] : memref<2048x768xf32, #tpu.memory_space<vmem>>, vector<2048x768xf32>
    %get3A_2 = arith.constant 0 : index
    %get3A_3 = arith.constant 0 : index
    %get3A_4 = vector.load %arg1[%get3A_2, %get3A_3] : memref<8x768xf32, #tpu.memory_space<vmem>>, vector<8x768xf32>
    %dot_general3A = arith.constant dense<0.000000e+00> : vector<2048x8xf32>
    %dot_general3A_5 = tpu.matmul %get3A_1, %get3A_4, %dot_general3A {dimension_numbers = #tpu.dot_dimension_numbers<[1], [1], [0], [0], [0, 0, 1, 0], [], []>, transpose_lhs_hint = false} : vector<2048x768xf32>, vector<8x768xf32>, vector<2048x8xf32> -> vector<2048x8xf32>
    %broadcast_in_dim3A = arith.constant -1.000000e+30 : f32
    %broadcast_in_dim3A_6 = vector.broadcast %broadcast_in_dim3A : f32 to vector<2048x8xf32>
    %concatenate3A = tpu.concatenate %dot_general3A_5, %broadcast_in_dim3A_6 in 1 : vector<2048x8xf32>, vector<2048x8xf32> -> vector<2048x16xf32>
    %iota3A = tpu.iota {dimensions = array<i32: 1>} : vector<2048x16xi32>
    %lt3A = arith.constant 8 : i32
    %lt3A_7 = vector.broadcast %lt3A : i32 to vector<2048x16xi32>
    %lt3A_8 = arith.cmpi slt, %iota3A, %lt3A_7 : vector<2048x16xi32>
    %jit3A = arith.constant -1.000000e+30 : f32
    %broadcast_in_dim3A_9 = vector.broadcast %jit3A : f32 to vector<2048x16xf32>
    %select_n3A = arith.select %lt3A_8, %concatenate3A, %broadcast_in_dim3A_9 : vector<2048x16xi1>, vector<2048x16xf32>
    %reduce_max3A = arith.constant dense<0xFF800000> : vector<2048xf32>
    %reduce_max3A_10 = vector.multi_reduction <maximumf>, %select_n3A, %reduce_max3A [1] : vector<2048x16xf32> to vector<2048xf32>
    %broadcast_in_dim3A_11 = vector.shape_cast %reduce_max3A_10 : vector<2048xf32> to vector<2048x1xf32>
    %sub3A = vector.broadcast %broadcast_in_dim3A_11 : vector<2048x1xf32> to vector<2048x16xf32>
    %sub3A_12 = arith.subf %select_n3A, %sub3A : vector<2048x16xf32>
    %exp3A = math.exp %sub3A_12 : vector<2048x16xf32>
    %jit3A_13 = arith.constant 0.000000e+00 : f32
    %broadcast_in_dim3A_14 = vector.broadcast %jit3A_13 : f32 to vector<2048x16xf32>
    %select_n3A_15 = arith.select %lt3A_8, %exp3A, %broadcast_in_dim3A_14 : vector<2048x16xi1>, vector<2048x16xf32>
    %reduce_sum3A = arith.constant dense<0.000000e+00> : vector<2048xf32>
    %reduce_sum3A_16 = vector.multi_reduction <add>, %select_n3A_15, %reduce_sum3A [1] : vector<2048x16xf32> to vector<2048xf32>
    %broadcast_in_dim3A_17 = vector.shape_cast %reduce_sum3A_16 : vector<2048xf32> to vector<2048x1xf32>
    %div3A = vector.broadcast %broadcast_in_dim3A_17 : vector<2048x1xf32> to vector<2048x16xf32>
    %div3A_18 = arith.divf %select_n3A_15, %div3A : vector<2048x16xf32>
    %reduce_max3A_19 = arith.constant dense<0xFF800000> : vector<2048xf32>
    %reduce_max3A_20 = vector.multi_reduction <maximumf>, %div3A_18, %reduce_max3A_19 [1] : vector<2048x16xf32> to vector<2048xf32>
    %broadcast_in_dim3A_21 = vector.shape_cast %reduce_max3A_20 : vector<2048xf32> to vector<2048x1xf32>
    %eq3A = vector.broadcast %broadcast_in_dim3A_21 : vector<2048x1xf32> to vector<2048x16xf32>
    %eq3A_22 = arith.cmpf oeq, %div3A_18, %eq3A : vector<2048x16xf32>
    %jit3A_23 = arith.constant 127 : i32
    %broadcast_in_dim3A_24 = vector.broadcast %jit3A_23 : i32 to vector<2048x16xi32>
    %select_n3A_25 = arith.select %eq3A_22, %iota3A, %broadcast_in_dim3A_24 : vector<2048x16xi1>, vector<2048x16xi32>
    %reduce_min3A = arith.constant dense<2147483647> : vector<2048xi32>
    %reduce_min3A_26 = vector.multi_reduction <minsi>, %select_n3A_25, %reduce_min3A [1] : vector<2048x16xi32> to vector<2048xi32>
    %broadcast_in_dim3A_27 = vector.shape_cast %reduce_min3A_26 : vector<2048xi32> to vector<2048x1xi32>
    %eq3A_28 = vector.broadcast %broadcast_in_dim3A_27 : vector<2048x1xi32> to vector<2048x16xi32>
    %eq3A_29 = arith.cmpi eq, %iota3A, %eq3A_28 : vector<2048x16xi32>
    %jit3A_30 = arith.constant 0.000000e+00 : f32
    %broadcast_in_dim3A_31 = vector.broadcast %jit3A_30 : f32 to vector<2048x16xf32>
    %select_n3A_32 = arith.select %eq3A_29, %broadcast_in_dim3A_31, %div3A_18 : vector<2048x16xi1>, vector<2048x16xf32>
    %reduce_max3A_33 = arith.constant dense<0xFF800000> : vector<2048xf32>
    %reduce_max3A_34 = vector.multi_reduction <maximumf>, %select_n3A_32, %reduce_max3A_33 [1] : vector<2048x16xf32> to vector<2048xf32>
    %broadcast_in_dim3A_35 = vector.shape_cast %reduce_max3A_34 : vector<2048xf32> to vector<2048x1xf32>
    %eq3A_36 = vector.broadcast %broadcast_in_dim3A_35 : vector<2048x1xf32> to vector<2048x16xf32>
    %eq3A_37 = arith.cmpf oeq, %select_n3A_32, %eq3A_36 : vector<2048x16xf32>
    %jit3A_38 = arith.constant 127 : i32
    %broadcast_in_dim3A_39 = vector.broadcast %jit3A_38 : i32 to vector<2048x16xi32>
    %select_n3A_40 = arith.select %eq3A_37, %iota3A, %broadcast_in_dim3A_39 : vector<2048x16xi1>, vector<2048x16xi32>
    %reduce_min3A_41 = arith.constant dense<2147483647> : vector<2048xi32>
    %reduce_min3A_42 = vector.multi_reduction <minsi>, %select_n3A_40, %reduce_min3A_41 [1] : vector<2048x16xi32> to vector<2048xi32>
    %broadcast_in_dim3A_43 = vector.shape_cast %reduce_min3A_42 : vector<2048xi32> to vector<2048x1xi32>
    %mul3A = arith.constant 2 : i32
    %mul3A_44 = vector.broadcast %mul3A : i32 to vector<2048x1xi32>
    %mul3A_45 = arith.muli %mul3A_44, %broadcast_in_dim3A_27 : vector<2048x1xi32>
    %eq3A_46 = vector.broadcast %mul3A_45 : vector<2048x1xi32> to vector<2048x16xi32>
    %eq3A_47 = arith.cmpi eq, %iota3A, %eq3A_46 : vector<2048x16xi32>
    %mul3A_48 = arith.constant 2 : i32
    %mul3A_49 = vector.broadcast %mul3A_48 : i32 to vector<2048x1xi32>
    %mul3A_50 = arith.muli %mul3A_49, %broadcast_in_dim3A_43 : vector<2048x1xi32>
    %add3A = arith.constant 1 : i32
    %add3A_51 = vector.broadcast %add3A : i32 to vector<2048x1xi32>
    %add3A_52 = arith.addi %mul3A_50, %add3A_51 : vector<2048x1xi32>
    %eq3A_53 = vector.broadcast %add3A_52 : vector<2048x1xi32> to vector<2048x16xi32>
    %eq3A_54 = arith.cmpi eq, %iota3A, %eq3A_53 : vector<2048x16xi32>
    %or3A = arith.ori %eq3A_47, %eq3A_54 : vector<2048x16xi1>
    %convert_element_type3A = arith.extui %or3A : vector<2048x16xi1> to vector<2048x16xi32>
    %convert_element_type3A_55 = arith.sitofp %convert_element_type3A : vector<2048x16xi32> to vector<2048x16xf32>
    %broadcast_in_dim3A_56 = arith.constant 0.000000e+00 : f32
    %broadcast_in_dim3A_57 = vector.broadcast %broadcast_in_dim3A_56 : f32 to vector<1x16xf32>
    %slice3A = vector.extract_strided_slice %convert_element_type3A_55 {offsets = [0, 0], sizes = [2047, 16], strides = [1, 1]} : vector<2048x16xf32> to vector<2047x16xf32>
    %concatenate3A_58 = tpu.concatenate %broadcast_in_dim3A_57, %slice3A in 0 : vector<1x16xf32>, vector<2047x16xf32> -> vector<2048x16xf32>
    %add3A_59 = arith.addf %convert_element_type3A_55, %concatenate3A_58 : vector<2048x16xf32>
    %broadcast_in_dim3A_60 = arith.constant 0.000000e+00 : f32
    %broadcast_in_dim3A_61 = vector.broadcast %broadcast_in_dim3A_60 : f32 to vector<2x16xf32>
    %slice3A_62 = vector.extract_strided_slice %add3A_59 {offsets = [0, 0], sizes = [2046, 16], strides = [1, 1]} : vector<2048x16xf32> to vector<2046x16xf32>
    %concatenate3A_63 = tpu.concatenate %broadcast_in_dim3A_61, %slice3A_62 in 0 : vector<2x16xf32>, vector<2046x16xf32> -> vector<2048x16xf32>
    %add3A_64 = arith.addf %add3A_59, %concatenate3A_63 : vector<2048x16xf32>
    %broadcast_in_dim3A_65 = arith.constant 0.000000e+00 : f32
    %broadcast_in_dim3A_66 = vector.broadcast %broadcast_in_dim3A_65 : f32 to vector<4x16xf32>
    %slice3A_67 = vector.extract_strided_slice %add3A_64 {offsets = [0, 0], sizes = [2044, 16], strides = [1, 1]} : vector<2048x16xf32> to vector<2044x16xf32>
    %concatenate3A_68 = tpu.concatenate %broadcast_in_dim3A_66, %slice3A_67 in 0 : vector<4x16xf32>, vector<2044x16xf32> -> vector<2048x16xf32>
    %add3A_69 = arith.addf %add3A_64, %concatenate3A_68 : vector<2048x16xf32>
    %broadcast_in_dim3A_70 = arith.constant 0.000000e+00 : f32
    %broadcast_in_dim3A_71 = vector.broadcast %broadcast_in_dim3A_70 : f32 to vector<8x16xf32>
    %slice3A_72 = vector.extract_strided_slice %add3A_69 {offsets = [0, 0], sizes = [2040, 16], strides = [1, 1]} : vector<2048x16xf32> to vector<2040x16xf32>
    %concatenate3A_73 = tpu.concatenate %broadcast_in_dim3A_71, %slice3A_72 in 0 : vector<8x16xf32>, vector<2040x16xf32> -> vector<2048x16xf32>
    %add3A_74 = arith.addf %add3A_69, %concatenate3A_73 : vector<2048x16xf32>
    %broadcast_in_dim3A_75 = arith.constant 0.000000e+00 : f32
    %broadcast_in_dim3A_76 = vector.broadcast %broadcast_in_dim3A_75 : f32 to vector<16x16xf32>
    %slice3A_77 = vector.extract_strided_slice %add3A_74 {offsets = [0, 0], sizes = [2032, 16], strides = [1, 1]} : vector<2048x16xf32> to vector<2032x16xf32>
    %concatenate3A_78 = tpu.concatenate %broadcast_in_dim3A_76, %slice3A_77 in 0 : vector<16x16xf32>, vector<2032x16xf32> -> vector<2048x16xf32>
    %add3A_79 = arith.addf %add3A_74, %concatenate3A_78 : vector<2048x16xf32>
    %broadcast_in_dim3A_80 = arith.constant 0.000000e+00 : f32
    %broadcast_in_dim3A_81 = vector.broadcast %broadcast_in_dim3A_80 : f32 to vector<32x16xf32>
    %slice3A_82 = vector.extract_strided_slice %add3A_79 {offsets = [0, 0], sizes = [2016, 16], strides = [1, 1]} : vector<2048x16xf32> to vector<2016x16xf32>
    %concatenate3A_83 = tpu.concatenate %broadcast_in_dim3A_81, %slice3A_82 in 0 : vector<32x16xf32>, vector<2016x16xf32> -> vector<2048x16xf32>
    %add3A_84 = arith.addf %add3A_79, %concatenate3A_83 : vector<2048x16xf32>
    %broadcast_in_dim3A_85 = arith.constant 0.000000e+00 : f32
    %broadcast_in_dim3A_86 = vector.broadcast %broadcast_in_dim3A_85 : f32 to vector<64x16xf32>
    %slice3A_87 = vector.extract_strided_slice %add3A_84 {offsets = [0, 0], sizes = [1984, 16], strides = [1, 1]} : vector<2048x16xf32> to vector<1984x16xf32>
    %concatenate3A_88 = tpu.concatenate %broadcast_in_dim3A_86, %slice3A_87 in 0 : vector<64x16xf32>, vector<1984x16xf32> -> vector<2048x16xf32>
    %add3A_89 = arith.addf %add3A_84, %concatenate3A_88 : vector<2048x16xf32>
    %broadcast_in_dim3A_90 = arith.constant 0.000000e+00 : f32
    %broadcast_in_dim3A_91 = vector.broadcast %broadcast_in_dim3A_90 : f32 to vector<128x16xf32>
    %slice3A_92 = vector.extract_strided_slice %add3A_89 {offsets = [0, 0], sizes = [1920, 16], strides = [1, 1]} : vector<2048x16xf32> to vector<1920x16xf32>
    %concatenate3A_93 = tpu.concatenate %broadcast_in_dim3A_91, %slice3A_92 in 0 : vector<128x16xf32>, vector<1920x16xf32> -> vector<2048x16xf32>
    %add3A_94 = arith.addf %add3A_89, %concatenate3A_93 : vector<2048x16xf32>
    %broadcast_in_dim3A_95 = arith.constant 0.000000e+00 : f32
    %broadcast_in_dim3A_96 = vector.broadcast %broadcast_in_dim3A_95 : f32 to vector<256x16xf32>
    %slice3A_97 = vector.extract_strided_slice %add3A_94 {offsets = [0, 0], sizes = [1792, 16], strides = [1, 1]} : vector<2048x16xf32> to vector<1792x16xf32>
    %concatenate3A_98 = tpu.concatenate %broadcast_in_dim3A_96, %slice3A_97 in 0 : vector<256x16xf32>, vector<1792x16xf32> -> vector<2048x16xf32>
    %add3A_99 = arith.addf %add3A_94, %concatenate3A_98 : vector<2048x16xf32>
    %broadcast_in_dim3A_100 = arith.constant 0.000000e+00 : f32
    %broadcast_in_dim3A_101 = vector.broadcast %broadcast_in_dim3A_100 : f32 to vector<512x16xf32>
    %slice3A_102 = vector.extract_strided_slice %add3A_99 {offsets = [0, 0], sizes = [1536, 16], strides = [1, 1]} : vector<2048x16xf32> to vector<1536x16xf32>
    %concatenate3A_103 = tpu.concatenate %broadcast_in_dim3A_101, %slice3A_102 in 0 : vector<512x16xf32>, vector<1536x16xf32> -> vector<2048x16xf32>
    %add3A_104 = arith.addf %add3A_99, %concatenate3A_103 : vector<2048x16xf32>
    %broadcast_in_dim3A_105 = arith.constant 0.000000e+00 : f32
    %broadcast_in_dim3A_106 = vector.broadcast %broadcast_in_dim3A_105 : f32 to vector<1024x16xf32>
    %slice3A_107 = vector.extract_strided_slice %add3A_104 {offsets = [0, 0], sizes = [1024, 16], strides = [1, 1]} : vector<2048x16xf32> to vector<1024x16xf32>
    %concatenate3A_108 = tpu.concatenate %broadcast_in_dim3A_106, %slice3A_107 in 0 : vector<1024x16xf32>, vector<1024x16xf32> -> vector<2048x16xf32>
    %add3A_109 = arith.addf %add3A_104, %concatenate3A_108 : vector<2048x16xf32>
    %sub3A_110 = arith.subf %add3A_109, %convert_element_type3A_55 : vector<2048x16xf32>
    %slice3A_111 = vector.extract_strided_slice %add3A_109 {offsets = [2047, 0], sizes = [1, 16], strides = [1, 1]} : vector<2048x16xf32> to vector<1x16xf32>
    %iota3A_112 = tpu.iota {dimensions = array<i32: 1>} : vector<1x16xi32>
    %eq3A_113 = arith.constant 0 : i32
    %eq3A_114 = vector.broadcast %eq3A_113 : i32 to vector<1x16xi32>
    %eq3A_115 = arith.cmpi eq, %iota3A_112, %eq3A_114 : vector<1x16xi32>
    %eq3A_116 = arith.constant 1 : i32
    %eq3A_117 = vector.broadcast %eq3A_116 : i32 to vector<1x16xi32>
    %eq3A_118 = arith.cmpi eq, %iota3A_112, %eq3A_117 : vector<1x16xi32>
    %or3A_119 = arith.ori %eq3A_115, %eq3A_118 : vector<1x16xi1>
    %jit3A_120 = arith.constant 0.000000e+00 : f32
    %broadcast_in_dim3A_121 = vector.broadcast %jit3A_120 : f32 to vector<1x16xf32>
    %select_n3A_122 = arith.select %or3A_119, %slice3A_111, %broadcast_in_dim3A_121 : vector<1x16xi1>, vector<1x16xf32>
    %reduce_sum3A_123 = vector.shape_cast %select_n3A_122 : vector<1x16xf32> to vector<1x1x16xf32>
    %reduce_sum3A_124 = arith.constant dense<0.000000e+00> : vector<1xf32>
    %reduce_sum3A_125 = vector.multi_reduction <add>, %reduce_sum3A_123, %reduce_sum3A_124 [1, 2] : vector<1x1x16xf32> to vector<1xf32>
    %reduce_sum3A_126 = vector.shape_cast %reduce_sum3A_125 : vector<1xf32> to vector<1x1x1xf32>
    %reduce_sum3A_127 = vector.extract %reduce_sum3A_126[0, 0, 0] : f32 from vector<1x1x1xf32>
    %convert_element_type3A_128 = arith.fptosi %reduce_sum3A_127 : f32 to i32
    %add3A_129 = arith.constant 128 : i32
    %add3A_130 = arith.addi %convert_element_type3A_128, %add3A_129 : i32
    %sub3A_131 = arith.constant 1 : i32
    %sub3A_132 = arith.subi %add3A_130, %sub3A_131 : i32
    %jit3A_133 = arith.constant 128 : i32
    %div3A_134 = arith.divsi %sub3A_132, %jit3A_133 : i32
    %sign3A = arith.constant 0 : i32
    %sign3A_135 = arith.cmpi sgt, %sub3A_132, %sign3A : i32
    %sign3A_136 = arith.extui %sign3A_135 : i1 to i32
    %sign3A_137 = arith.constant 0 : i32
    %sign3A_138 = arith.cmpi slt, %sub3A_132, %sign3A_137 : i32
    %sign3A_139 = arith.extui %sign3A_138 : i1 to i32
    %sign3A_140 = arith.subi %sign3A_136, %sign3A_139 : i32
    %sign3A_141 = arith.constant 0 : i32
    %sign3A_142 = arith.cmpi sgt, %jit3A_133, %sign3A_141 : i32
    %sign3A_143 = arith.extui %sign3A_142 : i1 to i32
    %sign3A_144 = arith.constant 0 : i32
    %sign3A_145 = arith.cmpi slt, %jit3A_133, %sign3A_144 : i32
    %sign3A_146 = arith.extui %sign3A_145 : i1 to i32
    %sign3A_147 = arith.subi %sign3A_143, %sign3A_146 : i32
    %ne3A = arith.cmpi ne, %sign3A_140, %sign3A_147 : i32
    %rem3A = arith.remsi %sub3A_132, %jit3A_133 : i32
    %ne3A_148 = arith.constant 0 : i32
    %ne3A_149 = arith.cmpi ne, %rem3A, %ne3A_148 : i32
    %and3A = arith.andi %ne3A, %ne3A_149 : i1
    %sub3A_150 = arith.constant 1 : i32
    %sub3A_151 = arith.subi %div3A_134, %sub3A_150 : i32
    %select_n3A_152 = arith.select %and3A, %sub3A_151, %div3A_134 : i32
    %mul3A_153 = arith.constant 128 : i32
    %mul3A_154 = arith.muli %select_n3A_152, %mul3A_153 : i32
    %add3A_155 = arith.constant 0 : i32
    %add3A_156 = arith.addi %add3A_155, %mul3A_154 : i32
    %eq3A_157 = arith.constant 2 : i32
    %eq3A_158 = vector.broadcast %eq3A_157 : i32 to vector<1x16xi32>
    %eq3A_159 = arith.cmpi eq, %iota3A_112, %eq3A_158 : vector<1x16xi32>
    %eq3A_160 = arith.constant 3 : i32
    %eq3A_161 = vector.broadcast %eq3A_160 : i32 to vector<1x16xi32>
    %eq3A_162 = arith.cmpi eq, %iota3A_112, %eq3A_161 : vector<1x16xi32>
    %or3A_163 = arith.ori %eq3A_159, %eq3A_162 : vector<1x16xi1>
    %jit3A_164 = arith.constant 0.000000e+00 : f32
    %broadcast_in_dim3A_165 = vector.broadcast %jit3A_164 : f32 to vector<1x16xf32>
    %select_n3A_166 = arith.select %or3A_163, %slice3A_111, %broadcast_in_dim3A_165 : vector<1x16xi1>, vector<1x16xf32>
    %reduce_sum3A_167 = vector.shape_cast %select_n3A_166 : vector<1x16xf32> to vector<1x1x16xf32>
    %reduce_sum3A_168 = arith.constant dense<0.000000e+00> : vector<1xf32>
    %reduce_sum3A_169 = vector.multi_reduction <add>, %reduce_sum3A_167, %reduce_sum3A_168 [1, 2] : vector<1x1x16xf32> to vector<1xf32>
    %reduce_sum3A_170 = vector.shape_cast %reduce_sum3A_169 : vector<1xf32> to vector<1x1x1xf32>
    %reduce_sum3A_171 = vector.extract %reduce_sum3A_170[0, 0, 0] : f32 from vector<1x1x1xf32>
    %convert_element_type3A_172 = arith.fptosi %reduce_sum3A_171 : f32 to i32
    %add3A_173 = arith.constant 128 : i32
    %add3A_174 = arith.addi %convert_element_type3A_172, %add3A_173 : i32
    %sub3A_175 = arith.constant 1 : i32
    %sub3A_176 = arith.subi %add3A_174, %sub3A_175 : i32
    %jit3A_177 = arith.constant 128 : i32
    %div3A_178 = arith.divsi %sub3A_176, %jit3A_177 : i32
    %sign3A_179 = arith.constant 0 : i32
    %sign3A_180 = arith.cmpi sgt, %sub3A_176, %sign3A_179 : i32
    %sign3A_181 = arith.extui %sign3A_180 : i1 to i32
    %sign3A_182 = arith.constant 0 : i32
    %sign3A_183 = arith.cmpi slt, %sub3A_176, %sign3A_182 : i32
    %sign3A_184 = arith.extui %sign3A_183 : i1 to i32
    %sign3A_185 = arith.subi %sign3A_181, %sign3A_184 : i32
    %sign3A_186 = arith.constant 0 : i32
    %sign3A_187 = arith.cmpi sgt, %jit3A_177, %sign3A_186 : i32
    %sign3A_188 = arith.extui %sign3A_187 : i1 to i32
    %sign3A_189 = arith.constant 0 : i32
    %sign3A_190 = arith.cmpi slt, %jit3A_177, %sign3A_189 : i32
    %sign3A_191 = arith.extui %sign3A_190 : i1 to i32
    %sign3A_192 = arith.subi %sign3A_188, %sign3A_191 : i32
    %ne3A_193 = arith.cmpi ne, %sign3A_185, %sign3A_192 : i32
    %rem3A_194 = arith.remsi %sub3A_176, %jit3A_177 : i32
    %ne3A_195 = arith.constant 0 : i32
    %ne3A_196 = arith.cmpi ne, %rem3A_194, %ne3A_195 : i32
    %and3A_197 = arith.andi %ne3A_193, %ne3A_196 : i1
    %sub3A_198 = arith.constant 1 : i32
    %sub3A_199 = arith.subi %div3A_178, %sub3A_198 : i32
    %select_n3A_200 = arith.select %and3A_197, %sub3A_199, %div3A_178 : i32
    %mul3A_201 = arith.constant 128 : i32
    %mul3A_202 = arith.muli %select_n3A_200, %mul3A_201 : i32
    %add3A_203 = arith.addi %add3A_156, %mul3A_202 : i32
    %eq3A_204 = arith.constant 4 : i32
    %eq3A_205 = vector.broadcast %eq3A_204 : i32 to vector<1x16xi32>
    %eq3A_206 = arith.cmpi eq, %iota3A_112, %eq3A_205 : vector<1x16xi32>
    %eq3A_207 = arith.constant 5 : i32
    %eq3A_208 = vector.broadcast %eq3A_207 : i32 to vector<1x16xi32>
    %eq3A_209 = arith.cmpi eq, %iota3A_112, %eq3A_208 : vector<1x16xi32>
    %or3A_210 = arith.ori %eq3A_206, %eq3A_209 : vector<1x16xi1>
    %jit3A_211 = arith.constant 0.000000e+00 : f32
    %broadcast_in_dim3A_212 = vector.broadcast %jit3A_211 : f32 to vector<1x16xf32>
    %select_n3A_213 = arith.select %or3A_210, %slice3A_111, %broadcast_in_dim3A_212 : vector<1x16xi1>, vector<1x16xf32>
    %reduce_sum3A_214 = vector.shape_cast %select_n3A_213 : vector<1x16xf32> to vector<1x1x16xf32>
    %reduce_sum3A_215 = arith.constant dense<0.000000e+00> : vector<1xf32>
    %reduce_sum3A_216 = vector.multi_reduction <add>, %reduce_sum3A_214, %reduce_sum3A_215 [1, 2] : vector<1x1x16xf32> to vector<1xf32>
    %reduce_sum3A_217 = vector.shape_cast %reduce_sum3A_216 : vector<1xf32> to vector<1x1x1xf32>
    %reduce_sum3A_218 = vector.extract %reduce_sum3A_217[0, 0, 0] : f32 from vector<1x1x1xf32>
    %convert_element_type3A_219 = arith.fptosi %reduce_sum3A_218 : f32 to i32
    %add3A_220 = arith.constant 128 : i32
    %add3A_221 = arith.addi %convert_element_type3A_219, %add3A_220 : i32
    %sub3A_222 = arith.constant 1 : i32
    %sub3A_223 = arith.subi %add3A_221, %sub3A_222 : i32
    %jit3A_224 = arith.constant 128 : i32
    %div3A_225 = arith.divsi %sub3A_223, %jit3A_224 : i32
    %sign3A_226 = arith.constant 0 : i32
    %sign3A_227 = arith.cmpi sgt, %sub3A_223, %sign3A_226 : i32
    %sign3A_228 = arith.extui %sign3A_227 : i1 to i32
    %sign3A_229 = arith.constant 0 : i32
    %sign3A_230 = arith.cmpi slt, %sub3A_223, %sign3A_229 : i32
    %sign3A_231 = arith.extui %sign3A_230 : i1 to i32
    %sign3A_232 = arith.subi %sign3A_228, %sign3A_231 : i32
    %sign3A_233 = arith.constant 0 : i32
    %sign3A_234 = arith.cmpi sgt, %jit3A_224, %sign3A_233 : i32
    %sign3A_235 = arith.extui %sign3A_234 : i1 to i32
    %sign3A_236 = arith.constant 0 : i32
    %sign3A_237 = arith.cmpi slt, %jit3A_224, %sign3A_236 : i32
    %sign3A_238 = arith.extui %sign3A_237 : i1 to i32
    %sign3A_239 = arith.subi %sign3A_235, %sign3A_238 : i32
    %ne3A_240 = arith.cmpi ne, %sign3A_232, %sign3A_239 : i32
    %rem3A_241 = arith.remsi %sub3A_223, %jit3A_224 : i32
    %ne3A_242 = arith.constant 0 : i32
    %ne3A_243 = arith.cmpi ne, %rem3A_241, %ne3A_242 : i32
    %and3A_244 = arith.andi %ne3A_240, %ne3A_243 : i1
    %sub3A_245 = arith.constant 1 : i32
    %sub3A_246 = arith.subi %div3A_225, %sub3A_245 : i32
    %select_n3A_247 = arith.select %and3A_244, %sub3A_246, %div3A_225 : i32
    %mul3A_248 = arith.constant 128 : i32
    %mul3A_249 = arith.muli %select_n3A_247, %mul3A_248 : i32
    %add3A_250 = arith.addi %add3A_203, %mul3A_249 : i32
    %eq3A_251 = arith.constant 6 : i32
    %eq3A_252 = vector.broadcast %eq3A_251 : i32 to vector<1x16xi32>
    %eq3A_253 = arith.cmpi eq, %iota3A_112, %eq3A_252 : vector<1x16xi32>
    %eq3A_254 = arith.constant 7 : i32
    %eq3A_255 = vector.broadcast %eq3A_254 : i32 to vector<1x16xi32>
    %eq3A_256 = arith.cmpi eq, %iota3A_112, %eq3A_255 : vector<1x16xi32>
    %or3A_257 = arith.ori %eq3A_253, %eq3A_256 : vector<1x16xi1>
    %jit3A_258 = arith.constant 0.000000e+00 : f32
    %broadcast_in_dim3A_259 = vector.broadcast %jit3A_258 : f32 to vector<1x16xf32>
    %select_n3A_260 = arith.select %or3A_257, %slice3A_111, %broadcast_in_dim3A_259 : vector<1x16xi1>, vector<1x16xf32>
    %reduce_sum3A_261 = vector.shape_cast %select_n3A_260 : vector<1x16xf32> to vector<1x1x16xf32>
    %reduce_sum3A_262 = arith.constant dense<0.000000e+00> : vector<1xf32>
    %reduce_sum3A_263 = vector.multi_reduction <add>, %reduce_sum3A_261, %reduce_sum3A_262 [1, 2] : vector<1x1x16xf32> to vector<1xf32>
    %reduce_sum3A_264 = vector.shape_cast %reduce_sum3A_263 : vector<1xf32> to vector<1x1x1xf32>
    %reduce_sum3A_265 = vector.extract %reduce_sum3A_264[0, 0, 0] : f32 from vector<1x1x1xf32>
    %convert_element_type3A_266 = arith.fptosi %reduce_sum3A_265 : f32 to i32
    %add3A_267 = arith.constant 128 : i32
    %add3A_268 = arith.addi %convert_element_type3A_266, %add3A_267 : i32
    %sub3A_269 = arith.constant 1 : i32
    %sub3A_270 = arith.subi %add3A_268, %sub3A_269 : i32
    %jit3A_271 = arith.constant 128 : i32
    %div3A_272 = arith.divsi %sub3A_270, %jit3A_271 : i32
    %sign3A_273 = arith.constant 0 : i32
    %sign3A_274 = arith.cmpi sgt, %sub3A_270, %sign3A_273 : i32
    %sign3A_275 = arith.extui %sign3A_274 : i1 to i32
    %sign3A_276 = arith.constant 0 : i32
    %sign3A_277 = arith.cmpi slt, %sub3A_270, %sign3A_276 : i32
    %sign3A_278 = arith.extui %sign3A_277 : i1 to i32
    %sign3A_279 = arith.subi %sign3A_275, %sign3A_278 : i32
    %sign3A_280 = arith.constant 0 : i32
    %sign3A_281 = arith.cmpi sgt, %jit3A_271, %sign3A_280 : i32
    %sign3A_282 = arith.extui %sign3A_281 : i1 to i32
    %sign3A_283 = arith.constant 0 : i32
    %sign3A_284 = arith.cmpi slt, %jit3A_271, %sign3A_283 : i32
    %sign3A_285 = arith.extui %sign3A_284 : i1 to i32
    %sign3A_286 = arith.subi %sign3A_282, %sign3A_285 : i32
    %ne3A_287 = arith.cmpi ne, %sign3A_279, %sign3A_286 : i32
    %rem3A_288 = arith.remsi %sub3A_270, %jit3A_271 : i32
    %ne3A_289 = arith.constant 0 : i32
    %ne3A_290 = arith.cmpi ne, %rem3A_288, %ne3A_289 : i32
    %and3A_291 = arith.andi %ne3A_287, %ne3A_290 : i1
    %sub3A_292 = arith.constant 1 : i32
    %sub3A_293 = arith.subi %div3A_272, %sub3A_292 : i32
    %select_n3A_294 = arith.select %and3A_291, %sub3A_293, %div3A_272 : i32
    %mul3A_295 = arith.constant 128 : i32
    %mul3A_296 = arith.muli %select_n3A_294, %mul3A_295 : i32
    %add3A_297 = arith.addi %add3A_250, %mul3A_296 : i32
    %eq3A_298 = arith.constant 8 : i32
    %eq3A_299 = vector.broadcast %eq3A_298 : i32 to vector<1x16xi32>
    %eq3A_300 = arith.cmpi eq, %iota3A_112, %eq3A_299 : vector<1x16xi32>
    %eq3A_301 = arith.constant 9 : i32
    %eq3A_302 = vector.broadcast %eq3A_301 : i32 to vector<1x16xi32>
    %eq3A_303 = arith.cmpi eq, %iota3A_112, %eq3A_302 : vector<1x16xi32>
    %or3A_304 = arith.ori %eq3A_300, %eq3A_303 : vector<1x16xi1>
    %jit3A_305 = arith.constant 0.000000e+00 : f32
    %broadcast_in_dim3A_306 = vector.broadcast %jit3A_305 : f32 to vector<1x16xf32>
    %select_n3A_307 = arith.select %or3A_304, %slice3A_111, %broadcast_in_dim3A_306 : vector<1x16xi1>, vector<1x16xf32>
    %reduce_sum3A_308 = vector.shape_cast %select_n3A_307 : vector<1x16xf32> to vector<1x1x16xf32>
    %reduce_sum3A_309 = arith.constant dense<0.000000e+00> : vector<1xf32>
    %reduce_sum3A_310 = vector.multi_reduction <add>, %reduce_sum3A_308, %reduce_sum3A_309 [1, 2] : vector<1x1x16xf32> to vector<1xf32>
    %reduce_sum3A_311 = vector.shape_cast %reduce_sum3A_310 : vector<1xf32> to vector<1x1x1xf32>
    %reduce_sum3A_312 = vector.extract %reduce_sum3A_311[0, 0, 0] : f32 from vector<1x1x1xf32>
    %convert_element_type3A_313 = arith.fptosi %reduce_sum3A_312 : f32 to i32
    %add3A_314 = arith.constant 128 : i32
    %add3A_315 = arith.addi %convert_element_type3A_313, %add3A_314 : i32
    %sub3A_316 = arith.constant 1 : i32
    %sub3A_317 = arith.subi %add3A_315, %sub3A_316 : i32
    %jit3A_318 = arith.constant 128 : i32
    %div3A_319 = arith.divsi %sub3A_317, %jit3A_318 : i32
    %sign3A_320 = arith.constant 0 : i32
    %sign3A_321 = arith.cmpi sgt, %sub3A_317, %sign3A_320 : i32
    %sign3A_322 = arith.extui %sign3A_321 : i1 to i32
    %sign3A_323 = arith.constant 0 : i32
    %sign3A_324 = arith.cmpi slt, %sub3A_317, %sign3A_323 : i32
    %sign3A_325 = arith.extui %sign3A_324 : i1 to i32
    %sign3A_326 = arith.subi %sign3A_322, %sign3A_325 : i32
    %sign3A_327 = arith.constant 0 : i32
    %sign3A_328 = arith.cmpi sgt, %jit3A_318, %sign3A_327 : i32
    %sign3A_329 = arith.extui %sign3A_328 : i1 to i32
    %sign3A_330 = arith.constant 0 : i32
    %sign3A_331 = arith.cmpi slt, %jit3A_318, %sign3A_330 : i32
    %sign3A_332 = arith.extui %sign3A_331 : i1 to i32
    %sign3A_333 = arith.subi %sign3A_329, %sign3A_332 : i32
    %ne3A_334 = arith.cmpi ne, %sign3A_326, %sign3A_333 : i32
    %rem3A_335 = arith.remsi %sub3A_317, %jit3A_318 : i32
    %ne3A_336 = arith.constant 0 : i32
    %ne3A_337 = arith.cmpi ne, %rem3A_335, %ne3A_336 : i32
    %and3A_338 = arith.andi %ne3A_334, %ne3A_337 : i1
    %sub3A_339 = arith.constant 1 : i32
    %sub3A_340 = arith.subi %div3A_319, %sub3A_339 : i32
    %select_n3A_341 = arith.select %and3A_338, %sub3A_340, %div3A_319 : i32
    %mul3A_342 = arith.constant 128 : i32
    %mul3A_343 = arith.muli %select_n3A_341, %mul3A_342 : i32
    %add3A_344 = arith.addi %add3A_297, %mul3A_343 : i32
    %eq3A_345 = arith.constant 10 : i32
    %eq3A_346 = vector.broadcast %eq3A_345 : i32 to vector<1x16xi32>
    %eq3A_347 = arith.cmpi eq, %iota3A_112, %eq3A_346 : vector<1x16xi32>
    %eq3A_348 = arith.constant 11 : i32
    %eq3A_349 = vector.broadcast %eq3A_348 : i32 to vector<1x16xi32>
    %eq3A_350 = arith.cmpi eq, %iota3A_112, %eq3A_349 : vector<1x16xi32>
    %or3A_351 = arith.ori %eq3A_347, %eq3A_350 : vector<1x16xi1>
    %jit3A_352 = arith.constant 0.000000e+00 : f32
    %broadcast_in_dim3A_353 = vector.broadcast %jit3A_352 : f32 to vector<1x16xf32>
    %select_n3A_354 = arith.select %or3A_351, %slice3A_111, %broadcast_in_dim3A_353 : vector<1x16xi1>, vector<1x16xf32>
    %reduce_sum3A_355 = vector.shape_cast %select_n3A_354 : vector<1x16xf32> to vector<1x1x16xf32>
    %reduce_sum3A_356 = arith.constant dense<0.000000e+00> : vector<1xf32>
    %reduce_sum3A_357 = vector.multi_reduction <add>, %reduce_sum3A_355, %reduce_sum3A_356 [1, 2] : vector<1x1x16xf32> to vector<1xf32>
    %reduce_sum3A_358 = vector.shape_cast %reduce_sum3A_357 : vector<1xf32> to vector<1x1x1xf32>
    %reduce_sum3A_359 = vector.extract %reduce_sum3A_358[0, 0, 0] : f32 from vector<1x1x1xf32>
    %convert_element_type3A_360 = arith.fptosi %reduce_sum3A_359 : f32 to i32
    %add3A_361 = arith.constant 128 : i32
    %add3A_362 = arith.addi %convert_element_type3A_360, %add3A_361 : i32
    %sub3A_363 = arith.constant 1 : i32
    %sub3A_364 = arith.subi %add3A_362, %sub3A_363 : i32
    %jit3A_365 = arith.constant 128 : i32
    %div3A_366 = arith.divsi %sub3A_364, %jit3A_365 : i32
    %sign3A_367 = arith.constant 0 : i32
    %sign3A_368 = arith.cmpi sgt, %sub3A_364, %sign3A_367 : i32
    %sign3A_369 = arith.extui %sign3A_368 : i1 to i32
    %sign3A_370 = arith.constant 0 : i32
    %sign3A_371 = arith.cmpi slt, %sub3A_364, %sign3A_370 : i32
    %sign3A_372 = arith.extui %sign3A_371 : i1 to i32
    %sign3A_373 = arith.subi %sign3A_369, %sign3A_372 : i32
    %sign3A_374 = arith.constant 0 : i32
    %sign3A_375 = arith.cmpi sgt, %jit3A_365, %sign3A_374 : i32
    %sign3A_376 = arith.extui %sign3A_375 : i1 to i32
    %sign3A_377 = arith.constant 0 : i32
    %sign3A_378 = arith.cmpi slt, %jit3A_365, %sign3A_377 : i32
    %sign3A_379 = arith.extui %sign3A_378 : i1 to i32
    %sign3A_380 = arith.subi %sign3A_376, %sign3A_379 : i32
    %ne3A_381 = arith.cmpi ne, %sign3A_373, %sign3A_380 : i32
    %rem3A_382 = arith.remsi %sub3A_364, %jit3A_365 : i32
    %ne3A_383 = arith.constant 0 : i32
    %ne3A_384 = arith.cmpi ne, %rem3A_382, %ne3A_383 : i32
    %and3A_385 = arith.andi %ne3A_381, %ne3A_384 : i1
    %sub3A_386 = arith.constant 1 : i32
    %sub3A_387 = arith.subi %div3A_366, %sub3A_386 : i32
    %select_n3A_388 = arith.select %and3A_385, %sub3A_387, %div3A_366 : i32
    %mul3A_389 = arith.constant 128 : i32
    %mul3A_390 = arith.muli %select_n3A_388, %mul3A_389 : i32
    %add3A_391 = arith.addi %add3A_344, %mul3A_390 : i32
    %eq3A_392 = arith.constant 12 : i32
    %eq3A_393 = vector.broadcast %eq3A_392 : i32 to vector<1x16xi32>
    %eq3A_394 = arith.cmpi eq, %iota3A_112, %eq3A_393 : vector<1x16xi32>
    %eq3A_395 = arith.constant 13 : i32
    %eq3A_396 = vector.broadcast %eq3A_395 : i32 to vector<1x16xi32>
    %eq3A_397 = arith.cmpi eq, %iota3A_112, %eq3A_396 : vector<1x16xi32>
    %or3A_398 = arith.ori %eq3A_394, %eq3A_397 : vector<1x16xi1>
    %jit3A_399 = arith.constant 0.000000e+00 : f32
    %broadcast_in_dim3A_400 = vector.broadcast %jit3A_399 : f32 to vector<1x16xf32>
    %select_n3A_401 = arith.select %or3A_398, %slice3A_111, %broadcast_in_dim3A_400 : vector<1x16xi1>, vector<1x16xf32>
    %reduce_sum3A_402 = vector.shape_cast %select_n3A_401 : vector<1x16xf32> to vector<1x1x16xf32>
    %reduce_sum3A_403 = arith.constant dense<0.000000e+00> : vector<1xf32>
    %reduce_sum3A_404 = vector.multi_reduction <add>, %reduce_sum3A_402, %reduce_sum3A_403 [1, 2] : vector<1x1x16xf32> to vector<1xf32>
    %reduce_sum3A_405 = vector.shape_cast %reduce_sum3A_404 : vector<1xf32> to vector<1x1x1xf32>
    %reduce_sum3A_406 = vector.extract %reduce_sum3A_405[0, 0, 0] : f32 from vector<1x1x1xf32>
    %convert_element_type3A_407 = arith.fptosi %reduce_sum3A_406 : f32 to i32
    %add3A_408 = arith.constant 128 : i32
    %add3A_409 = arith.addi %convert_element_type3A_407, %add3A_408 : i32
    %sub3A_410 = arith.constant 1 : i32
    %sub3A_411 = arith.subi %add3A_409, %sub3A_410 : i32
    %jit3A_412 = arith.constant 128 : i32
    %div3A_413 = arith.divsi %sub3A_411, %jit3A_412 : i32
    %sign3A_414 = arith.constant 0 : i32
    %sign3A_415 = arith.cmpi sgt, %sub3A_411, %sign3A_414 : i32
    %sign3A_416 = arith.extui %sign3A_415 : i1 to i32
    %sign3A_417 = arith.constant 0 : i32
    %sign3A_418 = arith.cmpi slt, %sub3A_411, %sign3A_417 : i32
    %sign3A_419 = arith.extui %sign3A_418 : i1 to i32
    %sign3A_420 = arith.subi %sign3A_416, %sign3A_419 : i32
    %sign3A_421 = arith.constant 0 : i32
    %sign3A_422 = arith.cmpi sgt, %jit3A_412, %sign3A_421 : i32
    %sign3A_423 = arith.extui %sign3A_422 : i1 to i32
    %sign3A_424 = arith.constant 0 : i32
    %sign3A_425 = arith.cmpi slt, %jit3A_412, %sign3A_424 : i32
    %sign3A_426 = arith.extui %sign3A_425 : i1 to i32
    %sign3A_427 = arith.subi %sign3A_423, %sign3A_426 : i32
    %ne3A_428 = arith.cmpi ne, %sign3A_420, %sign3A_427 : i32
    %rem3A_429 = arith.remsi %sub3A_411, %jit3A_412 : i32
    %ne3A_430 = arith.constant 0 : i32
    %ne3A_431 = arith.cmpi ne, %rem3A_429, %ne3A_430 : i32
    %and3A_432 = arith.andi %ne3A_428, %ne3A_431 : i1
    %sub3A_433 = arith.constant 1 : i32
    %sub3A_434 = arith.subi %div3A_413, %sub3A_433 : i32
    %select_n3A_435 = arith.select %and3A_432, %sub3A_434, %div3A_413 : i32
    %mul3A_436 = arith.constant 128 : i32
    %mul3A_437 = arith.muli %select_n3A_435, %mul3A_436 : i32
    %add3A_438 = arith.addi %add3A_391, %mul3A_437 : i32
    %eq3A_439 = arith.constant 14 : i32
    %eq3A_440 = vector.broadcast %eq3A_439 : i32 to vector<1x16xi32>
    %eq3A_441 = arith.cmpi eq, %iota3A_112, %eq3A_440 : vector<1x16xi32>
    %eq3A_442 = arith.constant 15 : i32
    %eq3A_443 = vector.broadcast %eq3A_442 : i32 to vector<1x16xi32>
    %eq3A_444 = arith.cmpi eq, %iota3A_112, %eq3A_443 : vector<1x16xi32>
    %or3A_445 = arith.ori %eq3A_441, %eq3A_444 : vector<1x16xi1>
    %jit3A_446 = arith.constant 0.000000e+00 : f32
    %broadcast_in_dim3A_447 = vector.broadcast %jit3A_446 : f32 to vector<1x16xf32>
    %select_n3A_448 = arith.select %or3A_445, %slice3A_111, %broadcast_in_dim3A_447 : vector<1x16xi1>, vector<1x16xf32>
    %reduce_sum3A_449 = vector.shape_cast %select_n3A_448 : vector<1x16xf32> to vector<1x1x16xf32>
    %reduce_sum3A_450 = arith.constant dense<0.000000e+00> : vector<1xf32>
    %reduce_sum3A_451 = vector.multi_reduction <add>, %reduce_sum3A_449, %reduce_sum3A_450 [1, 2] : vector<1x1x16xf32> to vector<1xf32>
    %reduce_sum3A_452 = vector.shape_cast %reduce_sum3A_451 : vector<1xf32> to vector<1x1x1xf32>
    %reduce_sum3A_453 = vector.extract %reduce_sum3A_452[0, 0, 0] : f32 from vector<1x1x1xf32>
    %convert_element_type3A_454 = arith.fptosi %reduce_sum3A_453 : f32 to i32
    %add3A_455 = arith.constant 128 : i32
    %add3A_456 = arith.addi %convert_element_type3A_454, %add3A_455 : i32
    %sub3A_457 = arith.constant 1 : i32
    %sub3A_458 = arith.subi %add3A_456, %sub3A_457 : i32
    %jit3A_459 = arith.constant 128 : i32
    %div3A_460 = arith.divsi %sub3A_458, %jit3A_459 : i32
    %sign3A_461 = arith.constant 0 : i32
    %sign3A_462 = arith.cmpi sgt, %sub3A_458, %sign3A_461 : i32
    %sign3A_463 = arith.extui %sign3A_462 : i1 to i32
    %sign3A_464 = arith.constant 0 : i32
    %sign3A_465 = arith.cmpi slt, %sub3A_458, %sign3A_464 : i32
    %sign3A_466 = arith.extui %sign3A_465 : i1 to i32
    %sign3A_467 = arith.subi %sign3A_463, %sign3A_466 : i32
    %sign3A_468 = arith.constant 0 : i32
    %sign3A_469 = arith.cmpi sgt, %jit3A_459, %sign3A_468 : i32
    %sign3A_470 = arith.extui %sign3A_469 : i1 to i32
    %sign3A_471 = arith.constant 0 : i32
    %sign3A_472 = arith.cmpi slt, %jit3A_459, %sign3A_471 : i32
    %sign3A_473 = arith.extui %sign3A_472 : i1 to i32
    %sign3A_474 = arith.subi %sign3A_470, %sign3A_473 : i32
    %ne3A_475 = arith.cmpi ne, %sign3A_467, %sign3A_474 : i32
    %rem3A_476 = arith.remsi %sub3A_458, %jit3A_459 : i32
    %ne3A_477 = arith.constant 0 : i32
    %ne3A_478 = arith.cmpi ne, %rem3A_476, %ne3A_477 : i32
    %and3A_479 = arith.andi %ne3A_475, %ne3A_478 : i1
    %sub3A_480 = arith.constant 1 : i32
    %sub3A_481 = arith.subi %div3A_460, %sub3A_480 : i32
    %select_n3A_482 = arith.select %and3A_479, %sub3A_481, %div3A_460 : i32
    %mul3A_483 = arith.constant 128 : i32
    %mul3A_484 = arith.muli %select_n3A_482, %mul3A_483 : i32
    %add3A_485 = arith.addi %add3A_438, %mul3A_484 : i32
    %broadcast_in_dim3A_486 = arith.constant 0.000000e+00 : f32
    %broadcast_in_dim3A_487 = vector.broadcast %broadcast_in_dim3A_486 : f32 to vector<1x16xf32>
    %eq3A_488 = arith.constant 0 : i32
    %eq3A_489 = vector.broadcast %eq3A_488 : i32 to vector<1x16xi32>
    %eq3A_490 = arith.cmpi eq, %iota3A_112, %eq3A_489 : vector<1x16xi32>
    %eq3A_491 = arith.constant 1 : i32
    %eq3A_492 = vector.broadcast %eq3A_491 : i32 to vector<1x16xi32>
    %eq3A_493 = arith.cmpi eq, %iota3A_112, %eq3A_492 : vector<1x16xi32>
    %or3A_494 = arith.ori %eq3A_490, %eq3A_493 : vector<1x16xi1>
    %jit3A_495 = arith.constant 0.000000e+00 : f32
    %jit3A_496 = arith.constant 0.000000e+00 : f32
    %broadcast_in_dim3A_497 = vector.broadcast %jit3A_495 : f32 to vector<1x16xf32>
    %broadcast_in_dim3A_498 = vector.broadcast %jit3A_496 : f32 to vector<1x16xf32>
    %select_n3A_499 = arith.select %or3A_494, %broadcast_in_dim3A_497, %broadcast_in_dim3A_498 : vector<1x16xi1>, vector<1x16xf32>
    %add3A_500 = arith.addf %broadcast_in_dim3A_487, %select_n3A_499 : vector<1x16xf32>
    %eq3A_501 = arith.constant 2 : i32
    %eq3A_502 = vector.broadcast %eq3A_501 : i32 to vector<1x16xi32>
    %eq3A_503 = arith.cmpi eq, %iota3A_112, %eq3A_502 : vector<1x16xi32>
    %eq3A_504 = arith.constant 3 : i32
    %eq3A_505 = vector.broadcast %eq3A_504 : i32 to vector<1x16xi32>
    %eq3A_506 = arith.cmpi eq, %iota3A_112, %eq3A_505 : vector<1x16xi32>
    %or3A_507 = arith.ori %eq3A_503, %eq3A_506 : vector<1x16xi1>
    %convert_element_type3A_508 = arith.sitofp %add3A_156 : i32 to f32
    %jit3A_509 = arith.constant 0.000000e+00 : f32
    %broadcast_in_dim3A_510 = vector.broadcast %convert_element_type3A_508 : f32 to vector<1x16xf32>
    %broadcast_in_dim3A_511 = vector.broadcast %jit3A_509 : f32 to vector<1x16xf32>
    %select_n3A_512 = arith.select %or3A_507, %broadcast_in_dim3A_510, %broadcast_in_dim3A_511 : vector<1x16xi1>, vector<1x16xf32>
    %add3A_513 = arith.addf %add3A_500, %select_n3A_512 : vector<1x16xf32>
    %eq3A_514 = arith.constant 4 : i32
    %eq3A_515 = vector.broadcast %eq3A_514 : i32 to vector<1x16xi32>
    %eq3A_516 = arith.cmpi eq, %iota3A_112, %eq3A_515 : vector<1x16xi32>
    %eq3A_517 = arith.constant 5 : i32
    %eq3A_518 = vector.broadcast %eq3A_517 : i32 to vector<1x16xi32>
    %eq3A_519 = arith.cmpi eq, %iota3A_112, %eq3A_518 : vector<1x16xi32>
    %or3A_520 = arith.ori %eq3A_516, %eq3A_519 : vector<1x16xi1>
    %convert_element_type3A_521 = arith.sitofp %add3A_203 : i32 to f32
    %jit3A_522 = arith.constant 0.000000e+00 : f32
    %broadcast_in_dim3A_523 = vector.broadcast %convert_element_type3A_521 : f32 to vector<1x16xf32>
    %broadcast_in_dim3A_524 = vector.broadcast %jit3A_522 : f32 to vector<1x16xf32>
    %select_n3A_525 = arith.select %or3A_520, %broadcast_in_dim3A_523, %broadcast_in_dim3A_524 : vector<1x16xi1>, vector<1x16xf32>
    %add3A_526 = arith.addf %add3A_513, %select_n3A_525 : vector<1x16xf32>
    %eq3A_527 = arith.constant 6 : i32
    %eq3A_528 = vector.broadcast %eq3A_527 : i32 to vector<1x16xi32>
    %eq3A_529 = arith.cmpi eq, %iota3A_112, %eq3A_528 : vector<1x16xi32>
    %eq3A_530 = arith.constant 7 : i32
    %eq3A_531 = vector.broadcast %eq3A_530 : i32 to vector<1x16xi32>
    %eq3A_532 = arith.cmpi eq, %iota3A_112, %eq3A_531 : vector<1x16xi32>
    %or3A_533 = arith.ori %eq3A_529, %eq3A_532 : vector<1x16xi1>
    %convert_element_type3A_534 = arith.sitofp %add3A_250 : i32 to f32
    %jit3A_535 = arith.constant 0.000000e+00 : f32
    %broadcast_in_dim3A_536 = vector.broadcast %convert_element_type3A_534 : f32 to vector<1x16xf32>
    %broadcast_in_dim3A_537 = vector.broadcast %jit3A_535 : f32 to vector<1x16xf32>
    %select_n3A_538 = arith.select %or3A_533, %broadcast_in_dim3A_536, %broadcast_in_dim3A_537 : vector<1x16xi1>, vector<1x16xf32>
    %add3A_539 = arith.addf %add3A_526, %select_n3A_538 : vector<1x16xf32>
    %eq3A_540 = arith.constant 8 : i32
    %eq3A_541 = vector.broadcast %eq3A_540 : i32 to vector<1x16xi32>
    %eq3A_542 = arith.cmpi eq, %iota3A_112, %eq3A_541 : vector<1x16xi32>
    %eq3A_543 = arith.constant 9 : i32
    %eq3A_544 = vector.broadcast %eq3A_543 : i32 to vector<1x16xi32>
    %eq3A_545 = arith.cmpi eq, %iota3A_112, %eq3A_544 : vector<1x16xi32>
    %or3A_546 = arith.ori %eq3A_542, %eq3A_545 : vector<1x16xi1>
    %convert_element_type3A_547 = arith.sitofp %add3A_297 : i32 to f32
    %jit3A_548 = arith.constant 0.000000e+00 : f32
    %broadcast_in_dim3A_549 = vector.broadcast %convert_element_type3A_547 : f32 to vector<1x16xf32>
    %broadcast_in_dim3A_550 = vector.broadcast %jit3A_548 : f32 to vector<1x16xf32>
    %select_n3A_551 = arith.select %or3A_546, %broadcast_in_dim3A_549, %broadcast_in_dim3A_550 : vector<1x16xi1>, vector<1x16xf32>
    %add3A_552 = arith.addf %add3A_539, %select_n3A_551 : vector<1x16xf32>
    %eq3A_553 = arith.constant 10 : i32
    %eq3A_554 = vector.broadcast %eq3A_553 : i32 to vector<1x16xi32>
    %eq3A_555 = arith.cmpi eq, %iota3A_112, %eq3A_554 : vector<1x16xi32>
    %eq3A_556 = arith.constant 11 : i32
    %eq3A_557 = vector.broadcast %eq3A_556 : i32 to vector<1x16xi32>
    %eq3A_558 = arith.cmpi eq, %iota3A_112, %eq3A_557 : vector<1x16xi32>
    %or3A_559 = arith.ori %eq3A_555, %eq3A_558 : vector<1x16xi1>
    %convert_element_type3A_560 = arith.sitofp %add3A_344 : i32 to f32
    %jit3A_561 = arith.constant 0.000000e+00 : f32
    %broadcast_in_dim3A_562 = vector.broadcast %convert_element_type3A_560 : f32 to vector<1x16xf32>
    %broadcast_in_dim3A_563 = vector.broadcast %jit3A_561 : f32 to vector<1x16xf32>
    %select_n3A_564 = arith.select %or3A_559, %broadcast_in_dim3A_562, %broadcast_in_dim3A_563 : vector<1x16xi1>, vector<1x16xf32>
    %add3A_565 = arith.addf %add3A_552, %select_n3A_564 : vector<1x16xf32>
    %eq3A_566 = arith.constant 12 : i32
    %eq3A_567 = vector.broadcast %eq3A_566 : i32 to vector<1x16xi32>
    %eq3A_568 = arith.cmpi eq, %iota3A_112, %eq3A_567 : vector<1x16xi32>
    %eq3A_569 = arith.constant 13 : i32
    %eq3A_570 = vector.broadcast %eq3A_569 : i32 to vector<1x16xi32>
    %eq3A_571 = arith.cmpi eq, %iota3A_112, %eq3A_570 : vector<1x16xi32>
    %or3A_572 = arith.ori %eq3A_568, %eq3A_571 : vector<1x16xi1>
    %convert_element_type3A_573 = arith.sitofp %add3A_391 : i32 to f32
    %jit3A_574 = arith.constant 0.000000e+00 : f32
    %broadcast_in_dim3A_575 = vector.broadcast %convert_element_type3A_573 : f32 to vector<1x16xf32>
    %broadcast_in_dim3A_576 = vector.broadcast %jit3A_574 : f32 to vector<1x16xf32>
    %select_n3A_577 = arith.select %or3A_572, %broadcast_in_dim3A_575, %broadcast_in_dim3A_576 : vector<1x16xi1>, vector<1x16xf32>
    %add3A_578 = arith.addf %add3A_565, %select_n3A_577 : vector<1x16xf32>
    %eq3A_579 = arith.constant 14 : i32
    %eq3A_580 = vector.broadcast %eq3A_579 : i32 to vector<1x16xi32>
    %eq3A_581 = arith.cmpi eq, %iota3A_112, %eq3A_580 : vector<1x16xi32>
    %eq3A_582 = arith.constant 15 : i32
    %eq3A_583 = vector.broadcast %eq3A_582 : i32 to vector<1x16xi32>
    %eq3A_584 = arith.cmpi eq, %iota3A_112, %eq3A_583 : vector<1x16xi32>
    %or3A_585 = arith.ori %eq3A_581, %eq3A_584 : vector<1x16xi1>
    %convert_element_type3A_586 = arith.sitofp %add3A_438 : i32 to f32
    %jit3A_587 = arith.constant 0.000000e+00 : f32
    %broadcast_in_dim3A_588 = vector.broadcast %convert_element_type3A_586 : f32 to vector<1x16xf32>
    %broadcast_in_dim3A_589 = vector.broadcast %jit3A_587 : f32 to vector<1x16xf32>
    %select_n3A_590 = arith.select %or3A_585, %broadcast_in_dim3A_588, %broadcast_in_dim3A_589 : vector<1x16xi1>, vector<1x16xf32>
    %add3A_591 = arith.addf %add3A_578, %select_n3A_590 : vector<1x16xf32>
    %jit3A_592 = arith.constant 2 : i32
    %eq3A_593 = arith.constant 0 : i32
    %eq3A_594 = arith.cmpi eq, %jit3A_592, %eq3A_593 : i32
    %jit3A_595 = arith.constant 1 : i32
    %select_n3A_596 = arith.select %eq3A_594, %jit3A_595, %jit3A_592 : i32
    %rem3A_597 = vector.broadcast %select_n3A_596 : i32 to vector<1x16xi32>
    %rem3A_598 = arith.remsi %iota3A_112, %rem3A_597 : vector<1x16xi32>
    %ne3A_599 = arith.constant 0 : i32
    %ne3A_600 = vector.broadcast %ne3A_599 : i32 to vector<1x16xi32>
    %ne3A_601 = arith.cmpi ne, %rem3A_598, %ne3A_600 : vector<1x16xi32>
    %lt3A_602 = arith.constant 0 : i32
    %lt3A_603 = vector.broadcast %lt3A_602 : i32 to vector<1x16xi32>
    %lt3A_604 = arith.cmpi slt, %rem3A_598, %lt3A_603 : vector<1x16xi32>
    %lt3A_605 = arith.constant 0 : i32
    %lt3A_606 = arith.cmpi slt, %select_n3A_596, %lt3A_605 : i32
    %ne3A_607 = vector.broadcast %lt3A_606 : i1 to vector<1x16xi1>
    %ne3A_608 = vector.broadcast %ne3A_607 : vector<1x16xi1> to vector<1x16xi1>
    %ne3A_609 = arith.xori %lt3A_604, %ne3A_608 : vector<1x16xi1>
    %and3A_610 = arith.andi %ne3A_609, %ne3A_601 : vector<1x16xi1>
    %add3A_611 = vector.broadcast %select_n3A_596 : i32 to vector<1x16xi32>
    %add3A_612 = arith.addi %rem3A_598, %add3A_611 : vector<1x16xi32>
    %select_n3A_613 = arith.select %and3A_610, %add3A_612, %rem3A_598 : vector<1x16xi1>, vector<1x16xi32>
    %eq3A_614 = arith.constant 0 : i32
    %eq3A_615 = vector.broadcast %eq3A_614 : i32 to vector<1x16xi32>
    %eq3A_616 = arith.cmpi eq, %select_n3A_613, %eq3A_615 : vector<1x16xi32>
    %jit3A_617 = arith.constant 0.000000e+00 : f32
    %broadcast_in_dim3A_618 = vector.broadcast %jit3A_617 : f32 to vector<1x16xf32>
    %select_n3A_619 = arith.select %eq3A_616, %slice3A_111, %broadcast_in_dim3A_618 : vector<1x16xi1>, vector<1x16xf32>
    %broadcast_in_dim3A_620 = arith.constant 0.000000e+00 : f32
    %broadcast_in_dim3A_621 = vector.broadcast %broadcast_in_dim3A_620 : f32 to vector<1x1xf32>
    %slice3A_622 = vector.extract_strided_slice %select_n3A_619 {offsets = [0, 0], sizes = [1, 15], strides = [1, 1]} : vector<1x16xf32> to vector<1x15xf32>
    %concatenate3A_623 = tpu.concatenate %broadcast_in_dim3A_621, %slice3A_622 in 1 : vector<1x1xf32>, vector<1x15xf32> -> vector<1x16xf32>
    %add3A_624 = arith.addf %add3A_591, %concatenate3A_623 : vector<1x16xf32>
    %add3A_625 = vector.broadcast %add3A_624 : vector<1x16xf32> to vector<2048x16xf32>
    %add3A_626 = arith.addf %sub3A_110, %add3A_625 : vector<2048x16xf32>
    %mul3A_627 = arith.constant 2 : i32
    %mul3A_628 = vector.broadcast %mul3A_627 : i32 to vector<2048x1xi32>
    %mul3A_629 = arith.muli %mul3A_628, %broadcast_in_dim3A_27 : vector<2048x1xi32>
    %eq3A_630 = vector.broadcast %mul3A_629 : vector<2048x1xi32> to vector<2048x16xi32>
    %eq3A_631 = arith.cmpi eq, %iota3A, %eq3A_630 : vector<2048x16xi32>
    %jit3A_632 = arith.constant 0.000000e+00 : f32
    %broadcast_in_dim3A_633 = vector.broadcast %jit3A_632 : f32 to vector<2048x16xf32>
    %select_n3A_634 = arith.select %eq3A_631, %add3A_626, %broadcast_in_dim3A_633 : vector<2048x16xi1>, vector<2048x16xf32>
    %reduce_sum3A_635 = arith.constant dense<0.000000e+00> : vector<2048xf32>
    %reduce_sum3A_636 = vector.multi_reduction <add>, %select_n3A_634, %reduce_sum3A_635 [1] : vector<2048x16xf32> to vector<2048xf32>
    %broadcast_in_dim3A_637 = vector.shape_cast %reduce_sum3A_636 : vector<2048xf32> to vector<2048x1xf32>
    %mul3A_638 = arith.constant 2 : i32
    %mul3A_639 = vector.broadcast %mul3A_638 : i32 to vector<2048x1xi32>
    %mul3A_640 = arith.muli %mul3A_639, %broadcast_in_dim3A_43 : vector<2048x1xi32>
    %add3A_641 = arith.constant 1 : i32
    %add3A_642 = vector.broadcast %add3A_641 : i32 to vector<2048x1xi32>
    %add3A_643 = arith.addi %mul3A_640, %add3A_642 : vector<2048x1xi32>
    %eq3A_644 = vector.broadcast %add3A_643 : vector<2048x1xi32> to vector<2048x16xi32>
    %eq3A_645 = arith.cmpi eq, %iota3A, %eq3A_644 : vector<2048x16xi32>
    %jit3A_646 = arith.constant 0.000000e+00 : f32
    %broadcast_in_dim3A_647 = vector.broadcast %jit3A_646 : f32 to vector<2048x16xf32>
    %select_n3A_648 = arith.select %eq3A_645, %add3A_626, %broadcast_in_dim3A_647 : vector<2048x16xi1>, vector<2048x16xf32>
    %reduce_sum3A_649 = arith.constant dense<0.000000e+00> : vector<2048xf32>
    %reduce_sum3A_650 = vector.multi_reduction <add>, %select_n3A_648, %reduce_sum3A_649 [1] : vector<2048x16xf32> to vector<2048xf32>
    %broadcast_in_dim3A_651 = vector.shape_cast %reduce_sum3A_650 : vector<2048xf32> to vector<2048x1xf32>
    %reshape3A = vector.shape_cast %broadcast_in_dim3A_637 : vector<2048x1xf32> to vector<16x128xf32>
    %convert_element_type3A_652 = arith.fptosi %reshape3A : vector<16x128xf32> to vector<16x128xi32>
    %swap3A = arith.constant 0 : index
    %swap3A_653 = arith.constant 0 : index
    %swap3A_654 = vector.load %arg2[%swap3A, %swap3A_653] : memref<16x128xi32, #tpu.memory_space<vmem>>, vector<16x128xi32>
    tpu.vector_store %arg2[%swap3A, %swap3A_653], %convert_element_type3A_652 {strides = array<i32>} : memref<16x128xi32, #tpu.memory_space<vmem>>, vector<16x128xi32>,
    %reshape3A_655 = vector.shape_cast %broadcast_in_dim3A_651 : vector<2048x1xf32> to vector<16x128xf32>
    %convert_element_type3A_656 = arith.fptosi %reshape3A_655 : vector<16x128xf32> to vector<16x128xi32>
    %swap3A_657 = arith.constant 0 : index
    %swap3A_658 = arith.constant 0 : index
    %swap3A_659 = vector.load %arg3[%swap3A_657, %swap3A_658] : memref<16x128xi32, #tpu.memory_space<vmem>>, vector<16x128xi32>
    tpu.vector_store %arg3[%swap3A_657, %swap3A_658], %convert_element_type3A_656 {strides = array<i32>} : memref<16x128xi32, #tpu.memory_space<vmem>>, vector<16x128xi32>,
    %broadcast_in_dim3A_660 = vector.shape_cast %broadcast_in_dim3A_21 : vector<2048x1xf32> to vector<2048x1xf32>
    %broadcast_in_dim3A_661 = vector.broadcast %broadcast_in_dim3A_660 : vector<2048x1xf32> to vector<2048x16xf32>
    %swap3A_662 = arith.constant 0 : index
    %swap3A_663 = arith.constant 0 : index
    %swap3A_664 = vector.load %arg4[%swap3A_662, %swap3A_663] : memref<2048x16xf32, #tpu.memory_space<vmem>>, vector<2048x16xf32>
    tpu.vector_store %arg4[%swap3A_662, %swap3A_663], %broadcast_in_dim3A_661 {strides = array<i32>} : memref<2048x16xf32, #tpu.memory_space<vmem>>, vector<2048x16xf32>,
    %broadcast_in_dim3A_665 = vector.shape_cast %broadcast_in_dim3A_35 : vector<2048x1xf32> to vector<2048x1xf32>
    %broadcast_in_dim3A_666 = vector.broadcast %broadcast_in_dim3A_665 : vector<2048x1xf32> to vector<2048x16xf32>
    %swap3A_667 = arith.constant 0 : index
    %swap3A_668 = arith.constant 0 : index
    %swap3A_669 = vector.load %arg5[%swap3A_667, %swap3A_668] : memref<2048x16xf32, #tpu.memory_space<vmem>>, vector<2048x16xf32>
    tpu.vector_store %arg5[%swap3A_667, %swap3A_668], %broadcast_in_dim3A_666 {strides = array<i32>} : memref<2048x16xf32, #tpu.memory_space<vmem>>, vector<2048x16xf32>,
    %iota3A_670 = tpu.iota {dimensions = array<i32: 1>} : vector<1x128xi32>
    %mul3A_671 = arith.constant 128 : i32
    %mul3A_672 = vector.broadcast %mul3A_671 : i32 to vector<1x128xi32>
    %mul3A_673 = arith.muli %iota3A_670, %mul3A_672 : vector<1x128xi32>
    %broadcast_in_dim3A_674 = arith.constant -1 : i32
    %broadcast_in_dim3A_675 = vector.broadcast %broadcast_in_dim3A_674 : i32 to vector<1x128xi32>
    %broadcast_in_dim3A_676 = arith.constant false
    %broadcast_in_dim3A_677 = vector.broadcast %broadcast_in_dim3A_676 : i1 to vector<1x128xi1>
    %ge3A = arith.constant 0 : i32
    %ge3A_678 = vector.broadcast %ge3A : i32 to vector<1x128xi32>
    %ge3A_679 = arith.cmpi sge, %mul3A_673, %ge3A_678 : vector<1x128xi32>
    %convert_element_type3A_680 = arith.extui %ge3A_679 : vector<1x128xi1> to vector<1x128xi32>
    %add3A_681 = arith.addi %broadcast_in_dim3A_675, %convert_element_type3A_680 : vector<1x128xi32>
    %ge3A_682 = vector.broadcast %add3A_156 : i32 to vector<1x128xi32>
    %ge3A_683 = arith.cmpi sge, %mul3A_673, %ge3A_682 : vector<1x128xi32>
    %convert_element_type3A_684 = arith.extui %ge3A_683 : vector<1x128xi1> to vector<1x128xi32>
    %add3A_685 = arith.addi %add3A_681, %convert_element_type3A_684 : vector<1x128xi32>
    %ge3A_686 = vector.broadcast %add3A_203 : i32 to vector<1x128xi32>
    %ge3A_687 = arith.cmpi sge, %mul3A_673, %ge3A_686 : vector<1x128xi32>
    %convert_element_type3A_688 = arith.extui %ge3A_687 : vector<1x128xi1> to vector<1x128xi32>
    %add3A_689 = arith.addi %add3A_685, %convert_element_type3A_688 : vector<1x128xi32>
    %ge3A_690 = vector.broadcast %add3A_250 : i32 to vector<1x128xi32>
    %ge3A_691 = arith.cmpi sge, %mul3A_673, %ge3A_690 : vector<1x128xi32>
    %convert_element_type3A_692 = arith.extui %ge3A_691 : vector<1x128xi1> to vector<1x128xi32>
    %add3A_693 = arith.addi %add3A_689, %convert_element_type3A_692 : vector<1x128xi32>
    %ge3A_694 = vector.broadcast %add3A_297 : i32 to vector<1x128xi32>
    %ge3A_695 = arith.cmpi sge, %mul3A_673, %ge3A_694 : vector<1x128xi32>
    %convert_element_type3A_696 = arith.extui %ge3A_695 : vector<1x128xi1> to vector<1x128xi32>
    %add3A_697 = arith.addi %add3A_693, %convert_element_type3A_696 : vector<1x128xi32>
    %ge3A_698 = vector.broadcast %add3A_344 : i32 to vector<1x128xi32>
    %ge3A_699 = arith.cmpi sge, %mul3A_673, %ge3A_698 : vector<1x128xi32>
    %convert_element_type3A_700 = arith.extui %ge3A_699 : vector<1x128xi1> to vector<1x128xi32>
    %add3A_701 = arith.addi %add3A_697, %convert_element_type3A_700 : vector<1x128xi32>
    %ge3A_702 = vector.broadcast %add3A_391 : i32 to vector<1x128xi32>
    %ge3A_703 = arith.cmpi sge, %mul3A_673, %ge3A_702 : vector<1x128xi32>
    %convert_element_type3A_704 = arith.extui %ge3A_703 : vector<1x128xi1> to vector<1x128xi32>
    %add3A_705 = arith.addi %add3A_701, %convert_element_type3A_704 : vector<1x128xi32>
    %ge3A_706 = vector.broadcast %add3A_438 : i32 to vector<1x128xi32>
    %ge3A_707 = arith.cmpi sge, %mul3A_673, %ge3A_706 : vector<1x128xi32>
    %convert_element_type3A_708 = arith.extui %ge3A_707 : vector<1x128xi1> to vector<1x128xi32>
    %add3A_709 = arith.addi %add3A_705, %convert_element_type3A_708 : vector<1x128xi32>
    %lt3A_710 = vector.broadcast %add3A_485 : i32 to vector<1x128xi32>
    %lt3A_711 = arith.cmpi slt, %mul3A_673, %lt3A_710 : vector<1x128xi32>
    %jit3A_712 = arith.constant -1 : i32
    %broadcast_in_dim3A_713 = vector.broadcast %jit3A_712 : i32 to vector<1x128xi32>
    %select_n3A_714 = arith.select %lt3A_711, %add3A_709, %broadcast_in_dim3A_713 : vector<1x128xi1>, vector<1x128xi32>
    %eq3A_715 = arith.constant 0 : i32
    %eq3A_716 = vector.broadcast %eq3A_715 : i32 to vector<1x128xi32>
    %eq3A_717 = arith.cmpi eq, %mul3A_673, %eq3A_716 : vector<1x128xi32>
    %or3A_718 = arith.ori %broadcast_in_dim3A_677, %eq3A_717 : vector<1x128xi1>
    %eq3A_719 = vector.broadcast %add3A_156 : i32 to vector<1x128xi32>
    %eq3A_720 = arith.cmpi eq, %mul3A_673, %eq3A_719 : vector<1x128xi32>
    %or3A_721 = arith.ori %or3A_718, %eq3A_720 : vector<1x128xi1>
    %eq3A_722 = vector.broadcast %add3A_203 : i32 to vector<1x128xi32>
    %eq3A_723 = arith.cmpi eq, %mul3A_673, %eq3A_722 : vector<1x128xi32>
    %or3A_724 = arith.ori %or3A_721, %eq3A_723 : vector<1x128xi1>
    %eq3A_725 = vector.broadcast %add3A_250 : i32 to vector<1x128xi32>
    %eq3A_726 = arith.cmpi eq, %mul3A_673, %eq3A_725 : vector<1x128xi32>
    %or3A_727 = arith.ori %or3A_724, %eq3A_726 : vector<1x128xi1>
    %eq3A_728 = vector.broadcast %add3A_297 : i32 to vector<1x128xi32>
    %eq3A_729 = arith.cmpi eq, %mul3A_673, %eq3A_728 : vector<1x128xi32>
    %or3A_730 = arith.ori %or3A_727, %eq3A_729 : vector<1x128xi1>
    %eq3A_731 = vector.broadcast %add3A_344 : i32 to vector<1x128xi32>
    %eq3A_732 = arith.cmpi eq, %mul3A_673, %eq3A_731 : vector<1x128xi32>
    %or3A_733 = arith.ori %or3A_730, %eq3A_732 : vector<1x128xi1>
    %eq3A_734 = vector.broadcast %add3A_391 : i32 to vector<1x128xi32>
    %eq3A_735 = arith.cmpi eq, %mul3A_673, %eq3A_734 : vector<1x128xi32>
    %or3A_736 = arith.ori %or3A_733, %eq3A_735 : vector<1x128xi1>
    %eq3A_737 = vector.broadcast %add3A_438 : i32 to vector<1x128xi32>
    %eq3A_738 = arith.cmpi eq, %mul3A_673, %eq3A_737 : vector<1x128xi32>
    %or3A_739 = arith.ori %or3A_736, %eq3A_738 : vector<1x128xi1>
    %ge3A_740 = arith.constant 0 : i32
    %ge3A_741 = vector.broadcast %ge3A_740 : i32 to vector<1x128xi32>
    %ge3A_742 = arith.cmpi sge, %select_n3A_714, %ge3A_741 : vector<1x128xi32>
    %and3A_743 = arith.andi %ge3A_742, %or3A_739 : vector<1x128xi1>
    %convert_element_type3A_744 = arith.extui %and3A_743 : vector<1x128xi1> to vector<1x128xi32>
    %gt3A = arith.constant 0 : i32
    %gt3A_745 = arith.cmpi sgt, %convert_element_type3A_128, %gt3A : i32
    %gt3A_746 = arith.constant 0 : i32
    %gt3A_747 = arith.cmpi sgt, %convert_element_type3A_172, %gt3A_746 : i32
    %gt3A_748 = arith.constant 0 : i32
    %gt3A_749 = arith.cmpi sgt, %convert_element_type3A_219, %gt3A_748 : i32
    %gt3A_750 = arith.constant 0 : i32
    %gt3A_751 = arith.cmpi sgt, %convert_element_type3A_266, %gt3A_750 : i32
    %gt3A_752 = arith.constant 0 : i32
    %gt3A_753 = arith.cmpi sgt, %convert_element_type3A_313, %gt3A_752 : i32
    %gt3A_754 = arith.constant 0 : i32
    %gt3A_755 = arith.cmpi sgt, %convert_element_type3A_360, %gt3A_754 : i32
    %gt3A_756 = arith.constant 0 : i32
    %gt3A_757 = arith.cmpi sgt, %convert_element_type3A_407, %gt3A_756 : i32
    %gt3A_758 = arith.constant 0 : i32
    %gt3A_759 = arith.cmpi sgt, %convert_element_type3A_454, %gt3A_758 : i32
    %jit3A_760 = arith.constant 7 : i32
    %jit3A_761 = arith.constant -1 : i32
    %select_n3A_762 = arith.select %gt3A_759, %jit3A_760, %jit3A_761 : i32
    %jit3A_763 = arith.constant 6 : i32
    %select_n3A_764 = arith.select %gt3A_757, %jit3A_763, %select_n3A_762 : i32
    %jit3A_765 = arith.constant 5 : i32
    %select_n3A_766 = arith.select %gt3A_755, %jit3A_765, %select_n3A_764 : i32
    %jit3A_767 = arith.constant 4 : i32
    %select_n3A_768 = arith.select %gt3A_753, %jit3A_767, %select_n3A_766 : i32
    %jit3A_769 = arith.constant 3 : i32
    %select_n3A_770 = arith.select %gt3A_751, %jit3A_769, %select_n3A_768 : i32
    %jit3A_771 = arith.constant 2 : i32
    %select_n3A_772 = arith.select %gt3A_749, %jit3A_771, %select_n3A_770 : i32
    %jit3A_773 = arith.constant 1 : i32
    %select_n3A_774 = arith.select %gt3A_747, %jit3A_773, %select_n3A_772 : i32
    %convert_element_type3A_775 = arith.extui %gt3A_745 : i1 to i32
    %add3A_776 = arith.constant 0 : i32
    %add3A_777 = arith.addi %add3A_776, %convert_element_type3A_775 : i32
    %convert_element_type3A_778 = arith.extui %gt3A_747 : i1 to i32
    %add3A_779 = arith.addi %add3A_777, %convert_element_type3A_778 : i32
    %convert_element_type3A_780 = arith.extui %gt3A_749 : i1 to i32
    %add3A_781 = arith.addi %add3A_779, %convert_element_type3A_780 : i32
    %convert_element_type3A_782 = arith.extui %gt3A_751 : i1 to i32
    %add3A_783 = arith.addi %add3A_781, %convert_element_type3A_782 : i32
    %convert_element_type3A_784 = arith.extui %gt3A_753 : i1 to i32
    %add3A_785 = arith.addi %add3A_783, %convert_element_type3A_784 : i32
    %convert_element_type3A_786 = arith.extui %gt3A_755 : i1 to i32
    %add3A_787 = arith.addi %add3A_785, %convert_element_type3A_786 : i32
    %convert_element_type3A_788 = arith.extui %gt3A_757 : i1 to i32
    %add3A_789 = arith.addi %add3A_787, %convert_element_type3A_788 : i32
    %broadcast_in_dim3A_790 = arith.constant -1 : i32
    %broadcast_in_dim3A_791 = vector.broadcast %broadcast_in_dim3A_790 : i32 to vector<1x128xi32>
    %broadcast_in_dim3A_792 = arith.constant 0 : i32
    %broadcast_in_dim3A_793 = vector.broadcast %broadcast_in_dim3A_792 : i32 to vector<1x128xi32>
    %eq3A_794 = arith.constant 0 : i32
    %eq3A_795 = vector.broadcast %eq3A_794 : i32 to vector<1x128xi32>
    %eq3A_796 = arith.cmpi eq, %select_n3A_714, %eq3A_795 : vector<1x128xi32>
    %eq3A_797 = arith.constant 1 : i32
    %eq3A_798 = vector.broadcast %eq3A_797 : i32 to vector<1x128xi32>
    %eq3A_799 = arith.cmpi eq, %convert_element_type3A_744, %eq3A_798 : vector<1x128xi32>
    %and3A_800 = arith.andi %eq3A_796, %eq3A_799 : vector<1x128xi1>
    %broadcast_in_dim3A_801 = vector.broadcast %select_n3A_774 : i32 to vector<1x128xi32>
    %select_n3A_802 = arith.select %and3A_800, %broadcast_in_dim3A_801, %broadcast_in_dim3A_791 : vector<1x128xi1>, vector<1x128xi32>
    %and3A_803 = arith.constant 0 : i32
    %and3A_804 = arith.constant 1 : i32
    %and3A_805 = arith.andi %and3A_803, %and3A_804 : i32
    %broadcast_in_dim3A_806 = vector.broadcast %and3A_805 : i32 to vector<1x128xi32>
    %select_n3A_807 = arith.select %eq3A_796, %broadcast_in_dim3A_806, %broadcast_in_dim3A_793 : vector<1x128xi1>, vector<1x128xi32>
    %eq3A_808 = arith.constant 1 : i32
    %eq3A_809 = vector.broadcast %eq3A_808 : i32 to vector<1x128xi32>
    %eq3A_810 = arith.cmpi eq, %select_n3A_714, %eq3A_809 : vector<1x128xi32>
    %eq3A_811 = arith.constant 1 : i32
    %eq3A_812 = vector.broadcast %eq3A_811 : i32 to vector<1x128xi32>
    %eq3A_813 = arith.cmpi eq, %convert_element_type3A_744, %eq3A_812 : vector<1x128xi32>
    %and3A_814 = arith.andi %eq3A_810, %eq3A_813 : vector<1x128xi1>
    %broadcast_in_dim3A_815 = vector.broadcast %select_n3A_772 : i32 to vector<1x128xi32>
    %select_n3A_816 = arith.select %and3A_814, %broadcast_in_dim3A_815, %select_n3A_802 : vector<1x128xi1>, vector<1x128xi32>
    %and3A_817 = arith.constant 1 : i32
    %and3A_818 = arith.andi %add3A_777, %and3A_817 : i32
    %broadcast_in_dim3A_819 = vector.broadcast %and3A_818 : i32 to vector<1x128xi32>
    %select_n3A_820 = arith.select %eq3A_810, %broadcast_in_dim3A_819, %select_n3A_807 : vector<1x128xi1>, vector<1x128xi32>
    %eq3A_821 = arith.constant 2 : i32
    %eq3A_822 = vector.broadcast %eq3A_821 : i32 to vector<1x128xi32>
    %eq3A_823 = arith.cmpi eq, %select_n3A_714, %eq3A_822 : vector<1x128xi32>
    %eq3A_824 = arith.constant 1 : i32
    %eq3A_825 = vector.broadcast %eq3A_824 : i32 to vector<1x128xi32>
    %eq3A_826 = arith.cmpi eq, %convert_element_type3A_744, %eq3A_825 : vector<1x128xi32>
    %and3A_827 = arith.andi %eq3A_823, %eq3A_826 : vector<1x128xi1>
    %broadcast_in_dim3A_828 = vector.broadcast %select_n3A_770 : i32 to vector<1x128xi32>
    %select_n3A_829 = arith.select %and3A_827, %broadcast_in_dim3A_828, %select_n3A_816 : vector<1x128xi1>, vector<1x128xi32>
    %and3A_830 = arith.constant 1 : i32
    %and3A_831 = arith.andi %add3A_779, %and3A_830 : i32
    %broadcast_in_dim3A_832 = vector.broadcast %and3A_831 : i32 to vector<1x128xi32>
    %select_n3A_833 = arith.select %eq3A_823, %broadcast_in_dim3A_832, %select_n3A_820 : vector<1x128xi1>, vector<1x128xi32>
    %eq3A_834 = arith.constant 3 : i32
    %eq3A_835 = vector.broadcast %eq3A_834 : i32 to vector<1x128xi32>
    %eq3A_836 = arith.cmpi eq, %select_n3A_714, %eq3A_835 : vector<1x128xi32>
    %eq3A_837 = arith.constant 1 : i32
    %eq3A_838 = vector.broadcast %eq3A_837 : i32 to vector<1x128xi32>
    %eq3A_839 = arith.cmpi eq, %convert_element_type3A_744, %eq3A_838 : vector<1x128xi32>
    %and3A_840 = arith.andi %eq3A_836, %eq3A_839 : vector<1x128xi1>
    %broadcast_in_dim3A_841 = vector.broadcast %select_n3A_768 : i32 to vector<1x128xi32>
    %select_n3A_842 = arith.select %and3A_840, %broadcast_in_dim3A_841, %select_n3A_829 : vector<1x128xi1>, vector<1x128xi32>
    %and3A_843 = arith.constant 1 : i32
    %and3A_844 = arith.andi %add3A_781, %and3A_843 : i32
    %broadcast_in_dim3A_845 = vector.broadcast %and3A_844 : i32 to vector<1x128xi32>
    %select_n3A_846 = arith.select %eq3A_836, %broadcast_in_dim3A_845, %select_n3A_833 : vector<1x128xi1>, vector<1x128xi32>
    %eq3A_847 = arith.constant 4 : i32
    %eq3A_848 = vector.broadcast %eq3A_847 : i32 to vector<1x128xi32>
    %eq3A_849 = arith.cmpi eq, %select_n3A_714, %eq3A_848 : vector<1x128xi32>
    %eq3A_850 = arith.constant 1 : i32
    %eq3A_851 = vector.broadcast %eq3A_850 : i32 to vector<1x128xi32>
    %eq3A_852 = arith.cmpi eq, %convert_element_type3A_744, %eq3A_851 : vector<1x128xi32>
    %and3A_853 = arith.andi %eq3A_849, %eq3A_852 : vector<1x128xi1>
    %broadcast_in_dim3A_854 = vector.broadcast %select_n3A_766 : i32 to vector<1x128xi32>
    %select_n3A_855 = arith.select %and3A_853, %broadcast_in_dim3A_854, %select_n3A_842 : vector<1x128xi1>, vector<1x128xi32>
    %and3A_856 = arith.constant 1 : i32
    %and3A_857 = arith.andi %add3A_783, %and3A_856 : i32
    %broadcast_in_dim3A_858 = vector.broadcast %and3A_857 : i32 to vector<1x128xi32>
    %select_n3A_859 = arith.select %eq3A_849, %broadcast_in_dim3A_858, %select_n3A_846 : vector<1x128xi1>, vector<1x128xi32>
    %eq3A_860 = arith.constant 5 : i32
    %eq3A_861 = vector.broadcast %eq3A_860 : i32 to vector<1x128xi32>
    %eq3A_862 = arith.cmpi eq, %select_n3A_714, %eq3A_861 : vector<1x128xi32>
    %eq3A_863 = arith.constant 1 : i32
    %eq3A_864 = vector.broadcast %eq3A_863 : i32 to vector<1x128xi32>
    %eq3A_865 = arith.cmpi eq, %convert_element_type3A_744, %eq3A_864 : vector<1x128xi32>
    %and3A_866 = arith.andi %eq3A_862, %eq3A_865 : vector<1x128xi1>
    %broadcast_in_dim3A_867 = vector.broadcast %select_n3A_764 : i32 to vector<1x128xi32>
    %select_n3A_868 = arith.select %and3A_866, %broadcast_in_dim3A_867, %select_n3A_855 : vector<1x128xi1>, vector<1x128xi32>
    %and3A_869 = arith.constant 1 : i32
    %and3A_870 = arith.andi %add3A_785, %and3A_869 : i32
    %broadcast_in_dim3A_871 = vector.broadcast %and3A_870 : i32 to vector<1x128xi32>
    %select_n3A_872 = arith.select %eq3A_862, %broadcast_in_dim3A_871, %select_n3A_859 : vector<1x128xi1>, vector<1x128xi32>
    %eq3A_873 = arith.constant 6 : i32
    %eq3A_874 = vector.broadcast %eq3A_873 : i32 to vector<1x128xi32>
    %eq3A_875 = arith.cmpi eq, %select_n3A_714, %eq3A_874 : vector<1x128xi32>
    %eq3A_876 = arith.constant 1 : i32
    %eq3A_877 = vector.broadcast %eq3A_876 : i32 to vector<1x128xi32>
    %eq3A_878 = arith.cmpi eq, %convert_element_type3A_744, %eq3A_877 : vector<1x128xi32>
    %and3A_879 = arith.andi %eq3A_875, %eq3A_878 : vector<1x128xi1>
    %broadcast_in_dim3A_880 = vector.broadcast %select_n3A_762 : i32 to vector<1x128xi32>
    %select_n3A_881 = arith.select %and3A_879, %broadcast_in_dim3A_880, %select_n3A_868 : vector<1x128xi1>, vector<1x128xi32>
    %and3A_882 = arith.constant 1 : i32
    %and3A_883 = arith.andi %add3A_787, %and3A_882 : i32
    %broadcast_in_dim3A_884 = vector.broadcast %and3A_883 : i32 to vector<1x128xi32>
    %select_n3A_885 = arith.select %eq3A_875, %broadcast_in_dim3A_884, %select_n3A_872 : vector<1x128xi1>, vector<1x128xi32>
    %eq3A_886 = arith.constant 7 : i32
    %eq3A_887 = vector.broadcast %eq3A_886 : i32 to vector<1x128xi32>
    %eq3A_888 = arith.cmpi eq, %select_n3A_714, %eq3A_887 : vector<1x128xi32>
    %eq3A_889 = arith.constant 1 : i32
    %eq3A_890 = vector.broadcast %eq3A_889 : i32 to vector<1x128xi32>
    %eq3A_891 = arith.cmpi eq, %convert_element_type3A_744, %eq3A_890 : vector<1x128xi32>
    %and3A_892 = arith.andi %eq3A_888, %eq3A_891 : vector<1x128xi1>
    %jit3A_893 = arith.constant -1 : i32
    %broadcast_in_dim3A_894 = vector.broadcast %jit3A_893 : i32 to vector<1x128xi32>
    %select_n3A_895 = arith.select %and3A_892, %broadcast_in_dim3A_894, %select_n3A_881 : vector<1x128xi1>, vector<1x128xi32>
    %and3A_896 = arith.constant 1 : i32
    %and3A_897 = arith.andi %add3A_789, %and3A_896 : i32
    %broadcast_in_dim3A_898 = vector.broadcast %and3A_897 : i32 to vector<1x128xi32>
    %select_n3A_899 = arith.select %eq3A_888, %broadcast_in_dim3A_898, %select_n3A_885 : vector<1x128xi1>, vector<1x128xi32>
    %swap3A_900 = arith.constant 0 : index
    %swap3A_901 = arith.constant 0 : index
    %swap3A_902 = vector.load %arg6[%swap3A_900, %swap3A_901] : memref<8x128xi32, #tpu.memory_space<vmem>>, vector<1x128xi32>
    tpu.vector_store %arg6[%swap3A_900, %swap3A_901], %select_n3A_714 {strides = array<i32>} : memref<8x128xi32, #tpu.memory_space<vmem>>, vector<1x128xi32>,
    %swap3A_903 = arith.constant 1 : index
    %swap3A_904 = arith.constant 0 : index
    %swap3A_905 = vector.load %arg6[%swap3A_903, %swap3A_904] : memref<8x128xi32, #tpu.memory_space<vmem>>, vector<1x128xi32>
    tpu.vector_store %arg6[%swap3A_903, %swap3A_904], %convert_element_type3A_744 {strides = array<i32>} : memref<8x128xi32, #tpu.memory_space<vmem>>, vector<1x128xi32>,
    %swap3A_906 = arith.constant 2 : index
    %swap3A_907 = arith.constant 0 : index
    %swap3A_908 = vector.load %arg6[%swap3A_906, %swap3A_907] : memref<8x128xi32, #tpu.memory_space<vmem>>, vector<1x128xi32>
    tpu.vector_store %arg6[%swap3A_906, %swap3A_907], %select_n3A_895 {strides = array<i32>} : memref<8x128xi32, #tpu.memory_space<vmem>>, vector<1x128xi32>,
    %swap3A_909 = arith.constant 3 : index
    %swap3A_910 = arith.constant 0 : index
    %swap3A_911 = vector.load %arg6[%swap3A_909, %swap3A_910] : memref<8x128xi32, #tpu.memory_space<vmem>>, vector<1x128xi32>
    tpu.vector_store %arg6[%swap3A_909, %swap3A_910], %select_n3A_899 {strides = array<i32>} : memref<8x128xi32, #tpu.memory_space<vmem>>, vector<1x128xi32>,
    %broadcast_in_dim3A_912 = arith.constant 1 : i32
    %broadcast_in_dim3A_913 = vector.broadcast %broadcast_in_dim3A_912 : i32 to vector<1x128xi32>
    %jit3A_914 = arith.constant 128 : i32
    %div3A_915 = arith.divsi %add3A_485, %jit3A_914 : i32
    %sign3A_916 = arith.constant 0 : i32
    %sign3A_917 = arith.cmpi sgt, %add3A_485, %sign3A_916 : i32
    %sign3A_918 = arith.extui %sign3A_917 : i1 to i32
    %sign3A_919 = arith.constant 0 : i32
    %sign3A_920 = arith.cmpi slt, %add3A_485, %sign3A_919 : i32
    %sign3A_921 = arith.extui %sign3A_920 : i1 to i32
    %sign3A_922 = arith.subi %sign3A_918, %sign3A_921 : i32
    %sign3A_923 = arith.constant 0 : i32
    %sign3A_924 = arith.cmpi sgt, %jit3A_914, %sign3A_923 : i32
    %sign3A_925 = arith.extui %sign3A_924 : i1 to i32
    %sign3A_926 = arith.constant 0 : i32
    %sign3A_927 = arith.cmpi slt, %jit3A_914, %sign3A_926 : i32
    %sign3A_928 = arith.extui %sign3A_927 : i1 to i32
    %sign3A_929 = arith.subi %sign3A_925, %sign3A_928 : i32
    %ne3A_930 = arith.cmpi ne, %sign3A_922, %sign3A_929 : i32
    %rem3A_931 = arith.remsi %add3A_485, %jit3A_914 : i32
    %ne3A_932 = arith.constant 0 : i32
    %ne3A_933 = arith.cmpi ne, %rem3A_931, %ne3A_932 : i32
    %and3A_934 = arith.andi %ne3A_930, %ne3A_933 : i1
    %sub3A_935 = arith.constant 1 : i32
    %sub3A_936 = arith.subi %div3A_915, %sub3A_935 : i32
    %select_n3A_937 = arith.select %and3A_934, %sub3A_936, %div3A_915 : i32
    %sub3A_938 = arith.constant 1 : i32
    %sub3A_939 = arith.subi %select_n3A_937, %sub3A_938 : i32
    %mul3A_940 = vector.broadcast %sub3A_939 : i32 to vector<1x128xi32>
    %mul3A_941 = arith.muli %broadcast_in_dim3A_913, %mul3A_940 : vector<1x128xi32>
    %swap3A_942 = arith.constant 4 : index
    %swap3A_943 = arith.constant 0 : index
    %swap3A_944 = vector.load %arg6[%swap3A_942, %swap3A_943] : memref<8x128xi32, #tpu.memory_space<vmem>>, vector<1x128xi32>
    tpu.vector_store %arg6[%swap3A_942, %swap3A_943], %mul3A_941 {strides = array<i32>} : memref<8x128xi32, #tpu.memory_space<vmem>>, vector<1x128xi32>,
    %broadcast_in_dim3A_945 = arith.constant 0 : i32
    %broadcast_in_dim3A_946 = vector.broadcast %broadcast_in_dim3A_945 : i32 to vector<3x128xi32>
    %swap3A_947 = arith.constant 5 : index
    %swap3A_948 = arith.constant 0 : index
    %swap3A_949 = vector.load %arg6[%swap3A_947, %swap3A_948] : memref<8x128xi32, #tpu.memory_space<vmem>>, vector<3x128xi32>
    tpu.vector_store %arg6[%swap3A_947, %swap3A_948], %broadcast_in_dim3A_946 {strides = array<i32>} : memref<8x128xi32, #tpu.memory_space<vmem>>, vector<3x128xi32>,
    return
  }
}

module attributes {stable_mosaic.version = 14 : i64} {
  func.func @_expert_body(%arg0: i32, %arg1: memref<8x128xi32, #tpu.memory_space<smem>>, %arg2: memref<128x768xf32, #tpu.memory_space<vmem>>, %arg3: memref<8x768x1536xf32, #tpu.memory_space<any>>, %arg4: memref<1x1x1536xf32, #tpu.memory_space<vmem>>, %arg5: memref<8x1536x768xf32, #tpu.memory_space<any>>, %arg6: memref<1x1x768xf32, #tpu.memory_space<vmem>>, %arg7: memref<128x768xf32, #tpu.memory_space<vmem>>, %arg8: memref<2x768x1536xf32, #tpu.memory_space<vmem>>, %arg9: memref<2x1536x768xf32, #tpu.memory_space<vmem>>, %arg10: memref<4x!tpu.dma_semaphore, #tpu.memory_space<semaphore_mem>>) attributes {dimension_semantics = [#tpu.dimension_semantics<arbitrary>], iteration_bounds = array<i64: 40>, scalar_prefetch = 1 : i64, scratch_operands = 3 : i64, tpu.core_type = #tpu.core_type<tc>, window_params = [{transform_indices = @transform_0, window_bounds = array<i64: 128, 768>}, {}, {transform_indices = @transform_2, window_bounds = array<i64: 1, 1, 1536>}, {}, {transform_indices = @transform_4, window_bounds = array<i64: 1, 1, 768>}, {transform_indices = @transform_5, window_bounds = array<i64: 128, 768>}]} {
    %get3A = arith.constant 0 : index
    %get3A_0 = arith.index_cast %arg0 : i32 to index
    %get3A_1 = memref.load %arg1[%get3A, %get3A_0] : memref<8x128xi32, #tpu.memory_space<smem>>
    %get3A_2 = arith.constant 1 : index
    %get3A_3 = arith.index_cast %arg0 : i32 to index
    %get3A_4 = memref.load %arg1[%get3A_2, %get3A_3] : memref<8x128xi32, #tpu.memory_space<smem>>
    %get3A_5 = arith.constant 2 : index
    %get3A_6 = arith.index_cast %arg0 : i32 to index
    %get3A_7 = memref.load %arg1[%get3A_5, %get3A_6] : memref<8x128xi32, #tpu.memory_space<smem>>
    %get3A_8 = arith.constant 3 : index
    %get3A_9 = arith.index_cast %arg0 : i32 to index
    %get3A_10 = memref.load %arg1[%get3A_8, %get3A_9] : memref<8x128xi32, #tpu.memory_space<smem>>
    %eq3A = arith.constant 0 : i32
    %eq3A_11 = arith.cmpi eq, %arg0, %eq3A : i32
    %convert_element_type3A = arith.extui %eq3A_11 : i1 to i32
    %cond3A = arith.constant 0 : i32
    %cond3A_12 = arith.cmpi ne, %convert_element_type3A, %cond3A : i32
    scf.if %cond3A_12 {
      %get3A_27 = arith.constant 0 : index
      %get3A_28 = arith.constant 0 : index
      %get3A_29 = memref.load %arg1[%get3A_27, %get3A_28] : memref<8x128xi32, #tpu.memory_space<smem>>
      %dma_start3A = arith.constant 0 : i32
      %dma_start3A_30 = arith.constant 0 : i32
      %dma_start3A_31 = tpu.memref_slice %arg10[%dma_start3A_30] : memref<4x!tpu.dma_semaphore, #tpu.memory_space<semaphore_mem>> -> memref<1x!tpu.dma_semaphore, #tpu.memory_space<semaphore_mem>>
      %dma_start3A_32 = tpu.memref_squeeze %dma_start3A_31 : memref<1x!tpu.dma_semaphore, #tpu.memory_space<semaphore_mem>> -> memref<!tpu.dma_semaphore, #tpu.memory_space<semaphore_mem>>
      %dma_start3A_33 = arith.constant 0 : i32
      %dma_start3A_34 = arith.constant 0 : i32
      %dma_start3A_35 = tpu.memref_slice %arg8[%dma_start3A, %dma_start3A_33, %dma_start3A_34] : memref<2x768x1536xf32, #tpu.memory_space<vmem>> -> memref<1x768x1536xf32, #tpu.memory_space<vmem>>
      %dma_start3A_36 = tpu.memref_squeeze %dma_start3A_35 : memref<1x768x1536xf32, #tpu.memory_space<vmem>> -> memref<768x1536xf32, #tpu.memory_space<vmem>>
      %dma_start3A_37 = arith.constant 0 : i32
      %dma_start3A_38 = arith.constant 0 : i32
      %dma_start3A_39 = tpu.memref_slice %arg3[%get3A_29, %dma_start3A_37, %dma_start3A_38] : memref<8x768x1536xf32, #tpu.memory_space<any>> -> memref<1x768x1536xf32, #tpu.memory_space<any>>
      %dma_start3A_40 = tpu.memref_squeeze %dma_start3A_39 : memref<1x768x1536xf32, #tpu.memory_space<any>> -> memref<768x1536xf32, #tpu.memory_space<any>>
      tpu.enqueue_dma source(%dma_start3A_40 : memref<768x1536xf32, #tpu.memory_space<any>>) target(%dma_start3A_36 : memref<768x1536xf32, #tpu.memory_space<vmem>>) target_semaphore(%dma_start3A_32 : memref<!tpu.dma_semaphore, #tpu.memory_space<semaphore_mem>>)
      %dma_start3A_41 = arith.constant 0 : i32
      %dma_start3A_42 = arith.constant 1 : i32
      %dma_start3A_43 = tpu.memref_slice %arg10[%dma_start3A_42] : memref<4x!tpu.dma_semaphore, #tpu.memory_space<semaphore_mem>> -> memref<1x!tpu.dma_semaphore, #tpu.memory_space<semaphore_mem>>
      %dma_start3A_44 = tpu.memref_squeeze %dma_start3A_43 : memref<1x!tpu.dma_semaphore, #tpu.memory_space<semaphore_mem>> -> memref<!tpu.dma_semaphore, #tpu.memory_space<semaphore_mem>>
      %dma_start3A_45 = arith.constant 0 : i32
      %dma_start3A_46 = arith.constant 0 : i32
      %dma_start3A_47 = tpu.memref_slice %arg9[%dma_start3A_41, %dma_start3A_45, %dma_start3A_46] : memref<2x1536x768xf32, #tpu.memory_space<vmem>> -> memref<1x1536x768xf32, #tpu.memory_space<vmem>>
      %dma_start3A_48 = tpu.memref_squeeze %dma_start3A_47 : memref<1x1536x768xf32, #tpu.memory_space<vmem>> -> memref<1536x768xf32, #tpu.memory_space<vmem>>
      %dma_start3A_49 = arith.constant 0 : i32
      %dma_start3A_50 = arith.constant 0 : i32
      %dma_start3A_51 = tpu.memref_slice %arg5[%get3A_29, %dma_start3A_49, %dma_start3A_50] : memref<8x1536x768xf32, #tpu.memory_space<any>> -> memref<1x1536x768xf32, #tpu.memory_space<any>>
      %dma_start3A_52 = tpu.memref_squeeze %dma_start3A_51 : memref<1x1536x768xf32, #tpu.memory_space<any>> -> memref<1536x768xf32, #tpu.memory_space<any>>
      tpu.enqueue_dma source(%dma_start3A_52 : memref<1536x768xf32, #tpu.memory_space<any>>) target(%dma_start3A_48 : memref<1536x768xf32, #tpu.memory_space<vmem>>) target_semaphore(%dma_start3A_44 : memref<!tpu.dma_semaphore, #tpu.memory_space<semaphore_mem>>)
    } else {
    }
    %ge3A = arith.constant 0 : i32
    %ge3A_13 = arith.cmpi sge, %get3A_7, %ge3A : i32
    %convert_element_type3A_14 = arith.extui %ge3A_13 : i1 to i32
    %cond3A_15 = arith.constant 0 : i32
    %cond3A_16 = arith.cmpi ne, %convert_element_type3A_14, %cond3A_15 : i32
    scf.if %cond3A_16 {
      %sub3A = arith.constant 1 : i32
      %sub3A_27 = arith.subi %sub3A, %get3A_10 : i32
      %mul3A = arith.constant 2 : i32
      %mul3A_28 = arith.muli %mul3A, %sub3A_27 : i32
      %dma_start3A = tpu.memref_slice %arg10[%mul3A_28] : memref<4x!tpu.dma_semaphore, #tpu.memory_space<semaphore_mem>> -> memref<1x!tpu.dma_semaphore, #tpu.memory_space<semaphore_mem>>
      %dma_start3A_29 = tpu.memref_squeeze %dma_start3A : memref<1x!tpu.dma_semaphore, #tpu.memory_space<semaphore_mem>> -> memref<!tpu.dma_semaphore, #tpu.memory_space<semaphore_mem>>
      %dma_start3A_30 = arith.constant 0 : i32
      %dma_start3A_31 = arith.constant 0 : i32
      %dma_start3A_32 = tpu.memref_slice %arg8[%sub3A_27, %dma_start3A_30, %dma_start3A_31] : memref<2x768x1536xf32, #tpu.memory_space<vmem>> -> memref<1x768x1536xf32, #tpu.memory_space<vmem>>
      %dma_start3A_33 = tpu.memref_squeeze %dma_start3A_32 : memref<1x768x1536xf32, #tpu.memory_space<vmem>> -> memref<768x1536xf32, #tpu.memory_space<vmem>>
      %dma_start3A_34 = arith.constant 0 : i32
      %dma_start3A_35 = arith.constant 0 : i32
      %dma_start3A_36 = tpu.memref_slice %arg3[%get3A_7, %dma_start3A_34, %dma_start3A_35] : memref<8x768x1536xf32, #tpu.memory_space<any>> -> memref<1x768x1536xf32, #tpu.memory_space<any>>
      %dma_start3A_37 = tpu.memref_squeeze %dma_start3A_36 : memref<1x768x1536xf32, #tpu.memory_space<any>> -> memref<768x1536xf32, #tpu.memory_space<any>>
      tpu.enqueue_dma source(%dma_start3A_37 : memref<768x1536xf32, #tpu.memory_space<any>>) target(%dma_start3A_33 : memref<768x1536xf32, #tpu.memory_space<vmem>>) target_semaphore(%dma_start3A_29 : memref<!tpu.dma_semaphore, #tpu.memory_space<semaphore_mem>>)
      %mul3A_38 = arith.constant 2 : i32
      %mul3A_39 = arith.muli %mul3A_38, %sub3A_27 : i32
      %add3A = arith.constant 1 : i32
      %add3A_40 = arith.addi %mul3A_39, %add3A : i32
      %dma_start3A_41 = tpu.memref_slice %arg10[%add3A_40] : memref<4x!tpu.dma_semaphore, #tpu.memory_space<semaphore_mem>> -> memref<1x!tpu.dma_semaphore, #tpu.memory_space<semaphore_mem>>
      %dma_start3A_42 = tpu.memref_squeeze %dma_start3A_41 : memref<1x!tpu.dma_semaphore, #tpu.memory_space<semaphore_mem>> -> memref<!tpu.dma_semaphore, #tpu.memory_space<semaphore_mem>>
      %dma_start3A_43 = arith.constant 0 : i32
      %dma_start3A_44 = arith.constant 0 : i32
      %dma_start3A_45 = tpu.memref_slice %arg9[%sub3A_27, %dma_start3A_43, %dma_start3A_44] : memref<2x1536x768xf32, #tpu.memory_space<vmem>> -> memref<1x1536x768xf32, #tpu.memory_space<vmem>>
      %dma_start3A_46 = tpu.memref_squeeze %dma_start3A_45 : memref<1x1536x768xf32, #tpu.memory_space<vmem>> -> memref<1536x768xf32, #tpu.memory_space<vmem>>
      %dma_start3A_47 = arith.constant 0 : i32
      %dma_start3A_48 = arith.constant 0 : i32
      %dma_start3A_49 = tpu.memref_slice %arg5[%get3A_7, %dma_start3A_47, %dma_start3A_48] : memref<8x1536x768xf32, #tpu.memory_space<any>> -> memref<1x1536x768xf32, #tpu.memory_space<any>>
      %dma_start3A_50 = tpu.memref_squeeze %dma_start3A_49 : memref<1x1536x768xf32, #tpu.memory_space<any>> -> memref<1536x768xf32, #tpu.memory_space<any>>
      tpu.enqueue_dma source(%dma_start3A_50 : memref<1536x768xf32, #tpu.memory_space<any>>) target(%dma_start3A_46 : memref<1536x768xf32, #tpu.memory_space<vmem>>) target_semaphore(%dma_start3A_42 : memref<!tpu.dma_semaphore, #tpu.memory_space<semaphore_mem>>)
    } else {
    }
    %eq3A_17 = arith.constant 1 : i32
    %eq3A_18 = arith.cmpi eq, %get3A_4, %eq3A_17 : i32
    %convert_element_type3A_19 = arith.extui %eq3A_18 : i1 to i32
    %cond3A_20 = arith.constant 0 : i32
    %cond3A_21 = arith.cmpi ne, %convert_element_type3A_19, %cond3A_20 : i32
    scf.if %cond3A_21 {
      %mul3A = arith.constant 2 : i32
      %mul3A_27 = arith.muli %mul3A, %get3A_10 : i32
      %dma_wait3A = tpu.memref_slice %arg10[%mul3A_27] : memref<4x!tpu.dma_semaphore, #tpu.memory_space<semaphore_mem>> -> memref<1x!tpu.dma_semaphore, #tpu.memory_space<semaphore_mem>>
      %dma_wait3A_28 = tpu.memref_squeeze %dma_wait3A : memref<1x!tpu.dma_semaphore, #tpu.memory_space<semaphore_mem>> -> memref<!tpu.dma_semaphore, #tpu.memory_space<semaphore_mem>>
      %dma_wait3A_29 = arith.constant 0 : i32
      %dma_wait3A_30 = arith.constant 0 : i32
      %dma_wait3A_31 = tpu.memref_slice %arg8[%get3A_10, %dma_wait3A_29, %dma_wait3A_30] : memref<2x768x1536xf32, #tpu.memory_space<vmem>> -> memref<1x768x1536xf32, #tpu.memory_space<vmem>>
      %dma_wait3A_32 = tpu.memref_squeeze %dma_wait3A_31 : memref<1x768x1536xf32, #tpu.memory_space<vmem>> -> memref<768x1536xf32, #tpu.memory_space<vmem>>
      %dma_wait3A_33 = arith.constant 0 : i32
      %dma_wait3A_34 = arith.constant 0 : i32
      %dma_wait3A_35 = tpu.memref_slice %arg3[%get3A_1, %dma_wait3A_33, %dma_wait3A_34] : memref<8x768x1536xf32, #tpu.memory_space<any>> -> memref<1x768x1536xf32, #tpu.memory_space<any>>
      %dma_wait3A_36 = tpu.memref_squeeze %dma_wait3A_35 : memref<1x768x1536xf32, #tpu.memory_space<any>> -> memref<768x1536xf32, #tpu.memory_space<any>>
      tpu.wait_dma2 semaphore(%dma_wait3A_28 : memref<!tpu.dma_semaphore, #tpu.memory_space<semaphore_mem>>) src(%dma_wait3A_36 : memref<768x1536xf32, #tpu.memory_space<any>>) dst(%dma_wait3A_32 : memref<768x1536xf32, #tpu.memory_space<vmem>>)
      %mul3A_37 = arith.constant 2 : i32
      %mul3A_38 = arith.muli %mul3A_37, %get3A_10 : i32
      %add3A = arith.constant 1 : i32
      %add3A_39 = arith.addi %mul3A_38, %add3A : i32
      %dma_wait3A_40 = tpu.memref_slice %arg10[%add3A_39] : memref<4x!tpu.dma_semaphore, #tpu.memory_space<semaphore_mem>> -> memref<1x!tpu.dma_semaphore, #tpu.memory_space<semaphore_mem>>
      %dma_wait3A_41 = tpu.memref_squeeze %dma_wait3A_40 : memref<1x!tpu.dma_semaphore, #tpu.memory_space<semaphore_mem>> -> memref<!tpu.dma_semaphore, #tpu.memory_space<semaphore_mem>>
      %dma_wait3A_42 = arith.constant 0 : i32
      %dma_wait3A_43 = arith.constant 0 : i32
      %dma_wait3A_44 = tpu.memref_slice %arg9[%get3A_10, %dma_wait3A_42, %dma_wait3A_43] : memref<2x1536x768xf32, #tpu.memory_space<vmem>> -> memref<1x1536x768xf32, #tpu.memory_space<vmem>>
      %dma_wait3A_45 = tpu.memref_squeeze %dma_wait3A_44 : memref<1x1536x768xf32, #tpu.memory_space<vmem>> -> memref<1536x768xf32, #tpu.memory_space<vmem>>
      %dma_wait3A_46 = arith.constant 0 : i32
      %dma_wait3A_47 = arith.constant 0 : i32
      %dma_wait3A_48 = tpu.memref_slice %arg5[%get3A_1, %dma_wait3A_46, %dma_wait3A_47] : memref<8x1536x768xf32, #tpu.memory_space<any>> -> memref<1x1536x768xf32, #tpu.memory_space<any>>
      %dma_wait3A_49 = tpu.memref_squeeze %dma_wait3A_48 : memref<1x1536x768xf32, #tpu.memory_space<any>> -> memref<1536x768xf32, #tpu.memory_space<any>>
      tpu.wait_dma2 semaphore(%dma_wait3A_41 : memref<!tpu.dma_semaphore, #tpu.memory_space<semaphore_mem>>) src(%dma_wait3A_49 : memref<1536x768xf32, #tpu.memory_space<any>>) dst(%dma_wait3A_45 : memref<1536x768xf32, #tpu.memory_space<vmem>>)
    } else {
    }
    %ge3A_22 = arith.constant 0 : i32
    %ge3A_23 = arith.cmpi sge, %get3A_1, %ge3A_22 : i32
    %convert_element_type3A_24 = arith.extui %ge3A_23 : i1 to i32
    %cond3A_25 = arith.constant 0 : i32
    %cond3A_26 = arith.cmpi ne, %convert_element_type3A_24, %cond3A_25 : i32
    scf.if %cond3A_26 {
      %get3A_27 = arith.constant 0 : index
      %get3A_28 = arith.constant 0 : index
      %get3A_29 = vector.load %arg2[%get3A_27, %get3A_28] : memref<128x768xf32, #tpu.memory_space<vmem>>, vector<128x768xf32>
      %get3A_30 = arith.index_cast %get3A_10 : i32 to index
      %get3A_31 = arith.constant 0 : index
      %get3A_32 = arith.constant 0 : index
      %get3A_33 = vector.load %arg8[%get3A_30, %get3A_31, %get3A_32] : memref<2x768x1536xf32, #tpu.memory_space<vmem>>, vector<1x768x1536xf32>
      %get3A_34 = vector.shape_cast %get3A_33 : vector<1x768x1536xf32> to vector<768x1536xf32>
      %dot_general3A = arith.constant dense<0.000000e+00> : vector<128x1536xf32>
      %dot_general3A_35 = tpu.matmul %get3A_29, %get3A_34, %dot_general3A {dimension_numbers = #tpu.dot_dimension_numbers<[1], [0], [0], [1], [0, 0, 1, 1], [], []>, transpose_lhs_hint = false} : vector<128x768xf32>, vector<768x1536xf32>, vector<128x1536xf32> -> vector<128x1536xf32>
      %get3A_36 = arith.constant 0 : index
      %get3A_37 = arith.constant 0 : index
      %get3A_38 = arith.constant 0 : index
      %get3A_39 = vector.load %arg4[%get3A_36, %get3A_37, %get3A_38] : memref<1x1x1536xf32, #tpu.memory_space<vmem>>, vector<1x1x1536xf32>
      %get3A_40 = vector.shape_cast %get3A_39 : vector<1x1x1536xf32> to vector<1x1536xf32>
      %add3A = vector.broadcast %get3A_40 : vector<1x1536xf32> to vector<128x1536xf32>
      %add3A_41 = arith.addf %dot_general3A_35, %add3A : vector<128x1536xf32>
      %max3A = arith.constant 0.000000e+00 : f32
      %max3A_42 = vector.broadcast %max3A : f32 to vector<128x1536xf32>
      %max3A_43 = arith.maximumf %add3A_41, %max3A_42 : vector<128x1536xf32>
      %get3A_44 = arith.index_cast %get3A_10 : i32 to index
      %get3A_45 = arith.constant 0 : index
      %get3A_46 = arith.constant 0 : index
      %get3A_47 = vector.load %arg9[%get3A_44, %get3A_45, %get3A_46] : memref<2x1536x768xf32, #tpu.memory_space<vmem>>, vector<1x1536x768xf32>
      %get3A_48 = vector.shape_cast %get3A_47 : vector<1x1536x768xf32> to vector<1536x768xf32>
      %dot_general3A_49 = arith.constant dense<0.000000e+00> : vector<128x768xf32>
      %dot_general3A_50 = tpu.matmul %max3A_43, %get3A_48, %dot_general3A_49 {dimension_numbers = #tpu.dot_dimension_numbers<[1], [0], [0], [1], [0, 0, 1, 1], [], []>, transpose_lhs_hint = false} : vector<128x1536xf32>, vector<1536x768xf32>, vector<128x768xf32> -> vector<128x768xf32>
      %get3A_51 = arith.constant 0 : index
      %get3A_52 = arith.constant 0 : index
      %get3A_53 = arith.constant 0 : index
      %get3A_54 = vector.load %arg6[%get3A_51, %get3A_52, %get3A_53] : memref<1x1x768xf32, #tpu.memory_space<vmem>>, vector<1x1x768xf32>
      %get3A_55 = vector.shape_cast %get3A_54 : vector<1x1x768xf32> to vector<1x768xf32>
      %add3A_56 = vector.broadcast %get3A_55 : vector<1x768xf32> to vector<128x768xf32>
      %add3A_57 = arith.addf %dot_general3A_50, %add3A_56 : vector<128x768xf32>
      %swap3A = arith.constant 0 : index
      %swap3A_58 = arith.constant 0 : index
      %swap3A_59 = vector.load %arg7[%swap3A, %swap3A_58] : memref<128x768xf32, #tpu.memory_space<vmem>>, vector<128x768xf32>
      tpu.vector_store %arg7[%swap3A, %swap3A_58], %add3A_57 {strides = array<i32>} : memref<128x768xf32, #tpu.memory_space<vmem>>, vector<128x768xf32>,
    } else {
    }
    return
  }
  func.func @transform_0(%arg0: i32, %arg1: memref<8x128xi32, #tpu.memory_space<smem>>) -> (i32, i32) {
    %get3A = arith.constant 0 : index
    %get3A_0 = arith.index_cast %arg0 : i32 to index
    %get3A_1 = memref.load %arg1[%get3A, %get3A_0] : memref<8x128xi32, #tpu.memory_space<smem>>
    %lt3A = arith.constant 0 : i32
    %lt3A_2 = arith.cmpi slt, %get3A_1, %lt3A : i32
    %get3A_3 = arith.constant 4 : index
    %get3A_4 = arith.constant 0 : index
    %get3A_5 = memref.load %arg1[%get3A_3, %get3A_4] : memref<8x128xi32, #tpu.memory_space<smem>>
    %select_n3A = arith.select %lt3A_2, %get3A_5, %arg0 : i32
    %c0_i32 = arith.constant 0 : i32
    %c0_i32_6 = arith.constant 0 : i32
    return %select_n3A, %c0_i32 : i32, i32
  }
  func.func @transform_2(%arg0: i32, %arg1: memref<8x128xi32, #tpu.memory_space<smem>>) -> (i32, i32, i32) {
    %get3A = arith.constant 0 : index
    %get3A_0 = arith.index_cast %arg0 : i32 to index
    %get3A_1 = memref.load %arg1[%get3A, %get3A_0] : memref<8x128xi32, #tpu.memory_space<smem>>
    %lt3A = arith.constant 0 : i32
    %lt3A_2 = arith.cmpi slt, %get3A_1, %lt3A : i32
    %get3A_3 = arith.constant 0 : index
    %get3A_4 = arith.index_cast %arg0 : i32 to index
    %get3A_5 = memref.load %arg1[%get3A_3, %get3A_4] : memref<8x128xi32, #tpu.memory_space<smem>>
    %jit3A = arith.constant 7 : i32
    %select_n3A = arith.select %lt3A_2, %jit3A, %get3A_5 : i32
    %c0_i32 = arith.constant 0 : i32
    %c0_i32_6 = arith.constant 0 : i32
    %c0_i32_7 = arith.constant 0 : i32
    return %select_n3A, %c0_i32, %c0_i32_6 : i32, i32, i32
  }
  func.func @transform_4(%arg0: i32, %arg1: memref<8x128xi32, #tpu.memory_space<smem>>) -> (i32, i32, i32) {
    %get3A = arith.constant 0 : index
    %get3A_0 = arith.index_cast %arg0 : i32 to index
    %get3A_1 = memref.load %arg1[%get3A, %get3A_0] : memref<8x128xi32, #tpu.memory_space<smem>>
    %lt3A = arith.constant 0 : i32
    %lt3A_2 = arith.cmpi slt, %get3A_1, %lt3A : i32
    %get3A_3 = arith.constant 0 : index
    %get3A_4 = arith.index_cast %arg0 : i32 to index
    %get3A_5 = memref.load %arg1[%get3A_3, %get3A_4] : memref<8x128xi32, #tpu.memory_space<smem>>
    %jit3A = arith.constant 7 : i32
    %select_n3A = arith.select %lt3A_2, %jit3A, %get3A_5 : i32
    %c0_i32 = arith.constant 0 : i32
    %c0_i32_6 = arith.constant 0 : i32
    %c0_i32_7 = arith.constant 0 : i32
    return %select_n3A, %c0_i32, %c0_i32_6 : i32, i32, i32
  }
  func.func @transform_5(%arg0: i32, %arg1: memref<8x128xi32, #tpu.memory_space<smem>>) -> (i32, i32) {
    %get3A = arith.constant 0 : index
    %get3A_0 = arith.index_cast %arg0 : i32 to index
    %get3A_1 = memref.load %arg1[%get3A, %get3A_0] : memref<8x128xi32, #tpu.memory_space<smem>>
    %lt3A = arith.constant 0 : i32
    %lt3A_2 = arith.cmpi slt, %get3A_1, %lt3A : i32
    %get3A_3 = arith.constant 4 : index
    %get3A_4 = arith.constant 0 : index
    %get3A_5 = memref.load %arg1[%get3A_3, %get3A_4] : memref<8x128xi32, #tpu.memory_space<smem>>
    %select_n3A = arith.select %lt3A_2, %get3A_5, %arg0 : i32
    %c0_i32 = arith.constant 0 : i32
    %c0_i32_6 = arith.constant 0 : i32
    return %select_n3A, %c0_i32 : i32, i32
  }
}

</mosaic_0001>

<sc_bundles>
// kernel: kernel.6.cloned.1.call-start
scs
__scs_entry_jumppad:
0x0: {  	(pc) =	sbr.rel $0x88, $3  }
0x1: {  	(tag) =	ssettag $0x0;
	lr =	simm.s32 $0x1  }
0x2: {  	[smem:$0x3F9B] =	sst lr;
	_ =	strace $0xD0000000  }
0x3: {  	_ = 	snop  }
0x4: {  	_ = 	snop  }
0x5: {  	_ = 	snop  }
0x6: {  	_ = 	snop  }
0x7: {  	_ = 	snop  }
__scs_overlays_trampoline_lowered:
0x8: {  	[smem:$0x3FAA] =	sst s0  }
0x9: {  	[smem:$0x3FAB] =	sst s1  }
0xa: {  	[smem:$0x3FAC] =	sst s2  }
0xb: {  	[smem:$0x3FAD] =	sst s3  }
0xc: {  	[smem:$0x3FAE] =	sst s4  }
0xd: {  	[smem:$0x3FAF] =	sst s5  }
0xe: {  	[smem:$0x3FB0] =	sst s6  }
0xf: {  	[smem:$0x3FB1] =	sst s7  }
0x10: {  	[smem:$0x3FB2] =	sst s8  }
0x11: {  	[smem:$0x3FB3] =	sst s9;
	s0 =	simm.s32 @!p0 $0x0  }
0x12: {  	s1 =	sld [smem:$0x3F99];
	s0 =	simm.s32 @p0 $0x1  }
0x13: {  	[smem:$0x3FB4] =	sst s0;
	s0 =	simm.s32 @!p1 $0x0  }
0x14: {  	s2 =	sld [smem:$0x3F98];
	s0 =	simm.s32 @p1 $0x1  }
0x15: {  	[smem:$0x3FB5] =	sst s0;
	s0 =	simm.s32 @!p2 $0x0  }
0x16: {  	s3 =	sld [smem:$0x3FDB];
	s0 =	simm.s32 @p2 $0x1  }
0x17: {  	s4 =	simm.s32 $0x1BF5;
	[smem:$0x3FB7] =	sst s0  }
0x18: {  	s0 =	sld [smem:$0x3F9A];
	_ =	swait.ge [sflag:s4], $0x0  }
0x19: {  	s7 =	sld [smem:$0x3F9B]  }
0x1a: {  	s8 =	sadd.s32 $0xFFFFE003, lr  }
0x1b: {  	s9 =	sadd.s32 $0xFFFFFEF7, lr;
	s5 =	simm.s32 $0xFFFFFFFF;
	p2 =	slt.u32 s8, $0xFFFFF086  }
0x1c: {  	p1 =	slt.u32 s9, $0xF7A;
	s5 =	simm.s32 @!p2 $0x0  }
0x1d: {  	s5 =	simm.s32 @p1 $0x1;
	p0 =	seq.s32 s7, s2  }
0x1e: {  	s7 =	smul.u32 @!p0 $0xF7A, s2;
	p2 =	seq.s32 @!p0 s5, $0x0  }
0x1f: {  	s9 =	smul.u32 $0xF7A, s1;
	s8 =	simm.s32 @!p0 $0x1BF5;
	p2 =	por !p2, p0  }
0x20: {  	[sflag:s8] =	ssyncset.s32 @!p0 $0xFFFFF086;
	s6 =	sadd.s32 @!p0 s3, s7;
	s7 =	simm.s32 @!p0 $0x108  }
0x21: {  	s3 =	sadd.s32 s3, s9;
	s6 =	sadd.s32 @!p0 $0x88, s6;
	s7 =	simm.s32 @p2 $0x1082  }
0x22: {  	[simem:s7], [sflag:s8] =	dma.local @!p0 [hbm:s6], $0xF7A  }
0x23: {  	s9 =	sor.u32 $0xD0000000, s2;
	s6 =	simm.s32 $0x108;
	_ =	swait.ge @!p0 [sflag:s8], $0x0  }
0x24: {  	s3 =	sadd.s32 $0x88, s3;
	s6 =	simm.s32 @!p1 $0x1082;
	[sflag:s4] =	ssyncset.s32 $0xFFFFF086  }
0x25: {  	[simem:s6], [sflag:s4] =	dma.local [hbm:s3], $0xF7A  }
0x26: {  	[smem:$0x3F9B] =	sst s1;
	(tag) =	ssettag s2;
	_ =	strace s9  }
0x27: {  	s1 =	sld [smem:$0x3FAB]  }
0x28: {  	s2 =	sld [smem:$0x3FAC]  }
0x29: {  	s4 =	sld [smem:$0x3FAE]  }
0x2a: {  	p0 =	seq.s32 s5, $0x0;
	s5 =	sld [smem:$0x3FAF]  }
0x2b: {  	s6 =	sld [smem:$0x3FB0]  }
0x2c: {  	s7 =	sld [smem:$0x3FB1]  }
0x2d: {  	s3 =	simm.s32 $0x108;
	s8 =	sld [smem:$0x3FB2]  }
0x2e: {  	s3 =	simm.s32 @!p0 $0x1082;
	s9 =	sld [smem:$0x3FB3]  }
0x2f: {  	lr =	sadd.s32 s0, s3;
	s0 =	sld [smem:$0x3FAA]  }
0x30: {  	s3 =	sld [smem:$0x3FAD]  }
0x31: {  	[smem:$0x3FB6] =	sst s10  }
0x32: {  	s10 =	sld [smem:$0x3FB4];
	_ =	sdelay $0x3  }
0x33: {  	p0 =	seq.s32 s10, $0x1;
	s10 =	sld [smem:$0x3FB6];
	_ =	sdelay $0x3  }
0x34: {  	[smem:$0x3FB6] =	sst s10  }
0x35: {  	s10 =	sld [smem:$0x3FB5];
	_ =	sdelay $0x3  }
0x36: {  	p1 =	seq.s32 s10, $0x1;
	s10 =	sld [smem:$0x3FB6];
	_ =	sdelay $0x3  }
0x37: {  	[smem:$0x3FB6] =	sst s10  }
0x38: {  	s10 =	sld [smem:$0x3FB7]  }
0x39: {  	_ = 	snop;
	(pc) =	sbr.ind lr, $3  }
0x3a: {  	_ = 	snop  }
0x3b: {  	_ = 	snop  }
0x3c: {  	p2 =	seq.s32 s10, $0x1;
	s10 =	sld [smem:$0x3FB6]  }
0x3d: {  	_ =	shalt  }
0x3e: {  	_ =	shalt  }
0x3f: {  	_ =	shalt  }
0x40: {  	_ =	shalt  }
0x41: {  	_ =	shalt  }
0x42: {  	_ =	shalt  }
0x43: {  	_ =	shalt  }
0x44: {  	_ =	shalt  }
0x45: {  	_ =	shalt  }
0x46: {  	_ =	shalt  }
0x47: {  	_ =	shalt  }
0x48: {  	_ =	shalt  }
0x49: {  	_ =	shalt  }
0x4a: {  	_ =	shalt  }
0x4b: {  	_ =	shalt  }
0x4c: {  	_ =	shalt  }
0x4d: {  	_ =	shalt  }
0x4e: {  	_ =	shalt  }
0x4f: {  	_ =	shalt  }
0x50: {  	_ =	shalt  }
0x51: {  	_ =	shalt  }
0x52: {  	_ =	shalt  }
0x53: {  	_ =	shalt  }
0x54: {  	_ =	shalt  }
0x55: {  	_ =	shalt  }
0x56: {  	_ =	shalt  }
0x57: {  	_ =	shalt  }
0x58: {  	_ =	shalt  }
0x59: {  	_ =	shalt  }
0x5a: {  	_ =	shalt  }
0x5b: {  	_ =	shalt  }
0x5c: {  	_ =	shalt  }
0x5d: {  	_ =	shalt  }
0x5e: {  	_ =	shalt  }
0x5f: {  	_ =	shalt  }
0x60: {  	_ =	shalt  }
0x61: {  	_ =	shalt  }
0x62: {  	_ =	shalt  }
0x63: {  	_ =	shalt  }
0x64: {  	_ =	shalt  }
0x65: {  	_ =	shalt  }
0x66: {  	_ =	shalt  }
0x67: {  	_ =	shalt  }
0x68: {  	_ =	shalt  }
0x69: {  	_ =	shalt  }
0x6a: {  	_ =	shalt  }
0x6b: {  	_ =	shalt  }
0x6c: {  	_ =	shalt  }
0x6d: {  	_ =	shalt  }
0x6e: {  	_ =	shalt  }
0x6f: {  	_ =	shalt  }
0x70: {  	_ =	shalt  }
0x71: {  	_ =	shalt  }
0x72: {  	_ =	shalt  }
0x73: {  	_ =	shalt  }
0x74: {  	_ =	shalt  }
0x75: {  	_ =	shalt  }
0x76: {  	_ =	shalt  }
0x77: {  	_ =	shalt  }
0x78: {  	_ =	shalt  }
0x79: {  	_ =	shalt  }
0x7a: {  	_ =	shalt  }
0x7b: {  	_ =	shalt  }
0x7c: {  	_ =	shalt  }
0x7d: {  	_ =	shalt  }
0x7e: {  	_ =	shalt  }
0x7f: {  	_ =	shalt  }
0x80: {  	_ =	shalt  }
0x81: {  	_ =	shalt  }
0x82: {  	_ =	shalt  }
0x83: {  	_ =	shalt  }
0x84: {  	_ =	shalt  }
0x85: {  	_ =	shalt  }
0x86: {  	_ =	shalt  }
0x87: {  	_ =	shalt  }
.Lfunc_end0:
.L_simem_size_0:
called_computation_lowered:
.L_overlay_start_0:
0x88: {  	s2 =	sld [smem:$0x3FD9]  }
0x89: {  	s3 =	sld [smem:$0x3FFE];
	_ =	sdelay $0x1  }
0x8a: {  	s1 =	srdreg.scid  }
0x8b: {  	s0 =	sand.u32 $0x1, s1  }
0x8c: {  	s17 =	sshll.u32 s0, $0xA;
	s2 =	sadd.s32 s3, s2  }
0x8d: {  	s2 =	sadd.s32 s2, s17  }
0x8e: {  	[smem:$0x3FC2] =	sst s2  }
0x8f: {  	_ = 	snop  }
0x90: {  	s2 =	sld [smem:$0x3FC9];
	(tm) =	ssettm $0x1  }
0x91: {  	s18 =	sld [smem:$0x3FFB];
	_ =	sdelay $0x3  }
0x92: {  	_ =	strace s18  }
0x93: {  	s3 =	sld [smem:$0x3FFC];
	_ =	sdelay $0x3  }
0x94: {  	_ =	strace s3  }
0x95: {  	s3 =	sld [smem:$0x3FFD];
	_ =	sdelay $0x3  }
0x96: {  	_ =	strace s3  }
0x97: {  	_ =	strace $0x8FFFFFFF  }
0x98: {  	s19 =	sld [smem:$0x3FDB];
	_ =	sdelay $0x1  }
0x99: {  	s4 =	simm.s32 $_scs_section_size  }
0x9a: {  	s5 =	simm.s32 $_size__tile_overlayer_lowered;
	s6 =	simm.s32 $_tile_overlayer_lowered  }
0x9b: {  	s22 =	simm.s32 $0x1BFF;
	s21 =	sshll.u32 s6, $0x1;
	s3 =	sadd.s32 s4, s19  }
0x9c: {  	s7 =	simm.s32 $0x0;
	s20 =	sshll.u32 s5, $0x1;
	s5 =	sadd.s32 s21, s3  }
0x9d: {  	[timem:s7], [sflag:s22] =	dma.local [hbm:s5], s20  }
0x9e: {  	_ =	swait.ge [sflag:s22], s20  }
0x9f: {  	s4 =	ssub.s32 $0x0, s20;
	[sflag:s22] =	ssyncset.done $0x0  }
0xa0: {  	[sflag:s22] =	ssyncadd.s32 s4;
	_ =	sdelay $0x1  }
0xa1: {  	s23 =	simm.s32 $0x1B8B  }
0xa2: {  	_ =	swait.ge [sflag:s23], $0x1  }
0xa3: {  	[sflag:s23] =	ssyncset.done $0x0  }
0xa4: {  	s25 =	simm.s32 $0x1B8E;
	s24 =	sld [smem:$0x3FFE];
	[sflag:s23] =	ssyncadd.s32 $0xFFFFFFFF  }
0xa5: {  	s26 =	simm.s32 $execute0_lowered;
	[smem:$0x3FD2] =	sst s25  }
0xa6: {  	s5 =	sshll.u32 s26, $0x1;
	_ =	strace $0x80000046;
	[dreg:$0x1] =	wrdreg $0xFFFFFFFF  }
0xa7: {  	s28 =	simm.s32 $_size_execute0_lowered;
	s3 =	sadd.s32 s3, s5;
	[dreg:$0x0] =	wrdreg $0x0  }
0xa8: {  	s5 =	sshll.u32 s28, $0x1;
	[dreg:$0x2] =	wrdreg s3  }
0xa9: {  	[dreg:$0x3] =	wrdreg s5  }
0xaa: {  	[dreg:$0x4] =	wrdreg $0xC0  }
0xab: {  	_ =	task [dreg:s7], $0x5FFFF  }
0xac: {  	[dreg:$0x1] =	wrdreg $0xFFFFFFFF  }
0xad: {  	[dreg:$0x0] =	wrdreg $0x60  }
0xae: {  	[dreg:$0x2] =	wrdreg s2  }
0xaf: {  	[dreg:$0x3] =	wrdreg s24  }
0xb0: {  	[dreg:$0x4] =	wrdreg $0x9  }
0xb1: {  	_ =	task.clear_ibuf [dreg:s7], $0x5FFFF;
	_ =	strace $0x90000046  }
0xb2: {  	s29 =	simm.s32 $0x9;
	_ =	strace $0x80000048  }
0xb3: {  	_ =	swait.ge [sflag:s29], $0x1  }
0xb4: {  	[sflag:s29] =	ssyncadd.s32 $0xFFFFFFFF  }
0xb5: {  	_ =	strace $0x90000048  }
0xb6: {  	_ =	sfence  }
0xb7: {  	s30 =	sld [smem:$0x0];
	_ =	sdelay $0x2  }
0xb8: {  	s31 =	sshll.u32 s1, $0xD;
	s1 =	sshrl.u32 s1, $0x2  }
0xb9: {  	s3 =	sand.u32 $0x4000, s31;
	s1 =	sadd.s32 s1, s30  }
0xba: {  	s0 =	sor.u32 s3, s0;
	s1 =	sshll.u32 s1, $0x11  }
0xbb: {  	s0 =	sor.u32 s1, s0  }
0xbc: {  	s0 =	sadd.s32 $0x8F2B, s0  }
0xbd: {  	[sflag:s0] =	ssyncadd.remote.s32 $0x1  }
0xbe: {  	_ =	sfence.sel $0xFFFF  }
0xbf: {  	[dreg:$0x0] =	wrdreg $0xFFFFFFFF;
	(pc) =	sbr.abs _section_cstart, $3  }
0xc0: {  	[dreg:$0x1] =	wrdreg $0xFFFFFFFF  }
0xc1: {  	_ =	task.clear_ibuf [dreg:s7], $0x2FFFF;
	_ =	strace $0x9FFFFFFF  }
0xc2: {  	(tm) =	ssettm $0x7FFFFFFF  }
0xc3: {  	_ =	shalt  }
tec
execute0_lowered:
.L_overlay_start_1:
0x0: {  	(tag) =	ssettag $0x1  }
0x1: {  	s4 =	rddreg [dreg:$0x0]  }
0x2: {  	s0 =	rddreg [dreg:$0x1];
	s2 =	simm.s32 $0x0  }
0x3: {  	s14 =	simm.s32 $0x80;
	[smem:$0x7FF] =	sst s2  }
0x4: {  	s15 =	simm.s32 $0x100;
	_ =	strace $0x80000047;
	[dreg:$0x9] =	wrdreg s14  }
0x5: {  	s16 =	simm.s32 $0x180;
	[dreg:$0xa] =	wrdreg s15  }
0x6: {  	s17 =	simm.s32 $0xA00;
	[dreg:$0xb] =	wrdreg s16  }
0x7: {  	s18 =	simm.s32 $0x1200;
	[dreg:$0xc] =	wrdreg s17  }
0x8: {  	s1 =	stileid.u32;
	s19 =	simm.s32 $0x1A00;
	[dreg:$0xd] =	wrdreg s18  }
0x9: {  	s5 =	srdreg.scid;
	s20 =	simm.s32 $0x2200;
	[dreg:$0xe] =	wrdreg s19  }
0xa: {  	s8 =	simm.s32 $0x1C00;
	s21 =	simm.s32 $0x2A00;
	[dreg:$0xf] =	wrdreg s20  }
0xb: {  	s22 =	simm.s32 $0x3200;
	s23 =	simm.s32 $0x3A00;
	[dreg:$0x10] =	wrdreg s21  }
0xc: {  	s24 =	simm.s32 $0x4200;
	s25 =	simm.s32 $0x4A00;
	[dreg:$0x11] =	wrdreg s22  }
0xd: {  	s28 =	simm.s32 $0x16200;
	s3 =	smul.u32 $0x3000, s1;
	[dreg:$0x12] =	wrdreg s23  }
0xe: {  	s29 =	simm.s32 $0x16A00;
	s7 =	smul.u32 $0x18000, s1;
	[dreg:$0x13] =	wrdreg s24  }
0xf: {  	s9 =	sshll.u32 s1, $0x4;
	s1 =	simm.s32 $0x5A00;
	[dreg:$0x14] =	wrdreg s25  }
0x10: {  	s30 =	simm.s32 $0x17200;
	[dreg:$0x16] =	wrdreg s1;
	s14 =	simm.s32 $0xA200  }
0x11: {  	s31 =	simm.s32 $0x17A00;
	s15 =	simm.s32 $0xAA00;
	[dreg:$0x1e] =	wrdreg s14  }
0x12: {  	s6 =	sand.u32 $0x1, s5;
	s17 =	simm.s32 $0xB200;
	[dreg:$0x1f] =	wrdreg s15  }
0x13: {  	s5 =	sadd.s32 $0x12000, s0;
	s18 =	simm.s32 $0xBA00;
	[smem:$0x7F3] =	sst s17  }
0x14: {  	p0 =	seq.s32 s6, $0x0;
	s19 =	simm.s32 $0xD200;
	[smem:$0x7F4] =	sst s18  }
0x15: {  	s6 =	ssub.s32 $0x2, s6;
	s20 =	simm.s32 $0xDA00;
	[smem:$0x7F6] =	sst s19  }
0x16: {  	s21 =	simm.s32 $0xE200;
	s22 =	simm.s32 $0xEA00;
	[smem:$0x7F7] =	sst s20  }
0x17: {  	s23 =	simm.s32 $0xF200;
	s24 =	simm.s32 $0xFA00;
	[smem:$0x7F8] =	sst s21  }
0x18: {  	s25 =	simm.s32 $0x10200;
	s3 =	sadd.s32 s4, s3;
	[smem:$0x7F9] =	sst s22  }
0x19: {  	s7 =	sshrl.u32 s7, $0x3;
	s8 =	simm.s32 @!p0 $0x1E00;
	[smem:$0x7FA] =	sst s23  }
0x1a: {  	s16 =	sshrl.u32 s6, $0x1;
	[smem:$0x7FB] =	sst s24;
	s14 =	simm.s32 $0x1  }
0x1b: {  	[smem:$0x7FC] =	sst s25;
	s15 =	simm.s32 $0x2;
	s18 =	simm.s32 $0x11A00  }
0x1c: {  	s19 =	simm.s32 $0x4;
	s26 =	sadd.s32 $0xC00, s3;
	s4 =	sadd.s32 s4, s7  }
0x1d: {  	s20 =	simm.s32 $0x12A00;
	[dreg:$0x3] =	wrdreg s26;
	s7 =	sadd.s32 $0x1800, s4  }
0x1e: {  	s21 =	simm.s32 $0x13200;
	s10 =	sadd.s32 $0x2400, s4;
	[dreg:$0x4] =	wrdreg s7  }
0x1f: {  	s8 =	sadd.s32 s8, s0;
	s26 =	simm.s32 $0x5200;
	[dreg:$0x5] =	wrdreg s10  }
0x20: {  	s4 =	sadd.s32 s8, s9;
	s8 =	simm.s32 $0x7200;
	[dreg:$0x15] =	wrdreg s26  }
0x21: {  	s22 =	simm.s32 $0x13A00;
	s9 =	simm.s32 $0x7A00;
	[dreg:$0x18] =	wrdreg s8  }
0x22: {  	s23 =	simm.s32 $0x14200;
	s11 =	sadd.s32 $0x4, s4;
	[dreg:$0x19] =	wrdreg s9  }
0x23: {  	s24 =	simm.s32 $0x14A00;
	s12 =	sadd.s32 $0x8, s4;
	[dreg:$0x6] =	wrdreg s11  }
0x24: {  	s25 =	simm.s32 $0x15200;
	s13 =	sadd.s32 $0xC, s4;
	[dreg:$0x7] =	wrdreg s12  }
0x25: {  	s7 =	simm.s32 $0x6A00;
	s10 =	simm.s32 $0x8200;
	[dreg:$0x8] =	wrdreg s13  }
0x26: {  	s8 =	ssub.s32 s6, s16;
	s6 =	sadd.s32 $0x12100, s0;
	[dreg:$0x17] =	wrdreg s7  }
0x27: {  	s9 =	simm.s32 $0xCA00;
	s26 =	simm.s32 $0x10A00;
	[dreg:$0x1a] =	wrdreg s10  }
0x28: {  	s16 =	simm.s32 $0x3;
	s11 =	simm.s32 $0x8A00;
	[smem:$0x7F5] =	sst s9  }
0x29: {  	s12 =	simm.s32 $0x9200;
	s13 =	simm.s32 $0x9A00;
	[smem:$0x7FD] =	sst s26  }
0x2a: {  	s7 =	sadd.s32 $0x12200, s0;
	s8 =	smax.u32 s8, $0x1;
	[dreg:$0x1b] =	wrdreg s11  }
0x2b: {  	v2 =	vlaneseq.u32;
	s9 =	simm.s32 $0x200;
	s10 =	simm.s32 $0x6200;
	[dreg:$0x1c] =	wrdreg s12  }
0x2c: {  	vm0 =	vmmov $0xffff;
	v1 =	vshrl.u32 v2, $0x3;
	s26 =	simm.s32 $0x15A00;
	s0 =	simm.s32 $0x5;
	[dreg:$0x1d] =	wrdreg s13  }
0x2d: {  	v0 =	vand.u32 $0x7, v2;
	v2 =	vor.u32 $0x8, v2;
	v1 =	vmul.u32 $0x8, v1;
	s11 =	simm.s32 $0xC200;
	s12 =	simm.s32 $0x12200;
	s13 =	simm.s32 $0x6  }
.LBB2_1:
0x2e: {  	[tilespmem:s9], [sflag:$0x1] =	stream.linear.gather [hbm4b:s3+s2], $0x6000, $0x38;
	[tilespmem:$0x18200] =	vst v63  }
0x2f: {  	s1 =	rddreg [dreg:$0x3]  }
0x30: {  	[tilespmem:s10], [sflag:$0x2] =	stream.linear.gather [hbm4b:s1+s2], $0x6000, $0x38;
	[tilespmem:$0x18200] =	vst v63  }
0x31: {  	s17 =	rddreg [dreg:$0x4]  }
0x32: {  	[tilespmem:s11], [sflag:$0x3] =	stream.linear.gather [hbm4b:s17+s2], $0x6000, $0x38;
	[tilespmem:$0x18200] =	vst v63  }
0x33: {  	s1 =	rddreg [dreg:$0x5]  }
0x34: {  	[tilespmem:s12], [sflag:$0x4] =	stream.linear.gather [hbm4b:s1+s2], $0x6000, $0x38;
	[tilespmem:$0x18200] =	vst v63  }
0x35: {  	_ = 	snop  }
0x36: {  	[tilespmem:s2], [sflag:$0x6] =	stream.linear.gather [hbm4b:s4+s2], $0x20, $0x38;
	[tilespmem:$0x18200] =	vst v63  }
0x37: {  	_ =	swait.ge [sflag:s13], $0x20  }
0x38: {  	s1 =	rddreg [dreg:$0x6];
	[sflag:s13] =	ssyncset.done $0x0  }
0x39: {  	s17 =	rddreg [dreg:$0x9];
	[sflag:s13] =	ssyncadd.s32 $0xFFFFFFE0  }
0x3a: {  	[tilespmem:s17], [sflag:$0x6] =	stream.linear.gather [hbm4b:s1+s2], $0x20, $0x38;
	[tilespmem:$0x18200] =	vst v63  }
0x3b: {  	_ =	swait.ge [sflag:s13], $0x20  }
0x3c: {  	s1 =	rddreg [dreg:$0x7];
	[sflag:s13] =	ssyncset.done $0x0  }
0x3d: {  	s17 =	rddreg [dreg:$0xa];
	[sflag:s13] =	ssyncadd.s32 $0xFFFFFFE0  }
0x3e: {  	[tilespmem:s17], [sflag:$0x6] =	stream.linear.gather [hbm4b:s1+s2], $0x20, $0x38;
	[tilespmem:$0x18200] =	vst v63  }
0x3f: {  	_ =	swait.ge [sflag:s13], $0x20  }
0x40: {  	s1 =	rddreg [dreg:$0x8];
	[sflag:s13] =	ssyncset.done $0x0  }
0x41: {  	s17 =	rddreg [dreg:$0xb];
	[sflag:s13] =	ssyncadd.s32 $0xFFFFFFE0  }
0x42: {  	[tilespmem:s17], [sflag:$0x6] =	stream.linear.gather [hbm4b:s1+s2], $0x20, $0x38;
	[tilespmem:$0x18200] =	vst v63  }
0x43: {  	_ =	swait.ge [sflag:s13], $0x20  }
0x44: {  	[sflag:s13] =	ssyncset.done $0x0  }
0x45: {  	[sflag:s13] =	ssyncadd.s32 $0xFFFFFFE0  }
0x46: {  	_ =	swait.ge [sflag:s14], $0x6000  }
0x47: {  	[sflag:s14] =	ssyncset.done $0x0  }
0x48: {  	[sflag:s14] =	ssyncadd.s32 $0xFFFFA000  }
0x49: {  	v3 =	vld [tilespmem:$0x0];
	_ =	sdelay $0x4  }
0x4a: {  	v4 =	vshrl.u32 v3, $0x3  }
0x4b: {  	v4 =	vmul.u32 $0x30, v4  }
0x4c: {  	v3 =	vand.u32 $0x7, v3  }
0x4d: {  	v3 =	vor.u32 v3, v4  }
0x4e: {  	v4 =	vperm.xlane v3, v0;
	_ =	sdelay $0x1  }
0x4f: {  	v4 =	vadd.s32 v1, v4;
	_ =	sdelay $0x3  }
0x50: {  	v3 =	vperm.xlane v3, v2  }
0x51: {  	[hbm4b:s5+s2] =	stream.indirect_vreg.scatter [tilespmem:s9], [sflag:$0x5], $0x80, v4, vm0, $0xb8;
	[tilespmem:$0x18200] =	vst v63  }
0x52: {  	s1 =	rddreg [dreg:$0xc];
	v3 =	vadd.s32 v1, v3  }
0x53: {  	[hbm4b:s6+s2] =	stream.indirect_vreg.scatter [tilespmem:s1], [sflag:$0x5], $0x80, v4, vm0, $0xb8;
	[tilespmem:$0x18200] =	vst v63  }
0x54: {  	s17 =	rddreg [dreg:$0xd]  }
0x55: {  	[hbm4b:s7+s2] =	stream.indirect_vreg.scatter [tilespmem:s17], [sflag:$0x5], $0x80, v4, vm0, $0xb8;
	[tilespmem:$0x18200] =	vst v63  }
0x56: {  	s1 =	rddreg [dreg:$0xe]  }
0x57: {  	[hbm4b:s5+s2] =	stream.indirect_vreg.scatter [tilespmem:s1], [sflag:$0x5], $0x80, v3, vm0, $0xb8;
	[tilespmem:$0x18200] =	vst v63  }
0x58: {  	s17 =	rddreg [dreg:$0xf]  }
0x59: {  	[hbm4b:s6+s2] =	stream.indirect_vreg.scatter [tilespmem:s17], [sflag:$0x5], $0x80, v3, vm0, $0xb8;
	[tilespmem:$0x18200] =	vst v63  }
0x5a: {  	s1 =	rddreg [dreg:$0x10]  }
0x5b: {  	[hbm4b:s7+s2] =	stream.indirect_vreg.scatter [tilespmem:s1], [sflag:$0x5], $0x80, v3, vm0, $0xb8;
	[tilespmem:$0x18200] =	vst v63  }
0x5c: {  	v3 =	vld [tilespmem:$0x10];
	_ =	sdelay $0x4  }
0x5d: {  	v57 =	vshrl.u32 v3, $0x3  }
0x5e: {  	v4 =	vmul.u32 $0x30, v57  }
0x5f: {  	v3 =	vand.u32 $0x7, v3  }
0x60: {  	v3 =	vor.u32 v3, v4  }
0x61: {  	v4 =	vperm.xlane v3, v0;
	_ =	sdelay $0x1  }
0x62: {  	v4 =	vadd.s32 v1, v4;
	_ =	sdelay $0x3  }
0x63: {  	s1 =	rddreg [dreg:$0x11];
	v3 =	vperm.xlane v3, v2  }
0x64: {  	[hbm4b:s5+s2] =	stream.indirect_vreg.scatter [tilespmem:s1], [sflag:$0x5], $0x80, v4, vm0, $0xb8;
	[tilespmem:$0x18200] =	vst v63  }
0x65: {  	s17 =	rddreg [dreg:$0x12];
	v3 =	vadd.s32 v1, v3  }
0x66: {  	[hbm4b:s6+s2] =	stream.indirect_vreg.scatter [tilespmem:s17], [sflag:$0x5], $0x80, v4, vm0, $0xb8;
	[tilespmem:$0x18200] =	vst v63  }
0x67: {  	s1 =	rddreg [dreg:$0x13]  }
0x68: {  	[hbm4b:s7+s2] =	stream.indirect_vreg.scatter [tilespmem:s1], [sflag:$0x5], $0x80, v4, vm0, $0xb8;
	[tilespmem:$0x18200] =	vst v63  }
0x69: {  	s17 =	rddreg [dreg:$0x14]  }
0x6a: {  	[hbm4b:s5+s2] =	stream.indirect_vreg.scatter [tilespmem:s17], [sflag:$0x5], $0x80, v3, vm0, $0xb8;
	[tilespmem:$0x18200] =	vst v63  }
0x6b: {  	s1 =	rddreg [dreg:$0x15]  }
0x6c: {  	[hbm4b:s6+s2] =	stream.indirect_vreg.scatter [tilespmem:s1], [sflag:$0x5], $0x80, v3, vm0, $0xb8;
	[tilespmem:$0x18200] =	vst v63  }
0x6d: {  	s17 =	rddreg [dreg:$0x16]  }
0x6e: {  	[hbm4b:s7+s2] =	stream.indirect_vreg.scatter [tilespmem:s17], [sflag:$0x5], $0x80, v3, vm0, $0xb8;
	[tilespmem:$0x18200] =	vst v63  }
0x6f: {  	_ =	swait.ge [sflag:s15], $0x6000  }
0x70: {  	[sflag:s15] =	ssyncset.done $0x0  }
0x71: {  	[sflag:s15] =	ssyncadd.s32 $0xFFFFA000  }
0x72: {  	v3 =	vld [tilespmem:$0x80];
	_ =	sdelay $0x4  }
0x73: {  	v58 =	vshrl.u32 v3, $0x3  }
0x74: {  	v4 =	vmul.u32 $0x30, v58  }
0x75: {  	v3 =	vand.u32 $0x7, v3  }
0x76: {  	v3 =	vor.u32 v3, v4  }
0x77: {  	v4 =	vperm.xlane v3, v0;
	_ =	sdelay $0x1  }
0x78: {  	v4 =	vadd.s32 v1, v4;
	_ =	sdelay $0x3  }
0x79: {  	v3 =	vperm.xlane v3, v2  }
0x7a: {  	[hbm4b:s5+s2] =	stream.indirect_vreg.scatter [tilespmem:s10], [sflag:$0x5], $0x80, v4, vm0, $0xb8;
	[tilespmem:$0x18200] =	vst v63  }
0x7b: {  	s1 =	rddreg [dreg:$0x17];
	v3 =	vadd.s32 v1, v3  }
0x7c: {  	[hbm4b:s6+s2] =	stream.indirect_vreg.scatter [tilespmem:s1], [sflag:$0x5], $0x80, v4, vm0, $0xb8;
	[tilespmem:$0x18200] =	vst v63  }
0x7d: {  	s17 =	rddreg [dreg:$0x18]  }
0x7e: {  	[hbm4b:s7+s2] =	stream.indirect_vreg.scatter [tilespmem:s17], [sflag:$0x5], $0x80, v4, vm0, $0xb8;
	[tilespmem:$0x18200] =	vst v63  }
0x7f: {  	s1 =	rddreg [dreg:$0x19]  }
0x80: {  	[hbm4b:s5+s2] =	stream.indirect_vreg.scatter [tilespmem:s1], [sflag:$0x5], $0x80, v3, vm0, $0xb8;
	[tilespmem:$0x18200] =	vst v63  }
0x81: {  	s17 =	rddreg [dreg:$0x1a]  }
0x82: {  	[hbm4b:s6+s2] =	stream.indirect_vreg.scatter [tilespmem:s17], [sflag:$0x5], $0x80, v3, vm0, $0xb8;
	[tilespmem:$0x18200] =	vst v63  }
0x83: {  	s1 =	rddreg [dreg:$0x1b]  }
0x84: {  	[hbm4b:s7+s2] =	stream.indirect_vreg.scatter [tilespmem:s1], [sflag:$0x5], $0x80, v3, vm0, $0xb8;
	[tilespmem:$0x18200] =	vst v63  }
0x85: {  	v3 =	vld [tilespmem:$0x90];
	_ =	sdelay $0x4  }
0x86: {  	v59 =	vshrl.u32 v3, $0x3  }
0x87: {  	v4 =	vmul.u32 $0x30, v59  }
0x88: {  	v3 =	vand.u32 $0x7, v3  }
0x89: {  	v3 =	vor.u32 v3, v4  }
0x8a: {  	v4 =	vperm.xlane v3, v0;
	_ =	sdelay $0x1  }
0x8b: {  	v4 =	vadd.s32 v1, v4;
	_ =	sdelay $0x2  }
0x8c: {  	s17 =	rddreg [dreg:$0x1d]  }
0x8d: {  	s1 =	rddreg [dreg:$0x1c];
	v3 =	vperm.xlane v3, v2  }
0x8e: {  	[hbm4b:s5+s2] =	stream.indirect_vreg.scatter [tilespmem:s1], [sflag:$0x5], $0x80, v4, vm0, $0xb8;
	[tilespmem:$0x18200] =	vst v63  }
0x8f: {  	v3 =	vadd.s32 v1, v3;
	s1 =	rddreg [dreg:$0x1e]  }
0x90: {  	[hbm4b:s6+s2] =	stream.indirect_vreg.scatter [tilespmem:s17], [sflag:$0x5], $0x80, v4, vm0, $0xb8;
	[tilespmem:$0x18200] =	vst v63  }
0x91: {  	s17 =	rddreg [dreg:$0x1f]  }
0x92: {  	[hbm4b:s7+s2] =	stream.indirect_vreg.scatter [tilespmem:s1], [sflag:$0x5], $0x80, v4, vm0, $0xb8;
	[tilespmem:$0x18200] =	vst v63  }
0x93: {  	s1 =	sld [smem:$0x7F3]  }
0x94: {  	[hbm4b:s5+s2] =	stream.indirect_vreg.scatter [tilespmem:s17], [sflag:$0x5], $0x80, v3, vm0, $0xb8;
	[tilespmem:$0x18200] =	vst v63  }
0x95: {  	s17 =	sld [smem:$0x7F4]  }
0x96: {  	[hbm4b:s6+s2] =	stream.indirect_vreg.scatter [tilespmem:s1], [sflag:$0x5], $0x80, v3, vm0, $0xb8;
	[tilespmem:$0x18200] =	vst v63  }
0x97: {  	_ = 	snop  }
0x98: {  	[hbm4b:s7+s2] =	stream.indirect_vreg.scatter [tilespmem:s17], [sflag:$0x5], $0x80, v3, vm0, $0xb8;
	[tilespmem:$0x18200] =	vst v63  }
0x99: {  	_ =	swait.ge [sflag:s16], $0x6000  }
0x9a: {  	[sflag:s16] =	ssyncset.done $0x0  }
0x9b: {  	[sflag:s16] =	ssyncadd.s32 $0xFFFFA000  }
0x9c: {  	v3 =	vld [tilespmem:$0x100];
	_ =	sdelay $0x4  }
0x9d: {  	v60 =	vshrl.u32 v3, $0x3  }
0x9e: {  	v4 =	vmul.u32 $0x30, v60  }
0x9f: {  	v3 =	vand.u32 $0x7, v3  }
0xa0: {  	v3 =	vor.u32 v3, v4  }
0xa1: {  	v4 =	vperm.xlane v3, v0;
	_ =	sdelay $0x1  }
0xa2: {  	v4 =	vadd.s32 v1, v4;
	_ =	sdelay $0x3  }
0xa3: {  	s1 =	sld [smem:$0x7F5];
	v3 =	vperm.xlane v3, v2  }
0xa4: {  	[hbm4b:s5+s2] =	stream.indirect_vreg.scatter [tilespmem:s11], [sflag:$0x5], $0x80, v4, vm0, $0xb8;
	[tilespmem:$0x18200] =	vst v63  }
0xa5: {  	s17 =	sld [smem:$0x7F6];
	v3 =	vadd.s32 v1, v3  }
0xa6: {  	[hbm4b:s6+s2] =	stream.indirect_vreg.scatter [tilespmem:s1], [sflag:$0x5], $0x80, v4, vm0, $0xb8;
	[tilespmem:$0x18200] =	vst v63  }
0xa7: {  	s1 =	sld [smem:$0x7F7]  }
0xa8: {  	[hbm4b:s7+s2] =	stream.indirect_vreg.scatter [tilespmem:s17], [sflag:$0x5], $0x80, v4, vm0, $0xb8;
	[tilespmem:$0x18200] =	vst v63  }
0xa9: {  	s17 =	sld [smem:$0x7F8]  }
0xaa: {  	[hbm4b:s5+s2] =	stream.indirect_vreg.scatter [tilespmem:s1], [sflag:$0x5], $0x80, v3, vm0, $0xb8;
	[tilespmem:$0x18200] =	vst v63  }
0xab: {  	s1 =	sld [smem:$0x7F9]  }
0xac: {  	[hbm4b:s6+s2] =	stream.indirect_vreg.scatter [tilespmem:s17], [sflag:$0x5], $0x80, v3, vm0, $0xb8;
	[tilespmem:$0x18200] =	vst v63  }
0xad: {  	_ = 	snop  }
0xae: {  	[hbm4b:s7+s2] =	stream.indirect_vreg.scatter [tilespmem:s1], [sflag:$0x5], $0x80, v3, vm0, $0xb8;
	[tilespmem:$0x18200] =	vst v63  }
0xaf: {  	v3 =	vld [tilespmem:$0x110];
	_ =	sdelay $0x4  }
0xb0: {  	v61 =	vshrl.u32 v3, $0x3  }
0xb1: {  	v4 =	vmul.u32 $0x30, v61  }
0xb2: {  	v3 =	vand.u32 $0x7, v3  }
0xb3: {  	v3 =	vor.u32 v3, v4  }
0xb4: {  	v4 =	vperm.xlane v3, v0;
	_ =	sdelay $0x1  }
0xb5: {  	v4 =	vadd.s32 v1, v4;
	_ =	sdelay $0x1  }
0xb6: {  	s1 =	sld [smem:$0x7FA];
	_ =	sdelay $0x1  }
0xb7: {  	s17 =	sld [smem:$0x7FB];
	v3 =	vperm.xlane v3, v2  }
0xb8: {  	[hbm4b:s5+s2] =	stream.indirect_vreg.scatter [tilespmem:s1], [sflag:$0x5], $0x80, v4, vm0, $0xb8;
	[tilespmem:$0x18200] =	vst v63  }
0xb9: {  	v3 =	vadd.s32 v1, v3;
	s1 =	sld [smem:$0x7FC]  }
0xba: {  	[hbm4b:s6+s2] =	stream.indirect_vreg.scatter [tilespmem:s17], [sflag:$0x5], $0x80, v4, vm0, $0xb8;
	[tilespmem:$0x18200] =	vst v63  }
0xbb: {  	s17 =	sld [smem:$0x7FD]  }
0xbc: {  	[hbm4b:s7+s2] =	stream.indirect_vreg.scatter [tilespmem:s1], [sflag:$0x5], $0x80, v4, vm0, $0xb8;
	[tilespmem:$0x18200] =	vst v63  }
0xbd: {  	_ = 	snop  }
0xbe: {  	[hbm4b:s5+s2] =	stream.indirect_vreg.scatter [tilespmem:s17], [sflag:$0x5], $0x80, v3, vm0, $0xb8;
	[tilespmem:$0x18200] =	vst v63  }
0xbf: {  	s17 =	simm.s32 $0x11200  }
0xc0: {  	[hbm4b:s6+s2] =	stream.indirect_vreg.scatter [tilespmem:s17], [sflag:$0x5], $0x80, v3, vm0, $0xb8;
	[tilespmem:$0x18200] =	vst v63  }
0xc1: {  	_ = 	snop  }
0xc2: {  	[hbm4b:s7+s2] =	stream.indirect_vreg.scatter [tilespmem:s18], [sflag:$0x5], $0x80, v3, vm0, $0xb8;
	[tilespmem:$0x18200] =	vst v63  }
0xc3: {  	_ =	swait.ge [sflag:s19], $0x6000  }
0xc4: {  	[sflag:s19] =	ssyncset.done $0x0  }
0xc5: {  	[sflag:s19] =	ssyncadd.s32 $0xFFFFA000  }
0xc6: {  	v3 =	vld [tilespmem:$0x180];
	_ =	sdelay $0x4  }
0xc7: {  	v62 =	vshrl.u32 v3, $0x3  }
0xc8: {  	v4 =	vmul.u32 $0x30, v62  }
0xc9: {  	v3 =	vand.u32 $0x7, v3  }
0xca: {  	v3 =	vor.u32 v3, v4  }
0xcb: {  	v4 =	vperm.xlane v3, v0;
	_ =	sdelay $0x1  }
0xcc: {  	v4 =	vadd.s32 v1, v4;
	_ =	sdelay $0x3  }
0xcd: {  	v3 =	vperm.xlane v3, v2  }
0xce: {  	[hbm4b:s5+s2] =	stream.indirect_vreg.scatter [tilespmem:s12], [sflag:$0x5], $0x80, v4, vm0, $0xb8;
	[tilespmem:$0x18200] =	vst v63  }
0xcf: {  	v3 =	vadd.s32 v1, v3  }
0xd0: {  	[hbm4b:s6+s2] =	stream.indirect_vreg.scatter [tilespmem:s20], [sflag:$0x5], $0x80, v4, vm0, $0xb8;
	[tilespmem:$0x18200] =	vst v63  }
0xd1: {  	_ = 	snop  }
0xd2: {  	[hbm4b:s7+s2] =	stream.indirect_vreg.scatter [tilespmem:s21], [sflag:$0x5], $0x80, v4, vm0, $0xb8;
	[tilespmem:$0x18200] =	vst v63  }
0xd3: {  	_ = 	snop  }
0xd4: {  	[hbm4b:s5+s2] =	stream.indirect_vreg.scatter [tilespmem:s22], [sflag:$0x5], $0x80, v3, vm0, $0xb8;
	[tilespmem:$0x18200] =	vst v63  }
0xd5: {  	_ = 	snop  }
0xd6: {  	[hbm4b:s6+s2] =	stream.indirect_vreg.scatter [tilespmem:s23], [sflag:$0x5], $0x80, v3, vm0, $0xb8;
	[tilespmem:$0x18200] =	vst v63  }
0xd7: {  	_ = 	snop  }
0xd8: {  	[hbm4b:s7+s2] =	stream.indirect_vreg.scatter [tilespmem:s24], [sflag:$0x5], $0x80, v3, vm0, $0xb8;
	[tilespmem:$0x18200] =	vst v63  }
0xd9: {  	v3 =	vld [tilespmem:$0x190];
	_ =	sdelay $0x4  }
0xda: {  	v63 =	vshrl.u32 v3, $0x3  }
0xdb: {  	v4 =	vmul.u32 $0x30, v63  }
0xdc: {  	v3 =	vand.u32 $0x7, v3  }
0xdd: {  	v3 =	vor.u32 v3, v4  }
0xde: {  	v4 =	vperm.xlane v3, v0;
	_ =	sdelay $0x1  }
0xdf: {  	v4 =	vadd.s32 v1, v4;
	_ =	sdelay $0x3  }
0xe0: {  	v3 =	vperm.xlane v3, v2  }
0xe1: {  	[hbm4b:s5+s2] =	stream.indirect_vreg.scatter [tilespmem:s25], [sflag:$0x5], $0x80, v4, vm0, $0xb8;
	[tilespmem:$0x18200] =	vst v63  }
0xe2: {  	v3 =	vadd.s32 v1, v3  }
0xe3: {  	[hbm4b:s6+s2] =	stream.indirect_vreg.scatter [tilespmem:s26], [sflag:$0x5], $0x80, v4, vm0, $0xb8;
	[tilespmem:$0x18200] =	vst v63  }
0xe4: {  	_ = 	snop  }
0xe5: {  	[hbm4b:s7+s2] =	stream.indirect_vreg.scatter [tilespmem:s28], [sflag:$0x5], $0x80, v4, vm0, $0xb8;
	[tilespmem:$0x18200] =	vst v63  }
0xe6: {  	_ = 	snop  }
0xe7: {  	[hbm4b:s5+s2] =	stream.indirect_vreg.scatter [tilespmem:s29], [sflag:$0x5], $0x80, v3, vm0, $0xb8;
	[tilespmem:$0x18200] =	vst v63  }
0xe8: {  	_ = 	snop  }
0xe9: {  	[hbm4b:s6+s2] =	stream.indirect_vreg.scatter [tilespmem:s30], [sflag:$0x5], $0x80, v3, vm0, $0xb8;
	[tilespmem:$0x18200] =	vst v63  }
0xea: {  	_ = 	snop  }
0xeb: {  	[hbm4b:s7+s2] =	stream.indirect_vreg.scatter [tilespmem:s31], [sflag:$0x5], $0x80, v3, vm0, $0xb8;
	[tilespmem:$0x18200] =	vst v63  }
0xec: {  	_ =	swait.ge [sflag:s0], $0x6000  }
0xed: {  	[sflag:s0] =	ssyncset.done $0x0  }
0xee: {  	[sflag:s0] =	ssyncadd.s32 $0xFFFFA000  }
0xef: {  	_ =	swait.ge [sflag:s0], $0x6000  }
0xf0: {  	[sflag:s0] =	ssyncset.done $0x0  }
0xf1: {  	[sflag:s0] =	ssyncadd.s32 $0xFFFFA000  }
0xf2: {  	p0 =	sne.s32 s8, $0x1;
	_ =	swait.ge [sflag:s0], $0x6000  }
.Ltmp0:
0xf3: {  	[sflag:s0] =	ssyncset.done $0x0;
	(pc) =	sbr.rel @p0 .LBB2_1-.Ltmp0, $4  }
0xf4: {  	[sflag:s0] =	ssyncadd.s32 $0xFFFFA000  }
0xf5: {  	_ =	swait.ge [sflag:s0], $0x6000  }
0xf6: {  	[sflag:s0] =	ssyncset.done $0x0  }
0xf7: {  	s8 =	sadd.s32 $0xFFFFFFFF, s8;
	[sflag:s0] =	ssyncadd.s32 $0xFFFFA000  }
0xf8: {  	_ =	sfence.sel $0x180000  }
0xf9: {  	[bflag:$0x0] =	sbarrier.arrive $0xFFFF  }
0xfa: {  	_ =	strace $0x90000047  }
0xfb: {  	s0 =	stileid.u32;
	[bflag:$0x2] =	sbarrier.arrive $0xFFFF  }
0xfc: {  	p0 =	sne.s32 s0, $0x0;
	s0 =	rddreg [dreg:$0x2]  }
0xfd: {  	s0 =	sadd.s32 @!p0 $0x100000, s0  }
0xfe: {  	[sflag:s0] =	ssyncadd.tile.s32 @!p0 $0x1;
	_ =	shalt  }
.Lfunc_end2:
_tile_overlayer_lowered:
.L_overlay_start_2:
0xff: {  	(tag) =	ssettag $0x2  }
0x100: {  	s0 =	rddreg [dreg:$0x0];
	s2 =	stileid.u32  }
0x101: {  	s1 =	rddreg [dreg:$0x1];
	p0 =	sne.s32 s2, $0x0  }
0x102: {  	s3 =	rddreg [dreg:$0x2];
	[bflag:$0x3] =	sbarrier.arrive $0xFFFF;
	s2 =	simm.s32 @!p0 $0x1C06  }
0x103: {  	[timem:s3], [sflag:s2] =	dma.local @!p0 [hbm:s0], s1  }
0x104: {  	s0 =	simm.s32 @!p0 $0x6  }
0x105: {  	_ =	swait.ge @!p0 [sflag:s0], s1  }
0x106: {  	s1 =	ssub.s32 @!p0 $0x0, s1;
	[sflag:s0] =	ssyncset.done @!p0 $0x0  }
0x107: {  	[sflag:s0] =	ssyncadd.s32 @!p0 s1  }
0x108: {  	[bflag:$0x3] =	sbarrier.arrive $0xFFFF  }
0x109: {  	_ =	shalt  }

// kernel: kernel.9.cloned.1.call-start
scs
__scs_entry_jumppad:
0x0: {  	(pc) =	sbr.rel $0x88, $3  }
0x1: {  	(tag) =	ssettag $0x0;
	lr =	simm.s32 $0x1  }
0x2: {  	[smem:$0x3F9B] =	sst lr;
	_ =	strace $0xD0000000  }
0x3: {  	_ = 	snop  }
0x4: {  	_ = 	snop  }
0x5: {  	_ = 	snop  }
0x6: {  	_ = 	snop  }
0x7: {  	_ = 	snop  }
__scs_overlays_trampoline_lowered:
0x8: {  	[smem:$0x3FAA] =	sst s0  }
0x9: {  	[smem:$0x3FAB] =	sst s1  }
0xa: {  	[smem:$0x3FAC] =	sst s2  }
0xb: {  	[smem:$0x3FAD] =	sst s3  }
0xc: {  	[smem:$0x3FAE] =	sst s4  }
0xd: {  	[smem:$0x3FAF] =	sst s5  }
0xe: {  	[smem:$0x3FB0] =	sst s6  }
0xf: {  	[smem:$0x3FB1] =	sst s7  }
0x10: {  	[smem:$0x3FB2] =	sst s8  }
0x11: {  	[smem:$0x3FB3] =	sst s9;
	s0 =	simm.s32 @!p0 $0x0  }
0x12: {  	s1 =	sld [smem:$0x3F99];
	s0 =	simm.s32 @p0 $0x1  }
0x13: {  	[smem:$0x3FB4] =	sst s0;
	s0 =	simm.s32 @!p1 $0x0  }
0x14: {  	s2 =	sld [smem:$0x3F98];
	s0 =	simm.s32 @p1 $0x1  }
0x15: {  	[smem:$0x3FB5] =	sst s0;
	s0 =	simm.s32 @!p2 $0x0  }
0x16: {  	s3 =	sld [smem:$0x3FDB];
	s0 =	simm.s32 @p2 $0x1  }
0x17: {  	s4 =	simm.s32 $0x1BF5;
	[smem:$0x3FB7] =	sst s0  }
0x18: {  	s0 =	sld [smem:$0x3F9A];
	_ =	swait.ge [sflag:s4], $0x0  }
0x19: {  	s7 =	sld [smem:$0x3F9B]  }
0x1a: {  	s8 =	sadd.s32 $0xFFFFE003, lr  }
0x1b: {  	s9 =	sadd.s32 $0xFFFFFEF7, lr;
	s5 =	simm.s32 $0xFFFFFFFF;
	p2 =	slt.u32 s8, $0xFFFFF086  }
0x1c: {  	p1 =	slt.u32 s9, $0xF7A;
	s5 =	simm.s32 @!p2 $0x0  }
0x1d: {  	s5 =	simm.s32 @p1 $0x1;
	p0 =	seq.s32 s7, s2  }
0x1e: {  	s7 =	smul.u32 @!p0 $0xF7A, s2;
	p2 =	seq.s32 @!p0 s5, $0x0  }
0x1f: {  	s9 =	smul.u32 $0xF7A, s1;
	s8 =	simm.s32 @!p0 $0x1BF5;
	p2 =	por !p2, p0  }
0x20: {  	[sflag:s8] =	ssyncset.s32 @!p0 $0xFFFFF086;
	s6 =	sadd.s32 @!p0 s3, s7;
	s7 =	simm.s32 @!p0 $0x108  }
0x21: {  	s3 =	sadd.s32 s3, s9;
	s6 =	sadd.s32 @!p0 $0x88, s6;
	s7 =	simm.s32 @p2 $0x1082  }
0x22: {  	[simem:s7], [sflag:s8] =	dma.local @!p0 [hbm:s6], $0xF7A  }
0x23: {  	s9 =	sor.u32 $0xD0000000, s2;
	s6 =	simm.s32 $0x108;
	_ =	swait.ge @!p0 [sflag:s8], $0x0  }
0x24: {  	s3 =	sadd.s32 $0x88, s3;
	s6 =	simm.s32 @!p1 $0x1082;
	[sflag:s4] =	ssyncset.s32 $0xFFFFF086  }
0x25: {  	[simem:s6], [sflag:s4] =	dma.local [hbm:s3], $0xF7A  }
0x26: {  	[smem:$0x3F9B] =	sst s1;
	(tag) =	ssettag s2;
	_ =	strace s9  }
0x27: {  	s1 =	sld [smem:$0x3FAB]  }
0x28: {  	s2 =	sld [smem:$0x3FAC]  }
0x29: {  	s4 =	sld [smem:$0x3FAE]  }
0x2a: {  	p0 =	seq.s32 s5, $0x0;
	s5 =	sld [smem:$0x3FAF]  }
0x2b: {  	s6 =	sld [smem:$0x3FB0]  }
0x2c: {  	s7 =	sld [smem:$0x3FB1]  }
0x2d: {  	s3 =	simm.s32 $0x108;
	s8 =	sld [smem:$0x3FB2]  }
0x2e: {  	s3 =	simm.s32 @!p0 $0x1082;
	s9 =	sld [smem:$0x3FB3]  }
0x2f: {  	lr =	sadd.s32 s0, s3;
	s0 =	sld [smem:$0x3FAA]  }
0x30: {  	s3 =	sld [smem:$0x3FAD]  }
0x31: {  	[smem:$0x3FB6] =	sst s10  }
0x32: {  	s10 =	sld [smem:$0x3FB4];
	_ =	sdelay $0x3  }
0x33: {  	p0 =	seq.s32 s10, $0x1;
	s10 =	sld [smem:$0x3FB6];
	_ =	sdelay $0x3  }
0x34: {  	[smem:$0x3FB6] =	sst s10  }
0x35: {  	s10 =	sld [smem:$0x3FB5];
	_ =	sdelay $0x3  }
0x36: {  	p1 =	seq.s32 s10, $0x1;
	s10 =	sld [smem:$0x3FB6];
	_ =	sdelay $0x3  }
0x37: {  	[smem:$0x3FB6] =	sst s10  }
0x38: {  	s10 =	sld [smem:$0x3FB7]  }
0x39: {  	_ = 	snop;
	(pc) =	sbr.ind lr, $3  }
0x3a: {  	_ = 	snop  }
0x3b: {  	_ = 	snop  }
0x3c: {  	p2 =	seq.s32 s10, $0x1;
	s10 =	sld [smem:$0x3FB6]  }
0x3d: {  	_ =	shalt  }
0x3e: {  	_ =	shalt  }
0x3f: {  	_ =	shalt  }
0x40: {  	_ =	shalt  }
0x41: {  	_ =	shalt  }
0x42: {  	_ =	shalt  }
0x43: {  	_ =	shalt  }
0x44: {  	_ =	shalt  }
0x45: {  	_ =	shalt  }
0x46: {  	_ =	shalt  }
0x47: {  	_ =	shalt  }
0x48: {  	_ =	shalt  }
0x49: {  	_ =	shalt  }
0x4a: {  	_ =	shalt  }
0x4b: {  	_ =	shalt  }
0x4c: {  	_ =	shalt  }
0x4d: {  	_ =	shalt  }
0x4e: {  	_ =	shalt  }
0x4f: {  	_ =	shalt  }
0x50: {  	_ =	shalt  }
0x51: {  	_ =	shalt  }
0x52: {  	_ =	shalt  }
0x53: {  	_ =	shalt  }
0x54: {  	_ =	shalt  }
0x55: {  	_ =	shalt  }
0x56: {  	_ =	shalt  }
0x57: {  	_ =	shalt  }
0x58: {  	_ =	shalt  }
0x59: {  	_ =	shalt  }
0x5a: {  	_ =	shalt  }
0x5b: {  	_ =	shalt  }
0x5c: {  	_ =	shalt  }
0x5d: {  	_ =	shalt  }
0x5e: {  	_ =	shalt  }
0x5f: {  	_ =	shalt  }
0x60: {  	_ =	shalt  }
0x61: {  	_ =	shalt  }
0x62: {  	_ =	shalt  }
0x63: {  	_ =	shalt  }
0x64: {  	_ =	shalt  }
0x65: {  	_ =	shalt  }
0x66: {  	_ =	shalt  }
0x67: {  	_ =	shalt  }
0x68: {  	_ =	shalt  }
0x69: {  	_ =	shalt  }
0x6a: {  	_ =	shalt  }
0x6b: {  	_ =	shalt  }
0x6c: {  	_ =	shalt  }
0x6d: {  	_ =	shalt  }
0x6e: {  	_ =	shalt  }
0x6f: {  	_ =	shalt  }
0x70: {  	_ =	shalt  }
0x71: {  	_ =	shalt  }
0x72: {  	_ =	shalt  }
0x73: {  	_ =	shalt  }
0x74: {  	_ =	shalt  }
0x75: {  	_ =	shalt  }
0x76: {  	_ =	shalt  }
0x77: {  	_ =	shalt  }
0x78: {  	_ =	shalt  }
0x79: {  	_ =	shalt  }
0x7a: {  	_ =	shalt  }
0x7b: {  	_ =	shalt  }
0x7c: {  	_ =	shalt  }
0x7d: {  	_ =	shalt  }
0x7e: {  	_ =	shalt  }
0x7f: {  	_ =	shalt  }
0x80: {  	_ =	shalt  }
0x81: {  	_ =	shalt  }
0x82: {  	_ =	shalt  }
0x83: {  	_ =	shalt  }
0x84: {  	_ =	shalt  }
0x85: {  	_ =	shalt  }
0x86: {  	_ =	shalt  }
0x87: {  	_ =	shalt  }
.Lfunc_end0:
.L_simem_size_0:
called_computation.1_lowered:
.L_overlay_start_0:
0x88: {  	s2 =	sld [smem:$0x3FD9]  }
0x89: {  	s3 =	sld [smem:$0x3FFE];
	_ =	sdelay $0x1  }
0x8a: {  	s1 =	srdreg.scid  }
0x8b: {  	s0 =	sand.u32 $0x1, s1  }
0x8c: {  	s17 =	sshll.u32 s0, $0xA;
	s2 =	sadd.s32 s3, s2  }
0x8d: {  	s2 =	sadd.s32 s2, s17  }
0x8e: {  	[smem:$0x3FC2] =	sst s2  }
0x8f: {  	_ = 	snop  }
0x90: {  	s2 =	sld [smem:$0x3FD0];
	(tm) =	ssettm $0x1  }
0x91: {  	s18 =	sld [smem:$0x3FFB];
	_ =	sdelay $0x3  }
0x92: {  	_ =	strace s18  }
0x93: {  	s3 =	sld [smem:$0x3FFC];
	_ =	sdelay $0x3  }
0x94: {  	_ =	strace s3  }
0x95: {  	s3 =	sld [smem:$0x3FFD];
	_ =	sdelay $0x3  }
0x96: {  	_ =	strace s3  }
0x97: {  	_ =	strace $0x8FFFFFFF  }
0x98: {  	s19 =	sld [smem:$0x3FDB];
	_ =	sdelay $0x1  }
0x99: {  	s4 =	simm.s32 $_scs_section_size  }
0x9a: {  	s5 =	simm.s32 $_size__tile_overlayer_lowered;
	s6 =	simm.s32 $_tile_overlayer_lowered  }
0x9b: {  	s22 =	simm.s32 $0x1BFF;
	s21 =	sshll.u32 s6, $0x1;
	s3 =	sadd.s32 s4, s19  }
0x9c: {  	s7 =	simm.s32 $0x0;
	s20 =	sshll.u32 s5, $0x1;
	s5 =	sadd.s32 s21, s3  }
0x9d: {  	[timem:s7], [sflag:s22] =	dma.local [hbm:s5], s20  }
0x9e: {  	_ =	swait.ge [sflag:s22], s20  }
0x9f: {  	s4 =	ssub.s32 $0x0, s20;
	[sflag:s22] =	ssyncset.done $0x0  }
0xa0: {  	[sflag:s22] =	ssyncadd.s32 s4;
	_ =	sdelay $0x1  }
0xa1: {  	s23 =	simm.s32 $0x1B8B  }
0xa2: {  	_ =	swait.ge [sflag:s23], $0x1  }
0xa3: {  	[sflag:s23] =	ssyncset.done $0x0  }
0xa4: {  	s25 =	simm.s32 $0x1B8E;
	s24 =	sld [smem:$0x3FFE];
	[sflag:s23] =	ssyncadd.s32 $0xFFFFFFFF  }
0xa5: {  	s26 =	simm.s32 $execute0_lowered;
	[smem:$0x3FD2] =	sst s25  }
0xa6: {  	s5 =	sshll.u32 s26, $0x1;
	_ =	strace $0x80000049;
	[dreg:$0x1] =	wrdreg $0xFFFFFFFF  }
0xa7: {  	s28 =	simm.s32 $_size_execute0_lowered;
	s3 =	sadd.s32 s3, s5;
	[dreg:$0x0] =	wrdreg $0x0  }
0xa8: {  	s5 =	sshll.u32 s28, $0x1;
	[dreg:$0x2] =	wrdreg s3  }
0xa9: {  	[dreg:$0x3] =	wrdreg s5  }
0xaa: {  	[dreg:$0x4] =	wrdreg $0xC0  }
0xab: {  	_ =	task [dreg:s7], $0x5FFFF  }
0xac: {  	[dreg:$0x1] =	wrdreg $0xFFFFFFFF  }
0xad: {  	[dreg:$0x0] =	wrdreg $0x60  }
0xae: {  	[dreg:$0x2] =	wrdreg s24  }
0xaf: {  	[dreg:$0x3] =	wrdreg s2  }
0xb0: {  	[dreg:$0x4] =	wrdreg $0x9  }
0xb1: {  	_ =	task.clear_ibuf [dreg:s7], $0x5FFFF;
	_ =	strace $0x90000049  }
0xb2: {  	s29 =	simm.s32 $0x9;
	_ =	strace $0x8000004B  }
0xb3: {  	_ =	swait.ge [sflag:s29], $0x1  }
0xb4: {  	[sflag:s29] =	ssyncadd.s32 $0xFFFFFFFF  }
0xb5: {  	_ =	strace $0x9000004B  }
0xb6: {  	_ =	sfence  }
0xb7: {  	s30 =	sld [smem:$0x0];
	_ =	sdelay $0x2  }
0xb8: {  	s31 =	sshll.u32 s1, $0xD;
	s1 =	sshrl.u32 s1, $0x2  }
0xb9: {  	s3 =	sand.u32 $0x4000, s31;
	s1 =	sadd.s32 s1, s30  }
0xba: {  	s0 =	sor.u32 s3, s0;
	s1 =	sshll.u32 s1, $0x11  }
0xbb: {  	s0 =	sor.u32 s1, s0  }
0xbc: {  	s0 =	sadd.s32 $0x8F2B, s0  }
0xbd: {  	[sflag:s0] =	ssyncadd.remote.s32 $0x1  }
0xbe: {  	_ =	sfence.sel $0xFFFF  }
0xbf: {  	[dreg:$0x0] =	wrdreg $0xFFFFFFFF;
	(pc) =	sbr.abs _section_cstart, $3  }
0xc0: {  	[dreg:$0x1] =	wrdreg $0xFFFFFFFF  }
0xc1: {  	_ =	task.clear_ibuf [dreg:s7], $0x2FFFF;
	_ =	strace $0x9FFFFFFF  }
0xc2: {  	(tm) =	ssettm $0x7FFFFFFF  }
0xc3: {  	_ =	shalt  }
tec
execute0_lowered:
.L_overlay_start_1:
0x0: {  	(tag) =	ssettag $0x1  }
0x1: {  	s0 =	srdreg.scid  }
0x2: {  	s5 =	stileid.u32;
	s10 =	rddreg [dreg:$0x0]  }
0x3: {  	s11 =	rddreg [dreg:$0x1];
	s3 =	simm.s32 $0x1;
	s14 =	simm.s32 $0x4  }
0x4: {  	s16 =	simm.s32 $0x4100;
	s28 =	simm.s32 $0x1A100;
	s29 =	simm.s32 $0x1A900  }
0x5: {  	s30 =	simm.s32 $0x1B100;
	s31 =	simm.s32 $0x1B900;
	s15 =	simm.s32 $0x0  }
0x6: {  	s0 =	sand.u32 $0x1, s0;
	s2 =	sand.u32 $0x1, s5;
	s23 =	sshll.u32 s5, $0x6  }
0x7: {  	s1 =	sshll.u32 s0, $0x4;
	p1 =	seq.s32 s2, $0x1;
	s2 =	simm.s32 $0x0  }
0x8: {  	s0 =	ssub.s32 $0x2, s0;
	s1 =	sor.u32 s5, s1;
	[smem:$0x7FF] =	sst s2  }
0x9: {  	s26 =	sshrl.u32 s0, $0x1;
	p0 =	seq.s32 s1, $0x0;
	s4 =	sshrl.u32 s1, $0x1  }
0xa: {  	_ =	strace $0x8000004A;
	s25 =	sshll.u32 s1, $0xA;
	s9 =	smul.u32 $0xC000, s1  }
0xb: {  	s0 =	ssub.s32 s0, s26;
	s1 =	smul.u32 $0x1800, s1;
	s26 =	simm.s32 $0x19900  }
0xc: {  	p0 =	por !p0, !p1;
	s8 =	sadd.s32 s25, s10;
	s13 =	smax.u32 s0, $0x1  }
0xd: {  	s25 =	simm.s32 $0x19100;
	s0 =	simm.s32 $0x3;
	p0 =	por !p0, !p0  }
0xe: {  	s7 =	sadd.s32 $0x2000, s8;
	s12 =	sshrl.u32 s9, $0x3;
	s3 =	simm.s32 @!p0 $0x0  }
0xf: {  	s8 =	sadd.s32 $0xA000, s8;
	s9 =	sadd.s32 $0x12100, s10;
	s3 =	ssub.s32 s4, s3  }
0x10: {  	s12 =	sadd.s32 s11, s12;
	s4 =	sand.u32 $0x40, s23;
	s3 =	sshll.u32 s3, $0x7  }
0x11: {  	s11 =	sadd.s32 s11, s1;
	s1 =	simm.s32 $0x2;
	s24 =	sor.u32 s4, s3  }
0x12: {  	v2 =	vlaneseq.u32;
	s12 =	sadd.s32 $0xC00, s12;
	s23 =	simm.s32 $0xA100;
	s5 =	sshrl.u32 s24, $0x3  }
0x13: {  	vm0 =	vmmov $0xffff;
	v1 =	vshrl.u32 v2, $0x3;
	s3 =	sadd.s32 $0x12000, s10;
	s4 =	simm.s32 $0x1;
	s6 =	sadd.s32 s5, s10  }
0x14: {  	v0 =	vand.u32 $0x7, v2;
	v2 =	vor.u32 $0x8, v2;
	v1 =	vmul.u32 $0x8, v1;
	s10 =	sadd.s32 $0x12200, s10;
	s5 =	sadd.s32 $0x1C00, s6;
	s6 =	sadd.s32 $0x1E00, s6  }
.LBB2_1:
0x15: {  	[tilespmem:s2], [sflag:$0x4] =	stream.linear.gather [hbm4b:s5+s2], $0x40, $0x38;
	[tilespmem:$0x1C100] =	vst v63  }
0x16: {  	_ =	swait.ge [sflag:s14], $0x40  }
0x17: {  	[sflag:s14] =	ssyncset.done $0x0  }
0x18: {  	s17 =	simm.s32 $0x80;
	[sflag:s14] =	ssyncadd.s32 $0xFFFFFFC0  }
0x19: {  	[tilespmem:s17], [sflag:$0x4] =	stream.linear.gather [hbm4b:s6+s2], $0x40, $0x38;
	[tilespmem:$0x1C100] =	vst v63  }
0x1a: {  	_ =	swait.ge [sflag:s14], $0x40  }
0x1b: {  	[sflag:s14] =	ssyncset.done $0x0  }
0x1c: {  	s17 =	simm.s32 $0x100;
	[sflag:s14] =	ssyncadd.s32 $0xFFFFFFC0  }
0x1d: {  	[tilespmem:s17], [sflag:$0x4] =	stream.linear.gather [hbm4b:s7+s2], $0x2000, $0x38;
	[tilespmem:$0x1C100] =	vst v63  }
0x1e: {  	_ =	swait.ge [sflag:s14], $0x2000  }
0x1f: {  	[sflag:s14] =	ssyncset.done $0x0  }
0x20: {  	s18 =	simm.s32 $0x2100;
	[sflag:s14] =	ssyncadd.s32 $0xFFFFE000  }
0x21: {  	[tilespmem:s18], [sflag:$0x4] =	stream.linear.gather [hbm4b:s8+s2], $0x2000, $0x38;
	[tilespmem:$0x1C100] =	vst v63  }
0x22: {  	_ =	swait.ge [sflag:s14], $0x2000  }
0x23: {  	[sflag:s14] =	ssyncset.done $0x0  }
0x24: {  	[sflag:s14] =	ssyncadd.s32 $0xFFFFE000  }
0x25: {  	v3 =	vld [tilespmem:$0x0];
	_ =	sdelay $0x4  }
0x26: {  	v4 =	vshrl.u32 v3, $0x3  }
0x27: {  	v4 =	vmul.u32 $0x30, v4  }
0x28: {  	v3 =	vand.u32 $0x7, v3  }
0x29: {  	v3 =	vor.u32 v3, v4  }
0x2a: {  	v4 =	vperm.xlane v3, v0;
	_ =	sdelay $0x1  }
0x2b: {  	v4 =	vadd.s32 v1, v4;
	_ =	sdelay $0x3  }
0x2c: {  	v3 =	vperm.xlane v3, v2  }
0x2d: {  	[tilespmem:s16], [sflag:$0x1] =	stream.indirect_vreg.gather [hbm4b:s3+s2], $0x80, v4, vm0, $0xb8;
	[tilespmem:$0x1C100] =	vst v63  }
0x2e: {  	s19 =	simm.s32 $0x4900;
	v3 =	vadd.s32 v1, v3  }
0x2f: {  	[tilespmem:s19], [sflag:$0x1] =	stream.indirect_vreg.gather [hbm4b:s9+s2], $0x80, v4, vm0, $0xb8;
	[tilespmem:$0x1C100] =	vst v63  }
0x30: {  	s24 =	simm.s32 $0x5100  }
0x31: {  	[tilespmem:s24], [sflag:$0x1] =	stream.indirect_vreg.gather [hbm4b:s10+s2], $0x80, v4, vm0, $0xb8;
	[tilespmem:$0x1C100] =	vst v63  }
0x32: {  	s20 =	simm.s32 $0x5900  }
0x33: {  	[tilespmem:s20], [sflag:$0x1] =	stream.indirect_vreg.gather [hbm4b:s3+s2], $0x80, v3, vm0, $0xb8;
	[tilespmem:$0x1C100] =	vst v63  }
0x34: {  	s21 =	simm.s32 $0x6100  }
0x35: {  	[tilespmem:s21], [sflag:$0x1] =	stream.indirect_vreg.gather [hbm4b:s9+s2], $0x80, v3, vm0, $0xb8;
	[tilespmem:$0x1C100] =	vst v63  }
0x36: {  	s22 =	simm.s32 $0x6900  }
0x37: {  	[tilespmem:s22], [sflag:$0x1] =	stream.indirect_vreg.gather [hbm4b:s10+s2], $0x80, v3, vm0, $0xb8;
	[tilespmem:$0x1C100] =	vst v63  }
0x38: {  	v3 =	vld [tilespmem:$0x10];
	_ =	sdelay $0x4  }
0x39: {  	v4 =	vshrl.u32 v3, $0x3  }
0x3a: {  	v4 =	vmul.u32 $0x30, v4  }
0x3b: {  	v3 =	vand.u32 $0x7, v3  }
0x3c: {  	v3 =	vor.u32 v3, v4  }
0x3d: {  	v4 =	vperm.xlane v3, v0;
	_ =	sdelay $0x1  }
0x3e: {  	v4 =	vadd.s32 v1, v4;
	_ =	sdelay $0x3  }
0x3f: {  	s24 =	simm.s32 $0x7100;
	v3 =	vperm.xlane v3, v2  }
0x40: {  	[tilespmem:s24], [sflag:$0x1] =	stream.indirect_vreg.gather [hbm4b:s3+s2], $0x80, v4, vm0, $0xb8;
	[tilespmem:$0x1C100] =	vst v63  }
0x41: {  	s20 =	simm.s32 $0x7900;
	v3 =	vadd.s32 v1, v3  }
0x42: {  	[tilespmem:s20], [sflag:$0x1] =	stream.indirect_vreg.gather [hbm4b:s9+s2], $0x80, v4, vm0, $0xb8;
	[tilespmem:$0x1C100] =	vst v63  }
0x43: {  	s21 =	simm.s32 $0x8100  }
0x44: {  	[tilespmem:s21], [sflag:$0x1] =	stream.indirect_vreg.gather [hbm4b:s10+s2], $0x80, v4, vm0, $0xb8;
	[tilespmem:$0x1C100] =	vst v63  }
0x45: {  	s22 =	simm.s32 $0x8900  }
0x46: {  	[tilespmem:s22], [sflag:$0x1] =	stream.indirect_vreg.gather [hbm4b:s3+s2], $0x80, v3, vm0, $0xb8;
	[tilespmem:$0x1C100] =	vst v63  }
0x47: {  	s24 =	simm.s32 $0x9100  }
0x48: {  	[tilespmem:s24], [sflag:$0x1] =	stream.indirect_vreg.gather [hbm4b:s9+s2], $0x80, v3, vm0, $0xb8;
	[tilespmem:$0x1C100] =	vst v63  }
0x49: {  	s20 =	simm.s32 $0x9900  }
0x4a: {  	[tilespmem:s20], [sflag:$0x1] =	stream.indirect_vreg.gather [hbm4b:s10+s2], $0x80, v3, vm0, $0xb8;
	[tilespmem:$0x1C100] =	vst v63  }
0x4b: {  	v3 =	vld [tilespmem:$0x80];
	_ =	sdelay $0x4  }
0x4c: {  	v4 =	vshrl.u32 v3, $0x3  }
0x4d: {  	v4 =	vmul.u32 $0x30, v4  }
0x4e: {  	v3 =	vand.u32 $0x7, v3  }
0x4f: {  	v3 =	vor.u32 v3, v4  }
0x50: {  	v4 =	vperm.xlane v3, v0;
	_ =	sdelay $0x1  }
0x51: {  	v4 =	vadd.s32 v1, v4;
	_ =	sdelay $0x3  }
0x52: {  	s21 =	simm.s32 $0x10100;
	v3 =	vperm.xlane v3, v2  }
0x53: {  	[tilespmem:s21], [sflag:$0x1] =	stream.indirect_vreg.gather [hbm4b:s3+s2], $0x80, v4, vm0, $0xb8;
	[tilespmem:$0x1C100] =	vst v63  }
0x54: {  	s22 =	simm.s32 $0x10900;
	v3 =	vadd.s32 v1, v3  }
0x55: {  	[tilespmem:s22], [sflag:$0x1] =	stream.indirect_vreg.gather [hbm4b:s9+s2], $0x80, v4, vm0, $0xb8;
	[tilespmem:$0x1C100] =	vst v63  }
0x56: {  	s24 =	simm.s32 $0x11100  }
0x57: {  	[tilespmem:s24], [sflag:$0x1] =	stream.indirect_vreg.gather [hbm4b:s10+s2], $0x80, v4, vm0, $0xb8;
	[tilespmem:$0x1C100] =	vst v63  }
0x58: {  	s20 =	simm.s32 $0x11900  }
0x59: {  	[tilespmem:s20], [sflag:$0x1] =	stream.indirect_vreg.gather [hbm4b:s3+s2], $0x80, v3, vm0, $0xb8;
	[tilespmem:$0x1C100] =	vst v63  }
0x5a: {  	s21 =	simm.s32 $0x12100  }
0x5b: {  	[tilespmem:s21], [sflag:$0x1] =	stream.indirect_vreg.gather [hbm4b:s9+s2], $0x80, v3, vm0, $0xb8;
	[tilespmem:$0x1C100] =	vst v63  }
0x5c: {  	s22 =	simm.s32 $0x12900  }
0x5d: {  	[tilespmem:s22], [sflag:$0x1] =	stream.indirect_vreg.gather [hbm4b:s10+s2], $0x80, v3, vm0, $0xb8;
	[tilespmem:$0x1C100] =	vst v63  }
0x5e: {  	v3 =	vld [tilespmem:$0x90];
	_ =	sdelay $0x4  }
0x5f: {  	v4 =	vshrl.u32 v3, $0x3  }
0x60: {  	v4 =	vmul.u32 $0x30, v4  }
0x61: {  	v3 =	vand.u32 $0x7, v3  }
0x62: {  	v3 =	vor.u32 v3, v4  }
0x63: {  	v4 =	vperm.xlane v3, v0;
	_ =	sdelay $0x1  }
0x64: {  	v4 =	vadd.s32 v1, v4;
	_ =	sdelay $0x3  }
0x65: {  	s24 =	simm.s32 $0x13100;
	v3 =	vperm.xlane v3, v2  }
0x66: {  	[tilespmem:s24], [sflag:$0x1] =	stream.indirect_vreg.gather [hbm4b:s3+s2], $0x80, v4, vm0, $0xb8;
	[tilespmem:$0x1C100] =	vst v63  }
0x67: {  	s20 =	simm.s32 $0x13900;
	v3 =	vadd.s32 v1, v3  }
0x68: {  	[tilespmem:s20], [sflag:$0x1] =	stream.indirect_vreg.gather [hbm4b:s9+s2], $0x80, v4, vm0, $0xb8;
	[tilespmem:$0x1C100] =	vst v63  }
0x69: {  	s21 =	simm.s32 $0x14100  }
0x6a: {  	[tilespmem:s21], [sflag:$0x1] =	stream.indirect_vreg.gather [hbm4b:s10+s2], $0x80, v4, vm0, $0xb8;
	[tilespmem:$0x1C100] =	vst v63  }
0x6b: {  	s22 =	simm.s32 $0x14900  }
0x6c: {  	[tilespmem:s22], [sflag:$0x1] =	stream.indirect_vreg.gather [hbm4b:s3+s2], $0x80, v3, vm0, $0xb8;
	[tilespmem:$0x1C100] =	vst v63  }
0x6d: {  	s24 =	simm.s32 $0x15100  }
0x6e: {  	[tilespmem:s24], [sflag:$0x1] =	stream.indirect_vreg.gather [hbm4b:s9+s2], $0x80, v3, vm0, $0xb8;
	[tilespmem:$0x1C100] =	vst v63  }
0x6f: {  	s20 =	simm.s32 $0x15900  }
0x70: {  	[tilespmem:s20], [sflag:$0x1] =	stream.indirect_vreg.gather [hbm4b:s10+s2], $0x80, v3, vm0, $0xb8;
	[tilespmem:$0x1C100] =	vst v63  }
0x71: {  	v3 =	vld [tilespmem:$0x20];
	_ =	sdelay $0x4  }
0x72: {  	v4 =	vshrl.u32 v3, $0x3  }
0x73: {  	v4 =	vmul.u32 $0x30, v4  }
0x74: {  	v3 =	vand.u32 $0x7, v3  }
0x75: {  	v3 =	vor.u32 v3, v4  }
0x76: {  	v4 =	vperm.xlane v3, v0;
	_ =	sdelay $0x1  }
0x77: {  	v4 =	vadd.s32 v1, v4;
	_ =	sdelay $0x3  }
0x78: {  	v3 =	vperm.xlane v3, v2  }
0x79: {  	[tilespmem:s23], [sflag:$0x2] =	stream.indirect_vreg.gather [hbm4b:s3+s2], $0x80, v4, vm0, $0xb8;
	[tilespmem:$0x1C100] =	vst v63  }
0x7a: {  	s21 =	simm.s32 $0xA900;
	v3 =	vadd.s32 v1, v3  }
0x7b: {  	[tilespmem:s21], [sflag:$0x2] =	stream.indirect_vreg.gather [hbm4b:s9+s2], $0x80, v4, vm0, $0xb8;
	[tilespmem:$0x1C100] =	vst v63  }
0x7c: {  	s22 =	simm.s32 $0xB100  }
0x7d: {  	[tilespmem:s22], [sflag:$0x2] =	stream.indirect_vreg.gather [hbm4b:s10+s2], $0x80, v4, vm0, $0xb8;
	[tilespmem:$0x1C100] =	vst v63  }
0x7e: {  	s24 =	simm.s32 $0xB900  }
0x7f: {  	[tilespmem:s24], [sflag:$0x2] =	stream.indirect_vreg.gather [hbm4b:s3+s2], $0x80, v3, vm0, $0xb8;
	[tilespmem:$0x1C100] =	vst v63  }
0x80: {  	s20 =	simm.s32 $0xC100  }
0x81: {  	[tilespmem:s20], [sflag:$0x2] =	stream.indirect_vreg.gather [hbm4b:s9+s2], $0x80, v3, vm0, $0xb8;
	[tilespmem:$0x1C100] =	vst v63  }
0x82: {  	s21 =	simm.s32 $0xC900  }
0x83: {  	[tilespmem:s21], [sflag:$0x2] =	stream.indirect_vreg.gather [hbm4b:s10+s2], $0x80, v3, vm0, $0xb8;
	[tilespmem:$0x1C100] =	vst v63  }
0x84: {  	v3 =	vld [tilespmem:$0x30];
	_ =	sdelay $0x4  }
0x85: {  	v4 =	vshrl.u32 v3, $0x3  }
0x86: {  	v4 =	vmul.u32 $0x30, v4  }
0x87: {  	v3 =	vand.u32 $0x7, v3  }
0x88: {  	v3 =	vor.u32 v3, v4  }
0x89: {  	v4 =	vperm.xlane v3, v0;
	_ =	sdelay $0x1  }
0x8a: {  	v4 =	vadd.s32 v1, v4;
	_ =	sdelay $0x3  }
0x8b: {  	s22 =	simm.s32 $0xD100;
	v3 =	vperm.xlane v3, v2  }
0x8c: {  	[tilespmem:s22], [sflag:$0x2] =	stream.indirect_vreg.gather [hbm4b:s3+s2], $0x80, v4, vm0, $0xb8;
	[tilespmem:$0x1C100] =	vst v63  }
0x8d: {  	s24 =	simm.s32 $0xD900;
	v3 =	vadd.s32 v1, v3  }
0x8e: {  	[tilespmem:s24], [sflag:$0x2] =	stream.indirect_vreg.gather [hbm4b:s9+s2], $0x80, v4, vm0, $0xb8;
	[tilespmem:$0x1C100] =	vst v63  }
0x8f: {  	s20 =	simm.s32 $0xE100  }
0x90: {  	[tilespmem:s20], [sflag:$0x2] =	stream.indirect_vreg.gather [hbm4b:s10+s2], $0x80, v4, vm0, $0xb8;
	[tilespmem:$0x1C100] =	vst v63  }
0x91: {  	s21 =	simm.s32 $0xE900  }
0x92: {  	[tilespmem:s21], [sflag:$0x2] =	stream.indirect_vreg.gather [hbm4b:s3+s2], $0x80, v3, vm0, $0xb8;
	[tilespmem:$0x1C100] =	vst v63  }
0x93: {  	s22 =	simm.s32 $0xF100  }
0x94: {  	[tilespmem:s22], [sflag:$0x2] =	stream.indirect_vreg.gather [hbm4b:s9+s2], $0x80, v3, vm0, $0xb8;
	[tilespmem:$0x1C100] =	vst v63  }
0x95: {  	s24 =	simm.s32 $0xF900  }
0x96: {  	[tilespmem:s24], [sflag:$0x2] =	stream.indirect_vreg.gather [hbm4b:s10+s2], $0x80, v3, vm0, $0xb8;
	[tilespmem:$0x1C100] =	vst v63  }
0x97: {  	v3 =	vld [tilespmem:$0xA0];
	_ =	sdelay $0x4  }
0x98: {  	v4 =	vshrl.u32 v3, $0x3  }
0x99: {  	v4 =	vmul.u32 $0x30, v4  }
0x9a: {  	v3 =	vand.u32 $0x7, v3  }
0x9b: {  	v3 =	vor.u32 v3, v4  }
0x9c: {  	v4 =	vperm.xlane v3, v0;
	_ =	sdelay $0x1  }
0x9d: {  	v4 =	vadd.s32 v1, v4;
	_ =	sdelay $0x3  }
0x9e: {  	s20 =	simm.s32 $0x16100;
	v3 =	vperm.xlane v3, v2  }
0x9f: {  	[tilespmem:s20], [sflag:$0x2] =	stream.indirect_vreg.gather [hbm4b:s3+s2], $0x80, v4, vm0, $0xb8;
	[tilespmem:$0x1C100] =	vst v63  }
0xa0: {  	s21 =	simm.s32 $0x16900;
	v3 =	vadd.s32 v1, v3  }
0xa1: {  	[tilespmem:s21], [sflag:$0x2] =	stream.indirect_vreg.gather [hbm4b:s9+s2], $0x80, v4, vm0, $0xb8;
	[tilespmem:$0x1C100] =	vst v63  }
0xa2: {  	s22 =	simm.s32 $0x17100  }
0xa3: {  	[tilespmem:s22], [sflag:$0x2] =	stream.indirect_vreg.gather [hbm4b:s10+s2], $0x80, v4, vm0, $0xb8;
	[tilespmem:$0x1C100] =	vst v63  }
0xa4: {  	s24 =	simm.s32 $0x17900  }
0xa5: {  	[tilespmem:s24], [sflag:$0x2] =	stream.indirect_vreg.gather [hbm4b:s3+s2], $0x80, v3, vm0, $0xb8;
	[tilespmem:$0x1C100] =	vst v63  }
0xa6: {  	s20 =	simm.s32 $0x18100  }
0xa7: {  	[tilespmem:s20], [sflag:$0x2] =	stream.indirect_vreg.gather [hbm4b:s9+s2], $0x80, v3, vm0, $0xb8;
	[tilespmem:$0x1C100] =	vst v63  }
0xa8: {  	s21 =	simm.s32 $0x18900  }
0xa9: {  	[tilespmem:s21], [sflag:$0x2] =	stream.indirect_vreg.gather [hbm4b:s10+s2], $0x80, v3, vm0, $0xb8;
	[tilespmem:$0x1C100] =	vst v63  }
0xaa: {  	v3 =	vld [tilespmem:$0xB0];
	_ =	sdelay $0x4  }
0xab: {  	v4 =	vshrl.u32 v3, $0x3  }
0xac: {  	v4 =	vmul.u32 $0x30, v4  }
0xad: {  	v3 =	vand.u32 $0x7, v3  }
0xae: {  	v3 =	vor.u32 v3, v4  }
0xaf: {  	v4 =	vperm.xlane v3, v0;
	_ =	sdelay $0x1  }
0xb0: {  	v4 =	vadd.s32 v1, v4;
	_ =	sdelay $0x3  }
0xb1: {  	v3 =	vperm.xlane v3, v2  }
0xb2: {  	[tilespmem:s25], [sflag:$0x2] =	stream.indirect_vreg.gather [hbm4b:s3+s2], $0x80, v4, vm0, $0xb8;
	[tilespmem:$0x1C100] =	vst v63  }
0xb3: {  	v3 =	vadd.s32 v1, v3  }
0xb4: {  	[tilespmem:s26], [sflag:$0x2] =	stream.indirect_vreg.gather [hbm4b:s9+s2], $0x80, v4, vm0, $0xb8;
	[tilespmem:$0x1C100] =	vst v63  }
0xb5: {  	_ = 	snop  }
0xb6: {  	[tilespmem:s28], [sflag:$0x2] =	stream.indirect_vreg.gather [hbm4b:s10+s2], $0x80, v4, vm0, $0xb8;
	[tilespmem:$0x1C100] =	vst v63  }
0xb7: {  	_ = 	snop  }
0xb8: {  	[tilespmem:s29], [sflag:$0x2] =	stream.indirect_vreg.gather [hbm4b:s3+s2], $0x80, v3, vm0, $0xb8;
	[tilespmem:$0x1C100] =	vst v63  }
0xb9: {  	_ = 	snop  }
0xba: {  	[tilespmem:s30], [sflag:$0x2] =	stream.indirect_vreg.gather [hbm4b:s9+s2], $0x80, v3, vm0, $0xb8;
	[tilespmem:$0x1C100] =	vst v63  }
0xbb: {  	_ = 	snop  }
0xbc: {  	[tilespmem:s31], [sflag:$0x2] =	stream.indirect_vreg.gather [hbm4b:s10+s2], $0x80, v3, vm0, $0xb8;
	[tilespmem:$0x1C100] =	vst v63  }
0xbd: {  	_ =	swait.ge [sflag:s4], $0x6000  }
0xbe: {  	[sflag:s4] =	ssyncset.done $0x0  }
0xbf: {  	s22 =	simm.s32 $0x0;
	[sflag:s4] =	ssyncadd.s32 $0xFFFFA000  }
0xc0: {  	s19 =	smul.u32 $0x1800, s22;
	_ =	swait.ge [sflag:s4], $0x6000  }
0xc1: {  	s20 =	sand.u32 $0x380, s2;
	[sflag:s4] =	ssyncset.done $0x0  }
0xc2: {  	s21 =	sor.u32 s20, s19;
	[sflag:s4] =	ssyncadd.s32 $0xFFFFA000  }
0xc3: {  	v4 =	vld [tilespmem:s21+$0x4110]  }
0xc4: {  	v3 =	vld [tilespmem:s21+$0x10110]  }
0xc5: {  	v6 =	vld [tilespmem:s21+$0x4120]  }
0xc6: {  	v5 =	vld [tilespmem:s21+$0x10120]  }
0xc7: {  	v10 =	vld [tilespmem:s21+$0x4130]  }
0xc8: {  	v9 =	vld [tilespmem:s21+$0x10130]  }
0xc9: {  	v12 =	vld [tilespmem:s21+$0x4140]  }
0xca: {  	v11 =	vld [tilespmem:s21+$0x10140]  }
0xcb: {  	v13 =	vld [tilespmem:s21+$0x4160]  }
0xcc: {  	v14 =	vld [tilespmem:s21+$0x4170]  }
0xcd: {  	v15 =	vld [tilespmem:s21+$0x4500]  }
0xce: {  	v16 =	vld [tilespmem:s21+$0x4510]  }
0xcf: {  	v17 =	vld [tilespmem:s21+$0x4520]  }
0xd0: {  	v18 =	vld [tilespmem:s21+$0x4530]  }
0xd1: {  	v19 =	vld [tilespmem:s21+$0x4540]  }
0xd2: {  	v20 =	vld [tilespmem:s21+$0x4550]  }
0xd3: {  	v21 =	vld [tilespmem:s21+$0x4560]  }
0xd4: {  	v22 =	vld [tilespmem:s21+$0x4570]  }
0xd5: {  	v23 =	vld [tilespmem:s21+$0x4900]  }
0xd6: {  	v24 =	vld [tilespmem:s21+$0x4910]  }
0xd7: {  	v25 =	vld [tilespmem:s21+$0x4920]  }
0xd8: {  	v26 =	vld [tilespmem:s21+$0x4930]  }
0xd9: {  	v27 =	vld [tilespmem:s21+$0x4940]  }
0xda: {  	v28 =	vld [tilespmem:s21+$0x4950]  }
0xdb: {  	v29 =	vld [tilespmem:s21+$0x4960]  }
0xdc: {  	v30 =	vld [tilespmem:s21+$0x4970]  }
0xdd: {  	v31 =	vld [tilespmem:s21+$0x4D00]  }
0xde: {  	v32 =	vld [tilespmem:s21+$0x4D10]  }
0xdf: {  	v33 =	vld [tilespmem:s21+$0x4D20]  }
0xe0: {  	v34 =	vld [tilespmem:s21+$0x4D30]  }
0xe1: {  	v35 =	vld [tilespmem:s21+$0x4D40]  }
0xe2: {  	v36 =	vld [tilespmem:s21+$0x4D50]  }
0xe3: {  	v37 =	vld [tilespmem:s21+$0x4D60]  }
0xe4: {  	v38 =	vld [tilespmem:s21+$0x4D70]  }
0xe5: {  	v39 =	vld [tilespmem:s21+$0x5100]  }
0xe6: {  	v40 =	vld [tilespmem:s21+$0x5110]  }
0xe7: {  	v41 =	vld [tilespmem:s21+$0x5120]  }
0xe8: {  	v42 =	vld [tilespmem:s21+$0x5130]  }
0xe9: {  	v43 =	vld [tilespmem:s21+$0x5140]  }
0xea: {  	v44 =	vld [tilespmem:s21+$0x5150]  }
0xeb: {  	v45 =	vld [tilespmem:s21+$0x5160]  }
0xec: {  	v46 =	vld [tilespmem:s21+$0x5500]  }
0xed: {  	v47 =	vld [tilespmem:s21+$0x5510]  }
0xee: {  	v48 =	vld [tilespmem:s21+$0x11510]  }
0xef: {  	v49 =	vld [tilespmem:s21+$0x11530]  }
0xf0: {  	v50 =	vld [tilespmem:s21+$0x5530]  }
0xf1: {  	v51 =	vld [tilespmem:s21+$0x5520]  }
0xf2: {  	v7 =	vld [tilespmem:s17+$0x0]  }
0xf3: {  	v8 =	vld [tilespmem:s18+$0x0]  }
0xf4: {  	v52 =	vld [tilespmem:s21+$0x11520]  }
0xf5: {  	v53 =	vld [tilespmem:s21+$0x11500]  }
0xf6: {  	v54 =	vld [tilespmem:s21+$0x5170]  }
0xf7: {  	v55 =	vld [tilespmem:s21+$0x11170];
	v50 =	vmul.f32 v50, v7  }
0xf8: {  	v56 =	vld [tilespmem:s21+$0x11160];
	v49 =	vmul.f32 v49, v8;
	v51 =	vmul.f32 v51, v7  }
0xf9: {  	v57 =	vld [tilespmem:s21+$0x11150];
	v52 =	vmul.f32 v52, v8;
	v47 =	vmul.f32 v47, v7  }
0xfa: {  	v61 =	vld [tilespmem:s21+$0x11100];
	v48 =	vmul.f32 v48, v8;
	v46 =	vmul.f32 v46, v7  }
0xfb: {  	v58 =	vld [tilespmem:s21+$0x11140];
	v62 =	vmul.f32 v53, v8;
	v63 =	vmul.f32 v54, v7;
	v49 =	vadd.f32 v49, v50  }
0xfc: {  	v53 =	vld [tilespmem:s21+$0x11130];
	v59 =	vmul.f32 v55, v8;
	v45 =	vmul.f32 v45, v7;
	v51 =	vadd.f32 v52, v51  }
0xfd: {  	v60 =	vmul.f32 v56, v8;
	v44 =	vmul.f32 v44, v7;
	v56 =	vld [tilespmem:s21+$0x10D60];
	v47 =	vadd.f32 v48, v47;
	[tilespmem:s21+$0x5530] =	vst v49  }
0xfe: {  	v43 =	vmul.f32 v43, v7;
	v39 =	vmul.f32 v39, v7;
	v55 =	vld [tilespmem:s21+$0x10970];
	v46 =	vadd.f32 v62, v46;
	[tilespmem:s21+$0x5520] =	vst v51  }
0xff: {  	v61 =	vmul.f32 v61, v8;
	v12 =	vmul.f32 v12, v7;
	v48 =	vld [tilespmem:s21+$0x11120];
	v52 =	vadd.f32 v59, v63;
	[tilespmem:s21+$0x5510] =	vst v47  }
0x100: {  	v11 =	vmul.f32 v11, v8;
	v63 =	vmul.f32 v58, v8;
	v45 =	vadd.f32 v60, v45;
	v58 =	vld [tilespmem:s21+$0x10D50];
	[tilespmem:s21+$0x5500] =	vst v46  }
0x101: {  	v42 =	vmul.f32 v42, v7;
	v62 =	vmul.f32 v57, v8;
	v59 =	vld [tilespmem:s21+$0x10D40];
	v39 =	vadd.f32 v61, v39;
	[tilespmem:s21+$0x5170] =	vst v52  }
0x102: {  	v41 =	vmul.f32 v41, v7;
	v40 =	vmul.f32 v40, v7;
	v60 =	vld [tilespmem:s21+$0x10D30];
	v11 =	vadd.f32 v11, v12;
	[tilespmem:s21+$0x5160] =	vst v45  }
0x103: {  	v38 =	vmul.f32 v38, v7;
	v61 =	vld [tilespmem:s21+$0x10910];
	v44 =	vadd.f32 v62, v44;
	[tilespmem:s21+$0x5100] =	vst v39;
	v57 =	vmul.f32 v53, v8  }
0x104: {  	v37 =	vmul.f32 v37, v7;
	v49 =	vld [tilespmem:s21+$0x11110];
	v43 =	vadd.f32 v63, v43;
	[tilespmem:s21+$0x4140] =	vst v11;
	v46 =	vmul.f32 v56, v8  }
0x105: {  	v36 =	vmul.f32 v36, v7;
	v47 =	vld [tilespmem:s21+$0x10D70];
	[tilespmem:s21+$0x5150] =	vst v44;
	v48 =	vmul.f32 v48, v8;
	v42 =	vadd.f32 v57, v42  }
0x106: {  	v35 =	vmul.f32 v35, v7;
	v62 =	vld [tilespmem:s21+$0x10D20];
	[tilespmem:s21+$0x5140] =	vst v43;
	v54 =	vmul.f32 v58, v8;
	v37 =	vadd.f32 v46, v37  }
0x107: {  	v34 =	vmul.f32 v34, v7;
	v63 =	vld [tilespmem:s21+$0x10D10];
	v45 =	vmul.f32 v59, v8;
	v41 =	vadd.f32 v48, v41;
	[tilespmem:s21+$0x5130] =	vst v42  }
0x108: {  	v33 =	vmul.f32 v33, v7;
	v56 =	vld [tilespmem:s21+$0x10960];
	v44 =	vmul.f32 v60, v8;
	v36 =	vadd.f32 v54, v36;
	[tilespmem:s21+$0x4D60] =	vst v37  }
0x109: {  	v32 =	vmul.f32 v32, v7;
	v53 =	vld [tilespmem:s21+$0x10D00];
	v49 =	vmul.f32 v49, v8;
	v35 =	vadd.f32 v45, v35;
	[tilespmem:s21+$0x5120] =	vst v41  }
0x10a: {  	v6 =	vmul.f32 v6, v7;
	v12 =	vld [tilespmem:s21+$0x5560];
	v47 =	vmul.f32 v47, v8;
	v34 =	vadd.f32 v44, v34;
	[tilespmem:s21+$0x4D50] =	vst v36  }
0x10b: {  	v5 =	vmul.f32 v5, v8;
	v58 =	vld [tilespmem:s21+$0x10940];
	v43 =	vmul.f32 v62, v8;
	v40 =	vadd.f32 v49, v40;
	[tilespmem:s21+$0x4D40] =	vst v35  }
0x10c: {  	v29 =	vmul.f32 v29, v7;
	v59 =	vld [tilespmem:s21+$0x10930];
	v42 =	vmul.f32 v63, v8;
	v38 =	vadd.f32 v47, v38;
	[tilespmem:s21+$0x4D30] =	vst v34  }
0x10d: {  	v5 =	vadd.f32 v5, v6;
	v6 =	vld [tilespmem:s21+$0x4100];
	v39 =	vmul.f32 v56, v8;
	v33 =	vadd.f32 v43, v33;
	[tilespmem:s21+$0x5110] =	vst v40  }
0x10e: {  	v31 =	vmul.f32 v31, v7;
	v60 =	vld [tilespmem:s21+$0x10920];
	v41 =	vmul.f32 v53, v8;
	v32 =	vadd.f32 v42, v32;
	[tilespmem:s21+$0x4D70] =	vst v38  }
0x10f: {  	v24 =	vmul.f32 v24, v7;
	v57 =	vld [tilespmem:s21+$0x10950];
	v34 =	vmul.f32 v61, v8;
	v29 =	vadd.f32 v39, v29;
	[tilespmem:s21+$0x4D20] =	vst v33  }
0x110: {  	v27 =	vmul.f32 v27, v7;
	v62 =	vld [tilespmem:s21+$0x10900];
	v37 =	vmul.f32 v58, v8;
	v31 =	vadd.f32 v41, v31;
	[tilespmem:s21+$0x4D10] =	vst v32  }
0x111: {  	v26 =	vmul.f32 v26, v7;
	v63 =	vld [tilespmem:s21+$0x10570];
	v36 =	vmul.f32 v59, v8;
	v24 =	vadd.f32 v34, v24;
	[tilespmem:s21+$0x4960] =	vst v29  }
0x112: {  	v30 =	vmul.f32 v30, v7;
	v40 =	vmul.f32 v55, v8;
	v27 =	vadd.f32 v37, v27;
	v29 =	vld [tilespmem:s21+$0x10540];
	[tilespmem:s21+$0x4D00] =	vst v31  }
0x113: {  	v25 =	vmul.f32 v25, v7;
	v35 =	vmul.f32 v60, v8;
	v26 =	vadd.f32 v36, v26;
	v31 =	vld [tilespmem:s21+$0x10560];
	[tilespmem:s21+$0x4910] =	vst v24  }
0x114: {  	v28 =	vmul.f32 v28, v7;
	v38 =	vmul.f32 v57, v8;
	v30 =	vadd.f32 v40, v30;
	v24 =	vld [tilespmem:s21+$0x10170];
	[tilespmem:s21+$0x4940] =	vst v27  }
0x115: {  	v23 =	vmul.f32 v23, v7;
	v33 =	vmul.f32 v62, v8;
	v25 =	vadd.f32 v35, v25;
	v27 =	vld [tilespmem:s21+$0x10520];
	[tilespmem:s21+$0x4930] =	vst v26  }
0x116: {  	v22 =	vmul.f32 v22, v7;
	v32 =	vmul.f32 v63, v8;
	v28 =	vadd.f32 v38, v28;
	[tilespmem:s21+$0x4970] =	vst v30;
	v30 =	vld [tilespmem:s21+$0x10550]  }
0x117: {  	v19 =	vmul.f32 v19, v7;
	v23 =	vadd.f32 v33, v23;
	[tilespmem:s21+$0x4920] =	vst v25;
	v25 =	vld [tilespmem:s21+$0x10500];
	v29 =	vmul.f32 v29, v8  }
0x118: {  	v21 =	vmul.f32 v21, v7;
	v22 =	vadd.f32 v32, v22;
	[tilespmem:s21+$0x4950] =	vst v28;
	v28 =	vld [tilespmem:s21+$0x10530];
	v31 =	vmul.f32 v31, v8  }
0x119: {  	v14 =	vmul.f32 v14, v7;
	[tilespmem:s21+$0x4900] =	vst v23;
	v23 =	vld [tilespmem:s21+$0x10160];
	v24 =	vmul.f32 v24, v8;
	v19 =	vadd.f32 v29, v19  }
0x11a: {  	v17 =	vmul.f32 v17, v7;
	v26 =	vld [tilespmem:s21+$0x10510];
	[tilespmem:s21+$0x4570] =	vst v22;
	v27 =	vmul.f32 v27, v8;
	v21 =	vadd.f32 v31, v21  }
0x11b: {  	v20 =	vmul.f32 v20, v7;
	v22 =	vld [tilespmem:s21+$0x4150];
	v30 =	vmul.f32 v30, v8;
	v14 =	vadd.f32 v24, v14;
	[tilespmem:s21+$0x4540] =	vst v19  }
0x11c: {  	v15 =	vmul.f32 v15, v7;
	v25 =	vmul.f32 v25, v8;
	v17 =	vadd.f32 v27, v17;
	v19 =	vld [tilespmem:s21+$0x11550];
	[tilespmem:s21+$0x4560] =	vst v21  }
0x11d: {  	v18 =	vmul.f32 v18, v7;
	v28 =	vmul.f32 v28, v8;
	v20 =	vadd.f32 v30, v20;
	v21 =	vld [tilespmem:s21+$0x10150];
	[tilespmem:s21+$0x4170] =	vst v14  }
0x11e: {  	v13 =	vmul.f32 v13, v7;
	v23 =	vmul.f32 v23, v8;
	v15 =	vadd.f32 v25, v15;
	[tilespmem:s21+$0x4520] =	vst v17;
	v17 =	vld [tilespmem:s21+$0x5540]  }
0x11f: {  	v16 =	vmul.f32 v16, v7;
	v26 =	vmul.f32 v26, v8;
	v18 =	vadd.f32 v28, v18;
	[tilespmem:s21+$0x4550] =	vst v20;
	v20 =	vld [tilespmem:s21+$0x11540]  }
0x120: {  	v10 =	vmul.f32 v10, v7;
	v9 =	vmul.f32 v9, v8;
	v13 =	vadd.f32 v23, v13;
	[tilespmem:s21+$0x4500] =	vst v15;
	v15 =	vld [tilespmem:s21+$0x5550]  }
0x121: {  	v4 =	vmul.f32 v4, v7;
	v3 =	vmul.f32 v3, v8;
	v16 =	vadd.f32 v26, v16;
	[tilespmem:s21+$0x4530] =	vst v18;
	v18 =	vld [tilespmem:s21+$0x11560]  }
0x122: {  	v9 =	vadd.f32 v9, v10;
	v10 =	vmul.f32 v22, v7;
	v14 =	vld [tilespmem:s21+$0x5570];
	[tilespmem:s21+$0x4160] =	vst v13;
	v13 =	vmul.f32 v21, v8  }
0x123: {  	v3 =	vadd.f32 v3, v4;
	[tilespmem:s21+$0x4510] =	vst v16;
	v16 =	vld [tilespmem:s21+$0x11570]  }
0x124: {  	s24 =	simm.s32 $0x0;
	[tilespmem:s21+$0x4130] =	vst v9;
	v9 =	vld [tilespmem:s21+$0x10100];
	v11 =	vmul.f32 v17, v7;
	v17 =	vmul.f32 v20, v8;
	v4 =	vadd.f32 v13, v10  }
0x125: {  	s19 =	smul.u32 $0x1800, s24;
	s20 =	simm.s32 $0x80;
	[tilespmem:s21+$0x4120] =	vst v5;
	v5 =	vmul.f32 v15, v7;
	v10 =	vmul.f32 v19, v8  }
0x126: {  	s22 =	sand.u32 $0x380, s20;
	v11 =	vadd.f32 v17, v11;
	[tilespmem:s21+$0x4150] =	vst v4;
	v4 =	vmul.f32 v12, v7;
	v12 =	vmul.f32 v18, v8  }
0x127: {  	s19 =	sor.u32 s22, s19;
	[tilespmem:s21+$0x4110] =	vst v3;
	v5 =	vadd.f32 v10, v5  }
0x128: {  	v3 =	vld [tilespmem:s19+$0x4110];
	v10 =	vmul.f32 v14, v7;
	[tilespmem:s21+$0x5540] =	vst v11;
	v11 =	vmul.f32 v16, v8;
	v12 =	vadd.f32 v12, v4  }
0x129: {  	v7 =	vmul.f32 v6, v7;
	v8 =	vmul.f32 v9, v8;
	v4 =	vld [tilespmem:s19+$0x10110];
	[tilespmem:s21+$0x5550] =	vst v5  }
0x12a: {  	v9 =	vadd.f32 v11, v10;
	v6 =	vld [tilespmem:s19+$0x4120];
	[tilespmem:s21+$0x5560] =	vst v12  }
0x12b: {  	v7 =	vadd.f32 v8, v7;
	v5 =	vld [tilespmem:s19+$0x10120]  }
0x12c: {  	v8 =	vld [tilespmem:s19+$0x4130];
	[tilespmem:s21+$0x5570] =	vst v9  }
0x12d: {  	v18 =	vld [tilespmem:s19+$0x4530];
	[tilespmem:s21+$0x4100] =	vst v7  }
0x12e: {  	v7 =	vld [tilespmem:s19+$0x10130]  }
0x12f: {  	v10 =	vld [tilespmem:s19+$0x4140]  }
0x130: {  	v9 =	vld [tilespmem:s19+$0x10140]  }
0x131: {  	v12 =	vld [tilespmem:s19+$0x4150]  }
0x132: {  	v11 =	vld [tilespmem:s19+$0x10150]  }
0x133: {  	v13 =	vld [tilespmem:s19+$0x4160]  }
0x134: {  	v14 =	vld [tilespmem:s19+$0x4170]  }
0x135: {  	v15 =	vld [tilespmem:s19+$0x4500]  }
0x136: {  	v16 =	vld [tilespmem:s19+$0x4510]  }
0x137: {  	v17 =	vld [tilespmem:s19+$0x4520]  }
0x138: {  	v19 =	vld [tilespmem:s19+$0x4540]  }
0x139: {  	v20 =	vld [tilespmem:s19+$0x4550]  }
0x13a: {  	v21 =	vld [tilespmem:s19+$0x4560]  }
0x13b: {  	v22 =	vld [tilespmem:s19+$0x4570]  }
0x13c: {  	v23 =	vld [tilespmem:s19+$0x4900]  }
0x13d: {  	v24 =	vld [tilespmem:s19+$0x4910]  }
0x13e: {  	v25 =	vld [tilespmem:s19+$0x4920]  }
0x13f: {  	v26 =	vld [tilespmem:s19+$0x4930]  }
0x140: {  	v27 =	vld [tilespmem:s19+$0x4940]  }
0x141: {  	v28 =	vld [tilespmem:s19+$0x4950]  }
0x142: {  	v29 =	vld [tilespmem:s19+$0x4960]  }
0x143: {  	v30 =	vld [tilespmem:s19+$0x4970]  }
0x144: {  	v31 =	vld [tilespmem:s19+$0x4D00]  }
0x145: {  	v34 =	vld [tilespmem:s19+$0x4D10]  }
0x146: {  	v35 =	vld [tilespmem:s19+$0x4D20]  }
0x147: {  	v36 =	vld [tilespmem:s19+$0x4D30]  }
0x148: {  	v37 =	vld [tilespmem:s19+$0x4D40]  }
0x149: {  	v38 =	vld [tilespmem:s19+$0x4D50]  }
0x14a: {  	v39 =	vld [tilespmem:s19+$0x4D60]  }
0x14b: {  	v40 =	vld [tilespmem:s19+$0x4D70]  }
0x14c: {  	v41 =	vld [tilespmem:s19+$0x5100]  }
0x14d: {  	v42 =	vld [tilespmem:s19+$0x5110]  }
0x14e: {  	v43 =	vld [tilespmem:s19+$0x5120]  }
0x14f: {  	v44 =	vld [tilespmem:s19+$0x5130]  }
0x150: {  	v45 =	vld [tilespmem:s19+$0x5140]  }
0x151: {  	v46 =	vld [tilespmem:s19+$0x5150]  }
0x152: {  	v47 =	vld [tilespmem:s19+$0x5160]  }
0x153: {  	v48 =	vld [tilespmem:s19+$0x5500]  }
0x154: {  	v50 =	vld [tilespmem:s19+$0x5510]  }
0x155: {  	v49 =	vld [tilespmem:s19+$0x11510]  }
0x156: {  	s21 =	simm.s32 $0x2;
	v51 =	vld [tilespmem:s19+$0x11530]  }
.LBB2_2:
0x157: {  	p0 =	sne.s32 s21, $0x1F;
	v52 =	vld [tilespmem:s19+$0x5530]  }
0x158: {  	s17 =	sadd.s32 $0x80, s17;
	v53 =	vld [tilespmem:s19+$0x5520]  }
0x159: {  	s18 =	sadd.s32 $0x80, s18;
	v33 =	vld [tilespmem:s17+$0x0]  }
0x15a: {  	v32 =	vld [tilespmem:s18+$0x0]  }
0x15b: {  	v54 =	vld [tilespmem:s19+$0x11520]  }
0x15c: {  	v55 =	vld [tilespmem:s19+$0x11500]  }
0x15d: {  	v56 =	vld [tilespmem:s19+$0x5170]  }
0x15e: {  	v57 =	vld [tilespmem:s19+$0x11170];
	v50 =	vmul.f32 v50, v33;
	v53 =	vmul.f32 v53, v33  }
0x15f: {  	v52 =	vmul.f32 v52, v33;
	v58 =	vld [tilespmem:s19+$0x11160];
	v51 =	vmul.f32 v51, v32  }
0x160: {  	v49 =	vmul.f32 v49, v32;
	v59 =	vld [tilespmem:s19+$0x11150];
	v54 =	vmul.f32 v54, v32  }
0x161: {  	v48 =	vmul.f32 v48, v33;
	v60 =	vld [tilespmem:s19+$0x11140];
	v55 =	vmul.f32 v55, v32;
	v51 =	vadd.f32 v51, v52  }
0x162: {  	v49 =	vadd.f32 v49, v50;
	v52 =	vld [tilespmem:s19+$0x11130];
	v56 =	vmul.f32 v56, v33;
	v50 =	vadd.f32 v54, v53  }
0x163: {  	v47 =	vmul.f32 v47, v33;
	v53 =	vld [tilespmem:s19+$0x11120];
	v54 =	vmul.f32 v57, v32;
	v48 =	vadd.f32 v55, v48;
	[tilespmem:s19+$0x5530] =	vst v51  }
0x164: {  	v46 =	vmul.f32 v46, v33;
	v51 =	vld [tilespmem:s19+$0x11110];
	v55 =	vmul.f32 v58, v32;
	[tilespmem:s19+$0x5520] =	vst v50  }
0x165: {  	v45 =	vmul.f32 v45, v33;
	v50 =	vld [tilespmem:s19+$0x11100];
	v57 =	vmul.f32 v59, v32;
	v54 =	vadd.f32 v54, v56;
	[tilespmem:s19+$0x5510] =	vst v49  }
0x166: {  	v44 =	vmul.f32 v44, v33;
	v49 =	vld [tilespmem:s19+$0x10D70];
	v56 =	vmul.f32 v60, v32;
	v47 =	vadd.f32 v55, v47;
	[tilespmem:s19+$0x5500] =	vst v48  }
0x167: {  	v43 =	vmul.f32 v43, v33;
	v48 =	vld [tilespmem:s19+$0x10D60];
	v52 =	vmul.f32 v52, v32;
	v46 =	vadd.f32 v57, v46;
	[tilespmem:s19+$0x5170] =	vst v54  }
0x168: {  	v42 =	vmul.f32 v42, v33;
	v54 =	vld [tilespmem:s19+$0x10D50];
	v53 =	vmul.f32 v53, v32;
	v45 =	vadd.f32 v56, v45;
	[tilespmem:s19+$0x5160] =	vst v47  }
0x169: {  	v41 =	vmul.f32 v41, v33;
	v47 =	vld [tilespmem:s19+$0x10D40];
	v51 =	vmul.f32 v51, v32;
	v44 =	vadd.f32 v52, v44;
	[tilespmem:s19+$0x5150] =	vst v46  }
0x16a: {  	v40 =	vmul.f32 v40, v33;
	v46 =	vld [tilespmem:s19+$0x10D30];
	v50 =	vmul.f32 v50, v32;
	v43 =	vadd.f32 v53, v43;
	[tilespmem:s19+$0x5140] =	vst v45  }
0x16b: {  	v39 =	vmul.f32 v39, v33;
	v45 =	vld [tilespmem:s19+$0x10D20];
	v49 =	vmul.f32 v49, v32;
	v42 =	vadd.f32 v51, v42;
	[tilespmem:s19+$0x5130] =	vst v44  }
0x16c: {  	v38 =	vmul.f32 v38, v33;
	v44 =	vld [tilespmem:s19+$0x10D10];
	v48 =	vmul.f32 v48, v32;
	v41 =	vadd.f32 v50, v41;
	[tilespmem:s19+$0x5120] =	vst v43  }
0x16d: {  	v37 =	vmul.f32 v37, v33;
	v43 =	vld [tilespmem:s19+$0x10D00];
	v50 =	vmul.f32 v54, v32;
	v40 =	vadd.f32 v49, v40;
	[tilespmem:s19+$0x5110] =	vst v42  }
0x16e: {  	v36 =	vmul.f32 v36, v33;
	v42 =	vld [tilespmem:s19+$0x10970];
	v47 =	vmul.f32 v47, v32;
	v39 =	vadd.f32 v48, v39;
	[tilespmem:s19+$0x5100] =	vst v41  }
0x16f: {  	v35 =	vmul.f32 v35, v33;
	v41 =	vld [tilespmem:s19+$0x10960];
	v46 =	vmul.f32 v46, v32;
	v38 =	vadd.f32 v50, v38;
	[tilespmem:s19+$0x4D70] =	vst v40  }
0x170: {  	v34 =	vmul.f32 v34, v33;
	v40 =	vld [tilespmem:s19+$0x10950];
	v45 =	vmul.f32 v45, v32;
	v37 =	vadd.f32 v47, v37;
	[tilespmem:s19+$0x4D60] =	vst v39  }
0x171: {  	v31 =	vmul.f32 v31, v33;
	v39 =	vld [tilespmem:s19+$0x10940];
	v44 =	vmul.f32 v44, v32;
	v36 =	vadd.f32 v46, v36;
	[tilespmem:s19+$0x4D50] =	vst v38  }
0x172: {  	v30 =	vmul.f32 v30, v33;
	v38 =	vld [tilespmem:s19+$0x10930];
	v43 =	vmul.f32 v43, v32;
	v35 =	vadd.f32 v45, v35;
	[tilespmem:s19+$0x4D40] =	vst v37  }
0x173: {  	v29 =	vmul.f32 v29, v33;
	v37 =	vld [tilespmem:s19+$0x10920];
	v42 =	vmul.f32 v42, v32;
	v34 =	vadd.f32 v44, v34;
	[tilespmem:s19+$0x4D30] =	vst v36  }
0x174: {  	v28 =	vmul.f32 v28, v33;
	v36 =	vld [tilespmem:s19+$0x10910];
	v41 =	vmul.f32 v41, v32;
	v31 =	vadd.f32 v43, v31;
	[tilespmem:s19+$0x4D20] =	vst v35  }
0x175: {  	v27 =	vmul.f32 v27, v33;
	v35 =	vld [tilespmem:s19+$0x10900];
	v40 =	vmul.f32 v40, v32;
	v30 =	vadd.f32 v42, v30;
	[tilespmem:s19+$0x4D10] =	vst v34  }
0x176: {  	v26 =	vmul.f32 v26, v33;
	v34 =	vld [tilespmem:s19+$0x10570];
	v39 =	vmul.f32 v39, v32;
	v29 =	vadd.f32 v41, v29;
	[tilespmem:s19+$0x4D00] =	vst v31  }
0x177: {  	v25 =	vmul.f32 v25, v33;
	v31 =	vld [tilespmem:s19+$0x10560];
	v38 =	vmul.f32 v38, v32;
	v28 =	vadd.f32 v40, v28;
	[tilespmem:s19+$0x4970] =	vst v30  }
0x178: {  	v24 =	vmul.f32 v24, v33;
	v30 =	vld [tilespmem:s19+$0x10550];
	v37 =	vmul.f32 v37, v32;
	v27 =	vadd.f32 v39, v27;
	[tilespmem:s19+$0x4960] =	vst v29  }
0x179: {  	v23 =	vmul.f32 v23, v33;
	v29 =	vld [tilespmem:s19+$0x10540];
	v36 =	vmul.f32 v36, v32;
	v26 =	vadd.f32 v38, v26;
	[tilespmem:s19+$0x4950] =	vst v28  }
0x17a: {  	v22 =	vmul.f32 v22, v33;
	v28 =	vld [tilespmem:s19+$0x10530];
	v35 =	vmul.f32 v35, v32;
	v25 =	vadd.f32 v37, v25;
	[tilespmem:s19+$0x4940] =	vst v27  }
0x17b: {  	v21 =	vmul.f32 v21, v33;
	v27 =	vld [tilespmem:s19+$0x10520];
	v34 =	vmul.f32 v34, v32;
	v24 =	vadd.f32 v36, v24;
	[tilespmem:s19+$0x4930] =	vst v26  }
0x17c: {  	v20 =	vmul.f32 v20, v33;
	v26 =	vld [tilespmem:s19+$0x10510];
	v31 =	vmul.f32 v31, v32;
	v23 =	vadd.f32 v35, v23;
	[tilespmem:s19+$0x4920] =	vst v25  }
0x17d: {  	v19 =	vmul.f32 v19, v33;
	v25 =	vld [tilespmem:s19+$0x10500];
	v30 =	vmul.f32 v30, v32;
	v22 =	vadd.f32 v34, v22;
	[tilespmem:s19+$0x4910] =	vst v24  }
0x17e: {  	v18 =	vmul.f32 v18, v33;
	v24 =	vld [tilespmem:s19+$0x10170];
	v29 =	vmul.f32 v29, v32;
	v21 =	vadd.f32 v31, v21;
	[tilespmem:s19+$0x4900] =	vst v23  }
0x17f: {  	v17 =	vmul.f32 v17, v33;
	v23 =	vld [tilespmem:s19+$0x10160];
	v28 =	vmul.f32 v28, v32;
	v20 =	vadd.f32 v30, v20;
	[tilespmem:s19+$0x4570] =	vst v22  }
0x180: {  	v16 =	vmul.f32 v16, v33;
	v22 =	vmul.f32 v27, v32;
	v19 =	vadd.f32 v29, v19;
	[tilespmem:s19+$0x4560] =	vst v21;
	v21 =	vld [tilespmem:s19+$0x11540]  }
0x181: {  	v15 =	vmul.f32 v15, v33;
	v26 =	vmul.f32 v26, v32;
	v18 =	vadd.f32 v28, v18;
	[tilespmem:s19+$0x4550] =	vst v20;
	v20 =	vld [tilespmem:s19+$0x11550]  }
0x182: {  	v14 =	vmul.f32 v14, v33;
	v25 =	vmul.f32 v25, v32;
	v17 =	vadd.f32 v22, v17;
	[tilespmem:s19+$0x4540] =	vst v19;
	v19 =	vld [tilespmem:s19+$0x11560]  }
0x183: {  	v13 =	vmul.f32 v13, v33;
	v22 =	vmul.f32 v24, v32;
	v16 =	vadd.f32 v26, v16;
	[tilespmem:s19+$0x4530] =	vst v18;
	v18 =	vld [tilespmem:s19+$0x11570]  }
0x184: {  	v12 =	vmul.f32 v12, v33;
	v23 =	vmul.f32 v23, v32;
	v15 =	vadd.f32 v25, v15;
	[tilespmem:s19+$0x4520] =	vst v17;
	v17 =	vld [tilespmem:s19+$0x5540]  }
0x185: {  	v10 =	vmul.f32 v10, v33;
	v11 =	vmul.f32 v11, v32;
	v14 =	vadd.f32 v22, v14;
	[tilespmem:s19+$0x4510] =	vst v16;
	v16 =	vld [tilespmem:s19+$0x5550]  }
0x186: {  	v8 =	vmul.f32 v8, v33;
	v9 =	vmul.f32 v9, v32;
	v13 =	vadd.f32 v23, v13;
	[tilespmem:s19+$0x4500] =	vst v15;
	v15 =	vld [tilespmem:s19+$0x5560]  }
0x187: {  	v6 =	vmul.f32 v6, v33;
	v7 =	vmul.f32 v7, v32;
	v11 =	vadd.f32 v11, v12;
	[tilespmem:s19+$0x4170] =	vst v14;
	v12 =	vld [tilespmem:s19+$0x5570]  }
0x188: {  	v3 =	vmul.f32 v3, v33;
	v5 =	vmul.f32 v5, v32;
	v9 =	vadd.f32 v9, v10;
	v14 =	vld [tilespmem:s19+$0x4100];
	[tilespmem:s19+$0x4160] =	vst v13  }
0x189: {  	v4 =	vmul.f32 v4, v32;
	v7 =	vadd.f32 v7, v8;
	v10 =	vld [tilespmem:s19+$0x10100];
	[tilespmem:s19+$0x4150] =	vst v11;
	v8 =	vmul.f32 v17, v33  }
0x18a: {  	s22 =	sshrl.u32 s21, $0x3;
	v5 =	vadd.f32 v5, v6;
	v6 =	vmul.f32 v21, v32;
	[tilespmem:s19+$0x4140] =	vst v9;
	v9 =	vmul.f32 v16, v33  }
0x18b: {  	s20 =	sadd.s32 $0x80, s20;
	s22 =	smul.u32 $0x1800, s22;
	v3 =	vadd.f32 v4, v3;
	v4 =	vmul.f32 v20, v32;
	[tilespmem:s19+$0x4130] =	vst v7;
	v7 =	vmul.f32 v15, v33  }
0x18c: {  	s24 =	sand.u32 $0x380, s20;
	[tilespmem:s19+$0x4120] =	vst v5;
	v5 =	vadd.f32 v6, v8;
	v6 =	vmul.f32 v19, v32;
	v8 =	vmul.f32 v12, v33  }
0x18d: {  	s22 =	sor.u32 s24, s22;
	v9 =	vadd.f32 v4, v9;
	v12 =	vmul.f32 v18, v32;
	v11 =	vmul.f32 v14, v33;
	[tilespmem:s19+$0x4110] =	vst v3  }
0x18e: {  	v3 =	vld [tilespmem:s22+$0x4110];
	v10 =	vmul.f32 v10, v32;
	[tilespmem:s19+$0x5540] =	vst v5;
	v5 =	vadd.f32 v6, v7  }
0x18f: {  	v7 =	vadd.f32 v12, v8;
	v4 =	vld [tilespmem:s22+$0x10110];
	[tilespmem:s19+$0x5550] =	vst v9  }
0x190: {  	v6 =	vld [tilespmem:s22+$0x4120];
	v9 =	vadd.f32 v10, v11;
	[tilespmem:s19+$0x5560] =	vst v5  }
0x191: {  	v5 =	vld [tilespmem:s22+$0x10120];
	[tilespmem:s19+$0x5570] =	vst v7  }
0x192: {  	v8 =	vld [tilespmem:s22+$0x4130];
	[tilespmem:s19+$0x4100] =	vst v9;
	s19 =	smov.u32 s22  }
0x193: {  	v7 =	vld [tilespmem:s19+$0x10130]  }
0x194: {  	v10 =	vld [tilespmem:s19+$0x4140]  }
0x195: {  	v9 =	vld [tilespmem:s19+$0x10140]  }
0x196: {  	v12 =	vld [tilespmem:s19+$0x4150]  }
0x197: {  	v11 =	vld [tilespmem:s19+$0x10150]  }
0x198: {  	v13 =	vld [tilespmem:s19+$0x4160]  }
0x199: {  	v14 =	vld [tilespmem:s19+$0x4170]  }
0x19a: {  	v15 =	vld [tilespmem:s19+$0x4500]  }
0x19b: {  	v16 =	vld [tilespmem:s19+$0x4510]  }
0x19c: {  	v17 =	vld [tilespmem:s19+$0x4520]  }
0x19d: {  	v18 =	vld [tilespmem:s19+$0x4530]  }
0x19e: {  	v19 =	vld [tilespmem:s19+$0x4540]  }
0x19f: {  	v20 =	vld [tilespmem:s19+$0x4550]  }
0x1a0: {  	v21 =	vld [tilespmem:s19+$0x4560]  }
0x1a1: {  	v22 =	vld [tilespmem:s19+$0x4570]  }
0x1a2: {  	v23 =	vld [tilespmem:s19+$0x4900]  }
0x1a3: {  	v24 =	vld [tilespmem:s19+$0x4910]  }
0x1a4: {  	v25 =	vld [tilespmem:s19+$0x4920]  }
0x1a5: {  	v26 =	vld [tilespmem:s19+$0x4930]  }
0x1a6: {  	v27 =	vld [tilespmem:s19+$0x4940]  }
0x1a7: {  	v28 =	vld [tilespmem:s19+$0x4950]  }
0x1a8: {  	v29 =	vld [tilespmem:s19+$0x4960]  }
0x1a9: {  	v30 =	vld [tilespmem:s19+$0x4970]  }
0x1aa: {  	v31 =	vld [tilespmem:s19+$0x4D00]  }
0x1ab: {  	v34 =	vld [tilespmem:s19+$0x4D10]  }
0x1ac: {  	v35 =	vld [tilespmem:s19+$0x4D20]  }
0x1ad: {  	v36 =	vld [tilespmem:s19+$0x4D30]  }
0x1ae: {  	v37 =	vld [tilespmem:s19+$0x4D40]  }
0x1af: {  	v38 =	vld [tilespmem:s19+$0x4D50]  }
0x1b0: {  	v39 =	vld [tilespmem:s19+$0x4D60]  }
0x1b1: {  	v40 =	vld [tilespmem:s19+$0x4D70]  }
0x1b2: {  	v41 =	vld [tilespmem:s19+$0x5100]  }
0x1b3: {  	v42 =	vld [tilespmem:s19+$0x5110]  }
0x1b4: {  	v43 =	vld [tilespmem:s19+$0x5120]  }
0x1b5: {  	v44 =	vld [tilespmem:s19+$0x5130]  }
0x1b6: {  	v45 =	vld [tilespmem:s19+$0x5140]  }
0x1b7: {  	v46 =	vld [tilespmem:s19+$0x5150]  }
.Ltmp0:
0x1b8: {  	v47 =	vld [tilespmem:s19+$0x5160];
	(pc) =	sbr.rel @p0 .LBB2_2-.Ltmp0, $4  }
0x1b9: {  	v48 =	vld [tilespmem:s19+$0x5500]  }
0x1ba: {  	v50 =	vld [tilespmem:s19+$0x5510]  }
0x1bb: {  	v49 =	vld [tilespmem:s19+$0x11510]  }
0x1bc: {  	s21 =	sadd.s32 $0x1, s21;
	v51 =	vld [tilespmem:s19+$0x11530]  }
0x1bd: {  	v52 =	vld [tilespmem:s19+$0x5530]  }
0x1be: {  	v53 =	vld [tilespmem:s19+$0x5520];
	s17 =	sadd.s32 $0x80, s17  }
0x1bf: {  	s20 =	sadd.s32 $0x80, s18;
	v32 =	vld [tilespmem:s17+$0x0]  }
0x1c0: {  	v33 =	vld [tilespmem:s20+$0x0]  }
0x1c1: {  	v54 =	vld [tilespmem:s19+$0x11520]  }
0x1c2: {  	v55 =	vld [tilespmem:s19+$0x11500]  }
0x1c3: {  	v56 =	vld [tilespmem:s19+$0x5170]  }
0x1c4: {  	v57 =	vld [tilespmem:s19+$0x11170]  }
0x1c5: {  	v58 =	vld [tilespmem:s19+$0x11160];
	v52 =	vmul.f32 v52, v32;
	v51 =	vmul.f32 v51, v33  }
0x1c6: {  	v53 =	vmul.f32 v53, v32;
	v54 =	vmul.f32 v54, v33  }
0x1c7: {  	v59 =	vld [tilespmem:s19+$0x11150];
	v50 =	vmul.f32 v50, v32;
	v49 =	vmul.f32 v49, v33  }
0x1c8: {  	v61 =	vld [tilespmem:s19+$0x11120];
	v48 =	vmul.f32 v48, v32;
	v62 =	vmul.f32 v55, v33;
	v51 =	vadd.f32 v51, v52  }
0x1c9: {  	v60 =	vld [tilespmem:s19+$0x11140];
	v63 =	vmul.f32 v56, v32;
	v57 =	vmul.f32 v57, v33;
	v53 =	vadd.f32 v54, v53  }
0x1ca: {  	v47 =	vmul.f32 v47, v32;
	v58 =	vmul.f32 v58, v33;
	v52 =	vld [tilespmem:s19+$0x11130];
	v49 =	vadd.f32 v49, v50;
	[tilespmem:s19+$0x5530] =	vst v51  }
0x1cb: {  	v46 =	vmul.f32 v46, v32;
	v45 =	vmul.f32 v45, v32;
	v50 =	vld [tilespmem:s19+$0x11100];
	v48 =	vadd.f32 v62, v48;
	[tilespmem:s19+$0x5520] =	vst v53  }
0x1cc: {  	v44 =	vmul.f32 v44, v32;
	v62 =	vmul.f32 v59, v33;
	v47 =	vadd.f32 v58, v47;
	v58 =	vld [tilespmem:s19+$0x10D30];
	[tilespmem:s19+$0x5510] =	vst v49  }
0x1cd: {  	v43 =	vmul.f32 v43, v32;
	v59 =	vmul.f32 v61, v33;
	v51 =	vld [tilespmem:s19+$0x11110];
	v53 =	vadd.f32 v57, v63;
	[tilespmem:s19+$0x5500] =	vst v48  }
0x1ce: {  	v42 =	vmul.f32 v42, v32;
	v49 =	vld [tilespmem:s19+$0x10D70];
	v63 =	vmul.f32 v60, v33;
	v46 =	vadd.f32 v62, v46;
	[tilespmem:s19+$0x5160] =	vst v47  }
0x1cf: {  	v41 =	vmul.f32 v41, v32;
	v48 =	vld [tilespmem:s19+$0x10D60];
	v43 =	vadd.f32 v59, v43;
	[tilespmem:s19+$0x5170] =	vst v53;
	v52 =	vmul.f32 v52, v33  }
0x1d0: {  	v40 =	vmul.f32 v40, v32;
	v57 =	vld [tilespmem:s19+$0x10D40];
	v45 =	vadd.f32 v63, v45;
	[tilespmem:s19+$0x5150] =	vst v46;
	v50 =	vmul.f32 v50, v33  }
0x1d1: {  	v36 =	vmul.f32 v36, v32;
	v60 =	vld [tilespmem:s19+$0x10D20];
	[tilespmem:s19+$0x5120] =	vst v43;
	v46 =	vmul.f32 v58, v33;
	v44 =	vadd.f32 v52, v44  }
0x1d2: {  	v39 =	vmul.f32 v39, v32;
	v62 =	vld [tilespmem:s19+$0x10D00];
	[tilespmem:s19+$0x5140] =	vst v45;
	v51 =	vmul.f32 v51, v33;
	v41 =	vadd.f32 v50, v41  }
0x1d3: {  	v38 =	vmul.f32 v38, v32;
	v53 =	vld [tilespmem:s19+$0x10D50];
	v49 =	vmul.f32 v49, v33;
	v36 =	vadd.f32 v46, v36;
	[tilespmem:s19+$0x5130] =	vst v44  }
0x1d4: {  	v37 =	vmul.f32 v37, v32;
	v61 =	vld [tilespmem:s19+$0x10D10];
	v48 =	vmul.f32 v48, v33;
	v42 =	vadd.f32 v51, v42;
	[tilespmem:s19+$0x5100] =	vst v41  }
0x1d5: {  	v35 =	vmul.f32 v35, v32;
	v59 =	vld [tilespmem:s19+$0x10910];
	v47 =	vmul.f32 v57, v33;
	v40 =	vadd.f32 v49, v40;
	[tilespmem:s19+$0x4D30] =	vst v36  }
0x1d6: {  	v34 =	vmul.f32 v34, v32;
	v63 =	vld [tilespmem:s19+$0x10970];
	v45 =	vmul.f32 v60, v33;
	v39 =	vadd.f32 v48, v39;
	[tilespmem:s19+$0x5110] =	vst v42  }
0x1d7: {  	v55 =	vld [tilespmem:s19+$0x10950];
	v31 =	vmul.f32 v31, v32;
	v43 =	vmul.f32 v62, v33;
	v37 =	vadd.f32 v47, v37;
	[tilespmem:s19+$0x4D70] =	vst v40  }
0x1d8: {  	v30 =	vmul.f32 v30, v32;
	v52 =	vld [tilespmem:s19+$0x10960];
	v54 =	vmul.f32 v53, v33;
	v35 =	vadd.f32 v45, v35;
	[tilespmem:s19+$0x4D60] =	vst v39  }
0x1d9: {  	v56 =	vld [tilespmem:s19+$0x10940];
	v29 =	vmul.f32 v29, v32;
	v44 =	vmul.f32 v61, v33;
	v31 =	vadd.f32 v43, v31;
	[tilespmem:s19+$0x4D40] =	vst v37  }
0x1da: {  	v24 =	vmul.f32 v24, v32;
	v58 =	vld [tilespmem:s19+$0x10920];
	v36 =	vmul.f32 v59, v33;
	v38 =	vadd.f32 v54, v38;
	[tilespmem:s19+$0x4D20] =	vst v35  }
0x1db: {  	v28 =	vmul.f32 v28, v32;
	v60 =	vld [tilespmem:s19+$0x10900];
	v34 =	vadd.f32 v44, v34;
	v42 =	vmul.f32 v63, v33;
	[tilespmem:s19+$0x4D00] =	vst v31  }
0x1dc: {  	v27 =	vmul.f32 v27, v32;
	v57 =	vld [tilespmem:s19+$0x10930];
	v40 =	vmul.f32 v55, v33;
	v24 =	vadd.f32 v36, v24;
	[tilespmem:s19+$0x4D50] =	vst v38  }
0x1dd: {  	v26 =	vmul.f32 v26, v32;
	v61 =	vld [tilespmem:s19+$0x10570];
	v41 =	vmul.f32 v52, v33;
	[tilespmem:s19+$0x4D10] =	vst v34;
	v30 =	vadd.f32 v42, v30  }
0x1de: {  	v25 =	vmul.f32 v25, v32;
	v39 =	vmul.f32 v56, v33;
	v28 =	vadd.f32 v40, v28;
	[tilespmem:s19+$0x4910] =	vst v24  }
0x1df: {  	v23 =	vmul.f32 v23, v32;
	v31 =	vld [tilespmem:s19+$0x10560];
	v37 =	vmul.f32 v58, v33;
	v29 =	vadd.f32 v41, v29;
	[tilespmem:s19+$0x4970] =	vst v30  }
0x1e0: {  	v22 =	vmul.f32 v22, v32;
	v35 =	vmul.f32 v60, v33;
	v27 =	vadd.f32 v39, v27;
	v30 =	vld [tilespmem:s19+$0x10550];
	[tilespmem:s19+$0x4950] =	vst v28  }
0x1e1: {  	v10 =	vmul.f32 v10, v32;
	v38 =	vmul.f32 v57, v33;
	v25 =	vadd.f32 v37, v25;
	[tilespmem:s19+$0x4960] =	vst v29;
	v29 =	vld [tilespmem:s19+$0x10540]  }
0x1e2: {  	v9 =	vmul.f32 v9, v33;
	v34 =	vmul.f32 v61, v33;
	v23 =	vadd.f32 v35, v23;
	v28 =	vld [tilespmem:s19+$0x10530];
	[tilespmem:s19+$0x4940] =	vst v27  }
0x1e3: {  	v21 =	vmul.f32 v21, v32;
	v26 =	vadd.f32 v38, v26;
	v27 =	vld [tilespmem:s19+$0x10520];
	[tilespmem:s19+$0x4920] =	vst v25  }
0x1e4: {  	v9 =	vadd.f32 v9, v10;
	v10 =	vld [tilespmem:s19+$0x10100];
	v24 =	vmul.f32 v31, v33;
	v22 =	vadd.f32 v34, v22;
	[tilespmem:s19+$0x4900] =	vst v23  }
0x1e5: {  	v20 =	vmul.f32 v20, v32;
	[tilespmem:s19+$0x4930] =	vst v26;
	v26 =	vld [tilespmem:s19+$0x10510];
	v23 =	vmul.f32 v30, v33  }
0x1e6: {  	v19 =	vmul.f32 v19, v32;
	v25 =	vld [tilespmem:s19+$0x10500];
	v21 =	vadd.f32 v24, v21;
	[tilespmem:s19+$0x4570] =	vst v22;
	v22 =	vmul.f32 v29, v33  }
0x1e7: {  	v18 =	vmul.f32 v18, v32;
	v31 =	vld [tilespmem:s19+$0x10170];
	v20 =	vadd.f32 v23, v20;
	v23 =	vmul.f32 v28, v33  }
0x1e8: {  	v17 =	vmul.f32 v17, v32;
	v24 =	vld [tilespmem:s19+$0x10160];
	[tilespmem:s19+$0x4560] =	vst v21;
	v19 =	vadd.f32 v22, v19;
	v22 =	vmul.f32 v27, v33  }
0x1e9: {  	v12 =	vmul.f32 v12, v32;
	v11 =	vmul.f32 v11, v33;
	v21 =	vld [tilespmem:s19+$0x11540];
	[tilespmem:s19+$0x4550] =	vst v20;
	v18 =	vadd.f32 v23, v18  }
0x1ea: {  	v16 =	vmul.f32 v16, v32;
	v20 =	vld [tilespmem:s19+$0x11550];
	v23 =	vmul.f32 v26, v33;
	[tilespmem:s19+$0x4540] =	vst v19;
	v17 =	vadd.f32 v22, v17  }
0x1eb: {  	v15 =	vmul.f32 v15, v32;
	v11 =	vadd.f32 v11, v12;
	v19 =	vld [tilespmem:s19+$0x11560];
	[tilespmem:s19+$0x4530] =	vst v18;
	v18 =	vmul.f32 v25, v33  }
0x1ec: {  	v14 =	vmul.f32 v14, v32;
	v22 =	vld [tilespmem:s19+$0x11570];
	v16 =	vadd.f32 v23, v16;
	[tilespmem:s19+$0x4520] =	vst v17;
	v17 =	vmul.f32 v31, v33  }
0x1ed: {  	[tilespmem:s19+$0x4150] =	vst v11;
	v15 =	vadd.f32 v18, v15;
	v18 =	vld [tilespmem:s19+$0x5540]  }
0x1ee: {  	v8 =	vmul.f32 v8, v32;
	v7 =	vmul.f32 v7, v33;
	[tilespmem:s19+$0x4510] =	vst v16;
	v16 =	vld [tilespmem:s19+$0x5550];
	v14 =	vadd.f32 v17, v14  }
0x1ef: {  	v6 =	vmul.f32 v6, v32;
	v5 =	vmul.f32 v5, v33;
	[tilespmem:s19+$0x4500] =	vst v15;
	v15 =	vld [tilespmem:s19+$0x5560]  }
0x1f0: {  	v3 =	vmul.f32 v3, v32;
	v4 =	vmul.f32 v4, v33;
	v7 =	vadd.f32 v7, v8;
	[tilespmem:s19+$0x4170] =	vst v14;
	v14 =	vld [tilespmem:s19+$0x5570]  }
0x1f1: {  	v13 =	vmul.f32 v13, v32;
	v12 =	vld [tilespmem:s19+$0x4100];
	v5 =	vadd.f32 v5, v6;
	[tilespmem:s19+$0x4140] =	vst v9;
	v23 =	vmul.f32 v24, v33  }
0x1f2: {  	v3 =	vadd.f32 v4, v3;
	[tilespmem:s19+$0x4130] =	vst v7;
	v6 =	vmul.f32 v21, v33;
	v8 =	vmul.f32 v18, v32  }
0x1f3: {  	[tilespmem:s19+$0x4120] =	vst v5;
	v13 =	vadd.f32 v23, v13;
	v4 =	vmul.f32 v20, v33;
	v9 =	vmul.f32 v16, v32  }
0x1f4: {  	[tilespmem:s19+$0x4110] =	vst v3;
	v7 =	vmul.f32 v15, v32;
	v5 =	vadd.f32 v6, v8;
	v6 =	vmul.f32 v19, v33  }
0x1f5: {  	[tilespmem:s19+$0x4160] =	vst v13;
	v3 =	vadd.f32 v4, v9;
	v4 =	vmul.f32 v22, v33;
	v8 =	vmul.f32 v14, v32  }
0x1f6: {  	v10 =	vmul.f32 v10, v33;
	v9 =	vmul.f32 v12, v32;
	[tilespmem:s19+$0x5540] =	vst v5;
	v5 =	vadd.f32 v6, v7  }
0x1f7: {  	[tilespmem:s19+$0x5550] =	vst v3;
	v3 =	vadd.f32 v4, v8  }
0x1f8: {  	v4 =	vadd.f32 v10, v9;
	[tilespmem:s19+$0x5560] =	vst v5  }
0x1f9: {  	[tilespmem:s19+$0x5570] =	vst v3  }
0x1fa: {  	[tilespmem:s19+$0x4100] =	vst v4  }
0x1fb: {  	[hbm4b:s11+s2] =	stream.linear.scatter [tilespmem:s16], [sflag:$0x3], $0x6000, $0x38;
	[tilespmem:$0x1C100] =	vst v63  }
0x1fc: {  	_ =	swait.ge [sflag:s1], $0x6000  }
0x1fd: {  	[sflag:s1] =	ssyncset.done $0x0  }
0x1fe: {  	s21 =	simm.s32 $0x4;
	[sflag:s1] =	ssyncadd.s32 $0xFFFFA000  }
0x1ff: {  	s22 =	simm.s32 $0x1000;
	s17 =	smul.u32 $0x1800, s21;
	_ =	swait.ge [sflag:s1], $0x6000  }
0x200: {  	s18 =	sand.u32 $0x380, s22;
	[sflag:s1] =	ssyncset.done $0x0  }
0x201: {  	s20 =	sor.u32 s18, s17;
	[sflag:s1] =	ssyncadd.s32 $0xFFFFA000  }
0x202: {  	v4 =	vld [tilespmem:s20+$0x4110]  }
0x203: {  	v3 =	vld [tilespmem:s20+$0x10110]  }
0x204: {  	v6 =	vld [tilespmem:s20+$0x4120]  }
0x205: {  	v5 =	vld [tilespmem:s20+$0x10120]  }
0x206: {  	v10 =	vld [tilespmem:s20+$0x4130]  }
0x207: {  	v7 =	vld [tilespmem:s20+$0x10130]  }
0x208: {  	v12 =	vld [tilespmem:s20+$0x4140]  }
0x209: {  	v11 =	vld [tilespmem:s20+$0x10140]  }
0x20a: {  	v13 =	vld [tilespmem:s20+$0x4160]  }
0x20b: {  	v14 =	vld [tilespmem:s20+$0x4170]  }
0x20c: {  	v15 =	vld [tilespmem:s20+$0x4500]  }
0x20d: {  	v16 =	vld [tilespmem:s20+$0x4510]  }
0x20e: {  	v17 =	vld [tilespmem:s20+$0x4520]  }
0x20f: {  	v18 =	vld [tilespmem:s20+$0x4530]  }
0x210: {  	v19 =	vld [tilespmem:s20+$0x4540]  }
0x211: {  	v20 =	vld [tilespmem:s20+$0x4550]  }
0x212: {  	v21 =	vld [tilespmem:s20+$0x4560]  }
0x213: {  	v22 =	vld [tilespmem:s20+$0x4570]  }
0x214: {  	v23 =	vld [tilespmem:s20+$0x4900]  }
0x215: {  	v24 =	vld [tilespmem:s20+$0x4910]  }
0x216: {  	v25 =	vld [tilespmem:s20+$0x4920]  }
0x217: {  	v26 =	vld [tilespmem:s20+$0x4930]  }
0x218: {  	v27 =	vld [tilespmem:s20+$0x4940]  }
0x219: {  	v28 =	vld [tilespmem:s20+$0x4950]  }
0x21a: {  	v29 =	vld [tilespmem:s20+$0x4960]  }
0x21b: {  	v30 =	vld [tilespmem:s20+$0x4970]  }
0x21c: {  	v31 =	vld [tilespmem:s20+$0x4D00]  }
0x21d: {  	v32 =	vld [tilespmem:s20+$0x4D10]  }
0x21e: {  	v33 =	vld [tilespmem:s20+$0x4D20]  }
0x21f: {  	v34 =	vld [tilespmem:s20+$0x4D30]  }
0x220: {  	v35 =	vld [tilespmem:s20+$0x4D40]  }
0x221: {  	v36 =	vld [tilespmem:s20+$0x4D50]  }
0x222: {  	v37 =	vld [tilespmem:s20+$0x4D60]  }
0x223: {  	v38 =	vld [tilespmem:s20+$0x4D70]  }
0x224: {  	v39 =	vld [tilespmem:s20+$0x5100]  }
0x225: {  	v40 =	vld [tilespmem:s20+$0x5110]  }
0x226: {  	v41 =	vld [tilespmem:s20+$0x5120]  }
0x227: {  	v42 =	vld [tilespmem:s20+$0x5130]  }
0x228: {  	v43 =	vld [tilespmem:s20+$0x5140]  }
0x229: {  	v44 =	vld [tilespmem:s20+$0x5150]  }
0x22a: {  	v45 =	vld [tilespmem:s20+$0x5160]  }
0x22b: {  	v46 =	vld [tilespmem:s20+$0x5500]  }
0x22c: {  	v47 =	vld [tilespmem:s20+$0x5510]  }
0x22d: {  	v48 =	vld [tilespmem:s20+$0x11510]  }
0x22e: {  	v49 =	vld [tilespmem:s20+$0x11530]  }
0x22f: {  	v50 =	vld [tilespmem:s20+$0x5530]  }
0x230: {  	s18 =	simm.s32 $0x1100;
	v51 =	vld [tilespmem:s20+$0x5520]  }
0x231: {  	s19 =	simm.s32 $0x3100;
	v8 =	vld [tilespmem:s18+$0x0]  }
0x232: {  	v9 =	vld [tilespmem:s19+$0x0]  }
0x233: {  	v52 =	vld [tilespmem:s20+$0x11520]  }
0x234: {  	v62 =	vld [tilespmem:s20+$0x11500]  }
0x235: {  	v63 =	vld [tilespmem:s20+$0x5170]  }
0x236: {  	v60 =	vld [tilespmem:s20+$0x11170];
	v50 =	vmul.f32 v50, v8  }
0x237: {  	v61 =	vld [tilespmem:s20+$0x11160];
	v49 =	vmul.f32 v49, v9;
	v51 =	vmul.f32 v51, v8  }
0x238: {  	v57 =	vld [tilespmem:s20+$0x11150];
	v52 =	vmul.f32 v52, v9;
	v47 =	vmul.f32 v47, v8  }
0x239: {  	v58 =	vld [tilespmem:s20+$0x11140];
	v48 =	vmul.f32 v48, v9;
	v46 =	vmul.f32 v46, v8;
	v49 =	vadd.f32 v49, v50  }
0x23a: {  	v53 =	vld [tilespmem:s20+$0x11130];
	v62 =	vmul.f32 v62, v9;
	v63 =	vmul.f32 v63, v8;
	v51 =	vadd.f32 v52, v51  }
0x23b: {  	v56 =	vld [tilespmem:s20+$0x10D60];
	v59 =	vmul.f32 v60, v9;
	v45 =	vmul.f32 v45, v8;
	v47 =	vadd.f32 v48, v47;
	[tilespmem:s20+$0x5530] =	vst v49  }
0x23c: {  	v55 =	vld [tilespmem:s20+$0x10970];
	v60 =	vmul.f32 v61, v9;
	v44 =	vmul.f32 v44, v8;
	v46 =	vadd.f32 v62, v46;
	[tilespmem:s20+$0x5520] =	vst v51  }
0x23d: {  	v61 =	vld [tilespmem:s20+$0x11100];
	v12 =	vmul.f32 v12, v8;
	v11 =	vmul.f32 v11, v9;
	v52 =	vadd.f32 v59, v63;
	[tilespmem:s20+$0x5510] =	vst v47  }
0x23e: {  	v10 =	vmul.f32 v10, v8;
	v7 =	vmul.f32 v7, v9;
	v48 =	vld [tilespmem:s20+$0x11120];
	v45 =	vadd.f32 v60, v45;
	[tilespmem:s20+$0x5500] =	vst v46  }
0x23f: {  	v62 =	vmul.f32 v57, v9;
	v63 =	vmul.f32 v58, v9;
	v58 =	vld [tilespmem:s20+$0x10D50];
	v11 =	vadd.f32 v11, v12;
	[tilespmem:s20+$0x5170] =	vst v52  }
0x240: {  	v43 =	vmul.f32 v43, v8;
	v59 =	vld [tilespmem:s20+$0x10D40];
	v7 =	vadd.f32 v7, v10;
	[tilespmem:s20+$0x5160] =	vst v45  }
0x241: {  	v42 =	vmul.f32 v42, v8;
	v57 =	vmul.f32 v53, v9;
	v60 =	vld [tilespmem:s20+$0x10D30];
	v44 =	vadd.f32 v62, v44;
	[tilespmem:s20+$0x4140] =	vst v11  }
0x242: {  	v37 =	vmul.f32 v37, v8;
	v53 =	vld [tilespmem:s20+$0x10D00];
	v43 =	vadd.f32 v63, v43;
	v46 =	vmul.f32 v56, v9;
	[tilespmem:s20+$0x4130] =	vst v7  }
0x243: {  	v39 =	vmul.f32 v39, v8;
	v49 =	vld [tilespmem:s20+$0x11110];
	v42 =	vadd.f32 v57, v42;
	v61 =	vmul.f32 v61, v9;
	[tilespmem:s20+$0x5150] =	vst v44  }
0x244: {  	v41 =	vmul.f32 v41, v8;
	v47 =	vld [tilespmem:s20+$0x10D70];
	[tilespmem:s20+$0x5140] =	vst v43;
	v37 =	vadd.f32 v46, v37;
	v48 =	vmul.f32 v48, v9  }
0x245: {  	v36 =	vmul.f32 v36, v8;
	v62 =	vld [tilespmem:s20+$0x10D20];
	[tilespmem:s20+$0x5130] =	vst v42;
	v39 =	vadd.f32 v61, v39;
	v54 =	vmul.f32 v58, v9  }
0x246: {  	v35 =	vmul.f32 v35, v8;
	v63 =	vld [tilespmem:s20+$0x10D10];
	v45 =	vmul.f32 v59, v9;
	[tilespmem:s20+$0x4D60] =	vst v37;
	v41 =	vadd.f32 v48, v41  }
0x247: {  	v34 =	vmul.f32 v34, v8;
	v56 =	vld [tilespmem:s20+$0x10960];
	v44 =	vmul.f32 v60, v9;
	[tilespmem:s20+$0x5100] =	vst v39;
	v36 =	vadd.f32 v54, v36  }
0x248: {  	v40 =	vmul.f32 v40, v8;
	v12 =	vld [tilespmem:s20+$0x5560];
	v49 =	vmul.f32 v49, v9;
	v35 =	vadd.f32 v45, v35;
	[tilespmem:s20+$0x5120] =	vst v41  }
0x249: {  	v38 =	vmul.f32 v38, v8;
	v58 =	vld [tilespmem:s20+$0x10940];
	v47 =	vmul.f32 v47, v9;
	v34 =	vadd.f32 v44, v34;
	[tilespmem:s20+$0x4D50] =	vst v36  }
0x24a: {  	v33 =	vmul.f32 v33, v8;
	v59 =	vld [tilespmem:s20+$0x10930];
	v43 =	vmul.f32 v62, v9;
	v40 =	vadd.f32 v49, v40;
	[tilespmem:s20+$0x4D40] =	vst v35  }
0x24b: {  	v32 =	vmul.f32 v32, v8;
	v57 =	vld [tilespmem:s20+$0x10950];
	v42 =	vmul.f32 v63, v9;
	v38 =	vadd.f32 v47, v38;
	[tilespmem:s20+$0x4D30] =	vst v34  }
0x24c: {  	v29 =	vmul.f32 v29, v8;
	v60 =	vld [tilespmem:s20+$0x10920];
	v39 =	vmul.f32 v56, v9;
	v33 =	vadd.f32 v43, v33;
	[tilespmem:s20+$0x5110] =	vst v40  }
0x24d: {  	v31 =	vmul.f32 v31, v8;
	v61 =	vld [tilespmem:s20+$0x10910];
	v41 =	vmul.f32 v53, v9;
	v32 =	vadd.f32 v42, v32;
	[tilespmem:s20+$0x4D70] =	vst v38  }
0x24e: {  	v27 =	vmul.f32 v27, v8;
	v62 =	vld [tilespmem:s20+$0x10900];
	v29 =	vadd.f32 v39, v29;
	v37 =	vmul.f32 v58, v9;
	[tilespmem:s20+$0x4D20] =	vst v33  }
0x24f: {  	v26 =	vmul.f32 v26, v8;
	v63 =	vld [tilespmem:s20+$0x10570];
	v36 =	vmul.f32 v59, v9;
	v31 =	vadd.f32 v41, v31;
	[tilespmem:s20+$0x4D10] =	vst v32  }
0x250: {  	v30 =	vmul.f32 v30, v8;
	v40 =	vmul.f32 v55, v9;
	[tilespmem:s20+$0x4960] =	vst v29;
	v29 =	vld [tilespmem:s20+$0x10540];
	v27 =	vadd.f32 v37, v27  }
0x251: {  	v25 =	vmul.f32 v25, v8;
	v35 =	vmul.f32 v60, v9;
	v26 =	vadd.f32 v36, v26;
	[tilespmem:s20+$0x4D00] =	vst v31;
	v31 =	vld [tilespmem:s20+$0x10560]  }
0x252: {  	v28 =	vmul.f32 v28, v8;
	v38 =	vmul.f32 v57, v9;
	v30 =	vadd.f32 v40, v30;
	[tilespmem:s20+$0x4940] =	vst v27;
	v27 =	vld [tilespmem:s20+$0x10520]  }
0x253: {  	v23 =	vmul.f32 v23, v8;
	v33 =	vmul.f32 v62, v9;
	v25 =	vadd.f32 v35, v25;
	[tilespmem:s20+$0x4930] =	vst v26;
	v26 =	vld [tilespmem:s20+$0x10510]  }
0x254: {  	v24 =	vmul.f32 v24, v8;
	v34 =	vmul.f32 v61, v9;
	v28 =	vadd.f32 v38, v28;
	[tilespmem:s20+$0x4970] =	vst v30;
	v30 =	vld [tilespmem:s20+$0x10550]  }
0x255: {  	v22 =	vmul.f32 v22, v8;
	v32 =	vmul.f32 v63, v9;
	v23 =	vadd.f32 v33, v23;
	[tilespmem:s20+$0x4920] =	vst v25;
	v25 =	vld [tilespmem:s20+$0x10500]  }
0x256: {  	v19 =	vmul.f32 v19, v8;
	v24 =	vadd.f32 v34, v24;
	[tilespmem:s20+$0x4950] =	vst v28;
	v28 =	vld [tilespmem:s20+$0x10530];
	v29 =	vmul.f32 v29, v9  }
0x257: {  	v21 =	vmul.f32 v21, v8;
	v22 =	vadd.f32 v32, v22;
	[tilespmem:s20+$0x4900] =	vst v23;
	v23 =	vld [tilespmem:s20+$0x10160];
	v31 =	vmul.f32 v31, v9  }
0x258: {  	v17 =	vmul.f32 v17, v8;
	[tilespmem:s20+$0x4910] =	vst v24;
	v24 =	vld [tilespmem:s20+$0x10170];
	v19 =	vadd.f32 v29, v19;
	v27 =	vmul.f32 v27, v9  }
0x259: {  	v20 =	vmul.f32 v20, v8;
	[tilespmem:s20+$0x4570] =	vst v22;
	v22 =	vld [tilespmem:s20+$0x4150];
	v30 =	vmul.f32 v30, v9;
	v21 =	vadd.f32 v31, v21  }
0x25a: {  	v15 =	vmul.f32 v15, v8;
	v25 =	vmul.f32 v25, v9;
	[tilespmem:s20+$0x4540] =	vst v19;
	v19 =	vld [tilespmem:s20+$0x11550];
	v17 =	vadd.f32 v27, v17  }
0x25b: {  	v18 =	vmul.f32 v18, v8;
	v28 =	vmul.f32 v28, v9;
	v20 =	vadd.f32 v30, v20;
	[tilespmem:s20+$0x4560] =	vst v21;
	v21 =	vld [tilespmem:s20+$0x10150]  }
0x25c: {  	v13 =	vmul.f32 v13, v8;
	v23 =	vmul.f32 v23, v9;
	v15 =	vadd.f32 v25, v15;
	[tilespmem:s20+$0x4520] =	vst v17;
	v17 =	vld [tilespmem:s20+$0x5540]  }
0x25d: {  	v6 =	vmul.f32 v6, v8;
	v5 =	vmul.f32 v5, v9;
	v18 =	vadd.f32 v28, v18;
	[tilespmem:s20+$0x4550] =	vst v20;
	v20 =	vld [tilespmem:s20+$0x11540]  }
0x25e: {  	v14 =	vmul.f32 v14, v8;
	v24 =	vmul.f32 v24, v9;
	v13 =	vadd.f32 v23, v13;
	[tilespmem:s20+$0x4500] =	vst v15;
	v15 =	vld [tilespmem:s20+$0x5550]  }
0x25f: {  	v4 =	vmul.f32 v4, v8;
	v3 =	vmul.f32 v3, v9;
	v5 =	vadd.f32 v5, v6;
	[tilespmem:s20+$0x4530] =	vst v18;
	v18 =	vld [tilespmem:s20+$0x11560]  }
0x260: {  	v6 =	vld [tilespmem:s20+$0x4100];
	v14 =	vadd.f32 v24, v14;
	v10 =	vmul.f32 v22, v8;
	[tilespmem:s20+$0x4160] =	vst v13;
	v13 =	vmul.f32 v21, v9  }
0x261: {  	s24 =	simm.s32 $0x4;
	v16 =	vmul.f32 v16, v8;
	v3 =	vadd.f32 v3, v4;
	v7 =	vld [tilespmem:s20+$0x10100];
	[tilespmem:s20+$0x4120] =	vst v5;
	v26 =	vmul.f32 v26, v9  }
0x262: {  	s21 =	simm.s32 $0x1080;
	s17 =	smul.u32 $0x1800, s24;
	[tilespmem:s20+$0x4170] =	vst v14;
	v14 =	vld [tilespmem:s20+$0x5570];
	v11 =	vmul.f32 v17, v8;
	v17 =	vmul.f32 v20, v9;
	v4 =	vadd.f32 v13, v10  }
0x263: {  	s21 =	sand.u32 $0x380, s21;
	[tilespmem:s20+$0x4110] =	vst v3;
	v16 =	vadd.f32 v26, v16;
	v5 =	vmul.f32 v15, v8;
	v10 =	vmul.f32 v19, v9  }
0x264: {  	s17 =	sor.u32 s21, s17;
	v11 =	vadd.f32 v17, v11;
	[tilespmem:s20+$0x4150] =	vst v4;
	v4 =	vmul.f32 v12, v8;
	v12 =	vmul.f32 v18, v9  }
0x265: {  	v3 =	vld [tilespmem:s17+$0x4110];
	[tilespmem:s20+$0x4510] =	vst v16;
	v5 =	vadd.f32 v10, v5  }
0x266: {  	v7 =	vmul.f32 v7, v9;
	v16 =	vld [tilespmem:s20+$0x11570];
	[tilespmem:s20+$0x5540] =	vst v11;
	v12 =	vadd.f32 v12, v4  }
0x267: {  	v10 =	vmul.f32 v14, v8;
	v8 =	vmul.f32 v6, v8;
	v4 =	vld [tilespmem:s17+$0x10110];
	[tilespmem:s20+$0x5550] =	vst v5  }
0x268: {  	v6 =	vld [tilespmem:s17+$0x4120];
	[tilespmem:s20+$0x5560] =	vst v12  }
0x269: {  	v7 =	vadd.f32 v7, v8;
	v5 =	vld [tilespmem:s17+$0x10120]  }
0x26a: {  	v8 =	vld [tilespmem:s17+$0x4130]  }
0x26b: {  	[tilespmem:s20+$0x4100] =	vst v7;
	v18 =	vld [tilespmem:s17+$0x4530]  }
0x26c: {  	v11 =	vmul.f32 v16, v9;
	v26 =	vld [tilespmem:s17+$0x4930]  }
0x26d: {  	v36 =	vld [tilespmem:s17+$0x4D30]  }
0x26e: {  	v9 =	vadd.f32 v11, v10;
	v44 =	vld [tilespmem:s17+$0x5130]  }
0x26f: {  	v48 =	vld [tilespmem:s17+$0x5500]  }
0x270: {  	[tilespmem:s20+$0x5570] =	vst v9;
	v50 =	vld [tilespmem:s17+$0x5510]  }
0x271: {  	v7 =	vld [tilespmem:s17+$0x10130]  }
0x272: {  	v10 =	vld [tilespmem:s17+$0x4140]  }
0x273: {  	v9 =	vld [tilespmem:s17+$0x10140]  }
0x274: {  	v12 =	vld [tilespmem:s17+$0x4150]  }
0x275: {  	v11 =	vld [tilespmem:s17+$0x10150]  }
0x276: {  	v13 =	vld [tilespmem:s17+$0x4160]  }
0x277: {  	v14 =	vld [tilespmem:s17+$0x4170]  }
0x278: {  	v15 =	vld [tilespmem:s17+$0x4500]  }
0x279: {  	v16 =	vld [tilespmem:s17+$0x4510]  }
0x27a: {  	v17 =	vld [tilespmem:s17+$0x4520]  }
0x27b: {  	v19 =	vld [tilespmem:s17+$0x4540]  }
0x27c: {  	v20 =	vld [tilespmem:s17+$0x4550]  }
0x27d: {  	v21 =	vld [tilespmem:s17+$0x4560]  }
0x27e: {  	v22 =	vld [tilespmem:s17+$0x4570]  }
0x27f: {  	v23 =	vld [tilespmem:s17+$0x4900]  }
0x280: {  	v24 =	vld [tilespmem:s17+$0x4910]  }
0x281: {  	v25 =	vld [tilespmem:s17+$0x4920]  }
0x282: {  	v27 =	vld [tilespmem:s17+$0x4940]  }
0x283: {  	v28 =	vld [tilespmem:s17+$0x4950]  }
0x284: {  	v29 =	vld [tilespmem:s17+$0x4960]  }
0x285: {  	v30 =	vld [tilespmem:s17+$0x4970]  }
0x286: {  	v31 =	vld [tilespmem:s17+$0x4D00]  }
0x287: {  	v34 =	vld [tilespmem:s17+$0x4D10]  }
0x288: {  	v35 =	vld [tilespmem:s17+$0x4D20]  }
0x289: {  	v37 =	vld [tilespmem:s17+$0x4D40]  }
0x28a: {  	v38 =	vld [tilespmem:s17+$0x4D50]  }
0x28b: {  	v39 =	vld [tilespmem:s17+$0x4D60]  }
0x28c: {  	v40 =	vld [tilespmem:s17+$0x4D70]  }
0x28d: {  	v41 =	vld [tilespmem:s17+$0x5100]  }
0x28e: {  	v42 =	vld [tilespmem:s17+$0x5110]  }
0x28f: {  	v43 =	vld [tilespmem:s17+$0x5120]  }
0x290: {  	v45 =	vld [tilespmem:s17+$0x5140]  }
0x291: {  	v46 =	vld [tilespmem:s17+$0x5150]  }
0x292: {  	v47 =	vld [tilespmem:s17+$0x5160]  }
0x293: {  	v49 =	vld [tilespmem:s17+$0x11510]  }
0x294: {  	s21 =	simm.s32 $0x1100;
	s20 =	simm.s32 $0x21;
	v51 =	vld [tilespmem:s17+$0x11530]  }
.LBB2_4:
0x295: {  	p0 =	sne.s32 s21, $0x1F80;
	v52 =	vld [tilespmem:s17+$0x5530]  }
0x296: {  	s18 =	sadd.s32 $0x80, s18;
	v53 =	vld [tilespmem:s17+$0x5520]  }
0x297: {  	s19 =	sadd.s32 $0x80, s19;
	v33 =	vld [tilespmem:s18+$0x0]  }
0x298: {  	v32 =	vld [tilespmem:s19+$0x0]  }
0x299: {  	v54 =	vld [tilespmem:s17+$0x11520]  }
0x29a: {  	v55 =	vld [tilespmem:s17+$0x11500]  }
0x29b: {  	v56 =	vld [tilespmem:s17+$0x5170]  }
0x29c: {  	v57 =	vld [tilespmem:s17+$0x11170];
	v50 =	vmul.f32 v50, v33;
	v53 =	vmul.f32 v53, v33  }
0x29d: {  	v52 =	vmul.f32 v52, v33;
	v58 =	vld [tilespmem:s17+$0x11160];
	v51 =	vmul.f32 v51, v32  }
0x29e: {  	v49 =	vmul.f32 v49, v32;
	v59 =	vld [tilespmem:s17+$0x11150];
	v54 =	vmul.f32 v54, v32  }
0x29f: {  	v48 =	vmul.f32 v48, v33;
	v60 =	vld [tilespmem:s17+$0x11140];
	v55 =	vmul.f32 v55, v32;
	v51 =	vadd.f32 v51, v52  }
0x2a0: {  	v49 =	vadd.f32 v49, v50;
	v52 =	vld [tilespmem:s17+$0x11130];
	v56 =	vmul.f32 v56, v33;
	v50 =	vadd.f32 v54, v53  }
0x2a1: {  	v47 =	vmul.f32 v47, v33;
	v53 =	vld [tilespmem:s17+$0x11120];
	v54 =	vmul.f32 v57, v32;
	v48 =	vadd.f32 v55, v48;
	[tilespmem:s17+$0x5530] =	vst v51  }
0x2a2: {  	v46 =	vmul.f32 v46, v33;
	v51 =	vld [tilespmem:s17+$0x11110];
	v55 =	vmul.f32 v58, v32;
	[tilespmem:s17+$0x5520] =	vst v50  }
0x2a3: {  	v45 =	vmul.f32 v45, v33;
	v50 =	vld [tilespmem:s17+$0x11100];
	v57 =	vmul.f32 v59, v32;
	v54 =	vadd.f32 v54, v56;
	[tilespmem:s17+$0x5510] =	vst v49  }
0x2a4: {  	v44 =	vmul.f32 v44, v33;
	v49 =	vld [tilespmem:s17+$0x10D70];
	v56 =	vmul.f32 v60, v32;
	v47 =	vadd.f32 v55, v47;
	[tilespmem:s17+$0x5500] =	vst v48  }
0x2a5: {  	v43 =	vmul.f32 v43, v33;
	v48 =	vld [tilespmem:s17+$0x10D60];
	v52 =	vmul.f32 v52, v32;
	v46 =	vadd.f32 v57, v46;
	[tilespmem:s17+$0x5170] =	vst v54  }
0x2a6: {  	v42 =	vmul.f32 v42, v33;
	v54 =	vld [tilespmem:s17+$0x10D50];
	v53 =	vmul.f32 v53, v32;
	v45 =	vadd.f32 v56, v45;
	[tilespmem:s17+$0x5160] =	vst v47  }
0x2a7: {  	v41 =	vmul.f32 v41, v33;
	v47 =	vld [tilespmem:s17+$0x10D40];
	v51 =	vmul.f32 v51, v32;
	v44 =	vadd.f32 v52, v44;
	[tilespmem:s17+$0x5150] =	vst v46  }
0x2a8: {  	v40 =	vmul.f32 v40, v33;
	v46 =	vld [tilespmem:s17+$0x10D30];
	v50 =	vmul.f32 v50, v32;
	v43 =	vadd.f32 v53, v43;
	[tilespmem:s17+$0x5140] =	vst v45  }
0x2a9: {  	v39 =	vmul.f32 v39, v33;
	v45 =	vld [tilespmem:s17+$0x10D20];
	v49 =	vmul.f32 v49, v32;
	v42 =	vadd.f32 v51, v42;
	[tilespmem:s17+$0x5130] =	vst v44  }
0x2aa: {  	v38 =	vmul.f32 v38, v33;
	v44 =	vld [tilespmem:s17+$0x10D10];
	v48 =	vmul.f32 v48, v32;
	v41 =	vadd.f32 v50, v41;
	[tilespmem:s17+$0x5120] =	vst v43  }
0x2ab: {  	v37 =	vmul.f32 v37, v33;
	v43 =	vld [tilespmem:s17+$0x10D00];
	v50 =	vmul.f32 v54, v32;
	v40 =	vadd.f32 v49, v40;
	[tilespmem:s17+$0x5110] =	vst v42  }
0x2ac: {  	v36 =	vmul.f32 v36, v33;
	v42 =	vld [tilespmem:s17+$0x10970];
	v47 =	vmul.f32 v47, v32;
	v39 =	vadd.f32 v48, v39;
	[tilespmem:s17+$0x5100] =	vst v41  }
0x2ad: {  	v35 =	vmul.f32 v35, v33;
	v41 =	vld [tilespmem:s17+$0x10960];
	v46 =	vmul.f32 v46, v32;
	v38 =	vadd.f32 v50, v38;
	[tilespmem:s17+$0x4D70] =	vst v40  }
0x2ae: {  	v34 =	vmul.f32 v34, v33;
	v40 =	vld [tilespmem:s17+$0x10950];
	v45 =	vmul.f32 v45, v32;
	v37 =	vadd.f32 v47, v37;
	[tilespmem:s17+$0x4D60] =	vst v39  }
0x2af: {  	v31 =	vmul.f32 v31, v33;
	v39 =	vld [tilespmem:s17+$0x10940];
	v44 =	vmul.f32 v44, v32;
	v36 =	vadd.f32 v46, v36;
	[tilespmem:s17+$0x4D50] =	vst v38  }
0x2b0: {  	v30 =	vmul.f32 v30, v33;
	v38 =	vld [tilespmem:s17+$0x10930];
	v43 =	vmul.f32 v43, v32;
	v35 =	vadd.f32 v45, v35;
	[tilespmem:s17+$0x4D40] =	vst v37  }
0x2b1: {  	v29 =	vmul.f32 v29, v33;
	v37 =	vld [tilespmem:s17+$0x10920];
	v42 =	vmul.f32 v42, v32;
	v34 =	vadd.f32 v44, v34;
	[tilespmem:s17+$0x4D30] =	vst v36  }
0x2b2: {  	v28 =	vmul.f32 v28, v33;
	v36 =	vld [tilespmem:s17+$0x10910];
	v41 =	vmul.f32 v41, v32;
	v31 =	vadd.f32 v43, v31;
	[tilespmem:s17+$0x4D20] =	vst v35  }
0x2b3: {  	v27 =	vmul.f32 v27, v33;
	v35 =	vld [tilespmem:s17+$0x10900];
	v40 =	vmul.f32 v40, v32;
	v30 =	vadd.f32 v42, v30;
	[tilespmem:s17+$0x4D10] =	vst v34  }
0x2b4: {  	v26 =	vmul.f32 v26, v33;
	v34 =	vld [tilespmem:s17+$0x10570];
	v39 =	vmul.f32 v39, v32;
	v29 =	vadd.f32 v41, v29;
	[tilespmem:s17+$0x4D00] =	vst v31  }
0x2b5: {  	v25 =	vmul.f32 v25, v33;
	v31 =	vld [tilespmem:s17+$0x10560];
	v38 =	vmul.f32 v38, v32;
	v28 =	vadd.f32 v40, v28;
	[tilespmem:s17+$0x4970] =	vst v30  }
0x2b6: {  	v24 =	vmul.f32 v24, v33;
	v30 =	vld [tilespmem:s17+$0x10550];
	v37 =	vmul.f32 v37, v32;
	v27 =	vadd.f32 v39, v27;
	[tilespmem:s17+$0x4960] =	vst v29  }
0x2b7: {  	v23 =	vmul.f32 v23, v33;
	v29 =	vld [tilespmem:s17+$0x10540];
	v36 =	vmul.f32 v36, v32;
	v26 =	vadd.f32 v38, v26;
	[tilespmem:s17+$0x4950] =	vst v28  }
0x2b8: {  	v22 =	vmul.f32 v22, v33;
	v28 =	vld [tilespmem:s17+$0x10530];
	v35 =	vmul.f32 v35, v32;
	v25 =	vadd.f32 v37, v25;
	[tilespmem:s17+$0x4940] =	vst v27  }
0x2b9: {  	v21 =	vmul.f32 v21, v33;
	v27 =	vld [tilespmem:s17+$0x10520];
	v34 =	vmul.f32 v34, v32;
	v24 =	vadd.f32 v36, v24;
	[tilespmem:s17+$0x4930] =	vst v26  }
0x2ba: {  	v20 =	vmul.f32 v20, v33;
	v26 =	vld [tilespmem:s17+$0x10510];
	v31 =	vmul.f32 v31, v32;
	v23 =	vadd.f32 v35, v23;
	[tilespmem:s17+$0x4920] =	vst v25  }
0x2bb: {  	v19 =	vmul.f32 v19, v33;
	v25 =	vld [tilespmem:s17+$0x10500];
	v30 =	vmul.f32 v30, v32;
	v22 =	vadd.f32 v34, v22;
	[tilespmem:s17+$0x4910] =	vst v24  }
0x2bc: {  	v18 =	vmul.f32 v18, v33;
	v24 =	vld [tilespmem:s17+$0x10170];
	v29 =	vmul.f32 v29, v32;
	v21 =	vadd.f32 v31, v21;
	[tilespmem:s17+$0x4900] =	vst v23  }
0x2bd: {  	v17 =	vmul.f32 v17, v33;
	v23 =	vld [tilespmem:s17+$0x10160];
	v28 =	vmul.f32 v28, v32;
	v20 =	vadd.f32 v30, v20;
	[tilespmem:s17+$0x4570] =	vst v22  }
0x2be: {  	v16 =	vmul.f32 v16, v33;
	v22 =	vmul.f32 v27, v32;
	v19 =	vadd.f32 v29, v19;
	[tilespmem:s17+$0x4560] =	vst v21;
	v21 =	vld [tilespmem:s17+$0x11540]  }
0x2bf: {  	v15 =	vmul.f32 v15, v33;
	v26 =	vmul.f32 v26, v32;
	v18 =	vadd.f32 v28, v18;
	[tilespmem:s17+$0x4550] =	vst v20;
	v20 =	vld [tilespmem:s17+$0x11550]  }
0x2c0: {  	v14 =	vmul.f32 v14, v33;
	v25 =	vmul.f32 v25, v32;
	v17 =	vadd.f32 v22, v17;
	[tilespmem:s17+$0x4540] =	vst v19;
	v19 =	vld [tilespmem:s17+$0x11560]  }
0x2c1: {  	v13 =	vmul.f32 v13, v33;
	v22 =	vmul.f32 v24, v32;
	v16 =	vadd.f32 v26, v16;
	[tilespmem:s17+$0x4530] =	vst v18;
	v18 =	vld [tilespmem:s17+$0x11570]  }
0x2c2: {  	v12 =	vmul.f32 v12, v33;
	v23 =	vmul.f32 v23, v32;
	v15 =	vadd.f32 v25, v15;
	[tilespmem:s17+$0x4520] =	vst v17;
	v17 =	vld [tilespmem:s17+$0x5540]  }
0x2c3: {  	v10 =	vmul.f32 v10, v33;
	v11 =	vmul.f32 v11, v32;
	v14 =	vadd.f32 v22, v14;
	[tilespmem:s17+$0x4510] =	vst v16;
	v16 =	vld [tilespmem:s17+$0x5550]  }
0x2c4: {  	v8 =	vmul.f32 v8, v33;
	v9 =	vmul.f32 v9, v32;
	v13 =	vadd.f32 v23, v13;
	[tilespmem:s17+$0x4500] =	vst v15;
	v15 =	vld [tilespmem:s17+$0x5560]  }
0x2c5: {  	v6 =	vmul.f32 v6, v33;
	v7 =	vmul.f32 v7, v32;
	v11 =	vadd.f32 v11, v12;
	[tilespmem:s17+$0x4170] =	vst v14;
	v12 =	vld [tilespmem:s17+$0x5570]  }
0x2c6: {  	v3 =	vmul.f32 v3, v33;
	v5 =	vmul.f32 v5, v32;
	v9 =	vadd.f32 v9, v10;
	v14 =	vld [tilespmem:s17+$0x4100];
	[tilespmem:s17+$0x4160] =	vst v13  }
0x2c7: {  	s20 =	sadd.s32 $0x1, s20;
	v4 =	vmul.f32 v4, v32;
	v7 =	vadd.f32 v7, v8;
	v10 =	vld [tilespmem:s17+$0x10100];
	[tilespmem:s17+$0x4150] =	vst v11;
	v8 =	vmul.f32 v17, v33  }
0x2c8: {  	s22 =	sshrl.u32 s20, $0x3;
	v5 =	vadd.f32 v5, v6;
	v6 =	vmul.f32 v21, v32;
	[tilespmem:s17+$0x4140] =	vst v9;
	v9 =	vmul.f32 v16, v33  }
0x2c9: {  	s22 =	smul.u32 $0x1800, s22;
	v3 =	vadd.f32 v4, v3;
	v4 =	vmul.f32 v20, v32;
	[tilespmem:s17+$0x4130] =	vst v7;
	v7 =	vmul.f32 v15, v33  }
0x2ca: {  	s24 =	sand.u32 $0x380, s21;
	[tilespmem:s17+$0x4120] =	vst v5;
	v5 =	vadd.f32 v6, v8;
	v6 =	vmul.f32 v19, v32;
	v8 =	vmul.f32 v12, v33  }
0x2cb: {  	s22 =	sor.u32 s24, s22;
	v9 =	vadd.f32 v4, v9;
	v12 =	vmul.f32 v18, v32;
	v11 =	vmul.f32 v14, v33;
	[tilespmem:s17+$0x4110] =	vst v3  }
0x2cc: {  	v3 =	vld [tilespmem:s22+$0x4110];
	v10 =	vmul.f32 v10, v32;
	[tilespmem:s17+$0x5540] =	vst v5;
	v5 =	vadd.f32 v6, v7  }
0x2cd: {  	v7 =	vadd.f32 v12, v8;
	v4 =	vld [tilespmem:s22+$0x10110];
	[tilespmem:s17+$0x5550] =	vst v9  }
0x2ce: {  	v6 =	vld [tilespmem:s22+$0x4120];
	v9 =	vadd.f32 v10, v11;
	[tilespmem:s17+$0x5560] =	vst v5  }
0x2cf: {  	v5 =	vld [tilespmem:s22+$0x10120];
	[tilespmem:s17+$0x5570] =	vst v7  }
0x2d0: {  	v8 =	vld [tilespmem:s22+$0x4130];
	[tilespmem:s17+$0x4100] =	vst v9;
	s17 =	smov.u32 s22  }
0x2d1: {  	v7 =	vld [tilespmem:s17+$0x10130]  }
0x2d2: {  	v10 =	vld [tilespmem:s17+$0x4140]  }
0x2d3: {  	v9 =	vld [tilespmem:s17+$0x10140]  }
0x2d4: {  	v12 =	vld [tilespmem:s17+$0x4150]  }
0x2d5: {  	v11 =	vld [tilespmem:s17+$0x10150]  }
0x2d6: {  	v13 =	vld [tilespmem:s17+$0x4160]  }
0x2d7: {  	v14 =	vld [tilespmem:s17+$0x4170]  }
0x2d8: {  	v15 =	vld [tilespmem:s17+$0x4500]  }
0x2d9: {  	v16 =	vld [tilespmem:s17+$0x4510]  }
0x2da: {  	v17 =	vld [tilespmem:s17+$0x4520]  }
0x2db: {  	v18 =	vld [tilespmem:s17+$0x4530]  }
0x2dc: {  	v19 =	vld [tilespmem:s17+$0x4540]  }
0x2dd: {  	v20 =	vld [tilespmem:s17+$0x4550]  }
0x2de: {  	v21 =	vld [tilespmem:s17+$0x4560]  }
0x2df: {  	v22 =	vld [tilespmem:s17+$0x4570]  }
0x2e0: {  	v23 =	vld [tilespmem:s17+$0x4900]  }
0x2e1: {  	v24 =	vld [tilespmem:s17+$0x4910]  }
0x2e2: {  	v25 =	vld [tilespmem:s17+$0x4920]  }
0x2e3: {  	v26 =	vld [tilespmem:s17+$0x4930]  }
0x2e4: {  	v27 =	vld [tilespmem:s17+$0x4940]  }
0x2e5: {  	v28 =	vld [tilespmem:s17+$0x4950]  }
0x2e6: {  	v29 =	vld [tilespmem:s17+$0x4960]  }
0x2e7: {  	v30 =	vld [tilespmem:s17+$0x4970]  }
0x2e8: {  	v31 =	vld [tilespmem:s17+$0x4D00]  }
0x2e9: {  	v34 =	vld [tilespmem:s17+$0x4D10]  }
0x2ea: {  	v35 =	vld [tilespmem:s17+$0x4D20]  }
0x2eb: {  	v36 =	vld [tilespmem:s17+$0x4D30]  }
0x2ec: {  	v37 =	vld [tilespmem:s17+$0x4D40]  }
0x2ed: {  	v38 =	vld [tilespmem:s17+$0x4D50]  }
0x2ee: {  	v39 =	vld [tilespmem:s17+$0x4D60]  }
0x2ef: {  	v40 =	vld [tilespmem:s17+$0x4D70]  }
0x2f0: {  	v41 =	vld [tilespmem:s17+$0x5100]  }
0x2f1: {  	v42 =	vld [tilespmem:s17+$0x5110]  }
0x2f2: {  	v43 =	vld [tilespmem:s17+$0x5120]  }
0x2f3: {  	v44 =	vld [tilespmem:s17+$0x5130]  }
0x2f4: {  	v45 =	vld [tilespmem:s17+$0x5140]  }
0x2f5: {  	v46 =	vld [tilespmem:s17+$0x5150]  }
.Ltmp1:
0x2f6: {  	v47 =	vld [tilespmem:s17+$0x5160];
	(pc) =	sbr.rel @p0 .LBB2_4-.Ltmp1, $4  }
0x2f7: {  	v48 =	vld [tilespmem:s17+$0x5500]  }
0x2f8: {  	v50 =	vld [tilespmem:s17+$0x5510]  }
0x2f9: {  	v49 =	vld [tilespmem:s17+$0x11510]  }
0x2fa: {  	s21 =	sadd.s32 $0x80, s21;
	v51 =	vld [tilespmem:s17+$0x11530]  }
0x2fb: {  	v52 =	vld [tilespmem:s17+$0x5530]  }
0x2fc: {  	v53 =	vld [tilespmem:s17+$0x5520];
	s18 =	sadd.s32 $0x80, s18  }
0x2fd: {  	s24 =	sadd.s32 $0x80, s19;
	v32 =	vld [tilespmem:s18+$0x0]  }
0x2fe: {  	v33 =	vld [tilespmem:s24+$0x0]  }
0x2ff: {  	v54 =	vld [tilespmem:s17+$0x11520];
	_ =	sdelay $0x1  }
0x300: {  	v55 =	vld [tilespmem:s17+$0x11500]  }
0x301: {  	v56 =	vld [tilespmem:s17+$0x5170]  }
0x302: {  	v58 =	vld [tilespmem:s17+$0x11160];
	v52 =	vmul.f32 v52, v32;
	v51 =	vmul.f32 v51, v33  }
0x303: {  	v57 =	vld [tilespmem:s17+$0x11170];
	v53 =	vmul.f32 v53, v32;
	v54 =	vmul.f32 v54, v33  }
0x304: {  	v59 =	vld [tilespmem:s17+$0x11150];
	v50 =	vmul.f32 v50, v32;
	v49 =	vmul.f32 v49, v33  }
0x305: {  	v60 =	vld [tilespmem:s17+$0x11140];
	v48 =	vmul.f32 v48, v32;
	v62 =	vmul.f32 v55, v33;
	v51 =	vadd.f32 v51, v52  }
0x306: {  	v61 =	vld [tilespmem:s17+$0x11120];
	v63 =	vmul.f32 v56, v32;
	v47 =	vmul.f32 v47, v32;
	v53 =	vadd.f32 v54, v53  }
0x307: {  	v58 =	vmul.f32 v58, v33;
	v55 =	vld [tilespmem:s17+$0x10560];
	v12 =	vmul.f32 v12, v32;
	v49 =	vadd.f32 v49, v50;
	[tilespmem:s17+$0x5530] =	vst v51  }
0x308: {  	v56 =	vld [tilespmem:s17+$0x10550];
	v11 =	vmul.f32 v11, v33;
	v10 =	vmul.f32 v10, v32;
	v48 =	vadd.f32 v62, v48;
	[tilespmem:s17+$0x5520] =	vst v53  }
0x309: {  	v9 =	vmul.f32 v9, v33;
	v8 =	vmul.f32 v8, v32;
	v52 =	vld [tilespmem:s17+$0x11130];
	v47 =	vadd.f32 v58, v47;
	[tilespmem:s17+$0x5510] =	vst v49  }
0x30a: {  	v7 =	vmul.f32 v7, v33;
	v6 =	vmul.f32 v6, v32;
	v50 =	vld [tilespmem:s17+$0x11100];
	v11 =	vadd.f32 v11, v12;
	[tilespmem:s17+$0x5500] =	vst v48  }
0x30b: {  	v5 =	vmul.f32 v5, v33;
	v3 =	vmul.f32 v3, v32;
	v58 =	vld [tilespmem:s17+$0x10D20];
	v9 =	vadd.f32 v9, v10;
	[tilespmem:s17+$0x5160] =	vst v47  }
0x30c: {  	v4 =	vmul.f32 v4, v33;
	v62 =	vmul.f32 v59, v33;
	v59 =	vld [tilespmem:s17+$0x10D10];
	v7 =	vadd.f32 v7, v8;
	[tilespmem:s17+$0x4150] =	vst v11  }
0x30d: {  	v57 =	vmul.f32 v57, v33;
	v54 =	vld [tilespmem:s17+$0x10570];
	v5 =	vadd.f32 v5, v6;
	[tilespmem:s17+$0x4140] =	vst v9  }
0x30e: {  	v46 =	vmul.f32 v46, v32;
	v3 =	vadd.f32 v4, v3;
	v51 =	vld [tilespmem:s17+$0x11110];
	[tilespmem:s17+$0x4130] =	vst v7  }
0x30f: {  	v45 =	vmul.f32 v45, v32;
	v49 =	vld [tilespmem:s17+$0x10D70];
	v53 =	vadd.f32 v57, v63;
	v63 =	vmul.f32 v60, v33;
	[tilespmem:s17+$0x4120] =	vst v5  }
0x310: {  	v43 =	vmul.f32 v43, v32;
	v48 =	vld [tilespmem:s17+$0x10D60];
	v46 =	vadd.f32 v62, v46;
	v57 =	vmul.f32 v61, v33;
	[tilespmem:s17+$0x4110] =	vst v3  }
0x311: {  	v44 =	vmul.f32 v44, v32;
	v47 =	vld [tilespmem:s17+$0x10D40];
	[tilespmem:s17+$0x5170] =	vst v53;
	v45 =	vadd.f32 v63, v45;
	v52 =	vmul.f32 v52, v33  }
0x312: {  	v41 =	vmul.f32 v41, v32;
	v60 =	vld [tilespmem:s17+$0x10D00];
	[tilespmem:s17+$0x5150] =	vst v46;
	v43 =	vadd.f32 v57, v43;
	v50 =	vmul.f32 v50, v33  }
0x313: {  	v35 =	vmul.f32 v35, v32;
	v61 =	vld [tilespmem:s17+$0x10970];
	[tilespmem:s17+$0x5140] =	vst v45;
	v45 =	vmul.f32 v58, v33;
	v44 =	vadd.f32 v52, v44  }
0x314: {  	v42 =	vmul.f32 v42, v32;
	v53 =	vld [tilespmem:s17+$0x10D50];
	[tilespmem:s17+$0x5120] =	vst v43;
	v51 =	vmul.f32 v51, v33;
	v41 =	vadd.f32 v50, v41  }
0x315: {  	v40 =	vmul.f32 v40, v32;
	v46 =	vld [tilespmem:s17+$0x10D30];
	v49 =	vmul.f32 v49, v33;
	v35 =	vadd.f32 v45, v35;
	[tilespmem:s17+$0x5130] =	vst v44  }
0x316: {  	v39 =	vmul.f32 v39, v32;
	v62 =	vld [tilespmem:s17+$0x10960];
	v48 =	vmul.f32 v48, v33;
	v42 =	vadd.f32 v51, v42;
	[tilespmem:s17+$0x5100] =	vst v41  }
0x317: {  	v37 =	vmul.f32 v37, v32;
	v57 =	vld [tilespmem:s17+$0x10540];
	v47 =	vmul.f32 v47, v33;
	v40 =	vadd.f32 v49, v40;
	[tilespmem:s17+$0x4D20] =	vst v35  }
0x318: {  	v31 =	vmul.f32 v31, v32;
	v58 =	vld [tilespmem:s17+$0x10530];
	v43 =	vmul.f32 v60, v33;
	v39 =	vadd.f32 v48, v39;
	[tilespmem:s17+$0x5110] =	vst v42  }
0x319: {  	v38 =	vmul.f32 v38, v32;
	v50 =	vld [tilespmem:s17+$0x10930];
	v63 =	vmul.f32 v53, v33;
	v37 =	vadd.f32 v47, v37;
	[tilespmem:s17+$0x4D70] =	vst v40  }
0x31a: {  	v36 =	vmul.f32 v36, v32;
	v60 =	vld [tilespmem:s17+$0x10510];
	v46 =	vmul.f32 v46, v33;
	v31 =	vadd.f32 v43, v31;
	[tilespmem:s17+$0x4D60] =	vst v39  }
0x31b: {  	v34 =	vmul.f32 v34, v32;
	v52 =	vld [tilespmem:s17+$0x10910];
	v44 =	vmul.f32 v59, v33;
	v38 =	vadd.f32 v63, v38;
	[tilespmem:s17+$0x4D40] =	vst v37  }
0x31c: {  	v29 =	vmul.f32 v29, v32;
	v45 =	vld [tilespmem:s17+$0x5540];
	v41 =	vmul.f32 v62, v33;
	v36 =	vadd.f32 v46, v36;
	[tilespmem:s17+$0x4D00] =	vst v31  }
0x31d: {  	v21 =	vmul.f32 v21, v32;
	v48 =	vld [tilespmem:s17+$0x10950];
	v62 =	vmul.f32 v55, v33;
	v34 =	vadd.f32 v44, v34;
	[tilespmem:s17+$0x4D50] =	vst v38  }
0x31e: {  	v30 =	vmul.f32 v30, v32;
	v49 =	vld [tilespmem:s17+$0x10940];
	v42 =	vmul.f32 v61, v33;
	v29 =	vadd.f32 v41, v29;
	[tilespmem:s17+$0x4D30] =	vst v36  }
0x31f: {  	v16 =	vmul.f32 v16, v32;
	v51 =	vld [tilespmem:s17+$0x10920];
	v21 =	vadd.f32 v62, v21;
	v41 =	vmul.f32 v60, v33;
	[tilespmem:s17+$0x4D10] =	vst v34  }
0x320: {  	v26 =	vmul.f32 v26, v32;
	v53 =	vld [tilespmem:s17+$0x10900];
	v30 =	vadd.f32 v42, v30;
	[tilespmem:s17+$0x4960] =	vst v29;
	v38 =	vmul.f32 v50, v33  }
0x321: {  	v24 =	vmul.f32 v24, v32;
	v59 =	vld [tilespmem:s17+$0x10520];
	v36 =	vmul.f32 v52, v33;
	[tilespmem:s17+$0x4560] =	vst v21;
	v16 =	vadd.f32 v41, v16  }
0x322: {  	v22 =	vmul.f32 v22, v32;
	v43 =	vld [tilespmem:s17+$0x11570];
	v34 =	vmul.f32 v54, v33;
	[tilespmem:s17+$0x4970] =	vst v30;
	v26 =	vadd.f32 v38, v26  }
0x323: {  	v28 =	vmul.f32 v28, v32;
	v61 =	vld [tilespmem:s17+$0x10500];
	v40 =	vmul.f32 v48, v33;
	v24 =	vadd.f32 v36, v24;
	[tilespmem:s17+$0x4510] =	vst v16  }
0x324: {  	v27 =	vmul.f32 v27, v32;
	v63 =	vld [tilespmem:s17+$0x10170];
	v39 =	vmul.f32 v49, v33;
	v22 =	vadd.f32 v34, v22;
	[tilespmem:s17+$0x4930] =	vst v26  }
0x325: {  	v25 =	vmul.f32 v25, v32;
	v46 =	vld [tilespmem:s17+$0x5550];
	v37 =	vmul.f32 v51, v33;
	v28 =	vadd.f32 v40, v28;
	[tilespmem:s17+$0x4910] =	vst v24  }
0x326: {  	v23 =	vmul.f32 v23, v32;
	v50 =	vld [tilespmem:s17+$0x10100];
	v35 =	vmul.f32 v53, v33;
	v27 =	vadd.f32 v39, v27;
	[tilespmem:s17+$0x4570] =	vst v22  }
0x327: {  	v20 =	vmul.f32 v20, v32;
	v48 =	vld [tilespmem:s17+$0x5560];
	v30 =	vmul.f32 v56, v33;
	v25 =	vadd.f32 v37, v25;
	[tilespmem:s17+$0x4950] =	vst v28  }
0x328: {  	v19 =	vmul.f32 v19, v32;
	v51 =	vld [tilespmem:s17+$0x4100];
	v23 =	vadd.f32 v35, v23;
	v35 =	vmul.f32 v57, v33;
	[tilespmem:s17+$0x4940] =	vst v27  }
0x329: {  	v18 =	vmul.f32 v18, v32;
	v34 =	vld [tilespmem:s17+$0x10160];
	v37 =	vmul.f32 v58, v33;
	v20 =	vadd.f32 v30, v20;
	[tilespmem:s17+$0x4920] =	vst v25  }
0x32a: {  	v17 =	vmul.f32 v17, v32;
	v36 =	vld [tilespmem:s17+$0x11540];
	v39 =	vmul.f32 v59, v33;
	[tilespmem:s17+$0x4900] =	vst v23;
	v19 =	vadd.f32 v35, v19  }
0x32b: {  	v15 =	vmul.f32 v15, v32;
	v38 =	vld [tilespmem:s17+$0x11550];
	v42 =	vmul.f32 v61, v33;
	v18 =	vadd.f32 v37, v18;
	[tilespmem:s17+$0x4550] =	vst v20  }
0x32c: {  	v14 =	vmul.f32 v14, v32;
	v40 =	vld [tilespmem:s17+$0x11560];
	v44 =	vmul.f32 v63, v33;
	v17 =	vadd.f32 v39, v17;
	[tilespmem:s17+$0x4540] =	vst v19  }
0x32d: {  	v49 =	vld [tilespmem:s17+$0x5570];
	v15 =	vadd.f32 v42, v15;
	v10 =	vmul.f32 v50, v33;
	v61 =	vmul.f32 v51, v32;
	[tilespmem:s17+$0x4530] =	vst v18  }
0x32e: {  	v13 =	vmul.f32 v13, v32;
	v14 =	vadd.f32 v44, v14;
	[tilespmem:s17+$0x4520] =	vst v17;
	v47 =	vmul.f32 v34, v33  }
0x32f: {  	v52 =	vmul.f32 v45, v32;
	[tilespmem:s17+$0x4500] =	vst v15;
	v53 =	vmul.f32 v36, v33;
	v63 =	vadd.f32 v10, v61  }
0x330: {  	v54 =	vmul.f32 v46, v32;
	[tilespmem:s17+$0x4170] =	vst v14;
	v55 =	vmul.f32 v38, v33;
	v13 =	vadd.f32 v47, v13  }
0x331: {  	v56 =	vmul.f32 v48, v32;
	v58 =	vmul.f32 v40, v33;
	v57 =	vadd.f32 v53, v52;
	[tilespmem:s17+$0x4100] =	vst v63  }
0x332: {  	v60 =	vmul.f32 v43, v33;
	v59 =	vmul.f32 v49, v32;
	v3 =	vadd.f32 v55, v54;
	[tilespmem:s17+$0x4160] =	vst v13  }
0x333: {  	v62 =	vadd.f32 v58, v56;
	[tilespmem:s17+$0x5540] =	vst v57  }
0x334: {  	[tilespmem:s17+$0x5550] =	vst v3;
	v3 =	vadd.f32 v60, v59  }
0x335: {  	[tilespmem:s17+$0x5560] =	vst v62  }
0x336: {  	s15 =	sadd.s32 $0x1, s15;
	[tilespmem:s17+$0x5570] =	vst v3  }
0x337: {  	[hbm4b:s12+s2] =	stream.linear.scatter [tilespmem:s23], [sflag:$0x3], $0x6000, $0x38;
	[tilespmem:$0x1C100] =	vst v63  }
0x338: {  	p0 =	sne.s32 s15, s13;
	_ =	swait.ge [sflag:s0], $0x6000  }
.Ltmp2:
0x339: {  	[sflag:s0] =	ssyncset.done $0x0;
	(pc) =	sbr.rel @p0 .LBB2_1-.Ltmp2, $4  }
0x33a: {  	[sflag:s0] =	ssyncadd.s32 $0xFFFFA000  }
0x33b: {  	_ =	swait.ge [sflag:s0], $0x6000  }
0x33c: {  	[sflag:s0] =	ssyncset.done $0x0  }
0x33d: {  	[sflag:s0] =	ssyncadd.s32 $0xFFFFA000  }
0x33e: {  	_ =	sfence.sel $0x180000  }
0x33f: {  	[bflag:$0x0] =	sbarrier.arrive $0xFFFF  }
0x340: {  	_ =	strace $0x9000004A  }
0x341: {  	s0 =	stileid.u32;
	[bflag:$0x2] =	sbarrier.arrive $0xFFFF  }
0x342: {  	p0 =	sne.s32 s0, $0x0;
	s0 =	rddreg [dreg:$0x2]  }
0x343: {  	s0 =	sadd.s32 @!p0 $0x100000, s0  }
0x344: {  	[sflag:s0] =	ssyncadd.tile.s32 @!p0 $0x1;
	_ =	shalt  }
.Lfunc_end2:
_tile_overlayer_lowered:
.L_overlay_start_2:
0x345: {  	(tag) =	ssettag $0x2  }
0x346: {  	s0 =	rddreg [dreg:$0x0];
	s2 =	stileid.u32  }
0x347: {  	s1 =	rddreg [dreg:$0x1];
	p0 =	sne.s32 s2, $0x0  }
0x348: {  	s3 =	rddreg [dreg:$0x2];
	[bflag:$0x3] =	sbarrier.arrive $0xFFFF;
	s2 =	simm.s32 @!p0 $0x1C04  }
0x349: {  	[timem:s3], [sflag:s2] =	dma.local @!p0 [hbm:s0], s1  }
0x34a: {  	s0 =	simm.s32 @!p0 $0x4  }
0x34b: {  	_ =	swait.ge @!p0 [sflag:s0], s1  }
0x34c: {  	s1 =	ssub.s32 @!p0 $0x0, s1;
	[sflag:s0] =	ssyncset.done @!p0 $0x0  }
0x34d: {  	[sflag:s0] =	ssyncadd.s32 @!p0 s1  }
0x34e: {  	[bflag:$0x3] =	sbarrier.arrive $0xFFFF  }
0x34f: {  	_ =	shalt  }

</sc_bundles>
